<compile_context>
chip_gen: v7x
topology: tpu7x:2x2x1
jax: 0.10.2.dev20260603
libtpu: 0.0.44.dev20260713+nightly
codegen_flags: <defaults>
</compile_context>

<pallas_src>
import functools

import jax
import jax.numpy as jnp
from jax import lax
from jax.experimental import pallas as pl
from jax.experimental.pallas import tpu as pltpu
from jax.experimental.pallas import tpu_sc as plsc

VOCAB = 49408
EMBED = 256
BATCH = 4096
SEQ = 77

NUM_CORES = 2
NUM_SUBCORES = 16
NUM_WORKERS = NUM_CORES * NUM_SUBCORES
BLOCK = BATCH // NUM_WORKERS
NBUF = 3
LANES = 16


def _body(idx_hbm, token_hbm, pos_hbm, out_hbm, idx_v, pos_v,
          b0, b1, b2, g0, g1, g2, s0, s1, s2):
    bufs = (b0, b1, b2)
    gsems = (g0, g1, g2)
    ssems = (s0, s1, s2)

    wid = lax.axis_index("s") * NUM_CORES + lax.axis_index("c")
    base = wid * BLOCK

    pltpu.sync_copy(idx_hbm.at[wid], idx_v)

    def gather_start(s, b):
        pltpu.async_copy(token_hbm.at[idx_v.at[s]], bufs[b], gsems[b])

    def gather_wait(b):
        pltpu.make_async_copy(token_hbm.at[pl.ds(0, BLOCK)], bufs[b], gsems[b]).wait()

    def store_wait(b):
        pltpu.make_async_copy(bufs[b], out_hbm.at[0, pl.ds(base, BLOCK)], ssems[b]).wait()

    def add_pos_store(s, b):
        buf = bufs[b]
        regs = [pos_v[s, pl.ds(c * LANES, LANES)] for c in range(EMBED // LANES)]
        half = BLOCK // 2

        @plsc.parallel_loop(0, half, 1, unroll=2)
        def _(i):
            for c in range(EMBED // LANES):
                plsc.addupdate(buf.at[i, pl.ds(c * LANES, LANES)], regs[c])

        pltpu.async_copy(buf.at[pl.ds(0, half)],
                         out_hbm.at[s, pl.ds(base, half)], ssems[b])

        @plsc.parallel_loop(half, BLOCK, 1, unroll=2)
        def _(i):
            for c in range(EMBED // LANES):
                plsc.addupdate(buf.at[i, pl.ds(c * LANES, LANES)], regs[c])

        pltpu.async_copy(buf.at[pl.ds(half, half)],
                         out_hbm.at[s, pl.ds(base + half, half)], ssems[b])

    for b in range(NBUF - 1):
        gather_start(b, b)
    pltpu.sync_copy(pos_hbm, pos_v)

    for b in range(NBUF):
        s = b
        if s == 0:
            gather_start(NBUF - 1, NBUF - 1)
        else:
            store_wait((b - 1) % NBUF)
            gather_start(s + NBUF - 1, (b - 1) % NBUF)
        gather_wait(b)
        add_pos_store(s, b)

    def group(g, carry):
        s0_ = g * NBUF
        for b in range(NBUF):
            s = s0_ + b
            store_wait((b - 1) % NBUF)
            gather_start(s + NBUF - 1, (b - 1) % NBUF)
            gather_wait(b)
            add_pos_store(s, b)
        return carry

    lax.fori_loop(1, (SEQ - (NBUF - 1) - NBUF) // NBUF + 1, group, 0)

    for s in range(SEQ - ((SEQ - NBUF) % NBUF), SEQ):
        b = s % NBUF
        store_wait((b - 1) % NBUF)
        gather_wait(b)
        add_pos_store(s, b)

    store_wait((SEQ - 1) % NBUF)


@jax.jit
def _run(idx_blocks, token_table, pos_table):
    mesh = plsc.VectorSubcoreMesh(core_axis_name="c", subcore_axis_name="s")
    f = functools.partial(
        pl.kernel,
        out_type=jax.ShapeDtypeStruct((SEQ, BATCH, EMBED), jnp.float32),
        mesh=mesh,
        scratch_types=[
            pltpu.VMEM((SEQ, BLOCK), jnp.int32),
            pltpu.VMEM((SEQ, EMBED), jnp.float32),
        ] + [pltpu.VMEM((BLOCK, EMBED), jnp.float32)] * NBUF
          + [pltpu.SemaphoreType.DMA] * (2 * NBUF),
    )(_body)
    out = f(idx_blocks, token_table, pos_table)
    return out.transpose(1, 0, 2)


def kernel(input_ids, token_table, pos_table):
    idx_blocks = input_ids.astype(jnp.int32).reshape(
        NUM_WORKERS, BLOCK, SEQ).transpose(0, 2, 1)
    return _run(idx_blocks, token_table, pos_table)

# --- scband reference (transcript-rebuilt; emitter-appended) ---
"""Pipeline reference for scband-group-vi-ttext-embeddings-15401752723778 (READ-ONLY COPY).

The authoritative reference and input builder live on the scoring server;
editing this copy changes nothing except your own understanding.
"""

import jax, jax.numpy as jnp
import numpy as np

VOCAB = 49408
EMBED = 256
MAX_POS = 77
BATCH = 4096
SEQ = 77

def setup_inputs(seed: int = 0) -> dict:
    key = jax.random.key(seed)
    k1, k2, k3 = jax.random.split(key, 3)
    input_ids = jax.random.randint(k1, (BATCH, SEQ), 0, VOCAB, dtype=jnp.int64 if jax.config.jax_enable_x64 else jnp.int32)
    token_table = jax.random.normal(k2, (VOCAB, EMBED), dtype=jnp.float32) * 0.02
    pos_table = jax.random.normal(k3, (MAX_POS, EMBED), dtype=jnp.float32) * 0.02
    return {"input_ids": input_ids, "token_table": token_table, "pos_table": pos_table}

def reference(input_ids, token_table, pos_table):
    seq_length = input_ids.shape[-1]
    position_ids = jnp.arange(seq_length)[None, :]
    inputs_embeds = jnp.take(token_table, input_ids, axis=0)
    position_embeddings = jnp.take(pos_table, position_ids, axis=0)
    embeddings = inputs_embeds + position_embeddings
    return embeddings

if __name__ == "__main__":
    import jax
    _d = setup_inputs()
    print(jax.jit(kernel)(*tuple(_d.values())))

</pallas_src>

<mosaic_0001>
#map = affine_map<(d0, d1) -> (0, 0, 0)>
#map1 = affine_map<(d0, d1) -> (0, 0)>
module attributes {stable_mosaic.version = 14 : i64} {
  func.func @_body(%arg0: i32, %arg1: i32, %arg2: memref<32x77x128xi32, #tpu.memory_space<hbm>>, %arg3: memref<49408x256xf32, #tpu.memory_space<hbm>>, %arg4: memref<77x256xf32, #tpu.memory_space<hbm>>, %arg5: memref<77x4096x256xf32, #tpu.memory_space<hbm>>, %arg6: memref<77x128xi32, #tpu.memory_space<vmem>>, %arg7: memref<77x256xf32, #tpu.memory_space<vmem>>, %arg8: memref<128x256xf32, #tpu.memory_space<vmem>>, %arg9: memref<128x256xf32, #tpu.memory_space<vmem>>, %arg10: memref<128x256xf32, #tpu.memory_space<vmem>>, %arg11: memref<!tpu.dma_semaphore, #tpu.memory_space<semaphore_mem>>, %arg12: memref<!tpu.dma_semaphore, #tpu.memory_space<semaphore_mem>>, %arg13: memref<!tpu.dma_semaphore, #tpu.memory_space<semaphore_mem>>, %arg14: memref<!tpu.dma_semaphore, #tpu.memory_space<semaphore_mem>>, %arg15: memref<!tpu.dma_semaphore, #tpu.memory_space<semaphore_mem>>, %arg16: memref<!tpu.dma_semaphore, #tpu.memory_space<semaphore_mem>>) attributes {dimension_semantics = [#tpu.dimension_semantics<core_parallel>, #tpu.dimension_semantics<subcore_parallel>], iteration_bounds = array<i64: 2, 16>, scalar_prefetch = 0 : i64, scratch_operands = 11 : i64, tpu.core_type = #tpu.core_type<sc_vector_subcore>, window_params = [{transform_indices = #map}, {transform_indices = #map1}, {transform_indices = #map1}, {transform_indices = #map}]} {
    %mul3A = arith.constant 2 : i32
    %mul3A_0 = arith.muli %arg1, %mul3A : i32
    %add3A = arith.addi %mul3A_0, %arg0 : i32
    %mul3A_1 = arith.constant 128 : i32
    %mul3A_2 = arith.muli %add3A, %mul3A_1 : i32
    "tpu.region"() ({
      %run_scoped3A = tpu.sem_alloc : memref<!tpu.dma_semaphore, #tpu.memory_space<semaphore_mem>>
      %dma_start3A_674 = arith.constant 0 : i32
      %dma_start3A_675 = arith.constant 0 : i32
      %dma_start3A_676 = tpu.memref_slice %arg2[%add3A, %dma_start3A_674, %dma_start3A_675] : memref<32x77x128xi32, #tpu.memory_space<hbm>> -> memref<1x77x128xi32, #tpu.memory_space<hbm>>
      %dma_start3A_677 = tpu.memref_squeeze %dma_start3A_676 : memref<1x77x128xi32, #tpu.memory_space<hbm>> -> memref<77x128xi32, #tpu.memory_space<hbm>>
      %dma_start3A_678 = arith.constant 0 : i32
      %dma_start3A_679 = arith.constant 0 : i32
      %dma_start3A_680 = tpu.memref_slice %arg2[%add3A, %dma_start3A_678, %dma_start3A_679] : memref<32x77x128xi32, #tpu.memory_space<hbm>> -> memref<1x77x128xi32, #tpu.memory_space<hbm>>
      %dma_start3A_681 = tpu.memref_squeeze %dma_start3A_680 : memref<1x77x128xi32, #tpu.memory_space<hbm>> -> memref<77x128xi32, #tpu.memory_space<hbm>>
      tpu.enqueue_dma source(%dma_start3A_681 : memref<77x128xi32, #tpu.memory_space<hbm>>) target(%arg6 : memref<77x128xi32, #tpu.memory_space<vmem>>) target_semaphore(%run_scoped3A : memref<!tpu.dma_semaphore, #tpu.memory_space<semaphore_mem>>)
      %dma_wait3A_682 = arith.constant 0 : i32
      %dma_wait3A_683 = arith.constant 0 : i32
      %dma_wait3A_684 = tpu.memref_slice %arg2[%add3A, %dma_wait3A_682, %dma_wait3A_683] : memref<32x77x128xi32, #tpu.memory_space<hbm>> -> memref<1x77x128xi32, #tpu.memory_space<hbm>>
      %dma_wait3A_685 = tpu.memref_squeeze %dma_wait3A_684 : memref<1x77x128xi32, #tpu.memory_space<hbm>> -> memref<77x128xi32, #tpu.memory_space<hbm>>
      %dma_wait3A_686 = arith.constant 0 : i32
      %dma_wait3A_687 = arith.constant 0 : i32
      %dma_wait3A_688 = tpu.memref_slice %arg2[%add3A, %dma_wait3A_686, %dma_wait3A_687] : memref<32x77x128xi32, #tpu.memory_space<hbm>> -> memref<1x77x128xi32, #tpu.memory_space<hbm>>
      %dma_wait3A_689 = tpu.memref_squeeze %dma_wait3A_688 : memref<1x77x128xi32, #tpu.memory_space<hbm>> -> memref<77x128xi32, #tpu.memory_space<hbm>>
      tpu.wait_dma2 semaphore(%run_scoped3A : memref<!tpu.dma_semaphore, #tpu.memory_space<semaphore_mem>>) src(%dma_wait3A_689 : memref<77x128xi32, #tpu.memory_space<hbm>>) dst(%arg6 : memref<77x128xi32, #tpu.memory_space<vmem>>)
      tpu.yield
    }) : () -> ()
    %dma_start3A = arith.constant 0 : i32
    %dma_start3A_3 = arith.constant 0 : i32
    %dma_start3A_4 = tpu.memref_slice %arg6[%dma_start3A, %dma_start3A_3] : memref<77x128xi32, #tpu.memory_space<vmem>> -> memref<1x128xi32, #tpu.memory_space<vmem>>
    %dma_start3A_5 = tpu.memref_squeeze %dma_start3A_4 : memref<1x128xi32, #tpu.memory_space<vmem>> -> memref<128xi32, #tpu.memory_space<vmem>>
    %dma_start3A_6 = arith.constant 0 : i32
    %dma_start3A_7 = arith.constant 0 : i32
    %dma_start3A_8 = tpu.memref_slice %arg3[%dma_start3A_6, %dma_start3A_7] : memref<49408x256xf32, #tpu.memory_space<hbm>> -> memref<49408x256xf32, #tpu.memory_space<hbm>>
    tpu.enqueue_indirect_dma source(%dma_start3A_8 : memref<49408x256xf32, #tpu.memory_space<hbm>>) target(%arg8 : memref<128x256xf32, #tpu.memory_space<vmem>>) offsets(%dma_start3A_5 : memref<128xi32, #tpu.memory_space<vmem>>) semaphore(%arg11 : memref<!tpu.dma_semaphore, #tpu.memory_space<semaphore_mem>>)
    %dma_start3A_9 = arith.constant 1 : i32
    %dma_start3A_10 = arith.constant 0 : i32
    %dma_start3A_11 = tpu.memref_slice %arg6[%dma_start3A_9, %dma_start3A_10] : memref<77x128xi32, #tpu.memory_space<vmem>> -> memref<1x128xi32, #tpu.memory_space<vmem>>
    %dma_start3A_12 = tpu.memref_squeeze %dma_start3A_11 : memref<1x128xi32, #tpu.memory_space<vmem>> -> memref<128xi32, #tpu.memory_space<vmem>>
    %dma_start3A_13 = arith.constant 0 : i32
    %dma_start3A_14 = arith.constant 0 : i32
    %dma_start3A_15 = tpu.memref_slice %arg3[%dma_start3A_13, %dma_start3A_14] : memref<49408x256xf32, #tpu.memory_space<hbm>> -> memref<49408x256xf32, #tpu.memory_space<hbm>>
    tpu.enqueue_indirect_dma source(%dma_start3A_15 : memref<49408x256xf32, #tpu.memory_space<hbm>>) target(%arg9 : memref<128x256xf32, #tpu.memory_space<vmem>>) offsets(%dma_start3A_12 : memref<128xi32, #tpu.memory_space<vmem>>) semaphore(%arg12 : memref<!tpu.dma_semaphore, #tpu.memory_space<semaphore_mem>>)
    "tpu.region"() ({
      %run_scoped3A = tpu.sem_alloc : memref<!tpu.dma_semaphore, #tpu.memory_space<semaphore_mem>>
      tpu.enqueue_dma source(%arg4 : memref<77x256xf32, #tpu.memory_space<hbm>>) target(%arg7 : memref<77x256xf32, #tpu.memory_space<vmem>>) target_semaphore(%run_scoped3A : memref<!tpu.dma_semaphore, #tpu.memory_space<semaphore_mem>>)
      tpu.wait_dma2 semaphore(%run_scoped3A : memref<!tpu.dma_semaphore, #tpu.memory_space<semaphore_mem>>) src(%arg4 : memref<77x256xf32, #tpu.memory_space<hbm>>) dst(%arg7 : memref<77x256xf32, #tpu.memory_space<vmem>>)
      tpu.yield
    }) : () -> ()
    %dma_start3A_16 = arith.constant 2 : i32
    %dma_start3A_17 = arith.constant 0 : i32
    %dma_start3A_18 = tpu.memref_slice %arg6[%dma_start3A_16, %dma_start3A_17] : memref<77x128xi32, #tpu.memory_space<vmem>> -> memref<1x128xi32, #tpu.memory_space<vmem>>
    %dma_start3A_19 = tpu.memref_squeeze %dma_start3A_18 : memref<1x128xi32, #tpu.memory_space<vmem>> -> memref<128xi32, #tpu.memory_space<vmem>>
    %dma_start3A_20 = arith.constant 0 : i32
    %dma_start3A_21 = arith.constant 0 : i32
    %dma_start3A_22 = tpu.memref_slice %arg3[%dma_start3A_20, %dma_start3A_21] : memref<49408x256xf32, #tpu.memory_space<hbm>> -> memref<49408x256xf32, #tpu.memory_space<hbm>>
    tpu.enqueue_indirect_dma source(%dma_start3A_22 : memref<49408x256xf32, #tpu.memory_space<hbm>>) target(%arg10 : memref<128x256xf32, #tpu.memory_space<vmem>>) offsets(%dma_start3A_19 : memref<128xi32, #tpu.memory_space<vmem>>) semaphore(%arg13 : memref<!tpu.dma_semaphore, #tpu.memory_space<semaphore_mem>>)
    %dma_wait3A = arith.constant 0 : i32
    %dma_wait3A_23 = arith.constant 0 : i32
    %dma_wait3A_24 = tpu.memref_slice %arg3[%dma_wait3A, %dma_wait3A_23] : memref<49408x256xf32, #tpu.memory_space<hbm>> -> memref<128x256xf32, #tpu.memory_space<hbm>>
    %dma_wait3A_25 = arith.constant 0 : i32
    %dma_wait3A_26 = arith.constant 0 : i32
    %dma_wait3A_27 = tpu.memref_slice %arg3[%dma_wait3A_25, %dma_wait3A_26] : memref<49408x256xf32, #tpu.memory_space<hbm>> -> memref<128x256xf32, #tpu.memory_space<hbm>>
    tpu.wait_dma2 semaphore(%arg11 : memref<!tpu.dma_semaphore, #tpu.memory_space<semaphore_mem>>) src(%dma_wait3A_27 : memref<128x256xf32, #tpu.memory_space<hbm>>) dst(%arg8 : memref<128x256xf32, #tpu.memory_space<vmem>>)
    %get3A = arith.constant 0 : i32
    %get3A_28 = arith.index_cast %get3A : i32 to index
    %get3A_29 = arith.constant 0 : index
    %get3A_30 = tpu.vector_load %arg7[%get3A_28, %get3A_29] {strides = array<i32>} : memref<77x256xf32, #tpu.memory_space<vmem>>, vector<1x16xf32>,
    %get3A_31 = vector.shape_cast %get3A_30 : vector<1x16xf32> to vector<16xf32>
    %get3A_32 = arith.constant 0 : i32
    %get3A_33 = arith.index_cast %get3A_32 : i32 to index
    %get3A_34 = arith.constant 16 : index
    %get3A_35 = tpu.vector_load %arg7[%get3A_33, %get3A_34] {strides = array<i32>} : memref<77x256xf32, #tpu.memory_space<vmem>>, vector<1x16xf32>,
    %get3A_36 = vector.shape_cast %get3A_35 : vector<1x16xf32> to vector<16xf32>
    %get3A_37 = arith.constant 0 : i32
    %get3A_38 = arith.index_cast %get3A_37 : i32 to index
    %get3A_39 = arith.constant 32 : index
    %get3A_40 = tpu.vector_load %arg7[%get3A_38, %get3A_39] {strides = array<i32>} : memref<77x256xf32, #tpu.memory_space<vmem>>, vector<1x16xf32>,
    %get3A_41 = vector.shape_cast %get3A_40 : vector<1x16xf32> to vector<16xf32>
    %get3A_42 = arith.constant 0 : i32
    %get3A_43 = arith.index_cast %get3A_42 : i32 to index
    %get3A_44 = arith.constant 48 : index
    %get3A_45 = tpu.vector_load %arg7[%get3A_43, %get3A_44] {strides = array<i32>} : memref<77x256xf32, #tpu.memory_space<vmem>>, vector<1x16xf32>,
    %get3A_46 = vector.shape_cast %get3A_45 : vector<1x16xf32> to vector<16xf32>
    %get3A_47 = arith.constant 0 : i32
    %get3A_48 = arith.index_cast %get3A_47 : i32 to index
    %get3A_49 = arith.constant 64 : index
    %get3A_50 = tpu.vector_load %arg7[%get3A_48, %get3A_49] {strides = array<i32>} : memref<77x256xf32, #tpu.memory_space<vmem>>, vector<1x16xf32>,
    %get3A_51 = vector.shape_cast %get3A_50 : vector<1x16xf32> to vector<16xf32>
    %get3A_52 = arith.constant 0 : i32
    %get3A_53 = arith.index_cast %get3A_52 : i32 to index
    %get3A_54 = arith.constant 80 : index
    %get3A_55 = tpu.vector_load %arg7[%get3A_53, %get3A_54] {strides = array<i32>} : memref<77x256xf32, #tpu.memory_space<vmem>>, vector<1x16xf32>,
    %get3A_56 = vector.shape_cast %get3A_55 : vector<1x16xf32> to vector<16xf32>
    %get3A_57 = arith.constant 0 : i32
    %get3A_58 = arith.index_cast %get3A_57 : i32 to index
    %get3A_59 = arith.constant 96 : index
    %get3A_60 = tpu.vector_load %arg7[%get3A_58, %get3A_59] {strides = array<i32>} : memref<77x256xf32, #tpu.memory_space<vmem>>, vector<1x16xf32>,
    %get3A_61 = vector.shape_cast %get3A_60 : vector<1x16xf32> to vector<16xf32>
    %get3A_62 = arith.constant 0 : i32
    %get3A_63 = arith.index_cast %get3A_62 : i32 to index
    %get3A_64 = arith.constant 112 : index
    %get3A_65 = tpu.vector_load %arg7[%get3A_63, %get3A_64] {strides = array<i32>} : memref<77x256xf32, #tpu.memory_space<vmem>>, vector<1x16xf32>,
    %get3A_66 = vector.shape_cast %get3A_65 : vector<1x16xf32> to vector<16xf32>
    %get3A_67 = arith.constant 0 : i32
    %get3A_68 = arith.index_cast %get3A_67 : i32 to index
    %get3A_69 = arith.constant 128 : index
    %get3A_70 = tpu.vector_load %arg7[%get3A_68, %get3A_69] {strides = array<i32>} : memref<77x256xf32, #tpu.memory_space<vmem>>, vector<1x16xf32>,
    %get3A_71 = vector.shape_cast %get3A_70 : vector<1x16xf32> to vector<16xf32>
    %get3A_72 = arith.constant 0 : i32
    %get3A_73 = arith.index_cast %get3A_72 : i32 to index
    %get3A_74 = arith.constant 144 : index
    %get3A_75 = tpu.vector_load %arg7[%get3A_73, %get3A_74] {strides = array<i32>} : memref<77x256xf32, #tpu.memory_space<vmem>>, vector<1x16xf32>,
    %get3A_76 = vector.shape_cast %get3A_75 : vector<1x16xf32> to vector<16xf32>
    %get3A_77 = arith.constant 0 : i32
    %get3A_78 = arith.index_cast %get3A_77 : i32 to index
    %get3A_79 = arith.constant 160 : index
    %get3A_80 = tpu.vector_load %arg7[%get3A_78, %get3A_79] {strides = array<i32>} : memref<77x256xf32, #tpu.memory_space<vmem>>, vector<1x16xf32>,
    %get3A_81 = vector.shape_cast %get3A_80 : vector<1x16xf32> to vector<16xf32>
    %get3A_82 = arith.constant 0 : i32
    %get3A_83 = arith.index_cast %get3A_82 : i32 to index
    %get3A_84 = arith.constant 176 : index
    %get3A_85 = tpu.vector_load %arg7[%get3A_83, %get3A_84] {strides = array<i32>} : memref<77x256xf32, #tpu.memory_space<vmem>>, vector<1x16xf32>,
    %get3A_86 = vector.shape_cast %get3A_85 : vector<1x16xf32> to vector<16xf32>
    %get3A_87 = arith.constant 0 : i32
    %get3A_88 = arith.index_cast %get3A_87 : i32 to index
    %get3A_89 = arith.constant 192 : index
    %get3A_90 = tpu.vector_load %arg7[%get3A_88, %get3A_89] {strides = array<i32>} : memref<77x256xf32, #tpu.memory_space<vmem>>, vector<1x16xf32>,
    %get3A_91 = vector.shape_cast %get3A_90 : vector<1x16xf32> to vector<16xf32>
    %get3A_92 = arith.constant 0 : i32
    %get3A_93 = arith.index_cast %get3A_92 : i32 to index
    %get3A_94 = arith.constant 208 : index
    %get3A_95 = tpu.vector_load %arg7[%get3A_93, %get3A_94] {strides = array<i32>} : memref<77x256xf32, #tpu.memory_space<vmem>>, vector<1x16xf32>,
    %get3A_96 = vector.shape_cast %get3A_95 : vector<1x16xf32> to vector<16xf32>
    %get3A_97 = arith.constant 0 : i32
    %get3A_98 = arith.index_cast %get3A_97 : i32 to index
    %get3A_99 = arith.constant 224 : index
    %get3A_100 = tpu.vector_load %arg7[%get3A_98, %get3A_99] {strides = array<i32>} : memref<77x256xf32, #tpu.memory_space<vmem>>, vector<1x16xf32>,
    %get3A_101 = vector.shape_cast %get3A_100 : vector<1x16xf32> to vector<16xf32>
    %get3A_102 = arith.constant 0 : i32
    %get3A_103 = arith.index_cast %get3A_102 : i32 to index
    %get3A_104 = arith.constant 240 : index
    %get3A_105 = tpu.vector_load %arg7[%get3A_103, %get3A_104] {strides = array<i32>} : memref<77x256xf32, #tpu.memory_space<vmem>>, vector<1x16xf32>,
    %get3A_106 = vector.shape_cast %get3A_105 : vector<1x16xf32> to vector<16xf32>
    %parallel_loop3A = arith.constant 0 : i32
    %parallel_loop3A_107 = arith.constant 64 : i32
    %parallel_loop3A_108 = arith.constant 1 : i32
    scf.for %parallel_loop3A_674 = %parallel_loop3A to %parallel_loop3A_107 step %parallel_loop3A_108  : i32 {
      %parallel_loop3A_675 = arith.index_cast %parallel_loop3A_674 : i32 to index
      %parallel_loop3A_676 = arith.constant 0 : index
      %parallel_loop3A_677 = tpu.vector_load %arg8[%parallel_loop3A_675, %parallel_loop3A_676] {strides = array<i32>} : memref<128x256xf32, #tpu.memory_space<vmem>>, vector<1x16xf32>,
      %parallel_loop3A_678 = vector.shape_cast %parallel_loop3A_677 : vector<1x16xf32> to vector<16xf32>
      %parallel_loop3A_679 = vector.shape_cast %get3A_31 : vector<16xf32> to vector<1x16xf32>
      tpu.vector_store %arg8[%parallel_loop3A_675, %parallel_loop3A_676], %parallel_loop3A_679 {add = true, strides = array<i32>} : memref<128x256xf32, #tpu.memory_space<vmem>>, vector<1x16xf32>,
      %parallel_loop3A_680 = arith.index_cast %parallel_loop3A_674 : i32 to index
      %parallel_loop3A_681 = arith.constant 16 : index
      %parallel_loop3A_682 = tpu.vector_load %arg8[%parallel_loop3A_680, %parallel_loop3A_681] {strides = array<i32>} : memref<128x256xf32, #tpu.memory_space<vmem>>, vector<1x16xf32>,
      %parallel_loop3A_683 = vector.shape_cast %parallel_loop3A_682 : vector<1x16xf32> to vector<16xf32>
      %parallel_loop3A_684 = vector.shape_cast %get3A_36 : vector<16xf32> to vector<1x16xf32>
      tpu.vector_store %arg8[%parallel_loop3A_680, %parallel_loop3A_681], %parallel_loop3A_684 {add = true, strides = array<i32>} : memref<128x256xf32, #tpu.memory_space<vmem>>, vector<1x16xf32>,
      %parallel_loop3A_685 = arith.index_cast %parallel_loop3A_674 : i32 to index
      %parallel_loop3A_686 = arith.constant 32 : index
      %parallel_loop3A_687 = tpu.vector_load %arg8[%parallel_loop3A_685, %parallel_loop3A_686] {strides = array<i32>} : memref<128x256xf32, #tpu.memory_space<vmem>>, vector<1x16xf32>,
      %parallel_loop3A_688 = vector.shape_cast %parallel_loop3A_687 : vector<1x16xf32> to vector<16xf32>
      %parallel_loop3A_689 = vector.shape_cast %get3A_41 : vector<16xf32> to vector<1x16xf32>
      tpu.vector_store %arg8[%parallel_loop3A_685, %parallel_loop3A_686], %parallel_loop3A_689 {add = true, strides = array<i32>} : memref<128x256xf32, #tpu.memory_space<vmem>>, vector<1x16xf32>,
      %parallel_loop3A_690 = arith.index_cast %parallel_loop3A_674 : i32 to index
      %parallel_loop3A_691 = arith.constant 48 : index
      %parallel_loop3A_692 = tpu.vector_load %arg8[%parallel_loop3A_690, %parallel_loop3A_691] {strides = array<i32>} : memref<128x256xf32, #tpu.memory_space<vmem>>, vector<1x16xf32>,
      %parallel_loop3A_693 = vector.shape_cast %parallel_loop3A_692 : vector<1x16xf32> to vector<16xf32>
      %parallel_loop3A_694 = vector.shape_cast %get3A_46 : vector<16xf32> to vector<1x16xf32>
      tpu.vector_store %arg8[%parallel_loop3A_690, %parallel_loop3A_691], %parallel_loop3A_694 {add = true, strides = array<i32>} : memref<128x256xf32, #tpu.memory_space<vmem>>, vector<1x16xf32>,
      %parallel_loop3A_695 = arith.index_cast %parallel_loop3A_674 : i32 to index
      %parallel_loop3A_696 = arith.constant 64 : index
      %parallel_loop3A_697 = tpu.vector_load %arg8[%parallel_loop3A_695, %parallel_loop3A_696] {strides = array<i32>} : memref<128x256xf32, #tpu.memory_space<vmem>>, vector<1x16xf32>,
      %parallel_loop3A_698 = vector.shape_cast %parallel_loop3A_697 : vector<1x16xf32> to vector<16xf32>
      %parallel_loop3A_699 = vector.shape_cast %get3A_51 : vector<16xf32> to vector<1x16xf32>
      tpu.vector_store %arg8[%parallel_loop3A_695, %parallel_loop3A_696], %parallel_loop3A_699 {add = true, strides = array<i32>} : memref<128x256xf32, #tpu.memory_space<vmem>>, vector<1x16xf32>,
      %parallel_loop3A_700 = arith.index_cast %parallel_loop3A_674 : i32 to index
      %parallel_loop3A_701 = arith.constant 80 : index
      %parallel_loop3A_702 = tpu.vector_load %arg8[%parallel_loop3A_700, %parallel_loop3A_701] {strides = array<i32>} : memref<128x256xf32, #tpu.memory_space<vmem>>, vector<1x16xf32>,
      %parallel_loop3A_703 = vector.shape_cast %parallel_loop3A_702 : vector<1x16xf32> to vector<16xf32>
      %parallel_loop3A_704 = vector.shape_cast %get3A_56 : vector<16xf32> to vector<1x16xf32>
      tpu.vector_store %arg8[%parallel_loop3A_700, %parallel_loop3A_701], %parallel_loop3A_704 {add = true, strides = array<i32>} : memref<128x256xf32, #tpu.memory_space<vmem>>, vector<1x16xf32>,
      %parallel_loop3A_705 = arith.index_cast %parallel_loop3A_674 : i32 to index
      %parallel_loop3A_706 = arith.constant 96 : index
      %parallel_loop3A_707 = tpu.vector_load %arg8[%parallel_loop3A_705, %parallel_loop3A_706] {strides = array<i32>} : memref<128x256xf32, #tpu.memory_space<vmem>>, vector<1x16xf32>,
      %parallel_loop3A_708 = vector.shape_cast %parallel_loop3A_707 : vector<1x16xf32> to vector<16xf32>
      %parallel_loop3A_709 = vector.shape_cast %get3A_61 : vector<16xf32> to vector<1x16xf32>
      tpu.vector_store %arg8[%parallel_loop3A_705, %parallel_loop3A_706], %parallel_loop3A_709 {add = true, strides = array<i32>} : memref<128x256xf32, #tpu.memory_space<vmem>>, vector<1x16xf32>,
      %parallel_loop3A_710 = arith.index_cast %parallel_loop3A_674 : i32 to index
      %parallel_loop3A_711 = arith.constant 112 : index
      %parallel_loop3A_712 = tpu.vector_load %arg8[%parallel_loop3A_710, %parallel_loop3A_711] {strides = array<i32>} : memref<128x256xf32, #tpu.memory_space<vmem>>, vector<1x16xf32>,
      %parallel_loop3A_713 = vector.shape_cast %parallel_loop3A_712 : vector<1x16xf32> to vector<16xf32>
      %parallel_loop3A_714 = vector.shape_cast %get3A_66 : vector<16xf32> to vector<1x16xf32>
      tpu.vector_store %arg8[%parallel_loop3A_710, %parallel_loop3A_711], %parallel_loop3A_714 {add = true, strides = array<i32>} : memref<128x256xf32, #tpu.memory_space<vmem>>, vector<1x16xf32>,
      %parallel_loop3A_715 = arith.index_cast %parallel_loop3A_674 : i32 to index
      %parallel_loop3A_716 = arith.constant 128 : index
      %parallel_loop3A_717 = tpu.vector_load %arg8[%parallel_loop3A_715, %parallel_loop3A_716] {strides = array<i32>} : memref<128x256xf32, #tpu.memory_space<vmem>>, vector<1x16xf32>,
      %parallel_loop3A_718 = vector.shape_cast %parallel_loop3A_717 : vector<1x16xf32> to vector<16xf32>
      %parallel_loop3A_719 = vector.shape_cast %get3A_71 : vector<16xf32> to vector<1x16xf32>
      tpu.vector_store %arg8[%parallel_loop3A_715, %parallel_loop3A_716], %parallel_loop3A_719 {add = true, strides = array<i32>} : memref<128x256xf32, #tpu.memory_space<vmem>>, vector<1x16xf32>,
      %parallel_loop3A_720 = arith.index_cast %parallel_loop3A_674 : i32 to index
      %parallel_loop3A_721 = arith.constant 144 : index
      %parallel_loop3A_722 = tpu.vector_load %arg8[%parallel_loop3A_720, %parallel_loop3A_721] {strides = array<i32>} : memref<128x256xf32, #tpu.memory_space<vmem>>, vector<1x16xf32>,
      %parallel_loop3A_723 = vector.shape_cast %parallel_loop3A_722 : vector<1x16xf32> to vector<16xf32>
      %parallel_loop3A_724 = vector.shape_cast %get3A_76 : vector<16xf32> to vector<1x16xf32>
      tpu.vector_store %arg8[%parallel_loop3A_720, %parallel_loop3A_721], %parallel_loop3A_724 {add = true, strides = array<i32>} : memref<128x256xf32, #tpu.memory_space<vmem>>, vector<1x16xf32>,
      %parallel_loop3A_725 = arith.index_cast %parallel_loop3A_674 : i32 to index
      %parallel_loop3A_726 = arith.constant 160 : index
      %parallel_loop3A_727 = tpu.vector_load %arg8[%parallel_loop3A_725, %parallel_loop3A_726] {strides = array<i32>} : memref<128x256xf32, #tpu.memory_space<vmem>>, vector<1x16xf32>,
      %parallel_loop3A_728 = vector.shape_cast %parallel_loop3A_727 : vector<1x16xf32> to vector<16xf32>
      %parallel_loop3A_729 = vector.shape_cast %get3A_81 : vector<16xf32> to vector<1x16xf32>
      tpu.vector_store %arg8[%parallel_loop3A_725, %parallel_loop3A_726], %parallel_loop3A_729 {add = true, strides = array<i32>} : memref<128x256xf32, #tpu.memory_space<vmem>>, vector<1x16xf32>,
      %parallel_loop3A_730 = arith.index_cast %parallel_loop3A_674 : i32 to index
      %parallel_loop3A_731 = arith.constant 176 : index
      %parallel_loop3A_732 = tpu.vector_load %arg8[%parallel_loop3A_730, %parallel_loop3A_731] {strides = array<i32>} : memref<128x256xf32, #tpu.memory_space<vmem>>, vector<1x16xf32>,
      %parallel_loop3A_733 = vector.shape_cast %parallel_loop3A_732 : vector<1x16xf32> to vector<16xf32>
      %parallel_loop3A_734 = vector.shape_cast %get3A_86 : vector<16xf32> to vector<1x16xf32>
      tpu.vector_store %arg8[%parallel_loop3A_730, %parallel_loop3A_731], %parallel_loop3A_734 {add = true, strides = array<i32>} : memref<128x256xf32, #tpu.memory_space<vmem>>, vector<1x16xf32>,
      %parallel_loop3A_735 = arith.index_cast %parallel_loop3A_674 : i32 to index
      %parallel_loop3A_736 = arith.constant 192 : index
      %parallel_loop3A_737 = tpu.vector_load %arg8[%parallel_loop3A_735, %parallel_loop3A_736] {strides = array<i32>} : memref<128x256xf32, #tpu.memory_space<vmem>>, vector<1x16xf32>,
      %parallel_loop3A_738 = vector.shape_cast %parallel_loop3A_737 : vector<1x16xf32> to vector<16xf32>
      %parallel_loop3A_739 = vector.shape_cast %get3A_91 : vector<16xf32> to vector<1x16xf32>
      tpu.vector_store %arg8[%parallel_loop3A_735, %parallel_loop3A_736], %parallel_loop3A_739 {add = true, strides = array<i32>} : memref<128x256xf32, #tpu.memory_space<vmem>>, vector<1x16xf32>,
      %parallel_loop3A_740 = arith.index_cast %parallel_loop3A_674 : i32 to index
      %parallel_loop3A_741 = arith.constant 208 : index
      %parallel_loop3A_742 = tpu.vector_load %arg8[%parallel_loop3A_740, %parallel_loop3A_741] {strides = array<i32>} : memref<128x256xf32, #tpu.memory_space<vmem>>, vector<1x16xf32>,
      %parallel_loop3A_743 = vector.shape_cast %parallel_loop3A_742 : vector<1x16xf32> to vector<16xf32>
      %parallel_loop3A_744 = vector.shape_cast %get3A_96 : vector<16xf32> to vector<1x16xf32>
      tpu.vector_store %arg8[%parallel_loop3A_740, %parallel_loop3A_741], %parallel_loop3A_744 {add = true, strides = array<i32>} : memref<128x256xf32, #tpu.memory_space<vmem>>, vector<1x16xf32>,
      %parallel_loop3A_745 = arith.index_cast %parallel_loop3A_674 : i32 to index
      %parallel_loop3A_746 = arith.constant 224 : index
      %parallel_loop3A_747 = tpu.vector_load %arg8[%parallel_loop3A_745, %parallel_loop3A_746] {strides = array<i32>} : memref<128x256xf32, #tpu.memory_space<vmem>>, vector<1x16xf32>,
      %parallel_loop3A_748 = vector.shape_cast %parallel_loop3A_747 : vector<1x16xf32> to vector<16xf32>
      %parallel_loop3A_749 = vector.shape_cast %get3A_101 : vector<16xf32> to vector<1x16xf32>
      tpu.vector_store %arg8[%parallel_loop3A_745, %parallel_loop3A_746], %parallel_loop3A_749 {add = true, strides = array<i32>} : memref<128x256xf32, #tpu.memory_space<vmem>>, vector<1x16xf32>,
      %parallel_loop3A_750 = arith.index_cast %parallel_loop3A_674 : i32 to index
      %parallel_loop3A_751 = arith.constant 240 : index
      %parallel_loop3A_752 = tpu.vector_load %arg8[%parallel_loop3A_750, %parallel_loop3A_751] {strides = array<i32>} : memref<128x256xf32, #tpu.memory_space<vmem>>, vector<1x16xf32>,
      %parallel_loop3A_753 = vector.shape_cast %parallel_loop3A_752 : vector<1x16xf32> to vector<16xf32>
      %parallel_loop3A_754 = vector.shape_cast %get3A_106 : vector<16xf32> to vector<1x16xf32>
      tpu.vector_store %arg8[%parallel_loop3A_750, %parallel_loop3A_751], %parallel_loop3A_754 {add = true, strides = array<i32>} : memref<128x256xf32, #tpu.memory_space<vmem>>, vector<1x16xf32>,
    } {sc.loop_unroll_factor = 2 : i64, sc.parallel_access}
    %dma_start3A_109 = arith.constant 0 : i32
    %dma_start3A_110 = arith.constant 0 : i32
    %dma_start3A_111 = arith.constant 0 : i32
    %dma_start3A_112 = tpu.memref_slice %arg8[%dma_start3A_110, %dma_start3A_111] : memref<128x256xf32, #tpu.memory_space<vmem>> -> memref<64x256xf32, #tpu.memory_space<vmem>>
    %dma_start3A_113 = arith.constant 0 : i32
    %dma_start3A_114 = tpu.memref_slice %arg5[%dma_start3A_109, %mul3A_2, %dma_start3A_113] : memref<77x4096x256xf32, #tpu.memory_space<hbm>> -> memref<1x64x256xf32, #tpu.memory_space<hbm>>
    %dma_start3A_115 = tpu.memref_squeeze %dma_start3A_114 : memref<1x64x256xf32, #tpu.memory_space<hbm>> -> memref<64x256xf32, #tpu.memory_space<hbm>>
    %dma_start3A_116 = arith.constant 0 : i32
    %dma_start3A_117 = tpu.memref_slice %arg5[%dma_start3A_109, %mul3A_2, %dma_start3A_116] : memref<77x4096x256xf32, #tpu.memory_space<hbm>> -> memref<1x64x256xf32, #tpu.memory_space<hbm>>
    %dma_start3A_118 = tpu.memref_squeeze %dma_start3A_117 : memref<1x64x256xf32, #tpu.memory_space<hbm>> -> memref<64x256xf32, #tpu.memory_space<hbm>>
    %dma_start3A_119 = arith.constant 0 : i32
    %dma_start3A_120 = arith.constant 0 : i32
    %dma_start3A_121 = tpu.memref_slice %arg8[%dma_start3A_119, %dma_start3A_120] : memref<128x256xf32, #tpu.memory_space<vmem>> -> memref<64x256xf32, #tpu.memory_space<vmem>>
    tpu.enqueue_dma source(%dma_start3A_121 : memref<64x256xf32, #tpu.memory_space<vmem>>) target(%dma_start3A_118 : memref<64x256xf32, #tpu.memory_space<hbm>>) target_semaphore(%arg14 : memref<!tpu.dma_semaphore, #tpu.memory_space<semaphore_mem>>)
    %parallel_loop3A_122 = arith.constant 64 : i32
    %parallel_loop3A_123 = arith.constant 128 : i32
    %parallel_loop3A_124 = arith.constant 1 : i32
    scf.for %parallel_loop3A_674 = %parallel_loop3A_122 to %parallel_loop3A_123 step %parallel_loop3A_124  : i32 {
      %parallel_loop3A_675 = arith.index_cast %parallel_loop3A_674 : i32 to index
      %parallel_loop3A_676 = arith.constant 0 : index
      %parallel_loop3A_677 = tpu.vector_load %arg8[%parallel_loop3A_675, %parallel_loop3A_676] {strides = array<i32>} : memref<128x256xf32, #tpu.memory_space<vmem>>, vector<1x16xf32>,
      %parallel_loop3A_678 = vector.shape_cast %parallel_loop3A_677 : vector<1x16xf32> to vector<16xf32>
      %parallel_loop3A_679 = vector.shape_cast %get3A_31 : vector<16xf32> to vector<1x16xf32>
      tpu.vector_store %arg8[%parallel_loop3A_675, %parallel_loop3A_676], %parallel_loop3A_679 {add = true, strides = array<i32>} : memref<128x256xf32, #tpu.memory_space<vmem>>, vector<1x16xf32>,
      %parallel_loop3A_680 = arith.index_cast %parallel_loop3A_674 : i32 to index
      %parallel_loop3A_681 = arith.constant 16 : index
      %parallel_loop3A_682 = tpu.vector_load %arg8[%parallel_loop3A_680, %parallel_loop3A_681] {strides = array<i32>} : memref<128x256xf32, #tpu.memory_space<vmem>>, vector<1x16xf32>,
      %parallel_loop3A_683 = vector.shape_cast %parallel_loop3A_682 : vector<1x16xf32> to vector<16xf32>
      %parallel_loop3A_684 = vector.shape_cast %get3A_36 : vector<16xf32> to vector<1x16xf32>
      tpu.vector_store %arg8[%parallel_loop3A_680, %parallel_loop3A_681], %parallel_loop3A_684 {add = true, strides = array<i32>} : memref<128x256xf32, #tpu.memory_space<vmem>>, vector<1x16xf32>,
      %parallel_loop3A_685 = arith.index_cast %parallel_loop3A_674 : i32 to index
      %parallel_loop3A_686 = arith.constant 32 : index
      %parallel_loop3A_687 = tpu.vector_load %arg8[%parallel_loop3A_685, %parallel_loop3A_686] {strides = array<i32>} : memref<128x256xf32, #tpu.memory_space<vmem>>, vector<1x16xf32>,
      %parallel_loop3A_688 = vector.shape_cast %parallel_loop3A_687 : vector<1x16xf32> to vector<16xf32>
      %parallel_loop3A_689 = vector.shape_cast %get3A_41 : vector<16xf32> to vector<1x16xf32>
      tpu.vector_store %arg8[%parallel_loop3A_685, %parallel_loop3A_686], %parallel_loop3A_689 {add = true, strides = array<i32>} : memref<128x256xf32, #tpu.memory_space<vmem>>, vector<1x16xf32>,
      %parallel_loop3A_690 = arith.index_cast %parallel_loop3A_674 : i32 to index
      %parallel_loop3A_691 = arith.constant 48 : index
      %parallel_loop3A_692 = tpu.vector_load %arg8[%parallel_loop3A_690, %parallel_loop3A_691] {strides = array<i32>} : memref<128x256xf32, #tpu.memory_space<vmem>>, vector<1x16xf32>,
      %parallel_loop3A_693 = vector.shape_cast %parallel_loop3A_692 : vector<1x16xf32> to vector<16xf32>
      %parallel_loop3A_694 = vector.shape_cast %get3A_46 : vector<16xf32> to vector<1x16xf32>
      tpu.vector_store %arg8[%parallel_loop3A_690, %parallel_loop3A_691], %parallel_loop3A_694 {add = true, strides = array<i32>} : memref<128x256xf32, #tpu.memory_space<vmem>>, vector<1x16xf32>,
      %parallel_loop3A_695 = arith.index_cast %parallel_loop3A_674 : i32 to index
      %parallel_loop3A_696 = arith.constant 64 : index
      %parallel_loop3A_697 = tpu.vector_load %arg8[%parallel_loop3A_695, %parallel_loop3A_696] {strides = array<i32>} : memref<128x256xf32, #tpu.memory_space<vmem>>, vector<1x16xf32>,
      %parallel_loop3A_698 = vector.shape_cast %parallel_loop3A_697 : vector<1x16xf32> to vector<16xf32>
      %parallel_loop3A_699 = vector.shape_cast %get3A_51 : vector<16xf32> to vector<1x16xf32>
      tpu.vector_store %arg8[%parallel_loop3A_695, %parallel_loop3A_696], %parallel_loop3A_699 {add = true, strides = array<i32>} : memref<128x256xf32, #tpu.memory_space<vmem>>, vector<1x16xf32>,
      %parallel_loop3A_700 = arith.index_cast %parallel_loop3A_674 : i32 to index
      %parallel_loop3A_701 = arith.constant 80 : index
      %parallel_loop3A_702 = tpu.vector_load %arg8[%parallel_loop3A_700, %parallel_loop3A_701] {strides = array<i32>} : memref<128x256xf32, #tpu.memory_space<vmem>>, vector<1x16xf32>,
      %parallel_loop3A_703 = vector.shape_cast %parallel_loop3A_702 : vector<1x16xf32> to vector<16xf32>
      %parallel_loop3A_704 = vector.shape_cast %get3A_56 : vector<16xf32> to vector<1x16xf32>
      tpu.vector_store %arg8[%parallel_loop3A_700, %parallel_loop3A_701], %parallel_loop3A_704 {add = true, strides = array<i32>} : memref<128x256xf32, #tpu.memory_space<vmem>>, vector<1x16xf32>,
      %parallel_loop3A_705 = arith.index_cast %parallel_loop3A_674 : i32 to index
      %parallel_loop3A_706 = arith.constant 96 : index
      %parallel_loop3A_707 = tpu.vector_load %arg8[%parallel_loop3A_705, %parallel_loop3A_706] {strides = array<i32>} : memref<128x256xf32, #tpu.memory_space<vmem>>, vector<1x16xf32>,
      %parallel_loop3A_708 = vector.shape_cast %parallel_loop3A_707 : vector<1x16xf32> to vector<16xf32>
      %parallel_loop3A_709 = vector.shape_cast %get3A_61 : vector<16xf32> to vector<1x16xf32>
      tpu.vector_store %arg8[%parallel_loop3A_705, %parallel_loop3A_706], %parallel_loop3A_709 {add = true, strides = array<i32>} : memref<128x256xf32, #tpu.memory_space<vmem>>, vector<1x16xf32>,
      %parallel_loop3A_710 = arith.index_cast %parallel_loop3A_674 : i32 to index
      %parallel_loop3A_711 = arith.constant 112 : index
      %parallel_loop3A_712 = tpu.vector_load %arg8[%parallel_loop3A_710, %parallel_loop3A_711] {strides = array<i32>} : memref<128x256xf32, #tpu.memory_space<vmem>>, vector<1x16xf32>,
      %parallel_loop3A_713 = vector.shape_cast %parallel_loop3A_712 : vector<1x16xf32> to vector<16xf32>
      %parallel_loop3A_714 = vector.shape_cast %get3A_66 : vector<16xf32> to vector<1x16xf32>
      tpu.vector_store %arg8[%parallel_loop3A_710, %parallel_loop3A_711], %parallel_loop3A_714 {add = true, strides = array<i32>} : memref<128x256xf32, #tpu.memory_space<vmem>>, vector<1x16xf32>,
      %parallel_loop3A_715 = arith.index_cast %parallel_loop3A_674 : i32 to index
      %parallel_loop3A_716 = arith.constant 128 : index
      %parallel_loop3A_717 = tpu.vector_load %arg8[%parallel_loop3A_715, %parallel_loop3A_716] {strides = array<i32>} : memref<128x256xf32, #tpu.memory_space<vmem>>, vector<1x16xf32>,
      %parallel_loop3A_718 = vector.shape_cast %parallel_loop3A_717 : vector<1x16xf32> to vector<16xf32>
      %parallel_loop3A_719 = vector.shape_cast %get3A_71 : vector<16xf32> to vector<1x16xf32>
      tpu.vector_store %arg8[%parallel_loop3A_715, %parallel_loop3A_716], %parallel_loop3A_719 {add = true, strides = array<i32>} : memref<128x256xf32, #tpu.memory_space<vmem>>, vector<1x16xf32>,
      %parallel_loop3A_720 = arith.index_cast %parallel_loop3A_674 : i32 to index
      %parallel_loop3A_721 = arith.constant 144 : index
      %parallel_loop3A_722 = tpu.vector_load %arg8[%parallel_loop3A_720, %parallel_loop3A_721] {strides = array<i32>} : memref<128x256xf32, #tpu.memory_space<vmem>>, vector<1x16xf32>,
      %parallel_loop3A_723 = vector.shape_cast %parallel_loop3A_722 : vector<1x16xf32> to vector<16xf32>
      %parallel_loop3A_724 = vector.shape_cast %get3A_76 : vector<16xf32> to vector<1x16xf32>
      tpu.vector_store %arg8[%parallel_loop3A_720, %parallel_loop3A_721], %parallel_loop3A_724 {add = true, strides = array<i32>} : memref<128x256xf32, #tpu.memory_space<vmem>>, vector<1x16xf32>,
      %parallel_loop3A_725 = arith.index_cast %parallel_loop3A_674 : i32 to index
      %parallel_loop3A_726 = arith.constant 160 : index
      %parallel_loop3A_727 = tpu.vector_load %arg8[%parallel_loop3A_725, %parallel_loop3A_726] {strides = array<i32>} : memref<128x256xf32, #tpu.memory_space<vmem>>, vector<1x16xf32>,
      %parallel_loop3A_728 = vector.shape_cast %parallel_loop3A_727 : vector<1x16xf32> to vector<16xf32>
      %parallel_loop3A_729 = vector.shape_cast %get3A_81 : vector<16xf32> to vector<1x16xf32>
      tpu.vector_store %arg8[%parallel_loop3A_725, %parallel_loop3A_726], %parallel_loop3A_729 {add = true, strides = array<i32>} : memref<128x256xf32, #tpu.memory_space<vmem>>, vector<1x16xf32>,
      %parallel_loop3A_730 = arith.index_cast %parallel_loop3A_674 : i32 to index
      %parallel_loop3A_731 = arith.constant 176 : index
      %parallel_loop3A_732 = tpu.vector_load %arg8[%parallel_loop3A_730, %parallel_loop3A_731] {strides = array<i32>} : memref<128x256xf32, #tpu.memory_space<vmem>>, vector<1x16xf32>,
      %parallel_loop3A_733 = vector.shape_cast %parallel_loop3A_732 : vector<1x16xf32> to vector<16xf32>
      %parallel_loop3A_734 = vector.shape_cast %get3A_86 : vector<16xf32> to vector<1x16xf32>
      tpu.vector_store %arg8[%parallel_loop3A_730, %parallel_loop3A_731], %parallel_loop3A_734 {add = true, strides = array<i32>} : memref<128x256xf32, #tpu.memory_space<vmem>>, vector<1x16xf32>,
      %parallel_loop3A_735 = arith.index_cast %parallel_loop3A_674 : i32 to index
      %parallel_loop3A_736 = arith.constant 192 : index
      %parallel_loop3A_737 = tpu.vector_load %arg8[%parallel_loop3A_735, %parallel_loop3A_736] {strides = array<i32>} : memref<128x256xf32, #tpu.memory_space<vmem>>, vector<1x16xf32>,
      %parallel_loop3A_738 = vector.shape_cast %parallel_loop3A_737 : vector<1x16xf32> to vector<16xf32>
      %parallel_loop3A_739 = vector.shape_cast %get3A_91 : vector<16xf32> to vector<1x16xf32>
      tpu.vector_store %arg8[%parallel_loop3A_735, %parallel_loop3A_736], %parallel_loop3A_739 {add = true, strides = array<i32>} : memref<128x256xf32, #tpu.memory_space<vmem>>, vector<1x16xf32>,
      %parallel_loop3A_740 = arith.index_cast %parallel_loop3A_674 : i32 to index
      %parallel_loop3A_741 = arith.constant 208 : index
      %parallel_loop3A_742 = tpu.vector_load %arg8[%parallel_loop3A_740, %parallel_loop3A_741] {strides = array<i32>} : memref<128x256xf32, #tpu.memory_space<vmem>>, vector<1x16xf32>,
      %parallel_loop3A_743 = vector.shape_cast %parallel_loop3A_742 : vector<1x16xf32> to vector<16xf32>
      %parallel_loop3A_744 = vector.shape_cast %get3A_96 : vector<16xf32> to vector<1x16xf32>
      tpu.vector_store %arg8[%parallel_loop3A_740, %parallel_loop3A_741], %parallel_loop3A_744 {add = true, strides = array<i32>} : memref<128x256xf32, #tpu.memory_space<vmem>>, vector<1x16xf32>,
      %parallel_loop3A_745 = arith.index_cast %parallel_loop3A_674 : i32 to index
      %parallel_loop3A_746 = arith.constant 224 : index
      %parallel_loop3A_747 = tpu.vector_load %arg8[%parallel_loop3A_745, %parallel_loop3A_746] {strides = array<i32>} : memref<128x256xf32, #tpu.memory_space<vmem>>, vector<1x16xf32>,
      %parallel_loop3A_748 = vector.shape_cast %parallel_loop3A_747 : vector<1x16xf32> to vector<16xf32>
      %parallel_loop3A_749 = vector.shape_cast %get3A_101 : vector<16xf32> to vector<1x16xf32>
      tpu.vector_store %arg8[%parallel_loop3A_745, %parallel_loop3A_746], %parallel_loop3A_749 {add = true, strides = array<i32>} : memref<128x256xf32, #tpu.memory_space<vmem>>, vector<1x16xf32>,
      %parallel_loop3A_750 = arith.index_cast %parallel_loop3A_674 : i32 to index
      %parallel_loop3A_751 = arith.constant 240 : index
      %parallel_loop3A_752 = tpu.vector_load %arg8[%parallel_loop3A_750, %parallel_loop3A_751] {strides = array<i32>} : memref<128x256xf32, #tpu.memory_space<vmem>>, vector<1x16xf32>,
      %parallel_loop3A_753 = vector.shape_cast %parallel_loop3A_752 : vector<1x16xf32> to vector<16xf32>
      %parallel_loop3A_754 = vector.shape_cast %get3A_106 : vector<16xf32> to vector<1x16xf32>
      tpu.vector_store %arg8[%parallel_loop3A_750, %parallel_loop3A_751], %parallel_loop3A_754 {add = true, strides = array<i32>} : memref<128x256xf32, #tpu.memory_space<vmem>>, vector<1x16xf32>,
    } {sc.loop_unroll_factor = 2 : i64, sc.parallel_access}
    %add3A_125 = arith.constant 64 : i32
    %add3A_126 = arith.addi %mul3A_2, %add3A_125 : i32
    %dma_start3A_127 = arith.constant 0 : i32
    %dma_start3A_128 = arith.constant 64 : i32
    %dma_start3A_129 = arith.constant 0 : i32
    %dma_start3A_130 = tpu.memref_slice %arg8[%dma_start3A_128, %dma_start3A_129] : memref<128x256xf32, #tpu.memory_space<vmem>> -> memref<64x256xf32, #tpu.memory_space<vmem>>
    %dma_start3A_131 = arith.constant 0 : i32
    %dma_start3A_132 = tpu.memref_slice %arg5[%dma_start3A_127, %add3A_126, %dma_start3A_131] : memref<77x4096x256xf32, #tpu.memory_space<hbm>> -> memref<1x64x256xf32, #tpu.memory_space<hbm>>
    %dma_start3A_133 = tpu.memref_squeeze %dma_start3A_132 : memref<1x64x256xf32, #tpu.memory_space<hbm>> -> memref<64x256xf32, #tpu.memory_space<hbm>>
    %dma_start3A_134 = arith.constant 0 : i32
    %dma_start3A_135 = tpu.memref_slice %arg5[%dma_start3A_127, %add3A_126, %dma_start3A_134] : memref<77x4096x256xf32, #tpu.memory_space<hbm>> -> memref<1x64x256xf32, #tpu.memory_space<hbm>>
    %dma_start3A_136 = tpu.memref_squeeze %dma_start3A_135 : memref<1x64x256xf32, #tpu.memory_space<hbm>> -> memref<64x256xf32, #tpu.memory_space<hbm>>
    %dma_start3A_137 = arith.constant 64 : i32
    %dma_start3A_138 = arith.constant 0 : i32
    %dma_start3A_139 = tpu.memref_slice %arg8[%dma_start3A_137, %dma_start3A_138] : memref<128x256xf32, #tpu.memory_space<vmem>> -> memref<64x256xf32, #tpu.memory_space<vmem>>
    tpu.enqueue_dma source(%dma_start3A_139 : memref<64x256xf32, #tpu.memory_space<vmem>>) target(%dma_start3A_136 : memref<64x256xf32, #tpu.memory_space<hbm>>) target_semaphore(%arg14 : memref<!tpu.dma_semaphore, #tpu.memory_space<semaphore_mem>>)
    %dma_wait3A_140 = arith.constant 0 : i32
    %dma_wait3A_141 = arith.constant 0 : i32
    %dma_wait3A_142 = tpu.memref_slice %arg5[%dma_wait3A_140, %mul3A_2, %dma_wait3A_141] : memref<77x4096x256xf32, #tpu.memory_space<hbm>> -> memref<1x128x256xf32, #tpu.memory_space<hbm>>
    %dma_wait3A_143 = tpu.memref_squeeze %dma_wait3A_142 : memref<1x128x256xf32, #tpu.memory_space<hbm>> -> memref<128x256xf32, #tpu.memory_space<hbm>>
    %dma_wait3A_144 = arith.constant 0 : i32
    %dma_wait3A_145 = tpu.memref_slice %arg5[%dma_wait3A_140, %mul3A_2, %dma_wait3A_144] : memref<77x4096x256xf32, #tpu.memory_space<hbm>> -> memref<1x128x256xf32, #tpu.memory_space<hbm>>
    %dma_wait3A_146 = tpu.memref_squeeze %dma_wait3A_145 : memref<1x128x256xf32, #tpu.memory_space<hbm>> -> memref<128x256xf32, #tpu.memory_space<hbm>>
    tpu.wait_dma2 semaphore(%arg14 : memref<!tpu.dma_semaphore, #tpu.memory_space<semaphore_mem>>) src(%arg8 : memref<128x256xf32, #tpu.memory_space<vmem>>) dst(%dma_wait3A_146 : memref<128x256xf32, #tpu.memory_space<hbm>>)
    %dma_start3A_147 = arith.constant 3 : i32
    %dma_start3A_148 = arith.constant 0 : i32
    %dma_start3A_149 = tpu.memref_slice %arg6[%dma_start3A_147, %dma_start3A_148] : memref<77x128xi32, #tpu.memory_space<vmem>> -> memref<1x128xi32, #tpu.memory_space<vmem>>
    %dma_start3A_150 = tpu.memref_squeeze %dma_start3A_149 : memref<1x128xi32, #tpu.memory_space<vmem>> -> memref<128xi32, #tpu.memory_space<vmem>>
    %dma_start3A_151 = arith.constant 0 : i32
    %dma_start3A_152 = arith.constant 0 : i32
    %dma_start3A_153 = tpu.memref_slice %arg3[%dma_start3A_151, %dma_start3A_152] : memref<49408x256xf32, #tpu.memory_space<hbm>> -> memref<49408x256xf32, #tpu.memory_space<hbm>>
    tpu.enqueue_indirect_dma source(%dma_start3A_153 : memref<49408x256xf32, #tpu.memory_space<hbm>>) target(%arg8 : memref<128x256xf32, #tpu.memory_space<vmem>>) offsets(%dma_start3A_150 : memref<128xi32, #tpu.memory_space<vmem>>) semaphore(%arg11 : memref<!tpu.dma_semaphore, #tpu.memory_space<semaphore_mem>>)
    %dma_wait3A_154 = arith.constant 0 : i32
    %dma_wait3A_155 = arith.constant 0 : i32
    %dma_wait3A_156 = tpu.memref_slice %arg3[%dma_wait3A_154, %dma_wait3A_155] : memref<49408x256xf32, #tpu.memory_space<hbm>> -> memref<128x256xf32, #tpu.memory_space<hbm>>
    %dma_wait3A_157 = arith.constant 0 : i32
    %dma_wait3A_158 = arith.constant 0 : i32
    %dma_wait3A_159 = tpu.memref_slice %arg3[%dma_wait3A_157, %dma_wait3A_158] : memref<49408x256xf32, #tpu.memory_space<hbm>> -> memref<128x256xf32, #tpu.memory_space<hbm>>
    tpu.wait_dma2 semaphore(%arg12 : memref<!tpu.dma_semaphore, #tpu.memory_space<semaphore_mem>>) src(%dma_wait3A_159 : memref<128x256xf32, #tpu.memory_space<hbm>>) dst(%arg9 : memref<128x256xf32, #tpu.memory_space<vmem>>)
    %get3A_160 = arith.constant 1 : i32
    %get3A_161 = arith.index_cast %get3A_160 : i32 to index
    %get3A_162 = arith.constant 0 : index
    %get3A_163 = tpu.vector_load %arg7[%get3A_161, %get3A_162] {strides = array<i32>} : memref<77x256xf32, #tpu.memory_space<vmem>>, vector<1x16xf32>,
    %get3A_164 = vector.shape_cast %get3A_163 : vector<1x16xf32> to vector<16xf32>
    %get3A_165 = arith.constant 1 : i32
    %get3A_166 = arith.index_cast %get3A_165 : i32 to index
    %get3A_167 = arith.constant 16 : index
    %get3A_168 = tpu.vector_load %arg7[%get3A_166, %get3A_167] {strides = array<i32>} : memref<77x256xf32, #tpu.memory_space<vmem>>, vector<1x16xf32>,
    %get3A_169 = vector.shape_cast %get3A_168 : vector<1x16xf32> to vector<16xf32>
    %get3A_170 = arith.constant 1 : i32
    %get3A_171 = arith.index_cast %get3A_170 : i32 to index
    %get3A_172 = arith.constant 32 : index
    %get3A_173 = tpu.vector_load %arg7[%get3A_171, %get3A_172] {strides = array<i32>} : memref<77x256xf32, #tpu.memory_space<vmem>>, vector<1x16xf32>,
    %get3A_174 = vector.shape_cast %get3A_173 : vector<1x16xf32> to vector<16xf32>
    %get3A_175 = arith.constant 1 : i32
    %get3A_176 = arith.index_cast %get3A_175 : i32 to index
    %get3A_177 = arith.constant 48 : index
    %get3A_178 = tpu.vector_load %arg7[%get3A_176, %get3A_177] {strides = array<i32>} : memref<77x256xf32, #tpu.memory_space<vmem>>, vector<1x16xf32>,
    %get3A_179 = vector.shape_cast %get3A_178 : vector<1x16xf32> to vector<16xf32>
    %get3A_180 = arith.constant 1 : i32
    %get3A_181 = arith.index_cast %get3A_180 : i32 to index
    %get3A_182 = arith.constant 64 : index
    %get3A_183 = tpu.vector_load %arg7[%get3A_181, %get3A_182] {strides = array<i32>} : memref<77x256xf32, #tpu.memory_space<vmem>>, vector<1x16xf32>,
    %get3A_184 = vector.shape_cast %get3A_183 : vector<1x16xf32> to vector<16xf32>
    %get3A_185 = arith.constant 1 : i32
    %get3A_186 = arith.index_cast %get3A_185 : i32 to index
    %get3A_187 = arith.constant 80 : index
    %get3A_188 = tpu.vector_load %arg7[%get3A_186, %get3A_187] {strides = array<i32>} : memref<77x256xf32, #tpu.memory_space<vmem>>, vector<1x16xf32>,
    %get3A_189 = vector.shape_cast %get3A_188 : vector<1x16xf32> to vector<16xf32>
    %get3A_190 = arith.constant 1 : i32
    %get3A_191 = arith.index_cast %get3A_190 : i32 to index
    %get3A_192 = arith.constant 96 : index
    %get3A_193 = tpu.vector_load %arg7[%get3A_191, %get3A_192] {strides = array<i32>} : memref<77x256xf32, #tpu.memory_space<vmem>>, vector<1x16xf32>,
    %get3A_194 = vector.shape_cast %get3A_193 : vector<1x16xf32> to vector<16xf32>
    %get3A_195 = arith.constant 1 : i32
    %get3A_196 = arith.index_cast %get3A_195 : i32 to index
    %get3A_197 = arith.constant 112 : index
    %get3A_198 = tpu.vector_load %arg7[%get3A_196, %get3A_197] {strides = array<i32>} : memref<77x256xf32, #tpu.memory_space<vmem>>, vector<1x16xf32>,
    %get3A_199 = vector.shape_cast %get3A_198 : vector<1x16xf32> to vector<16xf32>
    %get3A_200 = arith.constant 1 : i32
    %get3A_201 = arith.index_cast %get3A_200 : i32 to index
    %get3A_202 = arith.constant 128 : index
    %get3A_203 = tpu.vector_load %arg7[%get3A_201, %get3A_202] {strides = array<i32>} : memref<77x256xf32, #tpu.memory_space<vmem>>, vector<1x16xf32>,
    %get3A_204 = vector.shape_cast %get3A_203 : vector<1x16xf32> to vector<16xf32>
    %get3A_205 = arith.constant 1 : i32
    %get3A_206 = arith.index_cast %get3A_205 : i32 to index
    %get3A_207 = arith.constant 144 : index
    %get3A_208 = tpu.vector_load %arg7[%get3A_206, %get3A_207] {strides = array<i32>} : memref<77x256xf32, #tpu.memory_space<vmem>>, vector<1x16xf32>,
    %get3A_209 = vector.shape_cast %get3A_208 : vector<1x16xf32> to vector<16xf32>
    %get3A_210 = arith.constant 1 : i32
    %get3A_211 = arith.index_cast %get3A_210 : i32 to index
    %get3A_212 = arith.constant 160 : index
    %get3A_213 = tpu.vector_load %arg7[%get3A_211, %get3A_212] {strides = array<i32>} : memref<77x256xf32, #tpu.memory_space<vmem>>, vector<1x16xf32>,
    %get3A_214 = vector.shape_cast %get3A_213 : vector<1x16xf32> to vector<16xf32>
    %get3A_215 = arith.constant 1 : i32
    %get3A_216 = arith.index_cast %get3A_215 : i32 to index
    %get3A_217 = arith.constant 176 : index
    %get3A_218 = tpu.vector_load %arg7[%get3A_216, %get3A_217] {strides = array<i32>} : memref<77x256xf32, #tpu.memory_space<vmem>>, vector<1x16xf32>,
    %get3A_219 = vector.shape_cast %get3A_218 : vector<1x16xf32> to vector<16xf32>
    %get3A_220 = arith.constant 1 : i32
    %get3A_221 = arith.index_cast %get3A_220 : i32 to index
    %get3A_222 = arith.constant 192 : index
    %get3A_223 = tpu.vector_load %arg7[%get3A_221, %get3A_222] {strides = array<i32>} : memref<77x256xf32, #tpu.memory_space<vmem>>, vector<1x16xf32>,
    %get3A_224 = vector.shape_cast %get3A_223 : vector<1x16xf32> to vector<16xf32>
    %get3A_225 = arith.constant 1 : i32
    %get3A_226 = arith.index_cast %get3A_225 : i32 to index
    %get3A_227 = arith.constant 208 : index
    %get3A_228 = tpu.vector_load %arg7[%get3A_226, %get3A_227] {strides = array<i32>} : memref<77x256xf32, #tpu.memory_space<vmem>>, vector<1x16xf32>,
    %get3A_229 = vector.shape_cast %get3A_228 : vector<1x16xf32> to vector<16xf32>
    %get3A_230 = arith.constant 1 : i32
    %get3A_231 = arith.index_cast %get3A_230 : i32 to index
    %get3A_232 = arith.constant 224 : index
    %get3A_233 = tpu.vector_load %arg7[%get3A_231, %get3A_232] {strides = array<i32>} : memref<77x256xf32, #tpu.memory_space<vmem>>, vector<1x16xf32>,
    %get3A_234 = vector.shape_cast %get3A_233 : vector<1x16xf32> to vector<16xf32>
    %get3A_235 = arith.constant 1 : i32
    %get3A_236 = arith.index_cast %get3A_235 : i32 to index
    %get3A_237 = arith.constant 240 : index
    %get3A_238 = tpu.vector_load %arg7[%get3A_236, %get3A_237] {strides = array<i32>} : memref<77x256xf32, #tpu.memory_space<vmem>>, vector<1x16xf32>,
    %get3A_239 = vector.shape_cast %get3A_238 : vector<1x16xf32> to vector<16xf32>
    %parallel_loop3A_240 = arith.constant 0 : i32
    %parallel_loop3A_241 = arith.constant 64 : i32
    %parallel_loop3A_242 = arith.constant 1 : i32
    scf.for %parallel_loop3A_674 = %parallel_loop3A_240 to %parallel_loop3A_241 step %parallel_loop3A_242  : i32 {
      %parallel_loop3A_675 = arith.index_cast %parallel_loop3A_674 : i32 to index
      %parallel_loop3A_676 = arith.constant 0 : index
      %parallel_loop3A_677 = tpu.vector_load %arg9[%parallel_loop3A_675, %parallel_loop3A_676] {strides = array<i32>} : memref<128x256xf32, #tpu.memory_space<vmem>>, vector<1x16xf32>,
      %parallel_loop3A_678 = vector.shape_cast %parallel_loop3A_677 : vector<1x16xf32> to vector<16xf32>
      %parallel_loop3A_679 = vector.shape_cast %get3A_164 : vector<16xf32> to vector<1x16xf32>
      tpu.vector_store %arg9[%parallel_loop3A_675, %parallel_loop3A_676], %parallel_loop3A_679 {add = true, strides = array<i32>} : memref<128x256xf32, #tpu.memory_space<vmem>>, vector<1x16xf32>,
      %parallel_loop3A_680 = arith.index_cast %parallel_loop3A_674 : i32 to index
      %parallel_loop3A_681 = arith.constant 16 : index
      %parallel_loop3A_682 = tpu.vector_load %arg9[%parallel_loop3A_680, %parallel_loop3A_681] {strides = array<i32>} : memref<128x256xf32, #tpu.memory_space<vmem>>, vector<1x16xf32>,
      %parallel_loop3A_683 = vector.shape_cast %parallel_loop3A_682 : vector<1x16xf32> to vector<16xf32>
      %parallel_loop3A_684 = vector.shape_cast %get3A_169 : vector<16xf32> to vector<1x16xf32>
      tpu.vector_store %arg9[%parallel_loop3A_680, %parallel_loop3A_681], %parallel_loop3A_684 {add = true, strides = array<i32>} : memref<128x256xf32, #tpu.memory_space<vmem>>, vector<1x16xf32>,
      %parallel_loop3A_685 = arith.index_cast %parallel_loop3A_674 : i32 to index
      %parallel_loop3A_686 = arith.constant 32 : index
      %parallel_loop3A_687 = tpu.vector_load %arg9[%parallel_loop3A_685, %parallel_loop3A_686] {strides = array<i32>} : memref<128x256xf32, #tpu.memory_space<vmem>>, vector<1x16xf32>,
      %parallel_loop3A_688 = vector.shape_cast %parallel_loop3A_687 : vector<1x16xf32> to vector<16xf32>
      %parallel_loop3A_689 = vector.shape_cast %get3A_174 : vector<16xf32> to vector<1x16xf32>
      tpu.vector_store %arg9[%parallel_loop3A_685, %parallel_loop3A_686], %parallel_loop3A_689 {add = true, strides = array<i32>} : memref<128x256xf32, #tpu.memory_space<vmem>>, vector<1x16xf32>,
      %parallel_loop3A_690 = arith.index_cast %parallel_loop3A_674 : i32 to index
      %parallel_loop3A_691 = arith.constant 48 : index
      %parallel_loop3A_692 = tpu.vector_load %arg9[%parallel_loop3A_690, %parallel_loop3A_691] {strides = array<i32>} : memref<128x256xf32, #tpu.memory_space<vmem>>, vector<1x16xf32>,
      %parallel_loop3A_693 = vector.shape_cast %parallel_loop3A_692 : vector<1x16xf32> to vector<16xf32>
      %parallel_loop3A_694 = vector.shape_cast %get3A_179 : vector<16xf32> to vector<1x16xf32>
      tpu.vector_store %arg9[%parallel_loop3A_690, %parallel_loop3A_691], %parallel_loop3A_694 {add = true, strides = array<i32>} : memref<128x256xf32, #tpu.memory_space<vmem>>, vector<1x16xf32>,
      %parallel_loop3A_695 = arith.index_cast %parallel_loop3A_674 : i32 to index
      %parallel_loop3A_696 = arith.constant 64 : index
      %parallel_loop3A_697 = tpu.vector_load %arg9[%parallel_loop3A_695, %parallel_loop3A_696] {strides = array<i32>} : memref<128x256xf32, #tpu.memory_space<vmem>>, vector<1x16xf32>,
      %parallel_loop3A_698 = vector.shape_cast %parallel_loop3A_697 : vector<1x16xf32> to vector<16xf32>
      %parallel_loop3A_699 = vector.shape_cast %get3A_184 : vector<16xf32> to vector<1x16xf32>
      tpu.vector_store %arg9[%parallel_loop3A_695, %parallel_loop3A_696], %parallel_loop3A_699 {add = true, strides = array<i32>} : memref<128x256xf32, #tpu.memory_space<vmem>>, vector<1x16xf32>,
      %parallel_loop3A_700 = arith.index_cast %parallel_loop3A_674 : i32 to index
      %parallel_loop3A_701 = arith.constant 80 : index
      %parallel_loop3A_702 = tpu.vector_load %arg9[%parallel_loop3A_700, %parallel_loop3A_701] {strides = array<i32>} : memref<128x256xf32, #tpu.memory_space<vmem>>, vector<1x16xf32>,
      %parallel_loop3A_703 = vector.shape_cast %parallel_loop3A_702 : vector<1x16xf32> to vector<16xf32>
      %parallel_loop3A_704 = vector.shape_cast %get3A_189 : vector<16xf32> to vector<1x16xf32>
      tpu.vector_store %arg9[%parallel_loop3A_700, %parallel_loop3A_701], %parallel_loop3A_704 {add = true, strides = array<i32>} : memref<128x256xf32, #tpu.memory_space<vmem>>, vector<1x16xf32>,
      %parallel_loop3A_705 = arith.index_cast %parallel_loop3A_674 : i32 to index
      %parallel_loop3A_706 = arith.constant 96 : index
      %parallel_loop3A_707 = tpu.vector_load %arg9[%parallel_loop3A_705, %parallel_loop3A_706] {strides = array<i32>} : memref<128x256xf32, #tpu.memory_space<vmem>>, vector<1x16xf32>,
      %parallel_loop3A_708 = vector.shape_cast %parallel_loop3A_707 : vector<1x16xf32> to vector<16xf32>
      %parallel_loop3A_709 = vector.shape_cast %get3A_194 : vector<16xf32> to vector<1x16xf32>
      tpu.vector_store %arg9[%parallel_loop3A_705, %parallel_loop3A_706], %parallel_loop3A_709 {add = true, strides = array<i32>} : memref<128x256xf32, #tpu.memory_space<vmem>>, vector<1x16xf32>,
      %parallel_loop3A_710 = arith.index_cast %parallel_loop3A_674 : i32 to index
      %parallel_loop3A_711 = arith.constant 112 : index
      %parallel_loop3A_712 = tpu.vector_load %arg9[%parallel_loop3A_710, %parallel_loop3A_711] {strides = array<i32>} : memref<128x256xf32, #tpu.memory_space<vmem>>, vector<1x16xf32>,
      %parallel_loop3A_713 = vector.shape_cast %parallel_loop3A_712 : vector<1x16xf32> to vector<16xf32>
      %parallel_loop3A_714 = vector.shape_cast %get3A_199 : vector<16xf32> to vector<1x16xf32>
      tpu.vector_store %arg9[%parallel_loop3A_710, %parallel_loop3A_711], %parallel_loop3A_714 {add = true, strides = array<i32>} : memref<128x256xf32, #tpu.memory_space<vmem>>, vector<1x16xf32>,
      %parallel_loop3A_715 = arith.index_cast %parallel_loop3A_674 : i32 to index
      %parallel_loop3A_716 = arith.constant 128 : index
      %parallel_loop3A_717 = tpu.vector_load %arg9[%parallel_loop3A_715, %parallel_loop3A_716] {strides = array<i32>} : memref<128x256xf32, #tpu.memory_space<vmem>>, vector<1x16xf32>,
      %parallel_loop3A_718 = vector.shape_cast %parallel_loop3A_717 : vector<1x16xf32> to vector<16xf32>
      %parallel_loop3A_719 = vector.shape_cast %get3A_204 : vector<16xf32> to vector<1x16xf32>
      tpu.vector_store %arg9[%parallel_loop3A_715, %parallel_loop3A_716], %parallel_loop3A_719 {add = true, strides = array<i32>} : memref<128x256xf32, #tpu.memory_space<vmem>>, vector<1x16xf32>,
      %parallel_loop3A_720 = arith.index_cast %parallel_loop3A_674 : i32 to index
      %parallel_loop3A_721 = arith.constant 144 : index
      %parallel_loop3A_722 = tpu.vector_load %arg9[%parallel_loop3A_720, %parallel_loop3A_721] {strides = array<i32>} : memref<128x256xf32, #tpu.memory_space<vmem>>, vector<1x16xf32>,
      %parallel_loop3A_723 = vector.shape_cast %parallel_loop3A_722 : vector<1x16xf32> to vector<16xf32>
      %parallel_loop3A_724 = vector.shape_cast %get3A_209 : vector<16xf32> to vector<1x16xf32>
      tpu.vector_store %arg9[%parallel_loop3A_720, %parallel_loop3A_721], %parallel_loop3A_724 {add = true, strides = array<i32>} : memref<128x256xf32, #tpu.memory_space<vmem>>, vector<1x16xf32>,
      %parallel_loop3A_725 = arith.index_cast %parallel_loop3A_674 : i32 to index
      %parallel_loop3A_726 = arith.constant 160 : index
      %parallel_loop3A_727 = tpu.vector_load %arg9[%parallel_loop3A_725, %parallel_loop3A_726] {strides = array<i32>} : memref<128x256xf32, #tpu.memory_space<vmem>>, vector<1x16xf32>,
      %parallel_loop3A_728 = vector.shape_cast %parallel_loop3A_727 : vector<1x16xf32> to vector<16xf32>
      %parallel_loop3A_729 = vector.shape_cast %get3A_214 : vector<16xf32> to vector<1x16xf32>
      tpu.vector_store %arg9[%parallel_loop3A_725, %parallel_loop3A_726], %parallel_loop3A_729 {add = true, strides = array<i32>} : memref<128x256xf32, #tpu.memory_space<vmem>>, vector<1x16xf32>,
      %parallel_loop3A_730 = arith.index_cast %parallel_loop3A_674 : i32 to index
      %parallel_loop3A_731 = arith.constant 176 : index
      %parallel_loop3A_732 = tpu.vector_load %arg9[%parallel_loop3A_730, %parallel_loop3A_731] {strides = array<i32>} : memref<128x256xf32, #tpu.memory_space<vmem>>, vector<1x16xf32>,
      %parallel_loop3A_733 = vector.shape_cast %parallel_loop3A_732 : vector<1x16xf32> to vector<16xf32>
      %parallel_loop3A_734 = vector.shape_cast %get3A_219 : vector<16xf32> to vector<1x16xf32>
      tpu.vector_store %arg9[%parallel_loop3A_730, %parallel_loop3A_731], %parallel_loop3A_734 {add = true, strides = array<i32>} : memref<128x256xf32, #tpu.memory_space<vmem>>, vector<1x16xf32>,
      %parallel_loop3A_735 = arith.index_cast %parallel_loop3A_674 : i32 to index
      %parallel_loop3A_736 = arith.constant 192 : index
      %parallel_loop3A_737 = tpu.vector_load %arg9[%parallel_loop3A_735, %parallel_loop3A_736] {strides = array<i32>} : memref<128x256xf32, #tpu.memory_space<vmem>>, vector<1x16xf32>,
      %parallel_loop3A_738 = vector.shape_cast %parallel_loop3A_737 : vector<1x16xf32> to vector<16xf32>
      %parallel_loop3A_739 = vector.shape_cast %get3A_224 : vector<16xf32> to vector<1x16xf32>
      tpu.vector_store %arg9[%parallel_loop3A_735, %parallel_loop3A_736], %parallel_loop3A_739 {add = true, strides = array<i32>} : memref<128x256xf32, #tpu.memory_space<vmem>>, vector<1x16xf32>,
      %parallel_loop3A_740 = arith.index_cast %parallel_loop3A_674 : i32 to index
      %parallel_loop3A_741 = arith.constant 208 : index
      %parallel_loop3A_742 = tpu.vector_load %arg9[%parallel_loop3A_740, %parallel_loop3A_741] {strides = array<i32>} : memref<128x256xf32, #tpu.memory_space<vmem>>, vector<1x16xf32>,
      %parallel_loop3A_743 = vector.shape_cast %parallel_loop3A_742 : vector<1x16xf32> to vector<16xf32>
      %parallel_loop3A_744 = vector.shape_cast %get3A_229 : vector<16xf32> to vector<1x16xf32>
      tpu.vector_store %arg9[%parallel_loop3A_740, %parallel_loop3A_741], %parallel_loop3A_744 {add = true, strides = array<i32>} : memref<128x256xf32, #tpu.memory_space<vmem>>, vector<1x16xf32>,
      %parallel_loop3A_745 = arith.index_cast %parallel_loop3A_674 : i32 to index
      %parallel_loop3A_746 = arith.constant 224 : index
      %parallel_loop3A_747 = tpu.vector_load %arg9[%parallel_loop3A_745, %parallel_loop3A_746] {strides = array<i32>} : memref<128x256xf32, #tpu.memory_space<vmem>>, vector<1x16xf32>,
      %parallel_loop3A_748 = vector.shape_cast %parallel_loop3A_747 : vector<1x16xf32> to vector<16xf32>
      %parallel_loop3A_749 = vector.shape_cast %get3A_234 : vector<16xf32> to vector<1x16xf32>
      tpu.vector_store %arg9[%parallel_loop3A_745, %parallel_loop3A_746], %parallel_loop3A_749 {add = true, strides = array<i32>} : memref<128x256xf32, #tpu.memory_space<vmem>>, vector<1x16xf32>,
      %parallel_loop3A_750 = arith.index_cast %parallel_loop3A_674 : i32 to index
      %parallel_loop3A_751 = arith.constant 240 : index
      %parallel_loop3A_752 = tpu.vector_load %arg9[%parallel_loop3A_750, %parallel_loop3A_751] {strides = array<i32>} : memref<128x256xf32, #tpu.memory_space<vmem>>, vector<1x16xf32>,
      %parallel_loop3A_753 = vector.shape_cast %parallel_loop3A_752 : vector<1x16xf32> to vector<16xf32>
      %parallel_loop3A_754 = vector.shape_cast %get3A_239 : vector<16xf32> to vector<1x16xf32>
      tpu.vector_store %arg9[%parallel_loop3A_750, %parallel_loop3A_751], %parallel_loop3A_754 {add = true, strides = array<i32>} : memref<128x256xf32, #tpu.memory_space<vmem>>, vector<1x16xf32>,
    } {sc.loop_unroll_factor = 2 : i64, sc.parallel_access}
    %dma_start3A_243 = arith.constant 1 : i32
    %dma_start3A_244 = arith.constant 0 : i32
    %dma_start3A_245 = arith.constant 0 : i32
    %dma_start3A_246 = tpu.memref_slice %arg9[%dma_start3A_244, %dma_start3A_245] : memref<128x256xf32, #tpu.memory_space<vmem>> -> memref<64x256xf32, #tpu.memory_space<vmem>>
    %dma_start3A_247 = arith.constant 0 : i32
    %dma_start3A_248 = tpu.memref_slice %arg5[%dma_start3A_243, %mul3A_2, %dma_start3A_247] : memref<77x4096x256xf32, #tpu.memory_space<hbm>> -> memref<1x64x256xf32, #tpu.memory_space<hbm>>
    %dma_start3A_249 = tpu.memref_squeeze %dma_start3A_248 : memref<1x64x256xf32, #tpu.memory_space<hbm>> -> memref<64x256xf32, #tpu.memory_space<hbm>>
    %dma_start3A_250 = arith.constant 0 : i32
    %dma_start3A_251 = tpu.memref_slice %arg5[%dma_start3A_243, %mul3A_2, %dma_start3A_250] : memref<77x4096x256xf32, #tpu.memory_space<hbm>> -> memref<1x64x256xf32, #tpu.memory_space<hbm>>
    %dma_start3A_252 = tpu.memref_squeeze %dma_start3A_251 : memref<1x64x256xf32, #tpu.memory_space<hbm>> -> memref<64x256xf32, #tpu.memory_space<hbm>>
    %dma_start3A_253 = arith.constant 0 : i32
    %dma_start3A_254 = arith.constant 0 : i32
    %dma_start3A_255 = tpu.memref_slice %arg9[%dma_start3A_253, %dma_start3A_254] : memref<128x256xf32, #tpu.memory_space<vmem>> -> memref<64x256xf32, #tpu.memory_space<vmem>>
    tpu.enqueue_dma source(%dma_start3A_255 : memref<64x256xf32, #tpu.memory_space<vmem>>) target(%dma_start3A_252 : memref<64x256xf32, #tpu.memory_space<hbm>>) target_semaphore(%arg15 : memref<!tpu.dma_semaphore, #tpu.memory_space<semaphore_mem>>)
    %parallel_loop3A_256 = arith.constant 64 : i32
    %parallel_loop3A_257 = arith.constant 128 : i32
    %parallel_loop3A_258 = arith.constant 1 : i32
    scf.for %parallel_loop3A_674 = %parallel_loop3A_256 to %parallel_loop3A_257 step %parallel_loop3A_258  : i32 {
      %parallel_loop3A_675 = arith.index_cast %parallel_loop3A_674 : i32 to index
      %parallel_loop3A_676 = arith.constant 0 : index
      %parallel_loop3A_677 = tpu.vector_load %arg9[%parallel_loop3A_675, %parallel_loop3A_676] {strides = array<i32>} : memref<128x256xf32, #tpu.memory_space<vmem>>, vector<1x16xf32>,
      %parallel_loop3A_678 = vector.shape_cast %parallel_loop3A_677 : vector<1x16xf32> to vector<16xf32>
      %parallel_loop3A_679 = vector.shape_cast %get3A_164 : vector<16xf32> to vector<1x16xf32>
      tpu.vector_store %arg9[%parallel_loop3A_675, %parallel_loop3A_676], %parallel_loop3A_679 {add = true, strides = array<i32>} : memref<128x256xf32, #tpu.memory_space<vmem>>, vector<1x16xf32>,
      %parallel_loop3A_680 = arith.index_cast %parallel_loop3A_674 : i32 to index
      %parallel_loop3A_681 = arith.constant 16 : index
      %parallel_loop3A_682 = tpu.vector_load %arg9[%parallel_loop3A_680, %parallel_loop3A_681] {strides = array<i32>} : memref<128x256xf32, #tpu.memory_space<vmem>>, vector<1x16xf32>,
      %parallel_loop3A_683 = vector.shape_cast %parallel_loop3A_682 : vector<1x16xf32> to vector<16xf32>
      %parallel_loop3A_684 = vector.shape_cast %get3A_169 : vector<16xf32> to vector<1x16xf32>
      tpu.vector_store %arg9[%parallel_loop3A_680, %parallel_loop3A_681], %parallel_loop3A_684 {add = true, strides = array<i32>} : memref<128x256xf32, #tpu.memory_space<vmem>>, vector<1x16xf32>,
      %parallel_loop3A_685 = arith.index_cast %parallel_loop3A_674 : i32 to index
      %parallel_loop3A_686 = arith.constant 32 : index
      %parallel_loop3A_687 = tpu.vector_load %arg9[%parallel_loop3A_685, %parallel_loop3A_686] {strides = array<i32>} : memref<128x256xf32, #tpu.memory_space<vmem>>, vector<1x16xf32>,
      %parallel_loop3A_688 = vector.shape_cast %parallel_loop3A_687 : vector<1x16xf32> to vector<16xf32>
      %parallel_loop3A_689 = vector.shape_cast %get3A_174 : vector<16xf32> to vector<1x16xf32>
      tpu.vector_store %arg9[%parallel_loop3A_685, %parallel_loop3A_686], %parallel_loop3A_689 {add = true, strides = array<i32>} : memref<128x256xf32, #tpu.memory_space<vmem>>, vector<1x16xf32>,
      %parallel_loop3A_690 = arith.index_cast %parallel_loop3A_674 : i32 to index
      %parallel_loop3A_691 = arith.constant 48 : index
      %parallel_loop3A_692 = tpu.vector_load %arg9[%parallel_loop3A_690, %parallel_loop3A_691] {strides = array<i32>} : memref<128x256xf32, #tpu.memory_space<vmem>>, vector<1x16xf32>,
      %parallel_loop3A_693 = vector.shape_cast %parallel_loop3A_692 : vector<1x16xf32> to vector<16xf32>
      %parallel_loop3A_694 = vector.shape_cast %get3A_179 : vector<16xf32> to vector<1x16xf32>
      tpu.vector_store %arg9[%parallel_loop3A_690, %parallel_loop3A_691], %parallel_loop3A_694 {add = true, strides = array<i32>} : memref<128x256xf32, #tpu.memory_space<vmem>>, vector<1x16xf32>,
      %parallel_loop3A_695 = arith.index_cast %parallel_loop3A_674 : i32 to index
      %parallel_loop3A_696 = arith.constant 64 : index
      %parallel_loop3A_697 = tpu.vector_load %arg9[%parallel_loop3A_695, %parallel_loop3A_696] {strides = array<i32>} : memref<128x256xf32, #tpu.memory_space<vmem>>, vector<1x16xf32>,
      %parallel_loop3A_698 = vector.shape_cast %parallel_loop3A_697 : vector<1x16xf32> to vector<16xf32>
      %parallel_loop3A_699 = vector.shape_cast %get3A_184 : vector<16xf32> to vector<1x16xf32>
      tpu.vector_store %arg9[%parallel_loop3A_695, %parallel_loop3A_696], %parallel_loop3A_699 {add = true, strides = array<i32>} : memref<128x256xf32, #tpu.memory_space<vmem>>, vector<1x16xf32>,
      %parallel_loop3A_700 = arith.index_cast %parallel_loop3A_674 : i32 to index
      %parallel_loop3A_701 = arith.constant 80 : index
      %parallel_loop3A_702 = tpu.vector_load %arg9[%parallel_loop3A_700, %parallel_loop3A_701] {strides = array<i32>} : memref<128x256xf32, #tpu.memory_space<vmem>>, vector<1x16xf32>,
      %parallel_loop3A_703 = vector.shape_cast %parallel_loop3A_702 : vector<1x16xf32> to vector<16xf32>
      %parallel_loop3A_704 = vector.shape_cast %get3A_189 : vector<16xf32> to vector<1x16xf32>
      tpu.vector_store %arg9[%parallel_loop3A_700, %parallel_loop3A_701], %parallel_loop3A_704 {add = true, strides = array<i32>} : memref<128x256xf32, #tpu.memory_space<vmem>>, vector<1x16xf32>,
      %parallel_loop3A_705 = arith.index_cast %parallel_loop3A_674 : i32 to index
      %parallel_loop3A_706 = arith.constant 96 : index
      %parallel_loop3A_707 = tpu.vector_load %arg9[%parallel_loop3A_705, %parallel_loop3A_706] {strides = array<i32>} : memref<128x256xf32, #tpu.memory_space<vmem>>, vector<1x16xf32>,
      %parallel_loop3A_708 = vector.shape_cast %parallel_loop3A_707 : vector<1x16xf32> to vector<16xf32>
      %parallel_loop3A_709 = vector.shape_cast %get3A_194 : vector<16xf32> to vector<1x16xf32>
      tpu.vector_store %arg9[%parallel_loop3A_705, %parallel_loop3A_706], %parallel_loop3A_709 {add = true, strides = array<i32>} : memref<128x256xf32, #tpu.memory_space<vmem>>, vector<1x16xf32>,
      %parallel_loop3A_710 = arith.index_cast %parallel_loop3A_674 : i32 to index
      %parallel_loop3A_711 = arith.constant 112 : index
      %parallel_loop3A_712 = tpu.vector_load %arg9[%parallel_loop3A_710, %parallel_loop3A_711] {strides = array<i32>} : memref<128x256xf32, #tpu.memory_space<vmem>>, vector<1x16xf32>,
      %parallel_loop3A_713 = vector.shape_cast %parallel_loop3A_712 : vector<1x16xf32> to vector<16xf32>
      %parallel_loop3A_714 = vector.shape_cast %get3A_199 : vector<16xf32> to vector<1x16xf32>
      tpu.vector_store %arg9[%parallel_loop3A_710, %parallel_loop3A_711], %parallel_loop3A_714 {add = true, strides = array<i32>} : memref<128x256xf32, #tpu.memory_space<vmem>>, vector<1x16xf32>,
      %parallel_loop3A_715 = arith.index_cast %parallel_loop3A_674 : i32 to index
      %parallel_loop3A_716 = arith.constant 128 : index
      %parallel_loop3A_717 = tpu.vector_load %arg9[%parallel_loop3A_715, %parallel_loop3A_716] {strides = array<i32>} : memref<128x256xf32, #tpu.memory_space<vmem>>, vector<1x16xf32>,
      %parallel_loop3A_718 = vector.shape_cast %parallel_loop3A_717 : vector<1x16xf32> to vector<16xf32>
      %parallel_loop3A_719 = vector.shape_cast %get3A_204 : vector<16xf32> to vector<1x16xf32>
      tpu.vector_store %arg9[%parallel_loop3A_715, %parallel_loop3A_716], %parallel_loop3A_719 {add = true, strides = array<i32>} : memref<128x256xf32, #tpu.memory_space<vmem>>, vector<1x16xf32>,
      %parallel_loop3A_720 = arith.index_cast %parallel_loop3A_674 : i32 to index
      %parallel_loop3A_721 = arith.constant 144 : index
      %parallel_loop3A_722 = tpu.vector_load %arg9[%parallel_loop3A_720, %parallel_loop3A_721] {strides = array<i32>} : memref<128x256xf32, #tpu.memory_space<vmem>>, vector<1x16xf32>,
      %parallel_loop3A_723 = vector.shape_cast %parallel_loop3A_722 : vector<1x16xf32> to vector<16xf32>
      %parallel_loop3A_724 = vector.shape_cast %get3A_209 : vector<16xf32> to vector<1x16xf32>
      tpu.vector_store %arg9[%parallel_loop3A_720, %parallel_loop3A_721], %parallel_loop3A_724 {add = true, strides = array<i32>} : memref<128x256xf32, #tpu.memory_space<vmem>>, vector<1x16xf32>,
      %parallel_loop3A_725 = arith.index_cast %parallel_loop3A_674 : i32 to index
      %parallel_loop3A_726 = arith.constant 160 : index
      %parallel_loop3A_727 = tpu.vector_load %arg9[%parallel_loop3A_725, %parallel_loop3A_726] {strides = array<i32>} : memref<128x256xf32, #tpu.memory_space<vmem>>, vector<1x16xf32>,
      %parallel_loop3A_728 = vector.shape_cast %parallel_loop3A_727 : vector<1x16xf32> to vector<16xf32>
      %parallel_loop3A_729 = vector.shape_cast %get3A_214 : vector<16xf32> to vector<1x16xf32>
      tpu.vector_store %arg9[%parallel_loop3A_725, %parallel_loop3A_726], %parallel_loop3A_729 {add = true, strides = array<i32>} : memref<128x256xf32, #tpu.memory_space<vmem>>, vector<1x16xf32>,
      %parallel_loop3A_730 = arith.index_cast %parallel_loop3A_674 : i32 to index
      %parallel_loop3A_731 = arith.constant 176 : index
      %parallel_loop3A_732 = tpu.vector_load %arg9[%parallel_loop3A_730, %parallel_loop3A_731] {strides = array<i32>} : memref<128x256xf32, #tpu.memory_space<vmem>>, vector<1x16xf32>,
      %parallel_loop3A_733 = vector.shape_cast %parallel_loop3A_732 : vector<1x16xf32> to vector<16xf32>
      %parallel_loop3A_734 = vector.shape_cast %get3A_219 : vector<16xf32> to vector<1x16xf32>
      tpu.vector_store %arg9[%parallel_loop3A_730, %parallel_loop3A_731], %parallel_loop3A_734 {add = true, strides = array<i32>} : memref<128x256xf32, #tpu.memory_space<vmem>>, vector<1x16xf32>,
      %parallel_loop3A_735 = arith.index_cast %parallel_loop3A_674 : i32 to index
      %parallel_loop3A_736 = arith.constant 192 : index
      %parallel_loop3A_737 = tpu.vector_load %arg9[%parallel_loop3A_735, %parallel_loop3A_736] {strides = array<i32>} : memref<128x256xf32, #tpu.memory_space<vmem>>, vector<1x16xf32>,
      %parallel_loop3A_738 = vector.shape_cast %parallel_loop3A_737 : vector<1x16xf32> to vector<16xf32>
      %parallel_loop3A_739 = vector.shape_cast %get3A_224 : vector<16xf32> to vector<1x16xf32>
      tpu.vector_store %arg9[%parallel_loop3A_735, %parallel_loop3A_736], %parallel_loop3A_739 {add = true, strides = array<i32>} : memref<128x256xf32, #tpu.memory_space<vmem>>, vector<1x16xf32>,
      %parallel_loop3A_740 = arith.index_cast %parallel_loop3A_674 : i32 to index
      %parallel_loop3A_741 = arith.constant 208 : index
      %parallel_loop3A_742 = tpu.vector_load %arg9[%parallel_loop3A_740, %parallel_loop3A_741] {strides = array<i32>} : memref<128x256xf32, #tpu.memory_space<vmem>>, vector<1x16xf32>,
      %parallel_loop3A_743 = vector.shape_cast %parallel_loop3A_742 : vector<1x16xf32> to vector<16xf32>
      %parallel_loop3A_744 = vector.shape_cast %get3A_229 : vector<16xf32> to vector<1x16xf32>
      tpu.vector_store %arg9[%parallel_loop3A_740, %parallel_loop3A_741], %parallel_loop3A_744 {add = true, strides = array<i32>} : memref<128x256xf32, #tpu.memory_space<vmem>>, vector<1x16xf32>,
      %parallel_loop3A_745 = arith.index_cast %parallel_loop3A_674 : i32 to index
      %parallel_loop3A_746 = arith.constant 224 : index
      %parallel_loop3A_747 = tpu.vector_load %arg9[%parallel_loop3A_745, %parallel_loop3A_746] {strides = array<i32>} : memref<128x256xf32, #tpu.memory_space<vmem>>, vector<1x16xf32>,
      %parallel_loop3A_748 = vector.shape_cast %parallel_loop3A_747 : vector<1x16xf32> to vector<16xf32>
      %parallel_loop3A_749 = vector.shape_cast %get3A_234 : vector<16xf32> to vector<1x16xf32>
      tpu.vector_store %arg9[%parallel_loop3A_745, %parallel_loop3A_746], %parallel_loop3A_749 {add = true, strides = array<i32>} : memref<128x256xf32, #tpu.memory_space<vmem>>, vector<1x16xf32>,
      %parallel_loop3A_750 = arith.index_cast %parallel_loop3A_674 : i32 to index
      %parallel_loop3A_751 = arith.constant 240 : index
      %parallel_loop3A_752 = tpu.vector_load %arg9[%parallel_loop3A_750, %parallel_loop3A_751] {strides = array<i32>} : memref<128x256xf32, #tpu.memory_space<vmem>>, vector<1x16xf32>,
      %parallel_loop3A_753 = vector.shape_cast %parallel_loop3A_752 : vector<1x16xf32> to vector<16xf32>
      %parallel_loop3A_754 = vector.shape_cast %get3A_239 : vector<16xf32> to vector<1x16xf32>
      tpu.vector_store %arg9[%parallel_loop3A_750, %parallel_loop3A_751], %parallel_loop3A_754 {add = true, strides = array<i32>} : memref<128x256xf32, #tpu.memory_space<vmem>>, vector<1x16xf32>,
    } {sc.loop_unroll_factor = 2 : i64, sc.parallel_access}
    %add3A_259 = arith.constant 64 : i32
    %add3A_260 = arith.addi %mul3A_2, %add3A_259 : i32
    %dma_start3A_261 = arith.constant 1 : i32
    %dma_start3A_262 = arith.constant 64 : i32
    %dma_start3A_263 = arith.constant 0 : i32
    %dma_start3A_264 = tpu.memref_slice %arg9[%dma_start3A_262, %dma_start3A_263] : memref<128x256xf32, #tpu.memory_space<vmem>> -> memref<64x256xf32, #tpu.memory_space<vmem>>
    %dma_start3A_265 = arith.constant 0 : i32
    %dma_start3A_266 = tpu.memref_slice %arg5[%dma_start3A_261, %add3A_260, %dma_start3A_265] : memref<77x4096x256xf32, #tpu.memory_space<hbm>> -> memref<1x64x256xf32, #tpu.memory_space<hbm>>
    %dma_start3A_267 = tpu.memref_squeeze %dma_start3A_266 : memref<1x64x256xf32, #tpu.memory_space<hbm>> -> memref<64x256xf32, #tpu.memory_space<hbm>>
    %dma_start3A_268 = arith.constant 0 : i32
    %dma_start3A_269 = tpu.memref_slice %arg5[%dma_start3A_261, %add3A_260, %dma_start3A_268] : memref<77x4096x256xf32, #tpu.memory_space<hbm>> -> memref<1x64x256xf32, #tpu.memory_space<hbm>>
    %dma_start3A_270 = tpu.memref_squeeze %dma_start3A_269 : memref<1x64x256xf32, #tpu.memory_space<hbm>> -> memref<64x256xf32, #tpu.memory_space<hbm>>
    %dma_start3A_271 = arith.constant 64 : i32
    %dma_start3A_272 = arith.constant 0 : i32
    %dma_start3A_273 = tpu.memref_slice %arg9[%dma_start3A_271, %dma_start3A_272] : memref<128x256xf32, #tpu.memory_space<vmem>> -> memref<64x256xf32, #tpu.memory_space<vmem>>
    tpu.enqueue_dma source(%dma_start3A_273 : memref<64x256xf32, #tpu.memory_space<vmem>>) target(%dma_start3A_270 : memref<64x256xf32, #tpu.memory_space<hbm>>) target_semaphore(%arg15 : memref<!tpu.dma_semaphore, #tpu.memory_space<semaphore_mem>>)
    %dma_wait3A_274 = arith.constant 0 : i32
    %dma_wait3A_275 = arith.constant 0 : i32
    %dma_wait3A_276 = tpu.memref_slice %arg5[%dma_wait3A_274, %mul3A_2, %dma_wait3A_275] : memref<77x4096x256xf32, #tpu.memory_space<hbm>> -> memref<1x128x256xf32, #tpu.memory_space<hbm>>
    %dma_wait3A_277 = tpu.memref_squeeze %dma_wait3A_276 : memref<1x128x256xf32, #tpu.memory_space<hbm>> -> memref<128x256xf32, #tpu.memory_space<hbm>>
    %dma_wait3A_278 = arith.constant 0 : i32
    %dma_wait3A_279 = tpu.memref_slice %arg5[%dma_wait3A_274, %mul3A_2, %dma_wait3A_278] : memref<77x4096x256xf32, #tpu.memory_space<hbm>> -> memref<1x128x256xf32, #tpu.memory_space<hbm>>
    %dma_wait3A_280 = tpu.memref_squeeze %dma_wait3A_279 : memref<1x128x256xf32, #tpu.memory_space<hbm>> -> memref<128x256xf32, #tpu.memory_space<hbm>>
    tpu.wait_dma2 semaphore(%arg15 : memref<!tpu.dma_semaphore, #tpu.memory_space<semaphore_mem>>) src(%arg9 : memref<128x256xf32, #tpu.memory_space<vmem>>) dst(%dma_wait3A_280 : memref<128x256xf32, #tpu.memory_space<hbm>>)
    %dma_start3A_281 = arith.constant 4 : i32
    %dma_start3A_282 = arith.constant 0 : i32
    %dma_start3A_283 = tpu.memref_slice %arg6[%dma_start3A_281, %dma_start3A_282] : memref<77x128xi32, #tpu.memory_space<vmem>> -> memref<1x128xi32, #tpu.memory_space<vmem>>
    %dma_start3A_284 = tpu.memref_squeeze %dma_start3A_283 : memref<1x128xi32, #tpu.memory_space<vmem>> -> memref<128xi32, #tpu.memory_space<vmem>>
    %dma_start3A_285 = arith.constant 0 : i32
    %dma_start3A_286 = arith.constant 0 : i32
    %dma_start3A_287 = tpu.memref_slice %arg3[%dma_start3A_285, %dma_start3A_286] : memref<49408x256xf32, #tpu.memory_space<hbm>> -> memref<49408x256xf32, #tpu.memory_space<hbm>>
    tpu.enqueue_indirect_dma source(%dma_start3A_287 : memref<49408x256xf32, #tpu.memory_space<hbm>>) target(%arg9 : memref<128x256xf32, #tpu.memory_space<vmem>>) offsets(%dma_start3A_284 : memref<128xi32, #tpu.memory_space<vmem>>) semaphore(%arg12 : memref<!tpu.dma_semaphore, #tpu.memory_space<semaphore_mem>>)
    %dma_wait3A_288 = arith.constant 0 : i32
    %dma_wait3A_289 = arith.constant 0 : i32
    %dma_wait3A_290 = tpu.memref_slice %arg3[%dma_wait3A_288, %dma_wait3A_289] : memref<49408x256xf32, #tpu.memory_space<hbm>> -> memref<128x256xf32, #tpu.memory_space<hbm>>
    %dma_wait3A_291 = arith.constant 0 : i32
    %dma_wait3A_292 = arith.constant 0 : i32
    %dma_wait3A_293 = tpu.memref_slice %arg3[%dma_wait3A_291, %dma_wait3A_292] : memref<49408x256xf32, #tpu.memory_space<hbm>> -> memref<128x256xf32, #tpu.memory_space<hbm>>
    tpu.wait_dma2 semaphore(%arg13 : memref<!tpu.dma_semaphore, #tpu.memory_space<semaphore_mem>>) src(%dma_wait3A_293 : memref<128x256xf32, #tpu.memory_space<hbm>>) dst(%arg10 : memref<128x256xf32, #tpu.memory_space<vmem>>)
    %get3A_294 = arith.constant 2 : i32
    %get3A_295 = arith.index_cast %get3A_294 : i32 to index
    %get3A_296 = arith.constant 0 : index
    %get3A_297 = tpu.vector_load %arg7[%get3A_295, %get3A_296] {strides = array<i32>} : memref<77x256xf32, #tpu.memory_space<vmem>>, vector<1x16xf32>,
    %get3A_298 = vector.shape_cast %get3A_297 : vector<1x16xf32> to vector<16xf32>
    %get3A_299 = arith.constant 2 : i32
    %get3A_300 = arith.index_cast %get3A_299 : i32 to index
    %get3A_301 = arith.constant 16 : index
    %get3A_302 = tpu.vector_load %arg7[%get3A_300, %get3A_301] {strides = array<i32>} : memref<77x256xf32, #tpu.memory_space<vmem>>, vector<1x16xf32>,
    %get3A_303 = vector.shape_cast %get3A_302 : vector<1x16xf32> to vector<16xf32>
    %get3A_304 = arith.constant 2 : i32
    %get3A_305 = arith.index_cast %get3A_304 : i32 to index
    %get3A_306 = arith.constant 32 : index
    %get3A_307 = tpu.vector_load %arg7[%get3A_305, %get3A_306] {strides = array<i32>} : memref<77x256xf32, #tpu.memory_space<vmem>>, vector<1x16xf32>,
    %get3A_308 = vector.shape_cast %get3A_307 : vector<1x16xf32> to vector<16xf32>
    %get3A_309 = arith.constant 2 : i32
    %get3A_310 = arith.index_cast %get3A_309 : i32 to index
    %get3A_311 = arith.constant 48 : index
    %get3A_312 = tpu.vector_load %arg7[%get3A_310, %get3A_311] {strides = array<i32>} : memref<77x256xf32, #tpu.memory_space<vmem>>, vector<1x16xf32>,
    %get3A_313 = vector.shape_cast %get3A_312 : vector<1x16xf32> to vector<16xf32>
    %get3A_314 = arith.constant 2 : i32
    %get3A_315 = arith.index_cast %get3A_314 : i32 to index
    %get3A_316 = arith.constant 64 : index
    %get3A_317 = tpu.vector_load %arg7[%get3A_315, %get3A_316] {strides = array<i32>} : memref<77x256xf32, #tpu.memory_space<vmem>>, vector<1x16xf32>,
    %get3A_318 = vector.shape_cast %get3A_317 : vector<1x16xf32> to vector<16xf32>
    %get3A_319 = arith.constant 2 : i32
    %get3A_320 = arith.index_cast %get3A_319 : i32 to index
    %get3A_321 = arith.constant 80 : index
    %get3A_322 = tpu.vector_load %arg7[%get3A_320, %get3A_321] {strides = array<i32>} : memref<77x256xf32, #tpu.memory_space<vmem>>, vector<1x16xf32>,
    %get3A_323 = vector.shape_cast %get3A_322 : vector<1x16xf32> to vector<16xf32>
    %get3A_324 = arith.constant 2 : i32
    %get3A_325 = arith.index_cast %get3A_324 : i32 to index
    %get3A_326 = arith.constant 96 : index
    %get3A_327 = tpu.vector_load %arg7[%get3A_325, %get3A_326] {strides = array<i32>} : memref<77x256xf32, #tpu.memory_space<vmem>>, vector<1x16xf32>,
    %get3A_328 = vector.shape_cast %get3A_327 : vector<1x16xf32> to vector<16xf32>
    %get3A_329 = arith.constant 2 : i32
    %get3A_330 = arith.index_cast %get3A_329 : i32 to index
    %get3A_331 = arith.constant 112 : index
    %get3A_332 = tpu.vector_load %arg7[%get3A_330, %get3A_331] {strides = array<i32>} : memref<77x256xf32, #tpu.memory_space<vmem>>, vector<1x16xf32>,
    %get3A_333 = vector.shape_cast %get3A_332 : vector<1x16xf32> to vector<16xf32>
    %get3A_334 = arith.constant 2 : i32
    %get3A_335 = arith.index_cast %get3A_334 : i32 to index
    %get3A_336 = arith.constant 128 : index
    %get3A_337 = tpu.vector_load %arg7[%get3A_335, %get3A_336] {strides = array<i32>} : memref<77x256xf32, #tpu.memory_space<vmem>>, vector<1x16xf32>,
    %get3A_338 = vector.shape_cast %get3A_337 : vector<1x16xf32> to vector<16xf32>
    %get3A_339 = arith.constant 2 : i32
    %get3A_340 = arith.index_cast %get3A_339 : i32 to index
    %get3A_341 = arith.constant 144 : index
    %get3A_342 = tpu.vector_load %arg7[%get3A_340, %get3A_341] {strides = array<i32>} : memref<77x256xf32, #tpu.memory_space<vmem>>, vector<1x16xf32>,
    %get3A_343 = vector.shape_cast %get3A_342 : vector<1x16xf32> to vector<16xf32>
    %get3A_344 = arith.constant 2 : i32
    %get3A_345 = arith.index_cast %get3A_344 : i32 to index
    %get3A_346 = arith.constant 160 : index
    %get3A_347 = tpu.vector_load %arg7[%get3A_345, %get3A_346] {strides = array<i32>} : memref<77x256xf32, #tpu.memory_space<vmem>>, vector<1x16xf32>,
    %get3A_348 = vector.shape_cast %get3A_347 : vector<1x16xf32> to vector<16xf32>
    %get3A_349 = arith.constant 2 : i32
    %get3A_350 = arith.index_cast %get3A_349 : i32 to index
    %get3A_351 = arith.constant 176 : index
    %get3A_352 = tpu.vector_load %arg7[%get3A_350, %get3A_351] {strides = array<i32>} : memref<77x256xf32, #tpu.memory_space<vmem>>, vector<1x16xf32>,
    %get3A_353 = vector.shape_cast %get3A_352 : vector<1x16xf32> to vector<16xf32>
    %get3A_354 = arith.constant 2 : i32
    %get3A_355 = arith.index_cast %get3A_354 : i32 to index
    %get3A_356 = arith.constant 192 : index
    %get3A_357 = tpu.vector_load %arg7[%get3A_355, %get3A_356] {strides = array<i32>} : memref<77x256xf32, #tpu.memory_space<vmem>>, vector<1x16xf32>,
    %get3A_358 = vector.shape_cast %get3A_357 : vector<1x16xf32> to vector<16xf32>
    %get3A_359 = arith.constant 2 : i32
    %get3A_360 = arith.index_cast %get3A_359 : i32 to index
    %get3A_361 = arith.constant 208 : index
    %get3A_362 = tpu.vector_load %arg7[%get3A_360, %get3A_361] {strides = array<i32>} : memref<77x256xf32, #tpu.memory_space<vmem>>, vector<1x16xf32>,
    %get3A_363 = vector.shape_cast %get3A_362 : vector<1x16xf32> to vector<16xf32>
    %get3A_364 = arith.constant 2 : i32
    %get3A_365 = arith.index_cast %get3A_364 : i32 to index
    %get3A_366 = arith.constant 224 : index
    %get3A_367 = tpu.vector_load %arg7[%get3A_365, %get3A_366] {strides = array<i32>} : memref<77x256xf32, #tpu.memory_space<vmem>>, vector<1x16xf32>,
    %get3A_368 = vector.shape_cast %get3A_367 : vector<1x16xf32> to vector<16xf32>
    %get3A_369 = arith.constant 2 : i32
    %get3A_370 = arith.index_cast %get3A_369 : i32 to index
    %get3A_371 = arith.constant 240 : index
    %get3A_372 = tpu.vector_load %arg7[%get3A_370, %get3A_371] {strides = array<i32>} : memref<77x256xf32, #tpu.memory_space<vmem>>, vector<1x16xf32>,
    %get3A_373 = vector.shape_cast %get3A_372 : vector<1x16xf32> to vector<16xf32>
    %parallel_loop3A_374 = arith.constant 0 : i32
    %parallel_loop3A_375 = arith.constant 64 : i32
    %parallel_loop3A_376 = arith.constant 1 : i32
    scf.for %parallel_loop3A_674 = %parallel_loop3A_374 to %parallel_loop3A_375 step %parallel_loop3A_376  : i32 {
      %parallel_loop3A_675 = arith.index_cast %parallel_loop3A_674 : i32 to index
      %parallel_loop3A_676 = arith.constant 0 : index
      %parallel_loop3A_677 = tpu.vector_load %arg10[%parallel_loop3A_675, %parallel_loop3A_676] {strides = array<i32>} : memref<128x256xf32, #tpu.memory_space<vmem>>, vector<1x16xf32>,
      %parallel_loop3A_678 = vector.shape_cast %parallel_loop3A_677 : vector<1x16xf32> to vector<16xf32>
      %parallel_loop3A_679 = vector.shape_cast %get3A_298 : vector<16xf32> to vector<1x16xf32>
      tpu.vector_store %arg10[%parallel_loop3A_675, %parallel_loop3A_676], %parallel_loop3A_679 {add = true, strides = array<i32>} : memref<128x256xf32, #tpu.memory_space<vmem>>, vector<1x16xf32>,
      %parallel_loop3A_680 = arith.index_cast %parallel_loop3A_674 : i32 to index
      %parallel_loop3A_681 = arith.constant 16 : index
      %parallel_loop3A_682 = tpu.vector_load %arg10[%parallel_loop3A_680, %parallel_loop3A_681] {strides = array<i32>} : memref<128x256xf32, #tpu.memory_space<vmem>>, vector<1x16xf32>,
      %parallel_loop3A_683 = vector.shape_cast %parallel_loop3A_682 : vector<1x16xf32> to vector<16xf32>
      %parallel_loop3A_684 = vector.shape_cast %get3A_303 : vector<16xf32> to vector<1x16xf32>
      tpu.vector_store %arg10[%parallel_loop3A_680, %parallel_loop3A_681], %parallel_loop3A_684 {add = true, strides = array<i32>} : memref<128x256xf32, #tpu.memory_space<vmem>>, vector<1x16xf32>,
      %parallel_loop3A_685 = arith.index_cast %parallel_loop3A_674 : i32 to index
      %parallel_loop3A_686 = arith.constant 32 : index
      %parallel_loop3A_687 = tpu.vector_load %arg10[%parallel_loop3A_685, %parallel_loop3A_686] {strides = array<i32>} : memref<128x256xf32, #tpu.memory_space<vmem>>, vector<1x16xf32>,
      %parallel_loop3A_688 = vector.shape_cast %parallel_loop3A_687 : vector<1x16xf32> to vector<16xf32>
      %parallel_loop3A_689 = vector.shape_cast %get3A_308 : vector<16xf32> to vector<1x16xf32>
      tpu.vector_store %arg10[%parallel_loop3A_685, %parallel_loop3A_686], %parallel_loop3A_689 {add = true, strides = array<i32>} : memref<128x256xf32, #tpu.memory_space<vmem>>, vector<1x16xf32>,
      %parallel_loop3A_690 = arith.index_cast %parallel_loop3A_674 : i32 to index
      %parallel_loop3A_691 = arith.constant 48 : index
      %parallel_loop3A_692 = tpu.vector_load %arg10[%parallel_loop3A_690, %parallel_loop3A_691] {strides = array<i32>} : memref<128x256xf32, #tpu.memory_space<vmem>>, vector<1x16xf32>,
      %parallel_loop3A_693 = vector.shape_cast %parallel_loop3A_692 : vector<1x16xf32> to vector<16xf32>
      %parallel_loop3A_694 = vector.shape_cast %get3A_313 : vector<16xf32> to vector<1x16xf32>
      tpu.vector_store %arg10[%parallel_loop3A_690, %parallel_loop3A_691], %parallel_loop3A_694 {add = true, strides = array<i32>} : memref<128x256xf32, #tpu.memory_space<vmem>>, vector<1x16xf32>,
      %parallel_loop3A_695 = arith.index_cast %parallel_loop3A_674 : i32 to index
      %parallel_loop3A_696 = arith.constant 64 : index
      %parallel_loop3A_697 = tpu.vector_load %arg10[%parallel_loop3A_695, %parallel_loop3A_696] {strides = array<i32>} : memref<128x256xf32, #tpu.memory_space<vmem>>, vector<1x16xf32>,
      %parallel_loop3A_698 = vector.shape_cast %parallel_loop3A_697 : vector<1x16xf32> to vector<16xf32>
      %parallel_loop3A_699 = vector.shape_cast %get3A_318 : vector<16xf32> to vector<1x16xf32>
      tpu.vector_store %arg10[%parallel_loop3A_695, %parallel_loop3A_696], %parallel_loop3A_699 {add = true, strides = array<i32>} : memref<128x256xf32, #tpu.memory_space<vmem>>, vector<1x16xf32>,
      %parallel_loop3A_700 = arith.index_cast %parallel_loop3A_674 : i32 to index
      %parallel_loop3A_701 = arith.constant 80 : index
      %parallel_loop3A_702 = tpu.vector_load %arg10[%parallel_loop3A_700, %parallel_loop3A_701] {strides = array<i32>} : memref<128x256xf32, #tpu.memory_space<vmem>>, vector<1x16xf32>,
      %parallel_loop3A_703 = vector.shape_cast %parallel_loop3A_702 : vector<1x16xf32> to vector<16xf32>
      %parallel_loop3A_704 = vector.shape_cast %get3A_323 : vector<16xf32> to vector<1x16xf32>
      tpu.vector_store %arg10[%parallel_loop3A_700, %parallel_loop3A_701], %parallel_loop3A_704 {add = true, strides = array<i32>} : memref<128x256xf32, #tpu.memory_space<vmem>>, vector<1x16xf32>,
      %parallel_loop3A_705 = arith.index_cast %parallel_loop3A_674 : i32 to index
      %parallel_loop3A_706 = arith.constant 96 : index
      %parallel_loop3A_707 = tpu.vector_load %arg10[%parallel_loop3A_705, %parallel_loop3A_706] {strides = array<i32>} : memref<128x256xf32, #tpu.memory_space<vmem>>, vector<1x16xf32>,
      %parallel_loop3A_708 = vector.shape_cast %parallel_loop3A_707 : vector<1x16xf32> to vector<16xf32>
      %parallel_loop3A_709 = vector.shape_cast %get3A_328 : vector<16xf32> to vector<1x16xf32>
      tpu.vector_store %arg10[%parallel_loop3A_705, %parallel_loop3A_706], %parallel_loop3A_709 {add = true, strides = array<i32>} : memref<128x256xf32, #tpu.memory_space<vmem>>, vector<1x16xf32>,
      %parallel_loop3A_710 = arith.index_cast %parallel_loop3A_674 : i32 to index
      %parallel_loop3A_711 = arith.constant 112 : index
      %parallel_loop3A_712 = tpu.vector_load %arg10[%parallel_loop3A_710, %parallel_loop3A_711] {strides = array<i32>} : memref<128x256xf32, #tpu.memory_space<vmem>>, vector<1x16xf32>,
      %parallel_loop3A_713 = vector.shape_cast %parallel_loop3A_712 : vector<1x16xf32> to vector<16xf32>
      %parallel_loop3A_714 = vector.shape_cast %get3A_333 : vector<16xf32> to vector<1x16xf32>
      tpu.vector_store %arg10[%parallel_loop3A_710, %parallel_loop3A_711], %parallel_loop3A_714 {add = true, strides = array<i32>} : memref<128x256xf32, #tpu.memory_space<vmem>>, vector<1x16xf32>,
      %parallel_loop3A_715 = arith.index_cast %parallel_loop3A_674 : i32 to index
      %parallel_loop3A_716 = arith.constant 128 : index
      %parallel_loop3A_717 = tpu.vector_load %arg10[%parallel_loop3A_715, %parallel_loop3A_716] {strides = array<i32>} : memref<128x256xf32, #tpu.memory_space<vmem>>, vector<1x16xf32>,
      %parallel_loop3A_718 = vector.shape_cast %parallel_loop3A_717 : vector<1x16xf32> to vector<16xf32>
      %parallel_loop3A_719 = vector.shape_cast %get3A_338 : vector<16xf32> to vector<1x16xf32>
      tpu.vector_store %arg10[%parallel_loop3A_715, %parallel_loop3A_716], %parallel_loop3A_719 {add = true, strides = array<i32>} : memref<128x256xf32, #tpu.memory_space<vmem>>, vector<1x16xf32>,
      %parallel_loop3A_720 = arith.index_cast %parallel_loop3A_674 : i32 to index
      %parallel_loop3A_721 = arith.constant 144 : index
      %parallel_loop3A_722 = tpu.vector_load %arg10[%parallel_loop3A_720, %parallel_loop3A_721] {strides = array<i32>} : memref<128x256xf32, #tpu.memory_space<vmem>>, vector<1x16xf32>,
      %parallel_loop3A_723 = vector.shape_cast %parallel_loop3A_722 : vector<1x16xf32> to vector<16xf32>
      %parallel_loop3A_724 = vector.shape_cast %get3A_343 : vector<16xf32> to vector<1x16xf32>
      tpu.vector_store %arg10[%parallel_loop3A_720, %parallel_loop3A_721], %parallel_loop3A_724 {add = true, strides = array<i32>} : memref<128x256xf32, #tpu.memory_space<vmem>>, vector<1x16xf32>,
      %parallel_loop3A_725 = arith.index_cast %parallel_loop3A_674 : i32 to index
      %parallel_loop3A_726 = arith.constant 160 : index
      %parallel_loop3A_727 = tpu.vector_load %arg10[%parallel_loop3A_725, %parallel_loop3A_726] {strides = array<i32>} : memref<128x256xf32, #tpu.memory_space<vmem>>, vector<1x16xf32>,
      %parallel_loop3A_728 = vector.shape_cast %parallel_loop3A_727 : vector<1x16xf32> to vector<16xf32>
      %parallel_loop3A_729 = vector.shape_cast %get3A_348 : vector<16xf32> to vector<1x16xf32>
      tpu.vector_store %arg10[%parallel_loop3A_725, %parallel_loop3A_726], %parallel_loop3A_729 {add = true, strides = array<i32>} : memref<128x256xf32, #tpu.memory_space<vmem>>, vector<1x16xf32>,
      %parallel_loop3A_730 = arith.index_cast %parallel_loop3A_674 : i32 to index
      %parallel_loop3A_731 = arith.constant 176 : index
      %parallel_loop3A_732 = tpu.vector_load %arg10[%parallel_loop3A_730, %parallel_loop3A_731] {strides = array<i32>} : memref<128x256xf32, #tpu.memory_space<vmem>>, vector<1x16xf32>,
      %parallel_loop3A_733 = vector.shape_cast %parallel_loop3A_732 : vector<1x16xf32> to vector<16xf32>
      %parallel_loop3A_734 = vector.shape_cast %get3A_353 : vector<16xf32> to vector<1x16xf32>
      tpu.vector_store %arg10[%parallel_loop3A_730, %parallel_loop3A_731], %parallel_loop3A_734 {add = true, strides = array<i32>} : memref<128x256xf32, #tpu.memory_space<vmem>>, vector<1x16xf32>,
      %parallel_loop3A_735 = arith.index_cast %parallel_loop3A_674 : i32 to index
      %parallel_loop3A_736 = arith.constant 192 : index
      %parallel_loop3A_737 = tpu.vector_load %arg10[%parallel_loop3A_735, %parallel_loop3A_736] {strides = array<i32>} : memref<128x256xf32, #tpu.memory_space<vmem>>, vector<1x16xf32>,
      %parallel_loop3A_738 = vector.shape_cast %parallel_loop3A_737 : vector<1x16xf32> to vector<16xf32>
      %parallel_loop3A_739 = vector.shape_cast %get3A_358 : vector<16xf32> to vector<1x16xf32>
      tpu.vector_store %arg10[%parallel_loop3A_735, %parallel_loop3A_736], %parallel_loop3A_739 {add = true, strides = array<i32>} : memref<128x256xf32, #tpu.memory_space<vmem>>, vector<1x16xf32>,
      %parallel_loop3A_740 = arith.index_cast %parallel_loop3A_674 : i32 to index
      %parallel_loop3A_741 = arith.constant 208 : index
      %parallel_loop3A_742 = tpu.vector_load %arg10[%parallel_loop3A_740, %parallel_loop3A_741] {strides = array<i32>} : memref<128x256xf32, #tpu.memory_space<vmem>>, vector<1x16xf32>,
      %parallel_loop3A_743 = vector.shape_cast %parallel_loop3A_742 : vector<1x16xf32> to vector<16xf32>
      %parallel_loop3A_744 = vector.shape_cast %get3A_363 : vector<16xf32> to vector<1x16xf32>
      tpu.vector_store %arg10[%parallel_loop3A_740, %parallel_loop3A_741], %parallel_loop3A_744 {add = true, strides = array<i32>} : memref<128x256xf32, #tpu.memory_space<vmem>>, vector<1x16xf32>,
      %parallel_loop3A_745 = arith.index_cast %parallel_loop3A_674 : i32 to index
      %parallel_loop3A_746 = arith.constant 224 : index
      %parallel_loop3A_747 = tpu.vector_load %arg10[%parallel_loop3A_745, %parallel_loop3A_746] {strides = array<i32>} : memref<128x256xf32, #tpu.memory_space<vmem>>, vector<1x16xf32>,
      %parallel_loop3A_748 = vector.shape_cast %parallel_loop3A_747 : vector<1x16xf32> to vector<16xf32>
      %parallel_loop3A_749 = vector.shape_cast %get3A_368 : vector<16xf32> to vector<1x16xf32>
      tpu.vector_store %arg10[%parallel_loop3A_745, %parallel_loop3A_746], %parallel_loop3A_749 {add = true, strides = array<i32>} : memref<128x256xf32, #tpu.memory_space<vmem>>, vector<1x16xf32>,
      %parallel_loop3A_750 = arith.index_cast %parallel_loop3A_674 : i32 to index
      %parallel_loop3A_751 = arith.constant 240 : index
      %parallel_loop3A_752 = tpu.vector_load %arg10[%parallel_loop3A_750, %parallel_loop3A_751] {strides = array<i32>} : memref<128x256xf32, #tpu.memory_space<vmem>>, vector<1x16xf32>,
      %parallel_loop3A_753 = vector.shape_cast %parallel_loop3A_752 : vector<1x16xf32> to vector<16xf32>
      %parallel_loop3A_754 = vector.shape_cast %get3A_373 : vector<16xf32> to vector<1x16xf32>
      tpu.vector_store %arg10[%parallel_loop3A_750, %parallel_loop3A_751], %parallel_loop3A_754 {add = true, strides = array<i32>} : memref<128x256xf32, #tpu.memory_space<vmem>>, vector<1x16xf32>,
    } {sc.loop_unroll_factor = 2 : i64, sc.parallel_access}
    %dma_start3A_377 = arith.constant 2 : i32
    %dma_start3A_378 = arith.constant 0 : i32
    %dma_start3A_379 = arith.constant 0 : i32
    %dma_start3A_380 = tpu.memref_slice %arg10[%dma_start3A_378, %dma_start3A_379] : memref<128x256xf32, #tpu.memory_space<vmem>> -> memref<64x256xf32, #tpu.memory_space<vmem>>
    %dma_start3A_381 = arith.constant 0 : i32
    %dma_start3A_382 = tpu.memref_slice %arg5[%dma_start3A_377, %mul3A_2, %dma_start3A_381] : memref<77x4096x256xf32, #tpu.memory_space<hbm>> -> memref<1x64x256xf32, #tpu.memory_space<hbm>>
    %dma_start3A_383 = tpu.memref_squeeze %dma_start3A_382 : memref<1x64x256xf32, #tpu.memory_space<hbm>> -> memref<64x256xf32, #tpu.memory_space<hbm>>
    %dma_start3A_384 = arith.constant 0 : i32
    %dma_start3A_385 = tpu.memref_slice %arg5[%dma_start3A_377, %mul3A_2, %dma_start3A_384] : memref<77x4096x256xf32, #tpu.memory_space<hbm>> -> memref<1x64x256xf32, #tpu.memory_space<hbm>>
    %dma_start3A_386 = tpu.memref_squeeze %dma_start3A_385 : memref<1x64x256xf32, #tpu.memory_space<hbm>> -> memref<64x256xf32, #tpu.memory_space<hbm>>
    %dma_start3A_387 = arith.constant 0 : i32
    %dma_start3A_388 = arith.constant 0 : i32
    %dma_start3A_389 = tpu.memref_slice %arg10[%dma_start3A_387, %dma_start3A_388] : memref<128x256xf32, #tpu.memory_space<vmem>> -> memref<64x256xf32, #tpu.memory_space<vmem>>
    tpu.enqueue_dma source(%dma_start3A_389 : memref<64x256xf32, #tpu.memory_space<vmem>>) target(%dma_start3A_386 : memref<64x256xf32, #tpu.memory_space<hbm>>) target_semaphore(%arg16 : memref<!tpu.dma_semaphore, #tpu.memory_space<semaphore_mem>>)
    %parallel_loop3A_390 = arith.constant 64 : i32
    %parallel_loop3A_391 = arith.constant 128 : i32
    %parallel_loop3A_392 = arith.constant 1 : i32
    scf.for %parallel_loop3A_674 = %parallel_loop3A_390 to %parallel_loop3A_391 step %parallel_loop3A_392  : i32 {
      %parallel_loop3A_675 = arith.index_cast %parallel_loop3A_674 : i32 to index
      %parallel_loop3A_676 = arith.constant 0 : index
      %parallel_loop3A_677 = tpu.vector_load %arg10[%parallel_loop3A_675, %parallel_loop3A_676] {strides = array<i32>} : memref<128x256xf32, #tpu.memory_space<vmem>>, vector<1x16xf32>,
      %parallel_loop3A_678 = vector.shape_cast %parallel_loop3A_677 : vector<1x16xf32> to vector<16xf32>
      %parallel_loop3A_679 = vector.shape_cast %get3A_298 : vector<16xf32> to vector<1x16xf32>
      tpu.vector_store %arg10[%parallel_loop3A_675, %parallel_loop3A_676], %parallel_loop3A_679 {add = true, strides = array<i32>} : memref<128x256xf32, #tpu.memory_space<vmem>>, vector<1x16xf32>,
      %parallel_loop3A_680 = arith.index_cast %parallel_loop3A_674 : i32 to index
      %parallel_loop3A_681 = arith.constant 16 : index
      %parallel_loop3A_682 = tpu.vector_load %arg10[%parallel_loop3A_680, %parallel_loop3A_681] {strides = array<i32>} : memref<128x256xf32, #tpu.memory_space<vmem>>, vector<1x16xf32>,
      %parallel_loop3A_683 = vector.shape_cast %parallel_loop3A_682 : vector<1x16xf32> to vector<16xf32>
      %parallel_loop3A_684 = vector.shape_cast %get3A_303 : vector<16xf32> to vector<1x16xf32>
      tpu.vector_store %arg10[%parallel_loop3A_680, %parallel_loop3A_681], %parallel_loop3A_684 {add = true, strides = array<i32>} : memref<128x256xf32, #tpu.memory_space<vmem>>, vector<1x16xf32>,
      %parallel_loop3A_685 = arith.index_cast %parallel_loop3A_674 : i32 to index
      %parallel_loop3A_686 = arith.constant 32 : index
      %parallel_loop3A_687 = tpu.vector_load %arg10[%parallel_loop3A_685, %parallel_loop3A_686] {strides = array<i32>} : memref<128x256xf32, #tpu.memory_space<vmem>>, vector<1x16xf32>,
      %parallel_loop3A_688 = vector.shape_cast %parallel_loop3A_687 : vector<1x16xf32> to vector<16xf32>
      %parallel_loop3A_689 = vector.shape_cast %get3A_308 : vector<16xf32> to vector<1x16xf32>
      tpu.vector_store %arg10[%parallel_loop3A_685, %parallel_loop3A_686], %parallel_loop3A_689 {add = true, strides = array<i32>} : memref<128x256xf32, #tpu.memory_space<vmem>>, vector<1x16xf32>,
      %parallel_loop3A_690 = arith.index_cast %parallel_loop3A_674 : i32 to index
      %parallel_loop3A_691 = arith.constant 48 : index
      %parallel_loop3A_692 = tpu.vector_load %arg10[%parallel_loop3A_690, %parallel_loop3A_691] {strides = array<i32>} : memref<128x256xf32, #tpu.memory_space<vmem>>, vector<1x16xf32>,
      %parallel_loop3A_693 = vector.shape_cast %parallel_loop3A_692 : vector<1x16xf32> to vector<16xf32>
      %parallel_loop3A_694 = vector.shape_cast %get3A_313 : vector<16xf32> to vector<1x16xf32>
      tpu.vector_store %arg10[%parallel_loop3A_690, %parallel_loop3A_691], %parallel_loop3A_694 {add = true, strides = array<i32>} : memref<128x256xf32, #tpu.memory_space<vmem>>, vector<1x16xf32>,
      %parallel_loop3A_695 = arith.index_cast %parallel_loop3A_674 : i32 to index
      %parallel_loop3A_696 = arith.constant 64 : index
      %parallel_loop3A_697 = tpu.vector_load %arg10[%parallel_loop3A_695, %parallel_loop3A_696] {strides = array<i32>} : memref<128x256xf32, #tpu.memory_space<vmem>>, vector<1x16xf32>,
      %parallel_loop3A_698 = vector.shape_cast %parallel_loop3A_697 : vector<1x16xf32> to vector<16xf32>
      %parallel_loop3A_699 = vector.shape_cast %get3A_318 : vector<16xf32> to vector<1x16xf32>
      tpu.vector_store %arg10[%parallel_loop3A_695, %parallel_loop3A_696], %parallel_loop3A_699 {add = true, strides = array<i32>} : memref<128x256xf32, #tpu.memory_space<vmem>>, vector<1x16xf32>,
      %parallel_loop3A_700 = arith.index_cast %parallel_loop3A_674 : i32 to index
      %parallel_loop3A_701 = arith.constant 80 : index
      %parallel_loop3A_702 = tpu.vector_load %arg10[%parallel_loop3A_700, %parallel_loop3A_701] {strides = array<i32>} : memref<128x256xf32, #tpu.memory_space<vmem>>, vector<1x16xf32>,
      %parallel_loop3A_703 = vector.shape_cast %parallel_loop3A_702 : vector<1x16xf32> to vector<16xf32>
      %parallel_loop3A_704 = vector.shape_cast %get3A_323 : vector<16xf32> to vector<1x16xf32>
      tpu.vector_store %arg10[%parallel_loop3A_700, %parallel_loop3A_701], %parallel_loop3A_704 {add = true, strides = array<i32>} : memref<128x256xf32, #tpu.memory_space<vmem>>, vector<1x16xf32>,
      %parallel_loop3A_705 = arith.index_cast %parallel_loop3A_674 : i32 to index
      %parallel_loop3A_706 = arith.constant 96 : index
      %parallel_loop3A_707 = tpu.vector_load %arg10[%parallel_loop3A_705, %parallel_loop3A_706] {strides = array<i32>} : memref<128x256xf32, #tpu.memory_space<vmem>>, vector<1x16xf32>,
      %parallel_loop3A_708 = vector.shape_cast %parallel_loop3A_707 : vector<1x16xf32> to vector<16xf32>
      %parallel_loop3A_709 = vector.shape_cast %get3A_328 : vector<16xf32> to vector<1x16xf32>
      tpu.vector_store %arg10[%parallel_loop3A_705, %parallel_loop3A_706], %parallel_loop3A_709 {add = true, strides = array<i32>} : memref<128x256xf32, #tpu.memory_space<vmem>>, vector<1x16xf32>,
      %parallel_loop3A_710 = arith.index_cast %parallel_loop3A_674 : i32 to index
      %parallel_loop3A_711 = arith.constant 112 : index
      %parallel_loop3A_712 = tpu.vector_load %arg10[%parallel_loop3A_710, %parallel_loop3A_711] {strides = array<i32>} : memref<128x256xf32, #tpu.memory_space<vmem>>, vector<1x16xf32>,
      %parallel_loop3A_713 = vector.shape_cast %parallel_loop3A_712 : vector<1x16xf32> to vector<16xf32>
      %parallel_loop3A_714 = vector.shape_cast %get3A_333 : vector<16xf32> to vector<1x16xf32>
      tpu.vector_store %arg10[%parallel_loop3A_710, %parallel_loop3A_711], %parallel_loop3A_714 {add = true, strides = array<i32>} : memref<128x256xf32, #tpu.memory_space<vmem>>, vector<1x16xf32>,
      %parallel_loop3A_715 = arith.index_cast %parallel_loop3A_674 : i32 to index
      %parallel_loop3A_716 = arith.constant 128 : index
      %parallel_loop3A_717 = tpu.vector_load %arg10[%parallel_loop3A_715, %parallel_loop3A_716] {strides = array<i32>} : memref<128x256xf32, #tpu.memory_space<vmem>>, vector<1x16xf32>,
      %parallel_loop3A_718 = vector.shape_cast %parallel_loop3A_717 : vector<1x16xf32> to vector<16xf32>
      %parallel_loop3A_719 = vector.shape_cast %get3A_338 : vector<16xf32> to vector<1x16xf32>
      tpu.vector_store %arg10[%parallel_loop3A_715, %parallel_loop3A_716], %parallel_loop3A_719 {add = true, strides = array<i32>} : memref<128x256xf32, #tpu.memory_space<vmem>>, vector<1x16xf32>,
      %parallel_loop3A_720 = arith.index_cast %parallel_loop3A_674 : i32 to index
      %parallel_loop3A_721 = arith.constant 144 : index
      %parallel_loop3A_722 = tpu.vector_load %arg10[%parallel_loop3A_720, %parallel_loop3A_721] {strides = array<i32>} : memref<128x256xf32, #tpu.memory_space<vmem>>, vector<1x16xf32>,
      %parallel_loop3A_723 = vector.shape_cast %parallel_loop3A_722 : vector<1x16xf32> to vector<16xf32>
      %parallel_loop3A_724 = vector.shape_cast %get3A_343 : vector<16xf32> to vector<1x16xf32>
      tpu.vector_store %arg10[%parallel_loop3A_720, %parallel_loop3A_721], %parallel_loop3A_724 {add = true, strides = array<i32>} : memref<128x256xf32, #tpu.memory_space<vmem>>, vector<1x16xf32>,
      %parallel_loop3A_725 = arith.index_cast %parallel_loop3A_674 : i32 to index
      %parallel_loop3A_726 = arith.constant 160 : index
      %parallel_loop3A_727 = tpu.vector_load %arg10[%parallel_loop3A_725, %parallel_loop3A_726] {strides = array<i32>} : memref<128x256xf32, #tpu.memory_space<vmem>>, vector<1x16xf32>,
      %parallel_loop3A_728 = vector.shape_cast %parallel_loop3A_727 : vector<1x16xf32> to vector<16xf32>
      %parallel_loop3A_729 = vector.shape_cast %get3A_348 : vector<16xf32> to vector<1x16xf32>
      tpu.vector_store %arg10[%parallel_loop3A_725, %parallel_loop3A_726], %parallel_loop3A_729 {add = true, strides = array<i32>} : memref<128x256xf32, #tpu.memory_space<vmem>>, vector<1x16xf32>,
      %parallel_loop3A_730 = arith.index_cast %parallel_loop3A_674 : i32 to index
      %parallel_loop3A_731 = arith.constant 176 : index
      %parallel_loop3A_732 = tpu.vector_load %arg10[%parallel_loop3A_730, %parallel_loop3A_731] {strides = array<i32>} : memref<128x256xf32, #tpu.memory_space<vmem>>, vector<1x16xf32>,
      %parallel_loop3A_733 = vector.shape_cast %parallel_loop3A_732 : vector<1x16xf32> to vector<16xf32>
      %parallel_loop3A_734 = vector.shape_cast %get3A_353 : vector<16xf32> to vector<1x16xf32>
      tpu.vector_store %arg10[%parallel_loop3A_730, %parallel_loop3A_731], %parallel_loop3A_734 {add = true, strides = array<i32>} : memref<128x256xf32, #tpu.memory_space<vmem>>, vector<1x16xf32>,
      %parallel_loop3A_735 = arith.index_cast %parallel_loop3A_674 : i32 to index
      %parallel_loop3A_736 = arith.constant 192 : index
      %parallel_loop3A_737 = tpu.vector_load %arg10[%parallel_loop3A_735, %parallel_loop3A_736] {strides = array<i32>} : memref<128x256xf32, #tpu.memory_space<vmem>>, vector<1x16xf32>,
      %parallel_loop3A_738 = vector.shape_cast %parallel_loop3A_737 : vector<1x16xf32> to vector<16xf32>
      %parallel_loop3A_739 = vector.shape_cast %get3A_358 : vector<16xf32> to vector<1x16xf32>
      tpu.vector_store %arg10[%parallel_loop3A_735, %parallel_loop3A_736], %parallel_loop3A_739 {add = true, strides = array<i32>} : memref<128x256xf32, #tpu.memory_space<vmem>>, vector<1x16xf32>,
      %parallel_loop3A_740 = arith.index_cast %parallel_loop3A_674 : i32 to index
      %parallel_loop3A_741 = arith.constant 208 : index
      %parallel_loop3A_742 = tpu.vector_load %arg10[%parallel_loop3A_740, %parallel_loop3A_741] {strides = array<i32>} : memref<128x256xf32, #tpu.memory_space<vmem>>, vector<1x16xf32>,
      %parallel_loop3A_743 = vector.shape_cast %parallel_loop3A_742 : vector<1x16xf32> to vector<16xf32>
      %parallel_loop3A_744 = vector.shape_cast %get3A_363 : vector<16xf32> to vector<1x16xf32>
      tpu.vector_store %arg10[%parallel_loop3A_740, %parallel_loop3A_741], %parallel_loop3A_744 {add = true, strides = array<i32>} : memref<128x256xf32, #tpu.memory_space<vmem>>, vector<1x16xf32>,
      %parallel_loop3A_745 = arith.index_cast %parallel_loop3A_674 : i32 to index
      %parallel_loop3A_746 = arith.constant 224 : index
      %parallel_loop3A_747 = tpu.vector_load %arg10[%parallel_loop3A_745, %parallel_loop3A_746] {strides = array<i32>} : memref<128x256xf32, #tpu.memory_space<vmem>>, vector<1x16xf32>,
      %parallel_loop3A_748 = vector.shape_cast %parallel_loop3A_747 : vector<1x16xf32> to vector<16xf32>
      %parallel_loop3A_749 = vector.shape_cast %get3A_368 : vector<16xf32> to vector<1x16xf32>
      tpu.vector_store %arg10[%parallel_loop3A_745, %parallel_loop3A_746], %parallel_loop3A_749 {add = true, strides = array<i32>} : memref<128x256xf32, #tpu.memory_space<vmem>>, vector<1x16xf32>,
      %parallel_loop3A_750 = arith.index_cast %parallel_loop3A_674 : i32 to index
      %parallel_loop3A_751 = arith.constant 240 : index
      %parallel_loop3A_752 = tpu.vector_load %arg10[%parallel_loop3A_750, %parallel_loop3A_751] {strides = array<i32>} : memref<128x256xf32, #tpu.memory_space<vmem>>, vector<1x16xf32>,
      %parallel_loop3A_753 = vector.shape_cast %parallel_loop3A_752 : vector<1x16xf32> to vector<16xf32>
      %parallel_loop3A_754 = vector.shape_cast %get3A_373 : vector<16xf32> to vector<1x16xf32>
      tpu.vector_store %arg10[%parallel_loop3A_750, %parallel_loop3A_751], %parallel_loop3A_754 {add = true, strides = array<i32>} : memref<128x256xf32, #tpu.memory_space<vmem>>, vector<1x16xf32>,
    } {sc.loop_unroll_factor = 2 : i64, sc.parallel_access}
    %add3A_393 = arith.constant 64 : i32
    %add3A_394 = arith.addi %mul3A_2, %add3A_393 : i32
    %dma_start3A_395 = arith.constant 2 : i32
    %dma_start3A_396 = arith.constant 64 : i32
    %dma_start3A_397 = arith.constant 0 : i32
    %dma_start3A_398 = tpu.memref_slice %arg10[%dma_start3A_396, %dma_start3A_397] : memref<128x256xf32, #tpu.memory_space<vmem>> -> memref<64x256xf32, #tpu.memory_space<vmem>>
    %dma_start3A_399 = arith.constant 0 : i32
    %dma_start3A_400 = tpu.memref_slice %arg5[%dma_start3A_395, %add3A_394, %dma_start3A_399] : memref<77x4096x256xf32, #tpu.memory_space<hbm>> -> memref<1x64x256xf32, #tpu.memory_space<hbm>>
    %dma_start3A_401 = tpu.memref_squeeze %dma_start3A_400 : memref<1x64x256xf32, #tpu.memory_space<hbm>> -> memref<64x256xf32, #tpu.memory_space<hbm>>
    %dma_start3A_402 = arith.constant 0 : i32
    %dma_start3A_403 = tpu.memref_slice %arg5[%dma_start3A_395, %add3A_394, %dma_start3A_402] : memref<77x4096x256xf32, #tpu.memory_space<hbm>> -> memref<1x64x256xf32, #tpu.memory_space<hbm>>
    %dma_start3A_404 = tpu.memref_squeeze %dma_start3A_403 : memref<1x64x256xf32, #tpu.memory_space<hbm>> -> memref<64x256xf32, #tpu.memory_space<hbm>>
    %dma_start3A_405 = arith.constant 64 : i32
    %dma_start3A_406 = arith.constant 0 : i32
    %dma_start3A_407 = tpu.memref_slice %arg10[%dma_start3A_405, %dma_start3A_406] : memref<128x256xf32, #tpu.memory_space<vmem>> -> memref<64x256xf32, #tpu.memory_space<vmem>>
    tpu.enqueue_dma source(%dma_start3A_407 : memref<64x256xf32, #tpu.memory_space<vmem>>) target(%dma_start3A_404 : memref<64x256xf32, #tpu.memory_space<hbm>>) target_semaphore(%arg16 : memref<!tpu.dma_semaphore, #tpu.memory_space<semaphore_mem>>)
    %scan3A = arith.constant 0 : i32
    %scan3A_408 = arith.constant 1 : i32
    %scan3A_409 = arith.constant 24 : i32
    %scan3A_410 = arith.addi %scan3A_408, %scan3A_409 : i32
    %scan3A_411 = arith.constant 1 : i32
    scf.for %scan3A_674 = %scan3A_408 to %scan3A_410 step %scan3A_411  : i32 {
      %mul3A_675 = arith.constant 3 : i32
      %mul3A_676 = arith.muli %scan3A_674, %mul3A_675 : i32
      %add3A_677 = arith.constant 0 : i32
      %add3A_678 = arith.addi %mul3A_676, %add3A_677 : i32
      %dma_wait3A_679 = arith.constant 0 : i32
      %dma_wait3A_680 = arith.constant 0 : i32
      %dma_wait3A_681 = tpu.memref_slice %arg5[%dma_wait3A_679, %mul3A_2, %dma_wait3A_680] : memref<77x4096x256xf32, #tpu.memory_space<hbm>> -> memref<1x128x256xf32, #tpu.memory_space<hbm>>
      %dma_wait3A_682 = tpu.memref_squeeze %dma_wait3A_681 : memref<1x128x256xf32, #tpu.memory_space<hbm>> -> memref<128x256xf32, #tpu.memory_space<hbm>>
      %dma_wait3A_683 = arith.constant 0 : i32
      %dma_wait3A_684 = tpu.memref_slice %arg5[%dma_wait3A_679, %mul3A_2, %dma_wait3A_683] : memref<77x4096x256xf32, #tpu.memory_space<hbm>> -> memref<1x128x256xf32, #tpu.memory_space<hbm>>
      %dma_wait3A_685 = tpu.memref_squeeze %dma_wait3A_684 : memref<1x128x256xf32, #tpu.memory_space<hbm>> -> memref<128x256xf32, #tpu.memory_space<hbm>>
      tpu.wait_dma2 semaphore(%arg16 : memref<!tpu.dma_semaphore, #tpu.memory_space<semaphore_mem>>) src(%arg10 : memref<128x256xf32, #tpu.memory_space<vmem>>) dst(%dma_wait3A_685 : memref<128x256xf32, #tpu.memory_space<hbm>>)
      %add3A_686 = arith.constant 3 : i32
      %add3A_687 = arith.addi %add3A_678, %add3A_686 : i32
      %sub3A = arith.constant 1 : i32
      %sub3A_688 = arith.subi %add3A_687, %sub3A : i32
      %dma_start3A_689 = arith.constant 0 : i32
      %dma_start3A_690 = tpu.memref_slice %arg6[%sub3A_688, %dma_start3A_689] : memref<77x128xi32, #tpu.memory_space<vmem>> -> memref<1x128xi32, #tpu.memory_space<vmem>>
      %dma_start3A_691 = tpu.memref_squeeze %dma_start3A_690 : memref<1x128xi32, #tpu.memory_space<vmem>> -> memref<128xi32, #tpu.memory_space<vmem>>
      %dma_start3A_692 = arith.constant 0 : i32
      %dma_start3A_693 = arith.constant 0 : i32
      %dma_start3A_694 = tpu.memref_slice %arg3[%dma_start3A_692, %dma_start3A_693] : memref<49408x256xf32, #tpu.memory_space<hbm>> -> memref<49408x256xf32, #tpu.memory_space<hbm>>
      tpu.enqueue_indirect_dma source(%dma_start3A_694 : memref<49408x256xf32, #tpu.memory_space<hbm>>) target(%arg10 : memref<128x256xf32, #tpu.memory_space<vmem>>) offsets(%dma_start3A_691 : memref<128xi32, #tpu.memory_space<vmem>>) semaphore(%arg13 : memref<!tpu.dma_semaphore, #tpu.memory_space<semaphore_mem>>)
      %dma_wait3A_695 = arith.constant 0 : i32
      %dma_wait3A_696 = arith.constant 0 : i32
      %dma_wait3A_697 = tpu.memref_slice %arg3[%dma_wait3A_695, %dma_wait3A_696] : memref<49408x256xf32, #tpu.memory_space<hbm>> -> memref<128x256xf32, #tpu.memory_space<hbm>>
      %dma_wait3A_698 = arith.constant 0 : i32
      %dma_wait3A_699 = arith.constant 0 : i32
      %dma_wait3A_700 = tpu.memref_slice %arg3[%dma_wait3A_698, %dma_wait3A_699] : memref<49408x256xf32, #tpu.memory_space<hbm>> -> memref<128x256xf32, #tpu.memory_space<hbm>>
      tpu.wait_dma2 semaphore(%arg11 : memref<!tpu.dma_semaphore, #tpu.memory_space<semaphore_mem>>) src(%dma_wait3A_700 : memref<128x256xf32, #tpu.memory_space<hbm>>) dst(%arg8 : memref<128x256xf32, #tpu.memory_space<vmem>>)
      %get3A_701 = arith.index_cast %add3A_678 : i32 to index
      %get3A_702 = arith.constant 0 : index
      %get3A_703 = tpu.vector_load %arg7[%get3A_701, %get3A_702] {strides = array<i32>} : memref<77x256xf32, #tpu.memory_space<vmem>>, vector<1x16xf32>,
      %get3A_704 = vector.shape_cast %get3A_703 : vector<1x16xf32> to vector<16xf32>
      %get3A_705 = arith.index_cast %add3A_678 : i32 to index
      %get3A_706 = arith.constant 16 : index
      %get3A_707 = tpu.vector_load %arg7[%get3A_705, %get3A_706] {strides = array<i32>} : memref<77x256xf32, #tpu.memory_space<vmem>>, vector<1x16xf32>,
      %get3A_708 = vector.shape_cast %get3A_707 : vector<1x16xf32> to vector<16xf32>
      %get3A_709 = arith.index_cast %add3A_678 : i32 to index
      %get3A_710 = arith.constant 32 : index
      %get3A_711 = tpu.vector_load %arg7[%get3A_709, %get3A_710] {strides = array<i32>} : memref<77x256xf32, #tpu.memory_space<vmem>>, vector<1x16xf32>,
      %get3A_712 = vector.shape_cast %get3A_711 : vector<1x16xf32> to vector<16xf32>
      %get3A_713 = arith.index_cast %add3A_678 : i32 to index
      %get3A_714 = arith.constant 48 : index
      %get3A_715 = tpu.vector_load %arg7[%get3A_713, %get3A_714] {strides = array<i32>} : memref<77x256xf32, #tpu.memory_space<vmem>>, vector<1x16xf32>,
      %get3A_716 = vector.shape_cast %get3A_715 : vector<1x16xf32> to vector<16xf32>
      %get3A_717 = arith.index_cast %add3A_678 : i32 to index
      %get3A_718 = arith.constant 64 : index
      %get3A_719 = tpu.vector_load %arg7[%get3A_717, %get3A_718] {strides = array<i32>} : memref<77x256xf32, #tpu.memory_space<vmem>>, vector<1x16xf32>,
      %get3A_720 = vector.shape_cast %get3A_719 : vector<1x16xf32> to vector<16xf32>
      %get3A_721 = arith.index_cast %add3A_678 : i32 to index
      %get3A_722 = arith.constant 80 : index
      %get3A_723 = tpu.vector_load %arg7[%get3A_721, %get3A_722] {strides = array<i32>} : memref<77x256xf32, #tpu.memory_space<vmem>>, vector<1x16xf32>,
      %get3A_724 = vector.shape_cast %get3A_723 : vector<1x16xf32> to vector<16xf32>
      %get3A_725 = arith.index_cast %add3A_678 : i32 to index
      %get3A_726 = arith.constant 96 : index
      %get3A_727 = tpu.vector_load %arg7[%get3A_725, %get3A_726] {strides = array<i32>} : memref<77x256xf32, #tpu.memory_space<vmem>>, vector<1x16xf32>,
      %get3A_728 = vector.shape_cast %get3A_727 : vector<1x16xf32> to vector<16xf32>
      %get3A_729 = arith.index_cast %add3A_678 : i32 to index
      %get3A_730 = arith.constant 112 : index
      %get3A_731 = tpu.vector_load %arg7[%get3A_729, %get3A_730] {strides = array<i32>} : memref<77x256xf32, #tpu.memory_space<vmem>>, vector<1x16xf32>,
      %get3A_732 = vector.shape_cast %get3A_731 : vector<1x16xf32> to vector<16xf32>
      %get3A_733 = arith.index_cast %add3A_678 : i32 to index
      %get3A_734 = arith.constant 128 : index
      %get3A_735 = tpu.vector_load %arg7[%get3A_733, %get3A_734] {strides = array<i32>} : memref<77x256xf32, #tpu.memory_space<vmem>>, vector<1x16xf32>,
      %get3A_736 = vector.shape_cast %get3A_735 : vector<1x16xf32> to vector<16xf32>
      %get3A_737 = arith.index_cast %add3A_678 : i32 to index
      %get3A_738 = arith.constant 144 : index
      %get3A_739 = tpu.vector_load %arg7[%get3A_737, %get3A_738] {strides = array<i32>} : memref<77x256xf32, #tpu.memory_space<vmem>>, vector<1x16xf32>,
      %get3A_740 = vector.shape_cast %get3A_739 : vector<1x16xf32> to vector<16xf32>
      %get3A_741 = arith.index_cast %add3A_678 : i32 to index
      %get3A_742 = arith.constant 160 : index
      %get3A_743 = tpu.vector_load %arg7[%get3A_741, %get3A_742] {strides = array<i32>} : memref<77x256xf32, #tpu.memory_space<vmem>>, vector<1x16xf32>,
      %get3A_744 = vector.shape_cast %get3A_743 : vector<1x16xf32> to vector<16xf32>
      %get3A_745 = arith.index_cast %add3A_678 : i32 to index
      %get3A_746 = arith.constant 176 : index
      %get3A_747 = tpu.vector_load %arg7[%get3A_745, %get3A_746] {strides = array<i32>} : memref<77x256xf32, #tpu.memory_space<vmem>>, vector<1x16xf32>,
      %get3A_748 = vector.shape_cast %get3A_747 : vector<1x16xf32> to vector<16xf32>
      %get3A_749 = arith.index_cast %add3A_678 : i32 to index
      %get3A_750 = arith.constant 192 : index
      %get3A_751 = tpu.vector_load %arg7[%get3A_749, %get3A_750] {strides = array<i32>} : memref<77x256xf32, #tpu.memory_space<vmem>>, vector<1x16xf32>,
      %get3A_752 = vector.shape_cast %get3A_751 : vector<1x16xf32> to vector<16xf32>
      %get3A_753 = arith.index_cast %add3A_678 : i32 to index
      %get3A_754 = arith.constant 208 : index
      %get3A_755 = tpu.vector_load %arg7[%get3A_753, %get3A_754] {strides = array<i32>} : memref<77x256xf32, #tpu.memory_space<vmem>>, vector<1x16xf32>,
      %get3A_756 = vector.shape_cast %get3A_755 : vector<1x16xf32> to vector<16xf32>
      %get3A_757 = arith.index_cast %add3A_678 : i32 to index
      %get3A_758 = arith.constant 224 : index
      %get3A_759 = tpu.vector_load %arg7[%get3A_757, %get3A_758] {strides = array<i32>} : memref<77x256xf32, #tpu.memory_space<vmem>>, vector<1x16xf32>,
      %get3A_760 = vector.shape_cast %get3A_759 : vector<1x16xf32> to vector<16xf32>
      %get3A_761 = arith.index_cast %add3A_678 : i32 to index
      %get3A_762 = arith.constant 240 : index
      %get3A_763 = tpu.vector_load %arg7[%get3A_761, %get3A_762] {strides = array<i32>} : memref<77x256xf32, #tpu.memory_space<vmem>>, vector<1x16xf32>,
      %get3A_764 = vector.shape_cast %get3A_763 : vector<1x16xf32> to vector<16xf32>
      %parallel_loop3A_765 = arith.constant 0 : i32
      %parallel_loop3A_766 = arith.constant 64 : i32
      %parallel_loop3A_767 = arith.constant 1 : i32
      scf.for %parallel_loop3A_1039 = %parallel_loop3A_765 to %parallel_loop3A_766 step %parallel_loop3A_767  : i32 {
        %parallel_loop3A_1040 = arith.index_cast %parallel_loop3A_1039 : i32 to index
        %parallel_loop3A_1041 = arith.constant 0 : index
        %parallel_loop3A_1042 = tpu.vector_load %arg8[%parallel_loop3A_1040, %parallel_loop3A_1041] {strides = array<i32>} : memref<128x256xf32, #tpu.memory_space<vmem>>, vector<1x16xf32>,
        %parallel_loop3A_1043 = vector.shape_cast %parallel_loop3A_1042 : vector<1x16xf32> to vector<16xf32>
        %parallel_loop3A_1044 = vector.shape_cast %get3A_704 : vector<16xf32> to vector<1x16xf32>
        tpu.vector_store %arg8[%parallel_loop3A_1040, %parallel_loop3A_1041], %parallel_loop3A_1044 {add = true, strides = array<i32>} : memref<128x256xf32, #tpu.memory_space<vmem>>, vector<1x16xf32>,
        %parallel_loop3A_1045 = arith.index_cast %parallel_loop3A_1039 : i32 to index
        %parallel_loop3A_1046 = arith.constant 16 : index
        %parallel_loop3A_1047 = tpu.vector_load %arg8[%parallel_loop3A_1045, %parallel_loop3A_1046] {strides = array<i32>} : memref<128x256xf32, #tpu.memory_space<vmem>>, vector<1x16xf32>,
        %parallel_loop3A_1048 = vector.shape_cast %parallel_loop3A_1047 : vector<1x16xf32> to vector<16xf32>
        %parallel_loop3A_1049 = vector.shape_cast %get3A_708 : vector<16xf32> to vector<1x16xf32>
        tpu.vector_store %arg8[%parallel_loop3A_1045, %parallel_loop3A_1046], %parallel_loop3A_1049 {add = true, strides = array<i32>} : memref<128x256xf32, #tpu.memory_space<vmem>>, vector<1x16xf32>,
        %parallel_loop3A_1050 = arith.index_cast %parallel_loop3A_1039 : i32 to index
        %parallel_loop3A_1051 = arith.constant 32 : index
        %parallel_loop3A_1052 = tpu.vector_load %arg8[%parallel_loop3A_1050, %parallel_loop3A_1051] {strides = array<i32>} : memref<128x256xf32, #tpu.memory_space<vmem>>, vector<1x16xf32>,
        %parallel_loop3A_1053 = vector.shape_cast %parallel_loop3A_1052 : vector<1x16xf32> to vector<16xf32>
        %parallel_loop3A_1054 = vector.shape_cast %get3A_712 : vector<16xf32> to vector<1x16xf32>
        tpu.vector_store %arg8[%parallel_loop3A_1050, %parallel_loop3A_1051], %parallel_loop3A_1054 {add = true, strides = array<i32>} : memref<128x256xf32, #tpu.memory_space<vmem>>, vector<1x16xf32>,
        %parallel_loop3A_1055 = arith.index_cast %parallel_loop3A_1039 : i32 to index
        %parallel_loop3A_1056 = arith.constant 48 : index
        %parallel_loop3A_1057 = tpu.vector_load %arg8[%parallel_loop3A_1055, %parallel_loop3A_1056] {strides = array<i32>} : memref<128x256xf32, #tpu.memory_space<vmem>>, vector<1x16xf32>,
        %parallel_loop3A_1058 = vector.shape_cast %parallel_loop3A_1057 : vector<1x16xf32> to vector<16xf32>
        %parallel_loop3A_1059 = vector.shape_cast %get3A_716 : vector<16xf32> to vector<1x16xf32>
        tpu.vector_store %arg8[%parallel_loop3A_1055, %parallel_loop3A_1056], %parallel_loop3A_1059 {add = true, strides = array<i32>} : memref<128x256xf32, #tpu.memory_space<vmem>>, vector<1x16xf32>,
        %parallel_loop3A_1060 = arith.index_cast %parallel_loop3A_1039 : i32 to index
        %parallel_loop3A_1061 = arith.constant 64 : index
        %parallel_loop3A_1062 = tpu.vector_load %arg8[%parallel_loop3A_1060, %parallel_loop3A_1061] {strides = array<i32>} : memref<128x256xf32, #tpu.memory_space<vmem>>, vector<1x16xf32>,
        %parallel_loop3A_1063 = vector.shape_cast %parallel_loop3A_1062 : vector<1x16xf32> to vector<16xf32>
        %parallel_loop3A_1064 = vector.shape_cast %get3A_720 : vector<16xf32> to vector<1x16xf32>
        tpu.vector_store %arg8[%parallel_loop3A_1060, %parallel_loop3A_1061], %parallel_loop3A_1064 {add = true, strides = array<i32>} : memref<128x256xf32, #tpu.memory_space<vmem>>, vector<1x16xf32>,
        %parallel_loop3A_1065 = arith.index_cast %parallel_loop3A_1039 : i32 to index
        %parallel_loop3A_1066 = arith.constant 80 : index
        %parallel_loop3A_1067 = tpu.vector_load %arg8[%parallel_loop3A_1065, %parallel_loop3A_1066] {strides = array<i32>} : memref<128x256xf32, #tpu.memory_space<vmem>>, vector<1x16xf32>,
        %parallel_loop3A_1068 = vector.shape_cast %parallel_loop3A_1067 : vector<1x16xf32> to vector<16xf32>
        %parallel_loop3A_1069 = vector.shape_cast %get3A_724 : vector<16xf32> to vector<1x16xf32>
        tpu.vector_store %arg8[%parallel_loop3A_1065, %parallel_loop3A_1066], %parallel_loop3A_1069 {add = true, strides = array<i32>} : memref<128x256xf32, #tpu.memory_space<vmem>>, vector<1x16xf32>,
        %parallel_loop3A_1070 = arith.index_cast %parallel_loop3A_1039 : i32 to index
        %parallel_loop3A_1071 = arith.constant 96 : index
        %parallel_loop3A_1072 = tpu.vector_load %arg8[%parallel_loop3A_1070, %parallel_loop3A_1071] {strides = array<i32>} : memref<128x256xf32, #tpu.memory_space<vmem>>, vector<1x16xf32>,
        %parallel_loop3A_1073 = vector.shape_cast %parallel_loop3A_1072 : vector<1x16xf32> to vector<16xf32>
        %parallel_loop3A_1074 = vector.shape_cast %get3A_728 : vector<16xf32> to vector<1x16xf32>
        tpu.vector_store %arg8[%parallel_loop3A_1070, %parallel_loop3A_1071], %parallel_loop3A_1074 {add = true, strides = array<i32>} : memref<128x256xf32, #tpu.memory_space<vmem>>, vector<1x16xf32>,
        %parallel_loop3A_1075 = arith.index_cast %parallel_loop3A_1039 : i32 to index
        %parallel_loop3A_1076 = arith.constant 112 : index
        %parallel_loop3A_1077 = tpu.vector_load %arg8[%parallel_loop3A_1075, %parallel_loop3A_1076] {strides = array<i32>} : memref<128x256xf32, #tpu.memory_space<vmem>>, vector<1x16xf32>,
        %parallel_loop3A_1078 = vector.shape_cast %parallel_loop3A_1077 : vector<1x16xf32> to vector<16xf32>
        %parallel_loop3A_1079 = vector.shape_cast %get3A_732 : vector<16xf32> to vector<1x16xf32>
        tpu.vector_store %arg8[%parallel_loop3A_1075, %parallel_loop3A_1076], %parallel_loop3A_1079 {add = true, strides = array<i32>} : memref<128x256xf32, #tpu.memory_space<vmem>>, vector<1x16xf32>,
        %parallel_loop3A_1080 = arith.index_cast %parallel_loop3A_1039 : i32 to index
        %parallel_loop3A_1081 = arith.constant 128 : index
        %parallel_loop3A_1082 = tpu.vector_load %arg8[%parallel_loop3A_1080, %parallel_loop3A_1081] {strides = array<i32>} : memref<128x256xf32, #tpu.memory_space<vmem>>, vector<1x16xf32>,
        %parallel_loop3A_1083 = vector.shape_cast %parallel_loop3A_1082 : vector<1x16xf32> to vector<16xf32>
        %parallel_loop3A_1084 = vector.shape_cast %get3A_736 : vector<16xf32> to vector<1x16xf32>
        tpu.vector_store %arg8[%parallel_loop3A_1080, %parallel_loop3A_1081], %parallel_loop3A_1084 {add = true, strides = array<i32>} : memref<128x256xf32, #tpu.memory_space<vmem>>, vector<1x16xf32>,
        %parallel_loop3A_1085 = arith.index_cast %parallel_loop3A_1039 : i32 to index
        %parallel_loop3A_1086 = arith.constant 144 : index
        %parallel_loop3A_1087 = tpu.vector_load %arg8[%parallel_loop3A_1085, %parallel_loop3A_1086] {strides = array<i32>} : memref<128x256xf32, #tpu.memory_space<vmem>>, vector<1x16xf32>,
        %parallel_loop3A_1088 = vector.shape_cast %parallel_loop3A_1087 : vector<1x16xf32> to vector<16xf32>
        %parallel_loop3A_1089 = vector.shape_cast %get3A_740 : vector<16xf32> to vector<1x16xf32>
        tpu.vector_store %arg8[%parallel_loop3A_1085, %parallel_loop3A_1086], %parallel_loop3A_1089 {add = true, strides = array<i32>} : memref<128x256xf32, #tpu.memory_space<vmem>>, vector<1x16xf32>,
        %parallel_loop3A_1090 = arith.index_cast %parallel_loop3A_1039 : i32 to index
        %parallel_loop3A_1091 = arith.constant 160 : index
        %parallel_loop3A_1092 = tpu.vector_load %arg8[%parallel_loop3A_1090, %parallel_loop3A_1091] {strides = array<i32>} : memref<128x256xf32, #tpu.memory_space<vmem>>, vector<1x16xf32>,
        %parallel_loop3A_1093 = vector.shape_cast %parallel_loop3A_1092 : vector<1x16xf32> to vector<16xf32>
        %parallel_loop3A_1094 = vector.shape_cast %get3A_744 : vector<16xf32> to vector<1x16xf32>
        tpu.vector_store %arg8[%parallel_loop3A_1090, %parallel_loop3A_1091], %parallel_loop3A_1094 {add = true, strides = array<i32>} : memref<128x256xf32, #tpu.memory_space<vmem>>, vector<1x16xf32>,
        %parallel_loop3A_1095 = arith.index_cast %parallel_loop3A_1039 : i32 to index
        %parallel_loop3A_1096 = arith.constant 176 : index
        %parallel_loop3A_1097 = tpu.vector_load %arg8[%parallel_loop3A_1095, %parallel_loop3A_1096] {strides = array<i32>} : memref<128x256xf32, #tpu.memory_space<vmem>>, vector<1x16xf32>,
        %parallel_loop3A_1098 = vector.shape_cast %parallel_loop3A_1097 : vector<1x16xf32> to vector<16xf32>
        %parallel_loop3A_1099 = vector.shape_cast %get3A_748 : vector<16xf32> to vector<1x16xf32>
        tpu.vector_store %arg8[%parallel_loop3A_1095, %parallel_loop3A_1096], %parallel_loop3A_1099 {add = true, strides = array<i32>} : memref<128x256xf32, #tpu.memory_space<vmem>>, vector<1x16xf32>,
        %parallel_loop3A_1100 = arith.index_cast %parallel_loop3A_1039 : i32 to index
        %parallel_loop3A_1101 = arith.constant 192 : index
        %parallel_loop3A_1102 = tpu.vector_load %arg8[%parallel_loop3A_1100, %parallel_loop3A_1101] {strides = array<i32>} : memref<128x256xf32, #tpu.memory_space<vmem>>, vector<1x16xf32>,
        %parallel_loop3A_1103 = vector.shape_cast %parallel_loop3A_1102 : vector<1x16xf32> to vector<16xf32>
        %parallel_loop3A_1104 = vector.shape_cast %get3A_752 : vector<16xf32> to vector<1x16xf32>
        tpu.vector_store %arg8[%parallel_loop3A_1100, %parallel_loop3A_1101], %parallel_loop3A_1104 {add = true, strides = array<i32>} : memref<128x256xf32, #tpu.memory_space<vmem>>, vector<1x16xf32>,
        %parallel_loop3A_1105 = arith.index_cast %parallel_loop3A_1039 : i32 to index
        %parallel_loop3A_1106 = arith.constant 208 : index
        %parallel_loop3A_1107 = tpu.vector_load %arg8[%parallel_loop3A_1105, %parallel_loop3A_1106] {strides = array<i32>} : memref<128x256xf32, #tpu.memory_space<vmem>>, vector<1x16xf32>,
        %parallel_loop3A_1108 = vector.shape_cast %parallel_loop3A_1107 : vector<1x16xf32> to vector<16xf32>
        %parallel_loop3A_1109 = vector.shape_cast %get3A_756 : vector<16xf32> to vector<1x16xf32>
        tpu.vector_store %arg8[%parallel_loop3A_1105, %parallel_loop3A_1106], %parallel_loop3A_1109 {add = true, strides = array<i32>} : memref<128x256xf32, #tpu.memory_space<vmem>>, vector<1x16xf32>,
        %parallel_loop3A_1110 = arith.index_cast %parallel_loop3A_1039 : i32 to index
        %parallel_loop3A_1111 = arith.constant 224 : index
        %parallel_loop3A_1112 = tpu.vector_load %arg8[%parallel_loop3A_1110, %parallel_loop3A_1111] {strides = array<i32>} : memref<128x256xf32, #tpu.memory_space<vmem>>, vector<1x16xf32>,
        %parallel_loop3A_1113 = vector.shape_cast %parallel_loop3A_1112 : vector<1x16xf32> to vector<16xf32>
        %parallel_loop3A_1114 = vector.shape_cast %get3A_760 : vector<16xf32> to vector<1x16xf32>
        tpu.vector_store %arg8[%parallel_loop3A_1110, %parallel_loop3A_1111], %parallel_loop3A_1114 {add = true, strides = array<i32>} : memref<128x256xf32, #tpu.memory_space<vmem>>, vector<1x16xf32>,
        %parallel_loop3A_1115 = arith.index_cast %parallel_loop3A_1039 : i32 to index
        %parallel_loop3A_1116 = arith.constant 240 : index
        %parallel_loop3A_1117 = tpu.vector_load %arg8[%parallel_loop3A_1115, %parallel_loop3A_1116] {strides = array<i32>} : memref<128x256xf32, #tpu.memory_space<vmem>>, vector<1x16xf32>,
        %parallel_loop3A_1118 = vector.shape_cast %parallel_loop3A_1117 : vector<1x16xf32> to vector<16xf32>
        %parallel_loop3A_1119 = vector.shape_cast %get3A_764 : vector<16xf32> to vector<1x16xf32>
        tpu.vector_store %arg8[%parallel_loop3A_1115, %parallel_loop3A_1116], %parallel_loop3A_1119 {add = true, strides = array<i32>} : memref<128x256xf32, #tpu.memory_space<vmem>>, vector<1x16xf32>,
      } {sc.loop_unroll_factor = 2 : i64, sc.parallel_access}
      %dma_start3A_768 = arith.constant 0 : i32
      %dma_start3A_769 = arith.constant 0 : i32
      %dma_start3A_770 = tpu.memref_slice %arg8[%dma_start3A_768, %dma_start3A_769] : memref<128x256xf32, #tpu.memory_space<vmem>> -> memref<64x256xf32, #tpu.memory_space<vmem>>
      %dma_start3A_771 = arith.constant 0 : i32
      %dma_start3A_772 = tpu.memref_slice %arg5[%add3A_678, %mul3A_2, %dma_start3A_771] : memref<77x4096x256xf32, #tpu.memory_space<hbm>> -> memref<1x64x256xf32, #tpu.memory_space<hbm>>
      %dma_start3A_773 = tpu.memref_squeeze %dma_start3A_772 : memref<1x64x256xf32, #tpu.memory_space<hbm>> -> memref<64x256xf32, #tpu.memory_space<hbm>>
      %dma_start3A_774 = arith.constant 0 : i32
      %dma_start3A_775 = tpu.memref_slice %arg5[%add3A_678, %mul3A_2, %dma_start3A_774] : memref<77x4096x256xf32, #tpu.memory_space<hbm>> -> memref<1x64x256xf32, #tpu.memory_space<hbm>>
      %dma_start3A_776 = tpu.memref_squeeze %dma_start3A_775 : memref<1x64x256xf32, #tpu.memory_space<hbm>> -> memref<64x256xf32, #tpu.memory_space<hbm>>
      %dma_start3A_777 = arith.constant 0 : i32
      %dma_start3A_778 = arith.constant 0 : i32
      %dma_start3A_779 = tpu.memref_slice %arg8[%dma_start3A_777, %dma_start3A_778] : memref<128x256xf32, #tpu.memory_space<vmem>> -> memref<64x256xf32, #tpu.memory_space<vmem>>
      tpu.enqueue_dma source(%dma_start3A_779 : memref<64x256xf32, #tpu.memory_space<vmem>>) target(%dma_start3A_776 : memref<64x256xf32, #tpu.memory_space<hbm>>) target_semaphore(%arg14 : memref<!tpu.dma_semaphore, #tpu.memory_space<semaphore_mem>>)
      %parallel_loop3A_780 = arith.constant 64 : i32
      %parallel_loop3A_781 = arith.constant 128 : i32
      %parallel_loop3A_782 = arith.constant 1 : i32
      scf.for %parallel_loop3A_1039 = %parallel_loop3A_780 to %parallel_loop3A_781 step %parallel_loop3A_782  : i32 {
        %parallel_loop3A_1040 = arith.index_cast %parallel_loop3A_1039 : i32 to index
        %parallel_loop3A_1041 = arith.constant 0 : index
        %parallel_loop3A_1042 = tpu.vector_load %arg8[%parallel_loop3A_1040, %parallel_loop3A_1041] {strides = array<i32>} : memref<128x256xf32, #tpu.memory_space<vmem>>, vector<1x16xf32>,
        %parallel_loop3A_1043 = vector.shape_cast %parallel_loop3A_1042 : vector<1x16xf32> to vector<16xf32>
        %parallel_loop3A_1044 = vector.shape_cast %get3A_704 : vector<16xf32> to vector<1x16xf32>
        tpu.vector_store %arg8[%parallel_loop3A_1040, %parallel_loop3A_1041], %parallel_loop3A_1044 {add = true, strides = array<i32>} : memref<128x256xf32, #tpu.memory_space<vmem>>, vector<1x16xf32>,
        %parallel_loop3A_1045 = arith.index_cast %parallel_loop3A_1039 : i32 to index
        %parallel_loop3A_1046 = arith.constant 16 : index
        %parallel_loop3A_1047 = tpu.vector_load %arg8[%parallel_loop3A_1045, %parallel_loop3A_1046] {strides = array<i32>} : memref<128x256xf32, #tpu.memory_space<vmem>>, vector<1x16xf32>,
        %parallel_loop3A_1048 = vector.shape_cast %parallel_loop3A_1047 : vector<1x16xf32> to vector<16xf32>
        %parallel_loop3A_1049 = vector.shape_cast %get3A_708 : vector<16xf32> to vector<1x16xf32>
        tpu.vector_store %arg8[%parallel_loop3A_1045, %parallel_loop3A_1046], %parallel_loop3A_1049 {add = true, strides = array<i32>} : memref<128x256xf32, #tpu.memory_space<vmem>>, vector<1x16xf32>,
        %parallel_loop3A_1050 = arith.index_cast %parallel_loop3A_1039 : i32 to index
        %parallel_loop3A_1051 = arith.constant 32 : index
        %parallel_loop3A_1052 = tpu.vector_load %arg8[%parallel_loop3A_1050, %parallel_loop3A_1051] {strides = array<i32>} : memref<128x256xf32, #tpu.memory_space<vmem>>, vector<1x16xf32>,
        %parallel_loop3A_1053 = vector.shape_cast %parallel_loop3A_1052 : vector<1x16xf32> to vector<16xf32>
        %parallel_loop3A_1054 = vector.shape_cast %get3A_712 : vector<16xf32> to vector<1x16xf32>
        tpu.vector_store %arg8[%parallel_loop3A_1050, %parallel_loop3A_1051], %parallel_loop3A_1054 {add = true, strides = array<i32>} : memref<128x256xf32, #tpu.memory_space<vmem>>, vector<1x16xf32>,
        %parallel_loop3A_1055 = arith.index_cast %parallel_loop3A_1039 : i32 to index
        %parallel_loop3A_1056 = arith.constant 48 : index
        %parallel_loop3A_1057 = tpu.vector_load %arg8[%parallel_loop3A_1055, %parallel_loop3A_1056] {strides = array<i32>} : memref<128x256xf32, #tpu.memory_space<vmem>>, vector<1x16xf32>,
        %parallel_loop3A_1058 = vector.shape_cast %parallel_loop3A_1057 : vector<1x16xf32> to vector<16xf32>
        %parallel_loop3A_1059 = vector.shape_cast %get3A_716 : vector<16xf32> to vector<1x16xf32>
        tpu.vector_store %arg8[%parallel_loop3A_1055, %parallel_loop3A_1056], %parallel_loop3A_1059 {add = true, strides = array<i32>} : memref<128x256xf32, #tpu.memory_space<vmem>>, vector<1x16xf32>,
        %parallel_loop3A_1060 = arith.index_cast %parallel_loop3A_1039 : i32 to index
        %parallel_loop3A_1061 = arith.constant 64 : index
        %parallel_loop3A_1062 = tpu.vector_load %arg8[%parallel_loop3A_1060, %parallel_loop3A_1061] {strides = array<i32>} : memref<128x256xf32, #tpu.memory_space<vmem>>, vector<1x16xf32>,
        %parallel_loop3A_1063 = vector.shape_cast %parallel_loop3A_1062 : vector<1x16xf32> to vector<16xf32>
        %parallel_loop3A_1064 = vector.shape_cast %get3A_720 : vector<16xf32> to vector<1x16xf32>
        tpu.vector_store %arg8[%parallel_loop3A_1060, %parallel_loop3A_1061], %parallel_loop3A_1064 {add = true, strides = array<i32>} : memref<128x256xf32, #tpu.memory_space<vmem>>, vector<1x16xf32>,
        %parallel_loop3A_1065 = arith.index_cast %parallel_loop3A_1039 : i32 to index
        %parallel_loop3A_1066 = arith.constant 80 : index
        %parallel_loop3A_1067 = tpu.vector_load %arg8[%parallel_loop3A_1065, %parallel_loop3A_1066] {strides = array<i32>} : memref<128x256xf32, #tpu.memory_space<vmem>>, vector<1x16xf32>,
        %parallel_loop3A_1068 = vector.shape_cast %parallel_loop3A_1067 : vector<1x16xf32> to vector<16xf32>
        %parallel_loop3A_1069 = vector.shape_cast %get3A_724 : vector<16xf32> to vector<1x16xf32>
        tpu.vector_store %arg8[%parallel_loop3A_1065, %parallel_loop3A_1066], %parallel_loop3A_1069 {add = true, strides = array<i32>} : memref<128x256xf32, #tpu.memory_space<vmem>>, vector<1x16xf32>,
        %parallel_loop3A_1070 = arith.index_cast %parallel_loop3A_1039 : i32 to index
        %parallel_loop3A_1071 = arith.constant 96 : index
        %parallel_loop3A_1072 = tpu.vector_load %arg8[%parallel_loop3A_1070, %parallel_loop3A_1071] {strides = array<i32>} : memref<128x256xf32, #tpu.memory_space<vmem>>, vector<1x16xf32>,
        %parallel_loop3A_1073 = vector.shape_cast %parallel_loop3A_1072 : vector<1x16xf32> to vector<16xf32>
        %parallel_loop3A_1074 = vector.shape_cast %get3A_728 : vector<16xf32> to vector<1x16xf32>
        tpu.vector_store %arg8[%parallel_loop3A_1070, %parallel_loop3A_1071], %parallel_loop3A_1074 {add = true, strides = array<i32>} : memref<128x256xf32, #tpu.memory_space<vmem>>, vector<1x16xf32>,
        %parallel_loop3A_1075 = arith.index_cast %parallel_loop3A_1039 : i32 to index
        %parallel_loop3A_1076 = arith.constant 112 : index
        %parallel_loop3A_1077 = tpu.vector_load %arg8[%parallel_loop3A_1075, %parallel_loop3A_1076] {strides = array<i32>} : memref<128x256xf32, #tpu.memory_space<vmem>>, vector<1x16xf32>,
        %parallel_loop3A_1078 = vector.shape_cast %parallel_loop3A_1077 : vector<1x16xf32> to vector<16xf32>
        %parallel_loop3A_1079 = vector.shape_cast %get3A_732 : vector<16xf32> to vector<1x16xf32>
        tpu.vector_store %arg8[%parallel_loop3A_1075, %parallel_loop3A_1076], %parallel_loop3A_1079 {add = true, strides = array<i32>} : memref<128x256xf32, #tpu.memory_space<vmem>>, vector<1x16xf32>,
        %parallel_loop3A_1080 = arith.index_cast %parallel_loop3A_1039 : i32 to index
        %parallel_loop3A_1081 = arith.constant 128 : index
        %parallel_loop3A_1082 = tpu.vector_load %arg8[%parallel_loop3A_1080, %parallel_loop3A_1081] {strides = array<i32>} : memref<128x256xf32, #tpu.memory_space<vmem>>, vector<1x16xf32>,
        %parallel_loop3A_1083 = vector.shape_cast %parallel_loop3A_1082 : vector<1x16xf32> to vector<16xf32>
        %parallel_loop3A_1084 = vector.shape_cast %get3A_736 : vector<16xf32> to vector<1x16xf32>
        tpu.vector_store %arg8[%parallel_loop3A_1080, %parallel_loop3A_1081], %parallel_loop3A_1084 {add = true, strides = array<i32>} : memref<128x256xf32, #tpu.memory_space<vmem>>, vector<1x16xf32>,
        %parallel_loop3A_1085 = arith.index_cast %parallel_loop3A_1039 : i32 to index
        %parallel_loop3A_1086 = arith.constant 144 : index
        %parallel_loop3A_1087 = tpu.vector_load %arg8[%parallel_loop3A_1085, %parallel_loop3A_1086] {strides = array<i32>} : memref<128x256xf32, #tpu.memory_space<vmem>>, vector<1x16xf32>,
        %parallel_loop3A_1088 = vector.shape_cast %parallel_loop3A_1087 : vector<1x16xf32> to vector<16xf32>
        %parallel_loop3A_1089 = vector.shape_cast %get3A_740 : vector<16xf32> to vector<1x16xf32>
        tpu.vector_store %arg8[%parallel_loop3A_1085, %parallel_loop3A_1086], %parallel_loop3A_1089 {add = true, strides = array<i32>} : memref<128x256xf32, #tpu.memory_space<vmem>>, vector<1x16xf32>,
        %parallel_loop3A_1090 = arith.index_cast %parallel_loop3A_1039 : i32 to index
        %parallel_loop3A_1091 = arith.constant 160 : index
        %parallel_loop3A_1092 = tpu.vector_load %arg8[%parallel_loop3A_1090, %parallel_loop3A_1091] {strides = array<i32>} : memref<128x256xf32, #tpu.memory_space<vmem>>, vector<1x16xf32>,
        %parallel_loop3A_1093 = vector.shape_cast %parallel_loop3A_1092 : vector<1x16xf32> to vector<16xf32>
        %parallel_loop3A_1094 = vector.shape_cast %get3A_744 : vector<16xf32> to vector<1x16xf32>
        tpu.vector_store %arg8[%parallel_loop3A_1090, %parallel_loop3A_1091], %parallel_loop3A_1094 {add = true, strides = array<i32>} : memref<128x256xf32, #tpu.memory_space<vmem>>, vector<1x16xf32>,
        %parallel_loop3A_1095 = arith.index_cast %parallel_loop3A_1039 : i32 to index
        %parallel_loop3A_1096 = arith.constant 176 : index
        %parallel_loop3A_1097 = tpu.vector_load %arg8[%parallel_loop3A_1095, %parallel_loop3A_1096] {strides = array<i32>} : memref<128x256xf32, #tpu.memory_space<vmem>>, vector<1x16xf32>,
        %parallel_loop3A_1098 = vector.shape_cast %parallel_loop3A_1097 : vector<1x16xf32> to vector<16xf32>
        %parallel_loop3A_1099 = vector.shape_cast %get3A_748 : vector<16xf32> to vector<1x16xf32>
        tpu.vector_store %arg8[%parallel_loop3A_1095, %parallel_loop3A_1096], %parallel_loop3A_1099 {add = true, strides = array<i32>} : memref<128x256xf32, #tpu.memory_space<vmem>>, vector<1x16xf32>,
        %parallel_loop3A_1100 = arith.index_cast %parallel_loop3A_1039 : i32 to index
        %parallel_loop3A_1101 = arith.constant 192 : index
        %parallel_loop3A_1102 = tpu.vector_load %arg8[%parallel_loop3A_1100, %parallel_loop3A_1101] {strides = array<i32>} : memref<128x256xf32, #tpu.memory_space<vmem>>, vector<1x16xf32>,
        %parallel_loop3A_1103 = vector.shape_cast %parallel_loop3A_1102 : vector<1x16xf32> to vector<16xf32>
        %parallel_loop3A_1104 = vector.shape_cast %get3A_752 : vector<16xf32> to vector<1x16xf32>
        tpu.vector_store %arg8[%parallel_loop3A_1100, %parallel_loop3A_1101], %parallel_loop3A_1104 {add = true, strides = array<i32>} : memref<128x256xf32, #tpu.memory_space<vmem>>, vector<1x16xf32>,
        %parallel_loop3A_1105 = arith.index_cast %parallel_loop3A_1039 : i32 to index
        %parallel_loop3A_1106 = arith.constant 208 : index
        %parallel_loop3A_1107 = tpu.vector_load %arg8[%parallel_loop3A_1105, %parallel_loop3A_1106] {strides = array<i32>} : memref<128x256xf32, #tpu.memory_space<vmem>>, vector<1x16xf32>,
        %parallel_loop3A_1108 = vector.shape_cast %parallel_loop3A_1107 : vector<1x16xf32> to vector<16xf32>
        %parallel_loop3A_1109 = vector.shape_cast %get3A_756 : vector<16xf32> to vector<1x16xf32>
        tpu.vector_store %arg8[%parallel_loop3A_1105, %parallel_loop3A_1106], %parallel_loop3A_1109 {add = true, strides = array<i32>} : memref<128x256xf32, #tpu.memory_space<vmem>>, vector<1x16xf32>,
        %parallel_loop3A_1110 = arith.index_cast %parallel_loop3A_1039 : i32 to index
        %parallel_loop3A_1111 = arith.constant 224 : index
        %parallel_loop3A_1112 = tpu.vector_load %arg8[%parallel_loop3A_1110, %parallel_loop3A_1111] {strides = array<i32>} : memref<128x256xf32, #tpu.memory_space<vmem>>, vector<1x16xf32>,
        %parallel_loop3A_1113 = vector.shape_cast %parallel_loop3A_1112 : vector<1x16xf32> to vector<16xf32>
        %parallel_loop3A_1114 = vector.shape_cast %get3A_760 : vector<16xf32> to vector<1x16xf32>
        tpu.vector_store %arg8[%parallel_loop3A_1110, %parallel_loop3A_1111], %parallel_loop3A_1114 {add = true, strides = array<i32>} : memref<128x256xf32, #tpu.memory_space<vmem>>, vector<1x16xf32>,
        %parallel_loop3A_1115 = arith.index_cast %parallel_loop3A_1039 : i32 to index
        %parallel_loop3A_1116 = arith.constant 240 : index
        %parallel_loop3A_1117 = tpu.vector_load %arg8[%parallel_loop3A_1115, %parallel_loop3A_1116] {strides = array<i32>} : memref<128x256xf32, #tpu.memory_space<vmem>>, vector<1x16xf32>,
        %parallel_loop3A_1118 = vector.shape_cast %parallel_loop3A_1117 : vector<1x16xf32> to vector<16xf32>
        %parallel_loop3A_1119 = vector.shape_cast %get3A_764 : vector<16xf32> to vector<1x16xf32>
        tpu.vector_store %arg8[%parallel_loop3A_1115, %parallel_loop3A_1116], %parallel_loop3A_1119 {add = true, strides = array<i32>} : memref<128x256xf32, #tpu.memory_space<vmem>>, vector<1x16xf32>,
      } {sc.loop_unroll_factor = 2 : i64, sc.parallel_access}
      %add3A_783 = arith.constant 64 : i32
      %add3A_784 = arith.addi %mul3A_2, %add3A_783 : i32
      %dma_start3A_785 = arith.constant 64 : i32
      %dma_start3A_786 = arith.constant 0 : i32
      %dma_start3A_787 = tpu.memref_slice %arg8[%dma_start3A_785, %dma_start3A_786] : memref<128x256xf32, #tpu.memory_space<vmem>> -> memref<64x256xf32, #tpu.memory_space<vmem>>
      %dma_start3A_788 = arith.constant 0 : i32
      %dma_start3A_789 = tpu.memref_slice %arg5[%add3A_678, %add3A_784, %dma_start3A_788] : memref<77x4096x256xf32, #tpu.memory_space<hbm>> -> memref<1x64x256xf32, #tpu.memory_space<hbm>>
      %dma_start3A_790 = tpu.memref_squeeze %dma_start3A_789 : memref<1x64x256xf32, #tpu.memory_space<hbm>> -> memref<64x256xf32, #tpu.memory_space<hbm>>
      %dma_start3A_791 = arith.constant 0 : i32
      %dma_start3A_792 = tpu.memref_slice %arg5[%add3A_678, %add3A_784, %dma_start3A_791] : memref<77x4096x256xf32, #tpu.memory_space<hbm>> -> memref<1x64x256xf32, #tpu.memory_space<hbm>>
      %dma_start3A_793 = tpu.memref_squeeze %dma_start3A_792 : memref<1x64x256xf32, #tpu.memory_space<hbm>> -> memref<64x256xf32, #tpu.memory_space<hbm>>
      %dma_start3A_794 = arith.constant 64 : i32
      %dma_start3A_795 = arith.constant 0 : i32
      %dma_start3A_796 = tpu.memref_slice %arg8[%dma_start3A_794, %dma_start3A_795] : memref<128x256xf32, #tpu.memory_space<vmem>> -> memref<64x256xf32, #tpu.memory_space<vmem>>
      tpu.enqueue_dma source(%dma_start3A_796 : memref<64x256xf32, #tpu.memory_space<vmem>>) target(%dma_start3A_793 : memref<64x256xf32, #tpu.memory_space<hbm>>) target_semaphore(%arg14 : memref<!tpu.dma_semaphore, #tpu.memory_space<semaphore_mem>>)
      %add3A_797 = arith.constant 1 : i32
      %add3A_798 = arith.addi %mul3A_676, %add3A_797 : i32
      %dma_wait3A_799 = arith.constant 0 : i32
      %dma_wait3A_800 = arith.constant 0 : i32
      %dma_wait3A_801 = tpu.memref_slice %arg5[%dma_wait3A_799, %mul3A_2, %dma_wait3A_800] : memref<77x4096x256xf32, #tpu.memory_space<hbm>> -> memref<1x128x256xf32, #tpu.memory_space<hbm>>
      %dma_wait3A_802 = tpu.memref_squeeze %dma_wait3A_801 : memref<1x128x256xf32, #tpu.memory_space<hbm>> -> memref<128x256xf32, #tpu.memory_space<hbm>>
      %dma_wait3A_803 = arith.constant 0 : i32
      %dma_wait3A_804 = tpu.memref_slice %arg5[%dma_wait3A_799, %mul3A_2, %dma_wait3A_803] : memref<77x4096x256xf32, #tpu.memory_space<hbm>> -> memref<1x128x256xf32, #tpu.memory_space<hbm>>
      %dma_wait3A_805 = tpu.memref_squeeze %dma_wait3A_804 : memref<1x128x256xf32, #tpu.memory_space<hbm>> -> memref<128x256xf32, #tpu.memory_space<hbm>>
      tpu.wait_dma2 semaphore(%arg14 : memref<!tpu.dma_semaphore, #tpu.memory_space<semaphore_mem>>) src(%arg8 : memref<128x256xf32, #tpu.memory_space<vmem>>) dst(%dma_wait3A_805 : memref<128x256xf32, #tpu.memory_space<hbm>>)
      %add3A_806 = arith.constant 3 : i32
      %add3A_807 = arith.addi %add3A_798, %add3A_806 : i32
      %sub3A_808 = arith.constant 1 : i32
      %sub3A_809 = arith.subi %add3A_807, %sub3A_808 : i32
      %dma_start3A_810 = arith.constant 0 : i32
      %dma_start3A_811 = tpu.memref_slice %arg6[%sub3A_809, %dma_start3A_810] : memref<77x128xi32, #tpu.memory_space<vmem>> -> memref<1x128xi32, #tpu.memory_space<vmem>>
      %dma_start3A_812 = tpu.memref_squeeze %dma_start3A_811 : memref<1x128xi32, #tpu.memory_space<vmem>> -> memref<128xi32, #tpu.memory_space<vmem>>
      %dma_start3A_813 = arith.constant 0 : i32
      %dma_start3A_814 = arith.constant 0 : i32
      %dma_start3A_815 = tpu.memref_slice %arg3[%dma_start3A_813, %dma_start3A_814] : memref<49408x256xf32, #tpu.memory_space<hbm>> -> memref<49408x256xf32, #tpu.memory_space<hbm>>
      tpu.enqueue_indirect_dma source(%dma_start3A_815 : memref<49408x256xf32, #tpu.memory_space<hbm>>) target(%arg8 : memref<128x256xf32, #tpu.memory_space<vmem>>) offsets(%dma_start3A_812 : memref<128xi32, #tpu.memory_space<vmem>>) semaphore(%arg11 : memref<!tpu.dma_semaphore, #tpu.memory_space<semaphore_mem>>)
      %dma_wait3A_816 = arith.constant 0 : i32
      %dma_wait3A_817 = arith.constant 0 : i32
      %dma_wait3A_818 = tpu.memref_slice %arg3[%dma_wait3A_816, %dma_wait3A_817] : memref<49408x256xf32, #tpu.memory_space<hbm>> -> memref<128x256xf32, #tpu.memory_space<hbm>>
      %dma_wait3A_819 = arith.constant 0 : i32
      %dma_wait3A_820 = arith.constant 0 : i32
      %dma_wait3A_821 = tpu.memref_slice %arg3[%dma_wait3A_819, %dma_wait3A_820] : memref<49408x256xf32, #tpu.memory_space<hbm>> -> memref<128x256xf32, #tpu.memory_space<hbm>>
      tpu.wait_dma2 semaphore(%arg12 : memref<!tpu.dma_semaphore, #tpu.memory_space<semaphore_mem>>) src(%dma_wait3A_821 : memref<128x256xf32, #tpu.memory_space<hbm>>) dst(%arg9 : memref<128x256xf32, #tpu.memory_space<vmem>>)
      %get3A_822 = arith.index_cast %add3A_798 : i32 to index
      %get3A_823 = arith.constant 0 : index
      %get3A_824 = tpu.vector_load %arg7[%get3A_822, %get3A_823] {strides = array<i32>} : memref<77x256xf32, #tpu.memory_space<vmem>>, vector<1x16xf32>,
      %get3A_825 = vector.shape_cast %get3A_824 : vector<1x16xf32> to vector<16xf32>
      %get3A_826 = arith.index_cast %add3A_798 : i32 to index
      %get3A_827 = arith.constant 16 : index
      %get3A_828 = tpu.vector_load %arg7[%get3A_826, %get3A_827] {strides = array<i32>} : memref<77x256xf32, #tpu.memory_space<vmem>>, vector<1x16xf32>,
      %get3A_829 = vector.shape_cast %get3A_828 : vector<1x16xf32> to vector<16xf32>
      %get3A_830 = arith.index_cast %add3A_798 : i32 to index
      %get3A_831 = arith.constant 32 : index
      %get3A_832 = tpu.vector_load %arg7[%get3A_830, %get3A_831] {strides = array<i32>} : memref<77x256xf32, #tpu.memory_space<vmem>>, vector<1x16xf32>,
      %get3A_833 = vector.shape_cast %get3A_832 : vector<1x16xf32> to vector<16xf32>
      %get3A_834 = arith.index_cast %add3A_798 : i32 to index
      %get3A_835 = arith.constant 48 : index
      %get3A_836 = tpu.vector_load %arg7[%get3A_834, %get3A_835] {strides = array<i32>} : memref<77x256xf32, #tpu.memory_space<vmem>>, vector<1x16xf32>,
      %get3A_837 = vector.shape_cast %get3A_836 : vector<1x16xf32> to vector<16xf32>
      %get3A_838 = arith.index_cast %add3A_798 : i32 to index
      %get3A_839 = arith.constant 64 : index
      %get3A_840 = tpu.vector_load %arg7[%get3A_838, %get3A_839] {strides = array<i32>} : memref<77x256xf32, #tpu.memory_space<vmem>>, vector<1x16xf32>,
      %get3A_841 = vector.shape_cast %get3A_840 : vector<1x16xf32> to vector<16xf32>
      %get3A_842 = arith.index_cast %add3A_798 : i32 to index
      %get3A_843 = arith.constant 80 : index
      %get3A_844 = tpu.vector_load %arg7[%get3A_842, %get3A_843] {strides = array<i32>} : memref<77x256xf32, #tpu.memory_space<vmem>>, vector<1x16xf32>,
      %get3A_845 = vector.shape_cast %get3A_844 : vector<1x16xf32> to vector<16xf32>
      %get3A_846 = arith.index_cast %add3A_798 : i32 to index
      %get3A_847 = arith.constant 96 : index
      %get3A_848 = tpu.vector_load %arg7[%get3A_846, %get3A_847] {strides = array<i32>} : memref<77x256xf32, #tpu.memory_space<vmem>>, vector<1x16xf32>,
      %get3A_849 = vector.shape_cast %get3A_848 : vector<1x16xf32> to vector<16xf32>
      %get3A_850 = arith.index_cast %add3A_798 : i32 to index
      %get3A_851 = arith.constant 112 : index
      %get3A_852 = tpu.vector_load %arg7[%get3A_850, %get3A_851] {strides = array<i32>} : memref<77x256xf32, #tpu.memory_space<vmem>>, vector<1x16xf32>,
      %get3A_853 = vector.shape_cast %get3A_852 : vector<1x16xf32> to vector<16xf32>
      %get3A_854 = arith.index_cast %add3A_798 : i32 to index
      %get3A_855 = arith.constant 128 : index
      %get3A_856 = tpu.vector_load %arg7[%get3A_854, %get3A_855] {strides = array<i32>} : memref<77x256xf32, #tpu.memory_space<vmem>>, vector<1x16xf32>,
      %get3A_857 = vector.shape_cast %get3A_856 : vector<1x16xf32> to vector<16xf32>
      %get3A_858 = arith.index_cast %add3A_798 : i32 to index
      %get3A_859 = arith.constant 144 : index
      %get3A_860 = tpu.vector_load %arg7[%get3A_858, %get3A_859] {strides = array<i32>} : memref<77x256xf32, #tpu.memory_space<vmem>>, vector<1x16xf32>,
      %get3A_861 = vector.shape_cast %get3A_860 : vector<1x16xf32> to vector<16xf32>
      %get3A_862 = arith.index_cast %add3A_798 : i32 to index
      %get3A_863 = arith.constant 160 : index
      %get3A_864 = tpu.vector_load %arg7[%get3A_862, %get3A_863] {strides = array<i32>} : memref<77x256xf32, #tpu.memory_space<vmem>>, vector<1x16xf32>,
      %get3A_865 = vector.shape_cast %get3A_864 : vector<1x16xf32> to vector<16xf32>
      %get3A_866 = arith.index_cast %add3A_798 : i32 to index
      %get3A_867 = arith.constant 176 : index
      %get3A_868 = tpu.vector_load %arg7[%get3A_866, %get3A_867] {strides = array<i32>} : memref<77x256xf32, #tpu.memory_space<vmem>>, vector<1x16xf32>,
      %get3A_869 = vector.shape_cast %get3A_868 : vector<1x16xf32> to vector<16xf32>
      %get3A_870 = arith.index_cast %add3A_798 : i32 to index
      %get3A_871 = arith.constant 192 : index
      %get3A_872 = tpu.vector_load %arg7[%get3A_870, %get3A_871] {strides = array<i32>} : memref<77x256xf32, #tpu.memory_space<vmem>>, vector<1x16xf32>,
      %get3A_873 = vector.shape_cast %get3A_872 : vector<1x16xf32> to vector<16xf32>
      %get3A_874 = arith.index_cast %add3A_798 : i32 to index
      %get3A_875 = arith.constant 208 : index
      %get3A_876 = tpu.vector_load %arg7[%get3A_874, %get3A_875] {strides = array<i32>} : memref<77x256xf32, #tpu.memory_space<vmem>>, vector<1x16xf32>,
      %get3A_877 = vector.shape_cast %get3A_876 : vector<1x16xf32> to vector<16xf32>
      %get3A_878 = arith.index_cast %add3A_798 : i32 to index
      %get3A_879 = arith.constant 224 : index
      %get3A_880 = tpu.vector_load %arg7[%get3A_878, %get3A_879] {strides = array<i32>} : memref<77x256xf32, #tpu.memory_space<vmem>>, vector<1x16xf32>,
      %get3A_881 = vector.shape_cast %get3A_880 : vector<1x16xf32> to vector<16xf32>
      %get3A_882 = arith.index_cast %add3A_798 : i32 to index
      %get3A_883 = arith.constant 240 : index
      %get3A_884 = tpu.vector_load %arg7[%get3A_882, %get3A_883] {strides = array<i32>} : memref<77x256xf32, #tpu.memory_space<vmem>>, vector<1x16xf32>,
      %get3A_885 = vector.shape_cast %get3A_884 : vector<1x16xf32> to vector<16xf32>
      %parallel_loop3A_886 = arith.constant 0 : i32
      %parallel_loop3A_887 = arith.constant 64 : i32
      %parallel_loop3A_888 = arith.constant 1 : i32
      scf.for %parallel_loop3A_1039 = %parallel_loop3A_886 to %parallel_loop3A_887 step %parallel_loop3A_888  : i32 {
        %parallel_loop3A_1040 = arith.index_cast %parallel_loop3A_1039 : i32 to index
        %parallel_loop3A_1041 = arith.constant 0 : index
        %parallel_loop3A_1042 = tpu.vector_load %arg9[%parallel_loop3A_1040, %parallel_loop3A_1041] {strides = array<i32>} : memref<128x256xf32, #tpu.memory_space<vmem>>, vector<1x16xf32>,
        %parallel_loop3A_1043 = vector.shape_cast %parallel_loop3A_1042 : vector<1x16xf32> to vector<16xf32>
        %parallel_loop3A_1044 = vector.shape_cast %get3A_825 : vector<16xf32> to vector<1x16xf32>
        tpu.vector_store %arg9[%parallel_loop3A_1040, %parallel_loop3A_1041], %parallel_loop3A_1044 {add = true, strides = array<i32>} : memref<128x256xf32, #tpu.memory_space<vmem>>, vector<1x16xf32>,
        %parallel_loop3A_1045 = arith.index_cast %parallel_loop3A_1039 : i32 to index
        %parallel_loop3A_1046 = arith.constant 16 : index
        %parallel_loop3A_1047 = tpu.vector_load %arg9[%parallel_loop3A_1045, %parallel_loop3A_1046] {strides = array<i32>} : memref<128x256xf32, #tpu.memory_space<vmem>>, vector<1x16xf32>,
        %parallel_loop3A_1048 = vector.shape_cast %parallel_loop3A_1047 : vector<1x16xf32> to vector<16xf32>
        %parallel_loop3A_1049 = vector.shape_cast %get3A_829 : vector<16xf32> to vector<1x16xf32>
        tpu.vector_store %arg9[%parallel_loop3A_1045, %parallel_loop3A_1046], %parallel_loop3A_1049 {add = true, strides = array<i32>} : memref<128x256xf32, #tpu.memory_space<vmem>>, vector<1x16xf32>,
        %parallel_loop3A_1050 = arith.index_cast %parallel_loop3A_1039 : i32 to index
        %parallel_loop3A_1051 = arith.constant 32 : index
        %parallel_loop3A_1052 = tpu.vector_load %arg9[%parallel_loop3A_1050, %parallel_loop3A_1051] {strides = array<i32>} : memref<128x256xf32, #tpu.memory_space<vmem>>, vector<1x16xf32>,
        %parallel_loop3A_1053 = vector.shape_cast %parallel_loop3A_1052 : vector<1x16xf32> to vector<16xf32>
        %parallel_loop3A_1054 = vector.shape_cast %get3A_833 : vector<16xf32> to vector<1x16xf32>
        tpu.vector_store %arg9[%parallel_loop3A_1050, %parallel_loop3A_1051], %parallel_loop3A_1054 {add = true, strides = array<i32>} : memref<128x256xf32, #tpu.memory_space<vmem>>, vector<1x16xf32>,
        %parallel_loop3A_1055 = arith.index_cast %parallel_loop3A_1039 : i32 to index
        %parallel_loop3A_1056 = arith.constant 48 : index
        %parallel_loop3A_1057 = tpu.vector_load %arg9[%parallel_loop3A_1055, %parallel_loop3A_1056] {strides = array<i32>} : memref<128x256xf32, #tpu.memory_space<vmem>>, vector<1x16xf32>,
        %parallel_loop3A_1058 = vector.shape_cast %parallel_loop3A_1057 : vector<1x16xf32> to vector<16xf32>
        %parallel_loop3A_1059 = vector.shape_cast %get3A_837 : vector<16xf32> to vector<1x16xf32>
        tpu.vector_store %arg9[%parallel_loop3A_1055, %parallel_loop3A_1056], %parallel_loop3A_1059 {add = true, strides = array<i32>} : memref<128x256xf32, #tpu.memory_space<vmem>>, vector<1x16xf32>,
        %parallel_loop3A_1060 = arith.index_cast %parallel_loop3A_1039 : i32 to index
        %parallel_loop3A_1061 = arith.constant 64 : index
        %parallel_loop3A_1062 = tpu.vector_load %arg9[%parallel_loop3A_1060, %parallel_loop3A_1061] {strides = array<i32>} : memref<128x256xf32, #tpu.memory_space<vmem>>, vector<1x16xf32>,
        %parallel_loop3A_1063 = vector.shape_cast %parallel_loop3A_1062 : vector<1x16xf32> to vector<16xf32>
        %parallel_loop3A_1064 = vector.shape_cast %get3A_841 : vector<16xf32> to vector<1x16xf32>
        tpu.vector_store %arg9[%parallel_loop3A_1060, %parallel_loop3A_1061], %parallel_loop3A_1064 {add = true, strides = array<i32>} : memref<128x256xf32, #tpu.memory_space<vmem>>, vector<1x16xf32>,
        %parallel_loop3A_1065 = arith.index_cast %parallel_loop3A_1039 : i32 to index
        %parallel_loop3A_1066 = arith.constant 80 : index
        %parallel_loop3A_1067 = tpu.vector_load %arg9[%parallel_loop3A_1065, %parallel_loop3A_1066] {strides = array<i32>} : memref<128x256xf32, #tpu.memory_space<vmem>>, vector<1x16xf32>,
        %parallel_loop3A_1068 = vector.shape_cast %parallel_loop3A_1067 : vector<1x16xf32> to vector<16xf32>
        %parallel_loop3A_1069 = vector.shape_cast %get3A_845 : vector<16xf32> to vector<1x16xf32>
        tpu.vector_store %arg9[%parallel_loop3A_1065, %parallel_loop3A_1066], %parallel_loop3A_1069 {add = true, strides = array<i32>} : memref<128x256xf32, #tpu.memory_space<vmem>>, vector<1x16xf32>,
        %parallel_loop3A_1070 = arith.index_cast %parallel_loop3A_1039 : i32 to index
        %parallel_loop3A_1071 = arith.constant 96 : index
        %parallel_loop3A_1072 = tpu.vector_load %arg9[%parallel_loop3A_1070, %parallel_loop3A_1071] {strides = array<i32>} : memref<128x256xf32, #tpu.memory_space<vmem>>, vector<1x16xf32>,
        %parallel_loop3A_1073 = vector.shape_cast %parallel_loop3A_1072 : vector<1x16xf32> to vector<16xf32>
        %parallel_loop3A_1074 = vector.shape_cast %get3A_849 : vector<16xf32> to vector<1x16xf32>
        tpu.vector_store %arg9[%parallel_loop3A_1070, %parallel_loop3A_1071], %parallel_loop3A_1074 {add = true, strides = array<i32>} : memref<128x256xf32, #tpu.memory_space<vmem>>, vector<1x16xf32>,
        %parallel_loop3A_1075 = arith.index_cast %parallel_loop3A_1039 : i32 to index
        %parallel_loop3A_1076 = arith.constant 112 : index
        %parallel_loop3A_1077 = tpu.vector_load %arg9[%parallel_loop3A_1075, %parallel_loop3A_1076] {strides = array<i32>} : memref<128x256xf32, #tpu.memory_space<vmem>>, vector<1x16xf32>,
        %parallel_loop3A_1078 = vector.shape_cast %parallel_loop3A_1077 : vector<1x16xf32> to vector<16xf32>
        %parallel_loop3A_1079 = vector.shape_cast %get3A_853 : vector<16xf32> to vector<1x16xf32>
        tpu.vector_store %arg9[%parallel_loop3A_1075, %parallel_loop3A_1076], %parallel_loop3A_1079 {add = true, strides = array<i32>} : memref<128x256xf32, #tpu.memory_space<vmem>>, vector<1x16xf32>,
        %parallel_loop3A_1080 = arith.index_cast %parallel_loop3A_1039 : i32 to index
        %parallel_loop3A_1081 = arith.constant 128 : index
        %parallel_loop3A_1082 = tpu.vector_load %arg9[%parallel_loop3A_1080, %parallel_loop3A_1081] {strides = array<i32>} : memref<128x256xf32, #tpu.memory_space<vmem>>, vector<1x16xf32>,
        %parallel_loop3A_1083 = vector.shape_cast %parallel_loop3A_1082 : vector<1x16xf32> to vector<16xf32>
        %parallel_loop3A_1084 = vector.shape_cast %get3A_857 : vector<16xf32> to vector<1x16xf32>
        tpu.vector_store %arg9[%parallel_loop3A_1080, %parallel_loop3A_1081], %parallel_loop3A_1084 {add = true, strides = array<i32>} : memref<128x256xf32, #tpu.memory_space<vmem>>, vector<1x16xf32>,
        %parallel_loop3A_1085 = arith.index_cast %parallel_loop3A_1039 : i32 to index
        %parallel_loop3A_1086 = arith.constant 144 : index
        %parallel_loop3A_1087 = tpu.vector_load %arg9[%parallel_loop3A_1085, %parallel_loop3A_1086] {strides = array<i32>} : memref<128x256xf32, #tpu.memory_space<vmem>>, vector<1x16xf32>,
        %parallel_loop3A_1088 = vector.shape_cast %parallel_loop3A_1087 : vector<1x16xf32> to vector<16xf32>
        %parallel_loop3A_1089 = vector.shape_cast %get3A_861 : vector<16xf32> to vector<1x16xf32>
        tpu.vector_store %arg9[%parallel_loop3A_1085, %parallel_loop3A_1086], %parallel_loop3A_1089 {add = true, strides = array<i32>} : memref<128x256xf32, #tpu.memory_space<vmem>>, vector<1x16xf32>,
        %parallel_loop3A_1090 = arith.index_cast %parallel_loop3A_1039 : i32 to index
        %parallel_loop3A_1091 = arith.constant 160 : index
        %parallel_loop3A_1092 = tpu.vector_load %arg9[%parallel_loop3A_1090, %parallel_loop3A_1091] {strides = array<i32>} : memref<128x256xf32, #tpu.memory_space<vmem>>, vector<1x16xf32>,
        %parallel_loop3A_1093 = vector.shape_cast %parallel_loop3A_1092 : vector<1x16xf32> to vector<16xf32>
        %parallel_loop3A_1094 = vector.shape_cast %get3A_865 : vector<16xf32> to vector<1x16xf32>
        tpu.vector_store %arg9[%parallel_loop3A_1090, %parallel_loop3A_1091], %parallel_loop3A_1094 {add = true, strides = array<i32>} : memref<128x256xf32, #tpu.memory_space<vmem>>, vector<1x16xf32>,
        %parallel_loop3A_1095 = arith.index_cast %parallel_loop3A_1039 : i32 to index
        %parallel_loop3A_1096 = arith.constant 176 : index
        %parallel_loop3A_1097 = tpu.vector_load %arg9[%parallel_loop3A_1095, %parallel_loop3A_1096] {strides = array<i32>} : memref<128x256xf32, #tpu.memory_space<vmem>>, vector<1x16xf32>,
        %parallel_loop3A_1098 = vector.shape_cast %parallel_loop3A_1097 : vector<1x16xf32> to vector<16xf32>
        %parallel_loop3A_1099 = vector.shape_cast %get3A_869 : vector<16xf32> to vector<1x16xf32>
        tpu.vector_store %arg9[%parallel_loop3A_1095, %parallel_loop3A_1096], %parallel_loop3A_1099 {add = true, strides = array<i32>} : memref<128x256xf32, #tpu.memory_space<vmem>>, vector<1x16xf32>,
        %parallel_loop3A_1100 = arith.index_cast %parallel_loop3A_1039 : i32 to index
        %parallel_loop3A_1101 = arith.constant 192 : index
        %parallel_loop3A_1102 = tpu.vector_load %arg9[%parallel_loop3A_1100, %parallel_loop3A_1101] {strides = array<i32>} : memref<128x256xf32, #tpu.memory_space<vmem>>, vector<1x16xf32>,
        %parallel_loop3A_1103 = vector.shape_cast %parallel_loop3A_1102 : vector<1x16xf32> to vector<16xf32>
        %parallel_loop3A_1104 = vector.shape_cast %get3A_873 : vector<16xf32> to vector<1x16xf32>
        tpu.vector_store %arg9[%parallel_loop3A_1100, %parallel_loop3A_1101], %parallel_loop3A_1104 {add = true, strides = array<i32>} : memref<128x256xf32, #tpu.memory_space<vmem>>, vector<1x16xf32>,
        %parallel_loop3A_1105 = arith.index_cast %parallel_loop3A_1039 : i32 to index
        %parallel_loop3A_1106 = arith.constant 208 : index
        %parallel_loop3A_1107 = tpu.vector_load %arg9[%parallel_loop3A_1105, %parallel_loop3A_1106] {strides = array<i32>} : memref<128x256xf32, #tpu.memory_space<vmem>>, vector<1x16xf32>,
        %parallel_loop3A_1108 = vector.shape_cast %parallel_loop3A_1107 : vector<1x16xf32> to vector<16xf32>
        %parallel_loop3A_1109 = vector.shape_cast %get3A_877 : vector<16xf32> to vector<1x16xf32>
        tpu.vector_store %arg9[%parallel_loop3A_1105, %parallel_loop3A_1106], %parallel_loop3A_1109 {add = true, strides = array<i32>} : memref<128x256xf32, #tpu.memory_space<vmem>>, vector<1x16xf32>,
        %parallel_loop3A_1110 = arith.index_cast %parallel_loop3A_1039 : i32 to index
        %parallel_loop3A_1111 = arith.constant 224 : index
        %parallel_loop3A_1112 = tpu.vector_load %arg9[%parallel_loop3A_1110, %parallel_loop3A_1111] {strides = array<i32>} : memref<128x256xf32, #tpu.memory_space<vmem>>, vector<1x16xf32>,
        %parallel_loop3A_1113 = vector.shape_cast %parallel_loop3A_1112 : vector<1x16xf32> to vector<16xf32>
        %parallel_loop3A_1114 = vector.shape_cast %get3A_881 : vector<16xf32> to vector<1x16xf32>
        tpu.vector_store %arg9[%parallel_loop3A_1110, %parallel_loop3A_1111], %parallel_loop3A_1114 {add = true, strides = array<i32>} : memref<128x256xf32, #tpu.memory_space<vmem>>, vector<1x16xf32>,
        %parallel_loop3A_1115 = arith.index_cast %parallel_loop3A_1039 : i32 to index
        %parallel_loop3A_1116 = arith.constant 240 : index
        %parallel_loop3A_1117 = tpu.vector_load %arg9[%parallel_loop3A_1115, %parallel_loop3A_1116] {strides = array<i32>} : memref<128x256xf32, #tpu.memory_space<vmem>>, vector<1x16xf32>,
        %parallel_loop3A_1118 = vector.shape_cast %parallel_loop3A_1117 : vector<1x16xf32> to vector<16xf32>
        %parallel_loop3A_1119 = vector.shape_cast %get3A_885 : vector<16xf32> to vector<1x16xf32>
        tpu.vector_store %arg9[%parallel_loop3A_1115, %parallel_loop3A_1116], %parallel_loop3A_1119 {add = true, strides = array<i32>} : memref<128x256xf32, #tpu.memory_space<vmem>>, vector<1x16xf32>,
      } {sc.loop_unroll_factor = 2 : i64, sc.parallel_access}
      %dma_start3A_889 = arith.constant 0 : i32
      %dma_start3A_890 = arith.constant 0 : i32
      %dma_start3A_891 = tpu.memref_slice %arg9[%dma_start3A_889, %dma_start3A_890] : memref<128x256xf32, #tpu.memory_space<vmem>> -> memref<64x256xf32, #tpu.memory_space<vmem>>
      %dma_start3A_892 = arith.constant 0 : i32
      %dma_start3A_893 = tpu.memref_slice %arg5[%add3A_798, %mul3A_2, %dma_start3A_892] : memref<77x4096x256xf32, #tpu.memory_space<hbm>> -> memref<1x64x256xf32, #tpu.memory_space<hbm>>
      %dma_start3A_894 = tpu.memref_squeeze %dma_start3A_893 : memref<1x64x256xf32, #tpu.memory_space<hbm>> -> memref<64x256xf32, #tpu.memory_space<hbm>>
      %dma_start3A_895 = arith.constant 0 : i32
      %dma_start3A_896 = tpu.memref_slice %arg5[%add3A_798, %mul3A_2, %dma_start3A_895] : memref<77x4096x256xf32, #tpu.memory_space<hbm>> -> memref<1x64x256xf32, #tpu.memory_space<hbm>>
      %dma_start3A_897 = tpu.memref_squeeze %dma_start3A_896 : memref<1x64x256xf32, #tpu.memory_space<hbm>> -> memref<64x256xf32, #tpu.memory_space<hbm>>
      %dma_start3A_898 = arith.constant 0 : i32
      %dma_start3A_899 = arith.constant 0 : i32
      %dma_start3A_900 = tpu.memref_slice %arg9[%dma_start3A_898, %dma_start3A_899] : memref<128x256xf32, #tpu.memory_space<vmem>> -> memref<64x256xf32, #tpu.memory_space<vmem>>
      tpu.enqueue_dma source(%dma_start3A_900 : memref<64x256xf32, #tpu.memory_space<vmem>>) target(%dma_start3A_897 : memref<64x256xf32, #tpu.memory_space<hbm>>) target_semaphore(%arg15 : memref<!tpu.dma_semaphore, #tpu.memory_space<semaphore_mem>>)
      %parallel_loop3A_901 = arith.constant 64 : i32
      %parallel_loop3A_902 = arith.constant 128 : i32
      %parallel_loop3A_903 = arith.constant 1 : i32
      scf.for %parallel_loop3A_1039 = %parallel_loop3A_901 to %parallel_loop3A_902 step %parallel_loop3A_903  : i32 {
        %parallel_loop3A_1040 = arith.index_cast %parallel_loop3A_1039 : i32 to index
        %parallel_loop3A_1041 = arith.constant 0 : index
        %parallel_loop3A_1042 = tpu.vector_load %arg9[%parallel_loop3A_1040, %parallel_loop3A_1041] {strides = array<i32>} : memref<128x256xf32, #tpu.memory_space<vmem>>, vector<1x16xf32>,
        %parallel_loop3A_1043 = vector.shape_cast %parallel_loop3A_1042 : vector<1x16xf32> to vector<16xf32>
        %parallel_loop3A_1044 = vector.shape_cast %get3A_825 : vector<16xf32> to vector<1x16xf32>
        tpu.vector_store %arg9[%parallel_loop3A_1040, %parallel_loop3A_1041], %parallel_loop3A_1044 {add = true, strides = array<i32>} : memref<128x256xf32, #tpu.memory_space<vmem>>, vector<1x16xf32>,
        %parallel_loop3A_1045 = arith.index_cast %parallel_loop3A_1039 : i32 to index
        %parallel_loop3A_1046 = arith.constant 16 : index
        %parallel_loop3A_1047 = tpu.vector_load %arg9[%parallel_loop3A_1045, %parallel_loop3A_1046] {strides = array<i32>} : memref<128x256xf32, #tpu.memory_space<vmem>>, vector<1x16xf32>,
        %parallel_loop3A_1048 = vector.shape_cast %parallel_loop3A_1047 : vector<1x16xf32> to vector<16xf32>
        %parallel_loop3A_1049 = vector.shape_cast %get3A_829 : vector<16xf32> to vector<1x16xf32>
        tpu.vector_store %arg9[%parallel_loop3A_1045, %parallel_loop3A_1046], %parallel_loop3A_1049 {add = true, strides = array<i32>} : memref<128x256xf32, #tpu.memory_space<vmem>>, vector<1x16xf32>,
        %parallel_loop3A_1050 = arith.index_cast %parallel_loop3A_1039 : i32 to index
        %parallel_loop3A_1051 = arith.constant 32 : index
        %parallel_loop3A_1052 = tpu.vector_load %arg9[%parallel_loop3A_1050, %parallel_loop3A_1051] {strides = array<i32>} : memref<128x256xf32, #tpu.memory_space<vmem>>, vector<1x16xf32>,
        %parallel_loop3A_1053 = vector.shape_cast %parallel_loop3A_1052 : vector<1x16xf32> to vector<16xf32>
        %parallel_loop3A_1054 = vector.shape_cast %get3A_833 : vector<16xf32> to vector<1x16xf32>
        tpu.vector_store %arg9[%parallel_loop3A_1050, %parallel_loop3A_1051], %parallel_loop3A_1054 {add = true, strides = array<i32>} : memref<128x256xf32, #tpu.memory_space<vmem>>, vector<1x16xf32>,
        %parallel_loop3A_1055 = arith.index_cast %parallel_loop3A_1039 : i32 to index
        %parallel_loop3A_1056 = arith.constant 48 : index
        %parallel_loop3A_1057 = tpu.vector_load %arg9[%parallel_loop3A_1055, %parallel_loop3A_1056] {strides = array<i32>} : memref<128x256xf32, #tpu.memory_space<vmem>>, vector<1x16xf32>,
        %parallel_loop3A_1058 = vector.shape_cast %parallel_loop3A_1057 : vector<1x16xf32> to vector<16xf32>
        %parallel_loop3A_1059 = vector.shape_cast %get3A_837 : vector<16xf32> to vector<1x16xf32>
        tpu.vector_store %arg9[%parallel_loop3A_1055, %parallel_loop3A_1056], %parallel_loop3A_1059 {add = true, strides = array<i32>} : memref<128x256xf32, #tpu.memory_space<vmem>>, vector<1x16xf32>,
        %parallel_loop3A_1060 = arith.index_cast %parallel_loop3A_1039 : i32 to index
        %parallel_loop3A_1061 = arith.constant 64 : index
        %parallel_loop3A_1062 = tpu.vector_load %arg9[%parallel_loop3A_1060, %parallel_loop3A_1061] {strides = array<i32>} : memref<128x256xf32, #tpu.memory_space<vmem>>, vector<1x16xf32>,
        %parallel_loop3A_1063 = vector.shape_cast %parallel_loop3A_1062 : vector<1x16xf32> to vector<16xf32>
        %parallel_loop3A_1064 = vector.shape_cast %get3A_841 : vector<16xf32> to vector<1x16xf32>
        tpu.vector_store %arg9[%parallel_loop3A_1060, %parallel_loop3A_1061], %parallel_loop3A_1064 {add = true, strides = array<i32>} : memref<128x256xf32, #tpu.memory_space<vmem>>, vector<1x16xf32>,
        %parallel_loop3A_1065 = arith.index_cast %parallel_loop3A_1039 : i32 to index
        %parallel_loop3A_1066 = arith.constant 80 : index
        %parallel_loop3A_1067 = tpu.vector_load %arg9[%parallel_loop3A_1065, %parallel_loop3A_1066] {strides = array<i32>} : memref<128x256xf32, #tpu.memory_space<vmem>>, vector<1x16xf32>,
        %parallel_loop3A_1068 = vector.shape_cast %parallel_loop3A_1067 : vector<1x16xf32> to vector<16xf32>
        %parallel_loop3A_1069 = vector.shape_cast %get3A_845 : vector<16xf32> to vector<1x16xf32>
        tpu.vector_store %arg9[%parallel_loop3A_1065, %parallel_loop3A_1066], %parallel_loop3A_1069 {add = true, strides = array<i32>} : memref<128x256xf32, #tpu.memory_space<vmem>>, vector<1x16xf32>,
        %parallel_loop3A_1070 = arith.index_cast %parallel_loop3A_1039 : i32 to index
        %parallel_loop3A_1071 = arith.constant 96 : index
        %parallel_loop3A_1072 = tpu.vector_load %arg9[%parallel_loop3A_1070, %parallel_loop3A_1071] {strides = array<i32>} : memref<128x256xf32, #tpu.memory_space<vmem>>, vector<1x16xf32>,
        %parallel_loop3A_1073 = vector.shape_cast %parallel_loop3A_1072 : vector<1x16xf32> to vector<16xf32>
        %parallel_loop3A_1074 = vector.shape_cast %get3A_849 : vector<16xf32> to vector<1x16xf32>
        tpu.vector_store %arg9[%parallel_loop3A_1070, %parallel_loop3A_1071], %parallel_loop3A_1074 {add = true, strides = array<i32>} : memref<128x256xf32, #tpu.memory_space<vmem>>, vector<1x16xf32>,
        %parallel_loop3A_1075 = arith.index_cast %parallel_loop3A_1039 : i32 to index
        %parallel_loop3A_1076 = arith.constant 112 : index
        %parallel_loop3A_1077 = tpu.vector_load %arg9[%parallel_loop3A_1075, %parallel_loop3A_1076] {strides = array<i32>} : memref<128x256xf32, #tpu.memory_space<vmem>>, vector<1x16xf32>,
        %parallel_loop3A_1078 = vector.shape_cast %parallel_loop3A_1077 : vector<1x16xf32> to vector<16xf32>
        %parallel_loop3A_1079 = vector.shape_cast %get3A_853 : vector<16xf32> to vector<1x16xf32>
        tpu.vector_store %arg9[%parallel_loop3A_1075, %parallel_loop3A_1076], %parallel_loop3A_1079 {add = true, strides = array<i32>} : memref<128x256xf32, #tpu.memory_space<vmem>>, vector<1x16xf32>,
        %parallel_loop3A_1080 = arith.index_cast %parallel_loop3A_1039 : i32 to index
        %parallel_loop3A_1081 = arith.constant 128 : index
        %parallel_loop3A_1082 = tpu.vector_load %arg9[%parallel_loop3A_1080, %parallel_loop3A_1081] {strides = array<i32>} : memref<128x256xf32, #tpu.memory_space<vmem>>, vector<1x16xf32>,
        %parallel_loop3A_1083 = vector.shape_cast %parallel_loop3A_1082 : vector<1x16xf32> to vector<16xf32>
        %parallel_loop3A_1084 = vector.shape_cast %get3A_857 : vector<16xf32> to vector<1x16xf32>
        tpu.vector_store %arg9[%parallel_loop3A_1080, %parallel_loop3A_1081], %parallel_loop3A_1084 {add = true, strides = array<i32>} : memref<128x256xf32, #tpu.memory_space<vmem>>, vector<1x16xf32>,
        %parallel_loop3A_1085 = arith.index_cast %parallel_loop3A_1039 : i32 to index
        %parallel_loop3A_1086 = arith.constant 144 : index
        %parallel_loop3A_1087 = tpu.vector_load %arg9[%parallel_loop3A_1085, %parallel_loop3A_1086] {strides = array<i32>} : memref<128x256xf32, #tpu.memory_space<vmem>>, vector<1x16xf32>,
        %parallel_loop3A_1088 = vector.shape_cast %parallel_loop3A_1087 : vector<1x16xf32> to vector<16xf32>
        %parallel_loop3A_1089 = vector.shape_cast %get3A_861 : vector<16xf32> to vector<1x16xf32>
        tpu.vector_store %arg9[%parallel_loop3A_1085, %parallel_loop3A_1086], %parallel_loop3A_1089 {add = true, strides = array<i32>} : memref<128x256xf32, #tpu.memory_space<vmem>>, vector<1x16xf32>,
        %parallel_loop3A_1090 = arith.index_cast %parallel_loop3A_1039 : i32 to index
        %parallel_loop3A_1091 = arith.constant 160 : index
        %parallel_loop3A_1092 = tpu.vector_load %arg9[%parallel_loop3A_1090, %parallel_loop3A_1091] {strides = array<i32>} : memref<128x256xf32, #tpu.memory_space<vmem>>, vector<1x16xf32>,
        %parallel_loop3A_1093 = vector.shape_cast %parallel_loop3A_1092 : vector<1x16xf32> to vector<16xf32>
        %parallel_loop3A_1094 = vector.shape_cast %get3A_865 : vector<16xf32> to vector<1x16xf32>
        tpu.vector_store %arg9[%parallel_loop3A_1090, %parallel_loop3A_1091], %parallel_loop3A_1094 {add = true, strides = array<i32>} : memref<128x256xf32, #tpu.memory_space<vmem>>, vector<1x16xf32>,
        %parallel_loop3A_1095 = arith.index_cast %parallel_loop3A_1039 : i32 to index
        %parallel_loop3A_1096 = arith.constant 176 : index
        %parallel_loop3A_1097 = tpu.vector_load %arg9[%parallel_loop3A_1095, %parallel_loop3A_1096] {strides = array<i32>} : memref<128x256xf32, #tpu.memory_space<vmem>>, vector<1x16xf32>,
        %parallel_loop3A_1098 = vector.shape_cast %parallel_loop3A_1097 : vector<1x16xf32> to vector<16xf32>
        %parallel_loop3A_1099 = vector.shape_cast %get3A_869 : vector<16xf32> to vector<1x16xf32>
        tpu.vector_store %arg9[%parallel_loop3A_1095, %parallel_loop3A_1096], %parallel_loop3A_1099 {add = true, strides = array<i32>} : memref<128x256xf32, #tpu.memory_space<vmem>>, vector<1x16xf32>,
        %parallel_loop3A_1100 = arith.index_cast %parallel_loop3A_1039 : i32 to index
        %parallel_loop3A_1101 = arith.constant 192 : index
        %parallel_loop3A_1102 = tpu.vector_load %arg9[%parallel_loop3A_1100, %parallel_loop3A_1101] {strides = array<i32>} : memref<128x256xf32, #tpu.memory_space<vmem>>, vector<1x16xf32>,
        %parallel_loop3A_1103 = vector.shape_cast %parallel_loop3A_1102 : vector<1x16xf32> to vector<16xf32>
        %parallel_loop3A_1104 = vector.shape_cast %get3A_873 : vector<16xf32> to vector<1x16xf32>
        tpu.vector_store %arg9[%parallel_loop3A_1100, %parallel_loop3A_1101], %parallel_loop3A_1104 {add = true, strides = array<i32>} : memref<128x256xf32, #tpu.memory_space<vmem>>, vector<1x16xf32>,
        %parallel_loop3A_1105 = arith.index_cast %parallel_loop3A_1039 : i32 to index
        %parallel_loop3A_1106 = arith.constant 208 : index
        %parallel_loop3A_1107 = tpu.vector_load %arg9[%parallel_loop3A_1105, %parallel_loop3A_1106] {strides = array<i32>} : memref<128x256xf32, #tpu.memory_space<vmem>>, vector<1x16xf32>,
        %parallel_loop3A_1108 = vector.shape_cast %parallel_loop3A_1107 : vector<1x16xf32> to vector<16xf32>
        %parallel_loop3A_1109 = vector.shape_cast %get3A_877 : vector<16xf32> to vector<1x16xf32>
        tpu.vector_store %arg9[%parallel_loop3A_1105, %parallel_loop3A_1106], %parallel_loop3A_1109 {add = true, strides = array<i32>} : memref<128x256xf32, #tpu.memory_space<vmem>>, vector<1x16xf32>,
        %parallel_loop3A_1110 = arith.index_cast %parallel_loop3A_1039 : i32 to index
        %parallel_loop3A_1111 = arith.constant 224 : index
        %parallel_loop3A_1112 = tpu.vector_load %arg9[%parallel_loop3A_1110, %parallel_loop3A_1111] {strides = array<i32>} : memref<128x256xf32, #tpu.memory_space<vmem>>, vector<1x16xf32>,
        %parallel_loop3A_1113 = vector.shape_cast %parallel_loop3A_1112 : vector<1x16xf32> to vector<16xf32>
        %parallel_loop3A_1114 = vector.shape_cast %get3A_881 : vector<16xf32> to vector<1x16xf32>
        tpu.vector_store %arg9[%parallel_loop3A_1110, %parallel_loop3A_1111], %parallel_loop3A_1114 {add = true, strides = array<i32>} : memref<128x256xf32, #tpu.memory_space<vmem>>, vector<1x16xf32>,
        %parallel_loop3A_1115 = arith.index_cast %parallel_loop3A_1039 : i32 to index
        %parallel_loop3A_1116 = arith.constant 240 : index
        %parallel_loop3A_1117 = tpu.vector_load %arg9[%parallel_loop3A_1115, %parallel_loop3A_1116] {strides = array<i32>} : memref<128x256xf32, #tpu.memory_space<vmem>>, vector<1x16xf32>,
        %parallel_loop3A_1118 = vector.shape_cast %parallel_loop3A_1117 : vector<1x16xf32> to vector<16xf32>
        %parallel_loop3A_1119 = vector.shape_cast %get3A_885 : vector<16xf32> to vector<1x16xf32>
        tpu.vector_store %arg9[%parallel_loop3A_1115, %parallel_loop3A_1116], %parallel_loop3A_1119 {add = true, strides = array<i32>} : memref<128x256xf32, #tpu.memory_space<vmem>>, vector<1x16xf32>,
      } {sc.loop_unroll_factor = 2 : i64, sc.parallel_access}
      %add3A_904 = arith.constant 64 : i32
      %add3A_905 = arith.addi %mul3A_2, %add3A_904 : i32
      %dma_start3A_906 = arith.constant 64 : i32
      %dma_start3A_907 = arith.constant 0 : i32
      %dma_start3A_908 = tpu.memref_slice %arg9[%dma_start3A_906, %dma_start3A_907] : memref<128x256xf32, #tpu.memory_space<vmem>> -> memref<64x256xf32, #tpu.memory_space<vmem>>
      %dma_start3A_909 = arith.constant 0 : i32
      %dma_start3A_910 = tpu.memref_slice %arg5[%add3A_798, %add3A_905, %dma_start3A_909] : memref<77x4096x256xf32, #tpu.memory_space<hbm>> -> memref<1x64x256xf32, #tpu.memory_space<hbm>>
      %dma_start3A_911 = tpu.memref_squeeze %dma_start3A_910 : memref<1x64x256xf32, #tpu.memory_space<hbm>> -> memref<64x256xf32, #tpu.memory_space<hbm>>
      %dma_start3A_912 = arith.constant 0 : i32
      %dma_start3A_913 = tpu.memref_slice %arg5[%add3A_798, %add3A_905, %dma_start3A_912] : memref<77x4096x256xf32, #tpu.memory_space<hbm>> -> memref<1x64x256xf32, #tpu.memory_space<hbm>>
      %dma_start3A_914 = tpu.memref_squeeze %dma_start3A_913 : memref<1x64x256xf32, #tpu.memory_space<hbm>> -> memref<64x256xf32, #tpu.memory_space<hbm>>
      %dma_start3A_915 = arith.constant 64 : i32
      %dma_start3A_916 = arith.constant 0 : i32
      %dma_start3A_917 = tpu.memref_slice %arg9[%dma_start3A_915, %dma_start3A_916] : memref<128x256xf32, #tpu.memory_space<vmem>> -> memref<64x256xf32, #tpu.memory_space<vmem>>
      tpu.enqueue_dma source(%dma_start3A_917 : memref<64x256xf32, #tpu.memory_space<vmem>>) target(%dma_start3A_914 : memref<64x256xf32, #tpu.memory_space<hbm>>) target_semaphore(%arg15 : memref<!tpu.dma_semaphore, #tpu.memory_space<semaphore_mem>>)
      %add3A_918 = arith.constant 2 : i32
      %add3A_919 = arith.addi %mul3A_676, %add3A_918 : i32
      %dma_wait3A_920 = arith.constant 0 : i32
      %dma_wait3A_921 = arith.constant 0 : i32
      %dma_wait3A_922 = tpu.memref_slice %arg5[%dma_wait3A_920, %mul3A_2, %dma_wait3A_921] : memref<77x4096x256xf32, #tpu.memory_space<hbm>> -> memref<1x128x256xf32, #tpu.memory_space<hbm>>
      %dma_wait3A_923 = tpu.memref_squeeze %dma_wait3A_922 : memref<1x128x256xf32, #tpu.memory_space<hbm>> -> memref<128x256xf32, #tpu.memory_space<hbm>>
      %dma_wait3A_924 = arith.constant 0 : i32
      %dma_wait3A_925 = tpu.memref_slice %arg5[%dma_wait3A_920, %mul3A_2, %dma_wait3A_924] : memref<77x4096x256xf32, #tpu.memory_space<hbm>> -> memref<1x128x256xf32, #tpu.memory_space<hbm>>
      %dma_wait3A_926 = tpu.memref_squeeze %dma_wait3A_925 : memref<1x128x256xf32, #tpu.memory_space<hbm>> -> memref<128x256xf32, #tpu.memory_space<hbm>>
      tpu.wait_dma2 semaphore(%arg15 : memref<!tpu.dma_semaphore, #tpu.memory_space<semaphore_mem>>) src(%arg9 : memref<128x256xf32, #tpu.memory_space<vmem>>) dst(%dma_wait3A_926 : memref<128x256xf32, #tpu.memory_space<hbm>>)
      %add3A_927 = arith.constant 3 : i32
      %add3A_928 = arith.addi %add3A_919, %add3A_927 : i32
      %sub3A_929 = arith.constant 1 : i32
      %sub3A_930 = arith.subi %add3A_928, %sub3A_929 : i32
      %dma_start3A_931 = arith.constant 0 : i32
      %dma_start3A_932 = tpu.memref_slice %arg6[%sub3A_930, %dma_start3A_931] : memref<77x128xi32, #tpu.memory_space<vmem>> -> memref<1x128xi32, #tpu.memory_space<vmem>>
      %dma_start3A_933 = tpu.memref_squeeze %dma_start3A_932 : memref<1x128xi32, #tpu.memory_space<vmem>> -> memref<128xi32, #tpu.memory_space<vmem>>
      %dma_start3A_934 = arith.constant 0 : i32
      %dma_start3A_935 = arith.constant 0 : i32
      %dma_start3A_936 = tpu.memref_slice %arg3[%dma_start3A_934, %dma_start3A_935] : memref<49408x256xf32, #tpu.memory_space<hbm>> -> memref<49408x256xf32, #tpu.memory_space<hbm>>
      tpu.enqueue_indirect_dma source(%dma_start3A_936 : memref<49408x256xf32, #tpu.memory_space<hbm>>) target(%arg9 : memref<128x256xf32, #tpu.memory_space<vmem>>) offsets(%dma_start3A_933 : memref<128xi32, #tpu.memory_space<vmem>>) semaphore(%arg12 : memref<!tpu.dma_semaphore, #tpu.memory_space<semaphore_mem>>)
      %dma_wait3A_937 = arith.constant 0 : i32
      %dma_wait3A_938 = arith.constant 0 : i32
      %dma_wait3A_939 = tpu.memref_slice %arg3[%dma_wait3A_937, %dma_wait3A_938] : memref<49408x256xf32, #tpu.memory_space<hbm>> -> memref<128x256xf32, #tpu.memory_space<hbm>>
      %dma_wait3A_940 = arith.constant 0 : i32
      %dma_wait3A_941 = arith.constant 0 : i32
      %dma_wait3A_942 = tpu.memref_slice %arg3[%dma_wait3A_940, %dma_wait3A_941] : memref<49408x256xf32, #tpu.memory_space<hbm>> -> memref<128x256xf32, #tpu.memory_space<hbm>>
      tpu.wait_dma2 semaphore(%arg13 : memref<!tpu.dma_semaphore, #tpu.memory_space<semaphore_mem>>) src(%dma_wait3A_942 : memref<128x256xf32, #tpu.memory_space<hbm>>) dst(%arg10 : memref<128x256xf32, #tpu.memory_space<vmem>>)
      %get3A_943 = arith.index_cast %add3A_919 : i32 to index
      %get3A_944 = arith.constant 0 : index
      %get3A_945 = tpu.vector_load %arg7[%get3A_943, %get3A_944] {strides = array<i32>} : memref<77x256xf32, #tpu.memory_space<vmem>>, vector<1x16xf32>,
      %get3A_946 = vector.shape_cast %get3A_945 : vector<1x16xf32> to vector<16xf32>
      %get3A_947 = arith.index_cast %add3A_919 : i32 to index
      %get3A_948 = arith.constant 16 : index
      %get3A_949 = tpu.vector_load %arg7[%get3A_947, %get3A_948] {strides = array<i32>} : memref<77x256xf32, #tpu.memory_space<vmem>>, vector<1x16xf32>,
      %get3A_950 = vector.shape_cast %get3A_949 : vector<1x16xf32> to vector<16xf32>
      %get3A_951 = arith.index_cast %add3A_919 : i32 to index
      %get3A_952 = arith.constant 32 : index
      %get3A_953 = tpu.vector_load %arg7[%get3A_951, %get3A_952] {strides = array<i32>} : memref<77x256xf32, #tpu.memory_space<vmem>>, vector<1x16xf32>,
      %get3A_954 = vector.shape_cast %get3A_953 : vector<1x16xf32> to vector<16xf32>
      %get3A_955 = arith.index_cast %add3A_919 : i32 to index
      %get3A_956 = arith.constant 48 : index
      %get3A_957 = tpu.vector_load %arg7[%get3A_955, %get3A_956] {strides = array<i32>} : memref<77x256xf32, #tpu.memory_space<vmem>>, vector<1x16xf32>,
      %get3A_958 = vector.shape_cast %get3A_957 : vector<1x16xf32> to vector<16xf32>
      %get3A_959 = arith.index_cast %add3A_919 : i32 to index
      %get3A_960 = arith.constant 64 : index
      %get3A_961 = tpu.vector_load %arg7[%get3A_959, %get3A_960] {strides = array<i32>} : memref<77x256xf32, #tpu.memory_space<vmem>>, vector<1x16xf32>,
      %get3A_962 = vector.shape_cast %get3A_961 : vector<1x16xf32> to vector<16xf32>
      %get3A_963 = arith.index_cast %add3A_919 : i32 to index
      %get3A_964 = arith.constant 80 : index
      %get3A_965 = tpu.vector_load %arg7[%get3A_963, %get3A_964] {strides = array<i32>} : memref<77x256xf32, #tpu.memory_space<vmem>>, vector<1x16xf32>,
      %get3A_966 = vector.shape_cast %get3A_965 : vector<1x16xf32> to vector<16xf32>
      %get3A_967 = arith.index_cast %add3A_919 : i32 to index
      %get3A_968 = arith.constant 96 : index
      %get3A_969 = tpu.vector_load %arg7[%get3A_967, %get3A_968] {strides = array<i32>} : memref<77x256xf32, #tpu.memory_space<vmem>>, vector<1x16xf32>,
      %get3A_970 = vector.shape_cast %get3A_969 : vector<1x16xf32> to vector<16xf32>
      %get3A_971 = arith.index_cast %add3A_919 : i32 to index
      %get3A_972 = arith.constant 112 : index
      %get3A_973 = tpu.vector_load %arg7[%get3A_971, %get3A_972] {strides = array<i32>} : memref<77x256xf32, #tpu.memory_space<vmem>>, vector<1x16xf32>,
      %get3A_974 = vector.shape_cast %get3A_973 : vector<1x16xf32> to vector<16xf32>
      %get3A_975 = arith.index_cast %add3A_919 : i32 to index
      %get3A_976 = arith.constant 128 : index
      %get3A_977 = tpu.vector_load %arg7[%get3A_975, %get3A_976] {strides = array<i32>} : memref<77x256xf32, #tpu.memory_space<vmem>>, vector<1x16xf32>,
      %get3A_978 = vector.shape_cast %get3A_977 : vector<1x16xf32> to vector<16xf32>
      %get3A_979 = arith.index_cast %add3A_919 : i32 to index
      %get3A_980 = arith.constant 144 : index
      %get3A_981 = tpu.vector_load %arg7[%get3A_979, %get3A_980] {strides = array<i32>} : memref<77x256xf32, #tpu.memory_space<vmem>>, vector<1x16xf32>,
      %get3A_982 = vector.shape_cast %get3A_981 : vector<1x16xf32> to vector<16xf32>
      %get3A_983 = arith.index_cast %add3A_919 : i32 to index
      %get3A_984 = arith.constant 160 : index
      %get3A_985 = tpu.vector_load %arg7[%get3A_983, %get3A_984] {strides = array<i32>} : memref<77x256xf32, #tpu.memory_space<vmem>>, vector<1x16xf32>,
      %get3A_986 = vector.shape_cast %get3A_985 : vector<1x16xf32> to vector<16xf32>
      %get3A_987 = arith.index_cast %add3A_919 : i32 to index
      %get3A_988 = arith.constant 176 : index
      %get3A_989 = tpu.vector_load %arg7[%get3A_987, %get3A_988] {strides = array<i32>} : memref<77x256xf32, #tpu.memory_space<vmem>>, vector<1x16xf32>,
      %get3A_990 = vector.shape_cast %get3A_989 : vector<1x16xf32> to vector<16xf32>
      %get3A_991 = arith.index_cast %add3A_919 : i32 to index
      %get3A_992 = arith.constant 192 : index
      %get3A_993 = tpu.vector_load %arg7[%get3A_991, %get3A_992] {strides = array<i32>} : memref<77x256xf32, #tpu.memory_space<vmem>>, vector<1x16xf32>,
      %get3A_994 = vector.shape_cast %get3A_993 : vector<1x16xf32> to vector<16xf32>
      %get3A_995 = arith.index_cast %add3A_919 : i32 to index
      %get3A_996 = arith.constant 208 : index
      %get3A_997 = tpu.vector_load %arg7[%get3A_995, %get3A_996] {strides = array<i32>} : memref<77x256xf32, #tpu.memory_space<vmem>>, vector<1x16xf32>,
      %get3A_998 = vector.shape_cast %get3A_997 : vector<1x16xf32> to vector<16xf32>
      %get3A_999 = arith.index_cast %add3A_919 : i32 to index
      %get3A_1000 = arith.constant 224 : index
      %get3A_1001 = tpu.vector_load %arg7[%get3A_999, %get3A_1000] {strides = array<i32>} : memref<77x256xf32, #tpu.memory_space<vmem>>, vector<1x16xf32>,
      %get3A_1002 = vector.shape_cast %get3A_1001 : vector<1x16xf32> to vector<16xf32>
      %get3A_1003 = arith.index_cast %add3A_919 : i32 to index
      %get3A_1004 = arith.constant 240 : index
      %get3A_1005 = tpu.vector_load %arg7[%get3A_1003, %get3A_1004] {strides = array<i32>} : memref<77x256xf32, #tpu.memory_space<vmem>>, vector<1x16xf32>,
      %get3A_1006 = vector.shape_cast %get3A_1005 : vector<1x16xf32> to vector<16xf32>
      %parallel_loop3A_1007 = arith.constant 0 : i32
      %parallel_loop3A_1008 = arith.constant 64 : i32
      %parallel_loop3A_1009 = arith.constant 1 : i32
      scf.for %parallel_loop3A_1039 = %parallel_loop3A_1007 to %parallel_loop3A_1008 step %parallel_loop3A_1009  : i32 {
        %parallel_loop3A_1040 = arith.index_cast %parallel_loop3A_1039 : i32 to index
        %parallel_loop3A_1041 = arith.constant 0 : index
        %parallel_loop3A_1042 = tpu.vector_load %arg10[%parallel_loop3A_1040, %parallel_loop3A_1041] {strides = array<i32>} : memref<128x256xf32, #tpu.memory_space<vmem>>, vector<1x16xf32>,
        %parallel_loop3A_1043 = vector.shape_cast %parallel_loop3A_1042 : vector<1x16xf32> to vector<16xf32>
        %parallel_loop3A_1044 = vector.shape_cast %get3A_946 : vector<16xf32> to vector<1x16xf32>
        tpu.vector_store %arg10[%parallel_loop3A_1040, %parallel_loop3A_1041], %parallel_loop3A_1044 {add = true, strides = array<i32>} : memref<128x256xf32, #tpu.memory_space<vmem>>, vector<1x16xf32>,
        %parallel_loop3A_1045 = arith.index_cast %parallel_loop3A_1039 : i32 to index
        %parallel_loop3A_1046 = arith.constant 16 : index
        %parallel_loop3A_1047 = tpu.vector_load %arg10[%parallel_loop3A_1045, %parallel_loop3A_1046] {strides = array<i32>} : memref<128x256xf32, #tpu.memory_space<vmem>>, vector<1x16xf32>,
        %parallel_loop3A_1048 = vector.shape_cast %parallel_loop3A_1047 : vector<1x16xf32> to vector<16xf32>
        %parallel_loop3A_1049 = vector.shape_cast %get3A_950 : vector<16xf32> to vector<1x16xf32>
        tpu.vector_store %arg10[%parallel_loop3A_1045, %parallel_loop3A_1046], %parallel_loop3A_1049 {add = true, strides = array<i32>} : memref<128x256xf32, #tpu.memory_space<vmem>>, vector<1x16xf32>,
        %parallel_loop3A_1050 = arith.index_cast %parallel_loop3A_1039 : i32 to index
        %parallel_loop3A_1051 = arith.constant 32 : index
        %parallel_loop3A_1052 = tpu.vector_load %arg10[%parallel_loop3A_1050, %parallel_loop3A_1051] {strides = array<i32>} : memref<128x256xf32, #tpu.memory_space<vmem>>, vector<1x16xf32>,
        %parallel_loop3A_1053 = vector.shape_cast %parallel_loop3A_1052 : vector<1x16xf32> to vector<16xf32>
        %parallel_loop3A_1054 = vector.shape_cast %get3A_954 : vector<16xf32> to vector<1x16xf32>
        tpu.vector_store %arg10[%parallel_loop3A_1050, %parallel_loop3A_1051], %parallel_loop3A_1054 {add = true, strides = array<i32>} : memref<128x256xf32, #tpu.memory_space<vmem>>, vector<1x16xf32>,
        %parallel_loop3A_1055 = arith.index_cast %parallel_loop3A_1039 : i32 to index
        %parallel_loop3A_1056 = arith.constant 48 : index
        %parallel_loop3A_1057 = tpu.vector_load %arg10[%parallel_loop3A_1055, %parallel_loop3A_1056] {strides = array<i32>} : memref<128x256xf32, #tpu.memory_space<vmem>>, vector<1x16xf32>,
        %parallel_loop3A_1058 = vector.shape_cast %parallel_loop3A_1057 : vector<1x16xf32> to vector<16xf32>
        %parallel_loop3A_1059 = vector.shape_cast %get3A_958 : vector<16xf32> to vector<1x16xf32>
        tpu.vector_store %arg10[%parallel_loop3A_1055, %parallel_loop3A_1056], %parallel_loop3A_1059 {add = true, strides = array<i32>} : memref<128x256xf32, #tpu.memory_space<vmem>>, vector<1x16xf32>,
        %parallel_loop3A_1060 = arith.index_cast %parallel_loop3A_1039 : i32 to index
        %parallel_loop3A_1061 = arith.constant 64 : index
        %parallel_loop3A_1062 = tpu.vector_load %arg10[%parallel_loop3A_1060, %parallel_loop3A_1061] {strides = array<i32>} : memref<128x256xf32, #tpu.memory_space<vmem>>, vector<1x16xf32>,
        %parallel_loop3A_1063 = vector.shape_cast %parallel_loop3A_1062 : vector<1x16xf32> to vector<16xf32>
        %parallel_loop3A_1064 = vector.shape_cast %get3A_962 : vector<16xf32> to vector<1x16xf32>
        tpu.vector_store %arg10[%parallel_loop3A_1060, %parallel_loop3A_1061], %parallel_loop3A_1064 {add = true, strides = array<i32>} : memref<128x256xf32, #tpu.memory_space<vmem>>, vector<1x16xf32>,
        %parallel_loop3A_1065 = arith.index_cast %parallel_loop3A_1039 : i32 to index
        %parallel_loop3A_1066 = arith.constant 80 : index
        %parallel_loop3A_1067 = tpu.vector_load %arg10[%parallel_loop3A_1065, %parallel_loop3A_1066] {strides = array<i32>} : memref<128x256xf32, #tpu.memory_space<vmem>>, vector<1x16xf32>,
        %parallel_loop3A_1068 = vector.shape_cast %parallel_loop3A_1067 : vector<1x16xf32> to vector<16xf32>
        %parallel_loop3A_1069 = vector.shape_cast %get3A_966 : vector<16xf32> to vector<1x16xf32>
        tpu.vector_store %arg10[%parallel_loop3A_1065, %parallel_loop3A_1066], %parallel_loop3A_1069 {add = true, strides = array<i32>} : memref<128x256xf32, #tpu.memory_space<vmem>>, vector<1x16xf32>,
        %parallel_loop3A_1070 = arith.index_cast %parallel_loop3A_1039 : i32 to index
        %parallel_loop3A_1071 = arith.constant 96 : index
        %parallel_loop3A_1072 = tpu.vector_load %arg10[%parallel_loop3A_1070, %parallel_loop3A_1071] {strides = array<i32>} : memref<128x256xf32, #tpu.memory_space<vmem>>, vector<1x16xf32>,
        %parallel_loop3A_1073 = vector.shape_cast %parallel_loop3A_1072 : vector<1x16xf32> to vector<16xf32>
        %parallel_loop3A_1074 = vector.shape_cast %get3A_970 : vector<16xf32> to vector<1x16xf32>
        tpu.vector_store %arg10[%parallel_loop3A_1070, %parallel_loop3A_1071], %parallel_loop3A_1074 {add = true, strides = array<i32>} : memref<128x256xf32, #tpu.memory_space<vmem>>, vector<1x16xf32>,
        %parallel_loop3A_1075 = arith.index_cast %parallel_loop3A_1039 : i32 to index
        %parallel_loop3A_1076 = arith.constant 112 : index
        %parallel_loop3A_1077 = tpu.vector_load %arg10[%parallel_loop3A_1075, %parallel_loop3A_1076] {strides = array<i32>} : memref<128x256xf32, #tpu.memory_space<vmem>>, vector<1x16xf32>,
        %parallel_loop3A_1078 = vector.shape_cast %parallel_loop3A_1077 : vector<1x16xf32> to vector<16xf32>
        %parallel_loop3A_1079 = vector.shape_cast %get3A_974 : vector<16xf32> to vector<1x16xf32>
        tpu.vector_store %arg10[%parallel_loop3A_1075, %parallel_loop3A_1076], %parallel_loop3A_1079 {add = true, strides = array<i32>} : memref<128x256xf32, #tpu.memory_space<vmem>>, vector<1x16xf32>,
        %parallel_loop3A_1080 = arith.index_cast %parallel_loop3A_1039 : i32 to index
        %parallel_loop3A_1081 = arith.constant 128 : index
        %parallel_loop3A_1082 = tpu.vector_load %arg10[%parallel_loop3A_1080, %parallel_loop3A_1081] {strides = array<i32>} : memref<128x256xf32, #tpu.memory_space<vmem>>, vector<1x16xf32>,
        %parallel_loop3A_1083 = vector.shape_cast %parallel_loop3A_1082 : vector<1x16xf32> to vector<16xf32>
        %parallel_loop3A_1084 = vector.shape_cast %get3A_978 : vector<16xf32> to vector<1x16xf32>
        tpu.vector_store %arg10[%parallel_loop3A_1080, %parallel_loop3A_1081], %parallel_loop3A_1084 {add = true, strides = array<i32>} : memref<128x256xf32, #tpu.memory_space<vmem>>, vector<1x16xf32>,
        %parallel_loop3A_1085 = arith.index_cast %parallel_loop3A_1039 : i32 to index
        %parallel_loop3A_1086 = arith.constant 144 : index
        %parallel_loop3A_1087 = tpu.vector_load %arg10[%parallel_loop3A_1085, %parallel_loop3A_1086] {strides = array<i32>} : memref<128x256xf32, #tpu.memory_space<vmem>>, vector<1x16xf32>,
        %parallel_loop3A_1088 = vector.shape_cast %parallel_loop3A_1087 : vector<1x16xf32> to vector<16xf32>
        %parallel_loop3A_1089 = vector.shape_cast %get3A_982 : vector<16xf32> to vector<1x16xf32>
        tpu.vector_store %arg10[%parallel_loop3A_1085, %parallel_loop3A_1086], %parallel_loop3A_1089 {add = true, strides = array<i32>} : memref<128x256xf32, #tpu.memory_space<vmem>>, vector<1x16xf32>,
        %parallel_loop3A_1090 = arith.index_cast %parallel_loop3A_1039 : i32 to index
        %parallel_loop3A_1091 = arith.constant 160 : index
        %parallel_loop3A_1092 = tpu.vector_load %arg10[%parallel_loop3A_1090, %parallel_loop3A_1091] {strides = array<i32>} : memref<128x256xf32, #tpu.memory_space<vmem>>, vector<1x16xf32>,
        %parallel_loop3A_1093 = vector.shape_cast %parallel_loop3A_1092 : vector<1x16xf32> to vector<16xf32>
        %parallel_loop3A_1094 = vector.shape_cast %get3A_986 : vector<16xf32> to vector<1x16xf32>
        tpu.vector_store %arg10[%parallel_loop3A_1090, %parallel_loop3A_1091], %parallel_loop3A_1094 {add = true, strides = array<i32>} : memref<128x256xf32, #tpu.memory_space<vmem>>, vector<1x16xf32>,
        %parallel_loop3A_1095 = arith.index_cast %parallel_loop3A_1039 : i32 to index
        %parallel_loop3A_1096 = arith.constant 176 : index
        %parallel_loop3A_1097 = tpu.vector_load %arg10[%parallel_loop3A_1095, %parallel_loop3A_1096] {strides = array<i32>} : memref<128x256xf32, #tpu.memory_space<vmem>>, vector<1x16xf32>,
        %parallel_loop3A_1098 = vector.shape_cast %parallel_loop3A_1097 : vector<1x16xf32> to vector<16xf32>
        %parallel_loop3A_1099 = vector.shape_cast %get3A_990 : vector<16xf32> to vector<1x16xf32>
        tpu.vector_store %arg10[%parallel_loop3A_1095, %parallel_loop3A_1096], %parallel_loop3A_1099 {add = true, strides = array<i32>} : memref<128x256xf32, #tpu.memory_space<vmem>>, vector<1x16xf32>,
        %parallel_loop3A_1100 = arith.index_cast %parallel_loop3A_1039 : i32 to index
        %parallel_loop3A_1101 = arith.constant 192 : index
        %parallel_loop3A_1102 = tpu.vector_load %arg10[%parallel_loop3A_1100, %parallel_loop3A_1101] {strides = array<i32>} : memref<128x256xf32, #tpu.memory_space<vmem>>, vector<1x16xf32>,
        %parallel_loop3A_1103 = vector.shape_cast %parallel_loop3A_1102 : vector<1x16xf32> to vector<16xf32>
        %parallel_loop3A_1104 = vector.shape_cast %get3A_994 : vector<16xf32> to vector<1x16xf32>
        tpu.vector_store %arg10[%parallel_loop3A_1100, %parallel_loop3A_1101], %parallel_loop3A_1104 {add = true, strides = array<i32>} : memref<128x256xf32, #tpu.memory_space<vmem>>, vector<1x16xf32>,
        %parallel_loop3A_1105 = arith.index_cast %parallel_loop3A_1039 : i32 to index
        %parallel_loop3A_1106 = arith.constant 208 : index
        %parallel_loop3A_1107 = tpu.vector_load %arg10[%parallel_loop3A_1105, %parallel_loop3A_1106] {strides = array<i32>} : memref<128x256xf32, #tpu.memory_space<vmem>>, vector<1x16xf32>,
        %parallel_loop3A_1108 = vector.shape_cast %parallel_loop3A_1107 : vector<1x16xf32> to vector<16xf32>
        %parallel_loop3A_1109 = vector.shape_cast %get3A_998 : vector<16xf32> to vector<1x16xf32>
        tpu.vector_store %arg10[%parallel_loop3A_1105, %parallel_loop3A_1106], %parallel_loop3A_1109 {add = true, strides = array<i32>} : memref<128x256xf32, #tpu.memory_space<vmem>>, vector<1x16xf32>,
        %parallel_loop3A_1110 = arith.index_cast %parallel_loop3A_1039 : i32 to index
        %parallel_loop3A_1111 = arith.constant 224 : index
        %parallel_loop3A_1112 = tpu.vector_load %arg10[%parallel_loop3A_1110, %parallel_loop3A_1111] {strides = array<i32>} : memref<128x256xf32, #tpu.memory_space<vmem>>, vector<1x16xf32>,
        %parallel_loop3A_1113 = vector.shape_cast %parallel_loop3A_1112 : vector<1x16xf32> to vector<16xf32>
        %parallel_loop3A_1114 = vector.shape_cast %get3A_1002 : vector<16xf32> to vector<1x16xf32>
        tpu.vector_store %arg10[%parallel_loop3A_1110, %parallel_loop3A_1111], %parallel_loop3A_1114 {add = true, strides = array<i32>} : memref<128x256xf32, #tpu.memory_space<vmem>>, vector<1x16xf32>,
        %parallel_loop3A_1115 = arith.index_cast %parallel_loop3A_1039 : i32 to index
        %parallel_loop3A_1116 = arith.constant 240 : index
        %parallel_loop3A_1117 = tpu.vector_load %arg10[%parallel_loop3A_1115, %parallel_loop3A_1116] {strides = array<i32>} : memref<128x256xf32, #tpu.memory_space<vmem>>, vector<1x16xf32>,
        %parallel_loop3A_1118 = vector.shape_cast %parallel_loop3A_1117 : vector<1x16xf32> to vector<16xf32>
        %parallel_loop3A_1119 = vector.shape_cast %get3A_1006 : vector<16xf32> to vector<1x16xf32>
        tpu.vector_store %arg10[%parallel_loop3A_1115, %parallel_loop3A_1116], %parallel_loop3A_1119 {add = true, strides = array<i32>} : memref<128x256xf32, #tpu.memory_space<vmem>>, vector<1x16xf32>,
      } {sc.loop_unroll_factor = 2 : i64, sc.parallel_access}
      %dma_start3A_1010 = arith.constant 0 : i32
      %dma_start3A_1011 = arith.constant 0 : i32
      %dma_start3A_1012 = tpu.memref_slice %arg10[%dma_start3A_1010, %dma_start3A_1011] : memref<128x256xf32, #tpu.memory_space<vmem>> -> memref<64x256xf32, #tpu.memory_space<vmem>>
      %dma_start3A_1013 = arith.constant 0 : i32
      %dma_start3A_1014 = tpu.memref_slice %arg5[%add3A_919, %mul3A_2, %dma_start3A_1013] : memref<77x4096x256xf32, #tpu.memory_space<hbm>> -> memref<1x64x256xf32, #tpu.memory_space<hbm>>
      %dma_start3A_1015 = tpu.memref_squeeze %dma_start3A_1014 : memref<1x64x256xf32, #tpu.memory_space<hbm>> -> memref<64x256xf32, #tpu.memory_space<hbm>>
      %dma_start3A_1016 = arith.constant 0 : i32
      %dma_start3A_1017 = tpu.memref_slice %arg5[%add3A_919, %mul3A_2, %dma_start3A_1016] : memref<77x4096x256xf32, #tpu.memory_space<hbm>> -> memref<1x64x256xf32, #tpu.memory_space<hbm>>
      %dma_start3A_1018 = tpu.memref_squeeze %dma_start3A_1017 : memref<1x64x256xf32, #tpu.memory_space<hbm>> -> memref<64x256xf32, #tpu.memory_space<hbm>>
      %dma_start3A_1019 = arith.constant 0 : i32
      %dma_start3A_1020 = arith.constant 0 : i32
      %dma_start3A_1021 = tpu.memref_slice %arg10[%dma_start3A_1019, %dma_start3A_1020] : memref<128x256xf32, #tpu.memory_space<vmem>> -> memref<64x256xf32, #tpu.memory_space<vmem>>
      tpu.enqueue_dma source(%dma_start3A_1021 : memref<64x256xf32, #tpu.memory_space<vmem>>) target(%dma_start3A_1018 : memref<64x256xf32, #tpu.memory_space<hbm>>) target_semaphore(%arg16 : memref<!tpu.dma_semaphore, #tpu.memory_space<semaphore_mem>>)
      %parallel_loop3A_1022 = arith.constant 64 : i32
      %parallel_loop3A_1023 = arith.constant 128 : i32
      %parallel_loop3A_1024 = arith.constant 1 : i32
      scf.for %parallel_loop3A_1039 = %parallel_loop3A_1022 to %parallel_loop3A_1023 step %parallel_loop3A_1024  : i32 {
        %parallel_loop3A_1040 = arith.index_cast %parallel_loop3A_1039 : i32 to index
        %parallel_loop3A_1041 = arith.constant 0 : index
        %parallel_loop3A_1042 = tpu.vector_load %arg10[%parallel_loop3A_1040, %parallel_loop3A_1041] {strides = array<i32>} : memref<128x256xf32, #tpu.memory_space<vmem>>, vector<1x16xf32>,
        %parallel_loop3A_1043 = vector.shape_cast %parallel_loop3A_1042 : vector<1x16xf32> to vector<16xf32>
        %parallel_loop3A_1044 = vector.shape_cast %get3A_946 : vector<16xf32> to vector<1x16xf32>
        tpu.vector_store %arg10[%parallel_loop3A_1040, %parallel_loop3A_1041], %parallel_loop3A_1044 {add = true, strides = array<i32>} : memref<128x256xf32, #tpu.memory_space<vmem>>, vector<1x16xf32>,
        %parallel_loop3A_1045 = arith.index_cast %parallel_loop3A_1039 : i32 to index
        %parallel_loop3A_1046 = arith.constant 16 : index
        %parallel_loop3A_1047 = tpu.vector_load %arg10[%parallel_loop3A_1045, %parallel_loop3A_1046] {strides = array<i32>} : memref<128x256xf32, #tpu.memory_space<vmem>>, vector<1x16xf32>,
        %parallel_loop3A_1048 = vector.shape_cast %parallel_loop3A_1047 : vector<1x16xf32> to vector<16xf32>
        %parallel_loop3A_1049 = vector.shape_cast %get3A_950 : vector<16xf32> to vector<1x16xf32>
        tpu.vector_store %arg10[%parallel_loop3A_1045, %parallel_loop3A_1046], %parallel_loop3A_1049 {add = true, strides = array<i32>} : memref<128x256xf32, #tpu.memory_space<vmem>>, vector<1x16xf32>,
        %parallel_loop3A_1050 = arith.index_cast %parallel_loop3A_1039 : i32 to index
        %parallel_loop3A_1051 = arith.constant 32 : index
        %parallel_loop3A_1052 = tpu.vector_load %arg10[%parallel_loop3A_1050, %parallel_loop3A_1051] {strides = array<i32>} : memref<128x256xf32, #tpu.memory_space<vmem>>, vector<1x16xf32>,
        %parallel_loop3A_1053 = vector.shape_cast %parallel_loop3A_1052 : vector<1x16xf32> to vector<16xf32>
        %parallel_loop3A_1054 = vector.shape_cast %get3A_954 : vector<16xf32> to vector<1x16xf32>
        tpu.vector_store %arg10[%parallel_loop3A_1050, %parallel_loop3A_1051], %parallel_loop3A_1054 {add = true, strides = array<i32>} : memref<128x256xf32, #tpu.memory_space<vmem>>, vector<1x16xf32>,
        %parallel_loop3A_1055 = arith.index_cast %parallel_loop3A_1039 : i32 to index
        %parallel_loop3A_1056 = arith.constant 48 : index
        %parallel_loop3A_1057 = tpu.vector_load %arg10[%parallel_loop3A_1055, %parallel_loop3A_1056] {strides = array<i32>} : memref<128x256xf32, #tpu.memory_space<vmem>>, vector<1x16xf32>,
        %parallel_loop3A_1058 = vector.shape_cast %parallel_loop3A_1057 : vector<1x16xf32> to vector<16xf32>
        %parallel_loop3A_1059 = vector.shape_cast %get3A_958 : vector<16xf32> to vector<1x16xf32>
        tpu.vector_store %arg10[%parallel_loop3A_1055, %parallel_loop3A_1056], %parallel_loop3A_1059 {add = true, strides = array<i32>} : memref<128x256xf32, #tpu.memory_space<vmem>>, vector<1x16xf32>,
        %parallel_loop3A_1060 = arith.index_cast %parallel_loop3A_1039 : i32 to index
        %parallel_loop3A_1061 = arith.constant 64 : index
        %parallel_loop3A_1062 = tpu.vector_load %arg10[%parallel_loop3A_1060, %parallel_loop3A_1061] {strides = array<i32>} : memref<128x256xf32, #tpu.memory_space<vmem>>, vector<1x16xf32>,
        %parallel_loop3A_1063 = vector.shape_cast %parallel_loop3A_1062 : vector<1x16xf32> to vector<16xf32>
        %parallel_loop3A_1064 = vector.shape_cast %get3A_962 : vector<16xf32> to vector<1x16xf32>
        tpu.vector_store %arg10[%parallel_loop3A_1060, %parallel_loop3A_1061], %parallel_loop3A_1064 {add = true, strides = array<i32>} : memref<128x256xf32, #tpu.memory_space<vmem>>, vector<1x16xf32>,
        %parallel_loop3A_1065 = arith.index_cast %parallel_loop3A_1039 : i32 to index
        %parallel_loop3A_1066 = arith.constant 80 : index
        %parallel_loop3A_1067 = tpu.vector_load %arg10[%parallel_loop3A_1065, %parallel_loop3A_1066] {strides = array<i32>} : memref<128x256xf32, #tpu.memory_space<vmem>>, vector<1x16xf32>,
        %parallel_loop3A_1068 = vector.shape_cast %parallel_loop3A_1067 : vector<1x16xf32> to vector<16xf32>
        %parallel_loop3A_1069 = vector.shape_cast %get3A_966 : vector<16xf32> to vector<1x16xf32>
        tpu.vector_store %arg10[%parallel_loop3A_1065, %parallel_loop3A_1066], %parallel_loop3A_1069 {add = true, strides = array<i32>} : memref<128x256xf32, #tpu.memory_space<vmem>>, vector<1x16xf32>,
        %parallel_loop3A_1070 = arith.index_cast %parallel_loop3A_1039 : i32 to index
        %parallel_loop3A_1071 = arith.constant 96 : index
        %parallel_loop3A_1072 = tpu.vector_load %arg10[%parallel_loop3A_1070, %parallel_loop3A_1071] {strides = array<i32>} : memref<128x256xf32, #tpu.memory_space<vmem>>, vector<1x16xf32>,
        %parallel_loop3A_1073 = vector.shape_cast %parallel_loop3A_1072 : vector<1x16xf32> to vector<16xf32>
        %parallel_loop3A_1074 = vector.shape_cast %get3A_970 : vector<16xf32> to vector<1x16xf32>
        tpu.vector_store %arg10[%parallel_loop3A_1070, %parallel_loop3A_1071], %parallel_loop3A_1074 {add = true, strides = array<i32>} : memref<128x256xf32, #tpu.memory_space<vmem>>, vector<1x16xf32>,
        %parallel_loop3A_1075 = arith.index_cast %parallel_loop3A_1039 : i32 to index
        %parallel_loop3A_1076 = arith.constant 112 : index
        %parallel_loop3A_1077 = tpu.vector_load %arg10[%parallel_loop3A_1075, %parallel_loop3A_1076] {strides = array<i32>} : memref<128x256xf32, #tpu.memory_space<vmem>>, vector<1x16xf32>,
        %parallel_loop3A_1078 = vector.shape_cast %parallel_loop3A_1077 : vector<1x16xf32> to vector<16xf32>
        %parallel_loop3A_1079 = vector.shape_cast %get3A_974 : vector<16xf32> to vector<1x16xf32>
        tpu.vector_store %arg10[%parallel_loop3A_1075, %parallel_loop3A_1076], %parallel_loop3A_1079 {add = true, strides = array<i32>} : memref<128x256xf32, #tpu.memory_space<vmem>>, vector<1x16xf32>,
        %parallel_loop3A_1080 = arith.index_cast %parallel_loop3A_1039 : i32 to index
        %parallel_loop3A_1081 = arith.constant 128 : index
        %parallel_loop3A_1082 = tpu.vector_load %arg10[%parallel_loop3A_1080, %parallel_loop3A_1081] {strides = array<i32>} : memref<128x256xf32, #tpu.memory_space<vmem>>, vector<1x16xf32>,
        %parallel_loop3A_1083 = vector.shape_cast %parallel_loop3A_1082 : vector<1x16xf32> to vector<16xf32>
        %parallel_loop3A_1084 = vector.shape_cast %get3A_978 : vector<16xf32> to vector<1x16xf32>
        tpu.vector_store %arg10[%parallel_loop3A_1080, %parallel_loop3A_1081], %parallel_loop3A_1084 {add = true, strides = array<i32>} : memref<128x256xf32, #tpu.memory_space<vmem>>, vector<1x16xf32>,
        %parallel_loop3A_1085 = arith.index_cast %parallel_loop3A_1039 : i32 to index
        %parallel_loop3A_1086 = arith.constant 144 : index
        %parallel_loop3A_1087 = tpu.vector_load %arg10[%parallel_loop3A_1085, %parallel_loop3A_1086] {strides = array<i32>} : memref<128x256xf32, #tpu.memory_space<vmem>>, vector<1x16xf32>,
        %parallel_loop3A_1088 = vector.shape_cast %parallel_loop3A_1087 : vector<1x16xf32> to vector<16xf32>
        %parallel_loop3A_1089 = vector.shape_cast %get3A_982 : vector<16xf32> to vector<1x16xf32>
        tpu.vector_store %arg10[%parallel_loop3A_1085, %parallel_loop3A_1086], %parallel_loop3A_1089 {add = true, strides = array<i32>} : memref<128x256xf32, #tpu.memory_space<vmem>>, vector<1x16xf32>,
        %parallel_loop3A_1090 = arith.index_cast %parallel_loop3A_1039 : i32 to index
        %parallel_loop3A_1091 = arith.constant 160 : index
        %parallel_loop3A_1092 = tpu.vector_load %arg10[%parallel_loop3A_1090, %parallel_loop3A_1091] {strides = array<i32>} : memref<128x256xf32, #tpu.memory_space<vmem>>, vector<1x16xf32>,
        %parallel_loop3A_1093 = vector.shape_cast %parallel_loop3A_1092 : vector<1x16xf32> to vector<16xf32>
        %parallel_loop3A_1094 = vector.shape_cast %get3A_986 : vector<16xf32> to vector<1x16xf32>
        tpu.vector_store %arg10[%parallel_loop3A_1090, %parallel_loop3A_1091], %parallel_loop3A_1094 {add = true, strides = array<i32>} : memref<128x256xf32, #tpu.memory_space<vmem>>, vector<1x16xf32>,
        %parallel_loop3A_1095 = arith.index_cast %parallel_loop3A_1039 : i32 to index
        %parallel_loop3A_1096 = arith.constant 176 : index
        %parallel_loop3A_1097 = tpu.vector_load %arg10[%parallel_loop3A_1095, %parallel_loop3A_1096] {strides = array<i32>} : memref<128x256xf32, #tpu.memory_space<vmem>>, vector<1x16xf32>,
        %parallel_loop3A_1098 = vector.shape_cast %parallel_loop3A_1097 : vector<1x16xf32> to vector<16xf32>
        %parallel_loop3A_1099 = vector.shape_cast %get3A_990 : vector<16xf32> to vector<1x16xf32>
        tpu.vector_store %arg10[%parallel_loop3A_1095, %parallel_loop3A_1096], %parallel_loop3A_1099 {add = true, strides = array<i32>} : memref<128x256xf32, #tpu.memory_space<vmem>>, vector<1x16xf32>,
        %parallel_loop3A_1100 = arith.index_cast %parallel_loop3A_1039 : i32 to index
        %parallel_loop3A_1101 = arith.constant 192 : index
        %parallel_loop3A_1102 = tpu.vector_load %arg10[%parallel_loop3A_1100, %parallel_loop3A_1101] {strides = array<i32>} : memref<128x256xf32, #tpu.memory_space<vmem>>, vector<1x16xf32>,
        %parallel_loop3A_1103 = vector.shape_cast %parallel_loop3A_1102 : vector<1x16xf32> to vector<16xf32>
        %parallel_loop3A_1104 = vector.shape_cast %get3A_994 : vector<16xf32> to vector<1x16xf32>
        tpu.vector_store %arg10[%parallel_loop3A_1100, %parallel_loop3A_1101], %parallel_loop3A_1104 {add = true, strides = array<i32>} : memref<128x256xf32, #tpu.memory_space<vmem>>, vector<1x16xf32>,
        %parallel_loop3A_1105 = arith.index_cast %parallel_loop3A_1039 : i32 to index
        %parallel_loop3A_1106 = arith.constant 208 : index
        %parallel_loop3A_1107 = tpu.vector_load %arg10[%parallel_loop3A_1105, %parallel_loop3A_1106] {strides = array<i32>} : memref<128x256xf32, #tpu.memory_space<vmem>>, vector<1x16xf32>,
        %parallel_loop3A_1108 = vector.shape_cast %parallel_loop3A_1107 : vector<1x16xf32> to vector<16xf32>
        %parallel_loop3A_1109 = vector.shape_cast %get3A_998 : vector<16xf32> to vector<1x16xf32>
        tpu.vector_store %arg10[%parallel_loop3A_1105, %parallel_loop3A_1106], %parallel_loop3A_1109 {add = true, strides = array<i32>} : memref<128x256xf32, #tpu.memory_space<vmem>>, vector<1x16xf32>,
        %parallel_loop3A_1110 = arith.index_cast %parallel_loop3A_1039 : i32 to index
        %parallel_loop3A_1111 = arith.constant 224 : index
        %parallel_loop3A_1112 = tpu.vector_load %arg10[%parallel_loop3A_1110, %parallel_loop3A_1111] {strides = array<i32>} : memref<128x256xf32, #tpu.memory_space<vmem>>, vector<1x16xf32>,
        %parallel_loop3A_1113 = vector.shape_cast %parallel_loop3A_1112 : vector<1x16xf32> to vector<16xf32>
        %parallel_loop3A_1114 = vector.shape_cast %get3A_1002 : vector<16xf32> to vector<1x16xf32>
        tpu.vector_store %arg10[%parallel_loop3A_1110, %parallel_loop3A_1111], %parallel_loop3A_1114 {add = true, strides = array<i32>} : memref<128x256xf32, #tpu.memory_space<vmem>>, vector<1x16xf32>,
        %parallel_loop3A_1115 = arith.index_cast %parallel_loop3A_1039 : i32 to index
        %parallel_loop3A_1116 = arith.constant 240 : index
        %parallel_loop3A_1117 = tpu.vector_load %arg10[%parallel_loop3A_1115, %parallel_loop3A_1116] {strides = array<i32>} : memref<128x256xf32, #tpu.memory_space<vmem>>, vector<1x16xf32>,
        %parallel_loop3A_1118 = vector.shape_cast %parallel_loop3A_1117 : vector<1x16xf32> to vector<16xf32>
        %parallel_loop3A_1119 = vector.shape_cast %get3A_1006 : vector<16xf32> to vector<1x16xf32>
        tpu.vector_store %arg10[%parallel_loop3A_1115, %parallel_loop3A_1116], %parallel_loop3A_1119 {add = true, strides = array<i32>} : memref<128x256xf32, #tpu.memory_space<vmem>>, vector<1x16xf32>,
      } {sc.loop_unroll_factor = 2 : i64, sc.parallel_access}
      %add3A_1025 = arith.constant 64 : i32
      %add3A_1026 = arith.addi %mul3A_2, %add3A_1025 : i32
      %dma_start3A_1027 = arith.constant 64 : i32
      %dma_start3A_1028 = arith.constant 0 : i32
      %dma_start3A_1029 = tpu.memref_slice %arg10[%dma_start3A_1027, %dma_start3A_1028] : memref<128x256xf32, #tpu.memory_space<vmem>> -> memref<64x256xf32, #tpu.memory_space<vmem>>
      %dma_start3A_1030 = arith.constant 0 : i32
      %dma_start3A_1031 = tpu.memref_slice %arg5[%add3A_919, %add3A_1026, %dma_start3A_1030] : memref<77x4096x256xf32, #tpu.memory_space<hbm>> -> memref<1x64x256xf32, #tpu.memory_space<hbm>>
      %dma_start3A_1032 = tpu.memref_squeeze %dma_start3A_1031 : memref<1x64x256xf32, #tpu.memory_space<hbm>> -> memref<64x256xf32, #tpu.memory_space<hbm>>
      %dma_start3A_1033 = arith.constant 0 : i32
      %dma_start3A_1034 = tpu.memref_slice %arg5[%add3A_919, %add3A_1026, %dma_start3A_1033] : memref<77x4096x256xf32, #tpu.memory_space<hbm>> -> memref<1x64x256xf32, #tpu.memory_space<hbm>>
      %dma_start3A_1035 = tpu.memref_squeeze %dma_start3A_1034 : memref<1x64x256xf32, #tpu.memory_space<hbm>> -> memref<64x256xf32, #tpu.memory_space<hbm>>
      %dma_start3A_1036 = arith.constant 64 : i32
      %dma_start3A_1037 = arith.constant 0 : i32
      %dma_start3A_1038 = tpu.memref_slice %arg10[%dma_start3A_1036, %dma_start3A_1037] : memref<128x256xf32, #tpu.memory_space<vmem>> -> memref<64x256xf32, #tpu.memory_space<vmem>>
      tpu.enqueue_dma source(%dma_start3A_1038 : memref<64x256xf32, #tpu.memory_space<vmem>>) target(%dma_start3A_1035 : memref<64x256xf32, #tpu.memory_space<hbm>>) target_semaphore(%arg16 : memref<!tpu.dma_semaphore, #tpu.memory_space<semaphore_mem>>)
    }
    %scan3A_412 = arith.constant 24 : i32
    %dma_wait3A_413 = arith.constant 0 : i32
    %dma_wait3A_414 = arith.constant 0 : i32
    %dma_wait3A_415 = tpu.memref_slice %arg5[%dma_wait3A_413, %mul3A_2, %dma_wait3A_414] : memref<77x4096x256xf32, #tpu.memory_space<hbm>> -> memref<1x128x256xf32, #tpu.memory_space<hbm>>
    %dma_wait3A_416 = tpu.memref_squeeze %dma_wait3A_415 : memref<1x128x256xf32, #tpu.memory_space<hbm>> -> memref<128x256xf32, #tpu.memory_space<hbm>>
    %dma_wait3A_417 = arith.constant 0 : i32
    %dma_wait3A_418 = tpu.memref_slice %arg5[%dma_wait3A_413, %mul3A_2, %dma_wait3A_417] : memref<77x4096x256xf32, #tpu.memory_space<hbm>> -> memref<1x128x256xf32, #tpu.memory_space<hbm>>
    %dma_wait3A_419 = tpu.memref_squeeze %dma_wait3A_418 : memref<1x128x256xf32, #tpu.memory_space<hbm>> -> memref<128x256xf32, #tpu.memory_space<hbm>>
    tpu.wait_dma2 semaphore(%arg16 : memref<!tpu.dma_semaphore, #tpu.memory_space<semaphore_mem>>) src(%arg10 : memref<128x256xf32, #tpu.memory_space<vmem>>) dst(%dma_wait3A_419 : memref<128x256xf32, #tpu.memory_space<hbm>>)
    %dma_wait3A_420 = arith.constant 0 : i32
    %dma_wait3A_421 = arith.constant 0 : i32
    %dma_wait3A_422 = tpu.memref_slice %arg3[%dma_wait3A_420, %dma_wait3A_421] : memref<49408x256xf32, #tpu.memory_space<hbm>> -> memref<128x256xf32, #tpu.memory_space<hbm>>
    %dma_wait3A_423 = arith.constant 0 : i32
    %dma_wait3A_424 = arith.constant 0 : i32
    %dma_wait3A_425 = tpu.memref_slice %arg3[%dma_wait3A_423, %dma_wait3A_424] : memref<49408x256xf32, #tpu.memory_space<hbm>> -> memref<128x256xf32, #tpu.memory_space<hbm>>
    tpu.wait_dma2 semaphore(%arg11 : memref<!tpu.dma_semaphore, #tpu.memory_space<semaphore_mem>>) src(%dma_wait3A_425 : memref<128x256xf32, #tpu.memory_space<hbm>>) dst(%arg8 : memref<128x256xf32, #tpu.memory_space<vmem>>)
    %get3A_426 = arith.constant 75 : i32
    %get3A_427 = arith.index_cast %get3A_426 : i32 to index
    %get3A_428 = arith.constant 0 : index
    %get3A_429 = tpu.vector_load %arg7[%get3A_427, %get3A_428] {strides = array<i32>} : memref<77x256xf32, #tpu.memory_space<vmem>>, vector<1x16xf32>,
    %get3A_430 = vector.shape_cast %get3A_429 : vector<1x16xf32> to vector<16xf32>
    %get3A_431 = arith.constant 75 : i32
    %get3A_432 = arith.index_cast %get3A_431 : i32 to index
    %get3A_433 = arith.constant 16 : index
    %get3A_434 = tpu.vector_load %arg7[%get3A_432, %get3A_433] {strides = array<i32>} : memref<77x256xf32, #tpu.memory_space<vmem>>, vector<1x16xf32>,
    %get3A_435 = vector.shape_cast %get3A_434 : vector<1x16xf32> to vector<16xf32>
    %get3A_436 = arith.constant 75 : i32
    %get3A_437 = arith.index_cast %get3A_436 : i32 to index
    %get3A_438 = arith.constant 32 : index
    %get3A_439 = tpu.vector_load %arg7[%get3A_437, %get3A_438] {strides = array<i32>} : memref<77x256xf32, #tpu.memory_space<vmem>>, vector<1x16xf32>,
    %get3A_440 = vector.shape_cast %get3A_439 : vector<1x16xf32> to vector<16xf32>
    %get3A_441 = arith.constant 75 : i32
    %get3A_442 = arith.index_cast %get3A_441 : i32 to index
    %get3A_443 = arith.constant 48 : index
    %get3A_444 = tpu.vector_load %arg7[%get3A_442, %get3A_443] {strides = array<i32>} : memref<77x256xf32, #tpu.memory_space<vmem>>, vector<1x16xf32>,
    %get3A_445 = vector.shape_cast %get3A_444 : vector<1x16xf32> to vector<16xf32>
    %get3A_446 = arith.constant 75 : i32
    %get3A_447 = arith.index_cast %get3A_446 : i32 to index
    %get3A_448 = arith.constant 64 : index
    %get3A_449 = tpu.vector_load %arg7[%get3A_447, %get3A_448] {strides = array<i32>} : memref<77x256xf32, #tpu.memory_space<vmem>>, vector<1x16xf32>,
    %get3A_450 = vector.shape_cast %get3A_449 : vector<1x16xf32> to vector<16xf32>
    %get3A_451 = arith.constant 75 : i32
    %get3A_452 = arith.index_cast %get3A_451 : i32 to index
    %get3A_453 = arith.constant 80 : index
    %get3A_454 = tpu.vector_load %arg7[%get3A_452, %get3A_453] {strides = array<i32>} : memref<77x256xf32, #tpu.memory_space<vmem>>, vector<1x16xf32>,
    %get3A_455 = vector.shape_cast %get3A_454 : vector<1x16xf32> to vector<16xf32>
    %get3A_456 = arith.constant 75 : i32
    %get3A_457 = arith.index_cast %get3A_456 : i32 to index
    %get3A_458 = arith.constant 96 : index
    %get3A_459 = tpu.vector_load %arg7[%get3A_457, %get3A_458] {strides = array<i32>} : memref<77x256xf32, #tpu.memory_space<vmem>>, vector<1x16xf32>,
    %get3A_460 = vector.shape_cast %get3A_459 : vector<1x16xf32> to vector<16xf32>
    %get3A_461 = arith.constant 75 : i32
    %get3A_462 = arith.index_cast %get3A_461 : i32 to index
    %get3A_463 = arith.constant 112 : index
    %get3A_464 = tpu.vector_load %arg7[%get3A_462, %get3A_463] {strides = array<i32>} : memref<77x256xf32, #tpu.memory_space<vmem>>, vector<1x16xf32>,
    %get3A_465 = vector.shape_cast %get3A_464 : vector<1x16xf32> to vector<16xf32>
    %get3A_466 = arith.constant 75 : i32
    %get3A_467 = arith.index_cast %get3A_466 : i32 to index
    %get3A_468 = arith.constant 128 : index
    %get3A_469 = tpu.vector_load %arg7[%get3A_467, %get3A_468] {strides = array<i32>} : memref<77x256xf32, #tpu.memory_space<vmem>>, vector<1x16xf32>,
    %get3A_470 = vector.shape_cast %get3A_469 : vector<1x16xf32> to vector<16xf32>
    %get3A_471 = arith.constant 75 : i32
    %get3A_472 = arith.index_cast %get3A_471 : i32 to index
    %get3A_473 = arith.constant 144 : index
    %get3A_474 = tpu.vector_load %arg7[%get3A_472, %get3A_473] {strides = array<i32>} : memref<77x256xf32, #tpu.memory_space<vmem>>, vector<1x16xf32>,
    %get3A_475 = vector.shape_cast %get3A_474 : vector<1x16xf32> to vector<16xf32>
    %get3A_476 = arith.constant 75 : i32
    %get3A_477 = arith.index_cast %get3A_476 : i32 to index
    %get3A_478 = arith.constant 160 : index
    %get3A_479 = tpu.vector_load %arg7[%get3A_477, %get3A_478] {strides = array<i32>} : memref<77x256xf32, #tpu.memory_space<vmem>>, vector<1x16xf32>,
    %get3A_480 = vector.shape_cast %get3A_479 : vector<1x16xf32> to vector<16xf32>
    %get3A_481 = arith.constant 75 : i32
    %get3A_482 = arith.index_cast %get3A_481 : i32 to index
    %get3A_483 = arith.constant 176 : index
    %get3A_484 = tpu.vector_load %arg7[%get3A_482, %get3A_483] {strides = array<i32>} : memref<77x256xf32, #tpu.memory_space<vmem>>, vector<1x16xf32>,
    %get3A_485 = vector.shape_cast %get3A_484 : vector<1x16xf32> to vector<16xf32>
    %get3A_486 = arith.constant 75 : i32
    %get3A_487 = arith.index_cast %get3A_486 : i32 to index
    %get3A_488 = arith.constant 192 : index
    %get3A_489 = tpu.vector_load %arg7[%get3A_487, %get3A_488] {strides = array<i32>} : memref<77x256xf32, #tpu.memory_space<vmem>>, vector<1x16xf32>,
    %get3A_490 = vector.shape_cast %get3A_489 : vector<1x16xf32> to vector<16xf32>
    %get3A_491 = arith.constant 75 : i32
    %get3A_492 = arith.index_cast %get3A_491 : i32 to index
    %get3A_493 = arith.constant 208 : index
    %get3A_494 = tpu.vector_load %arg7[%get3A_492, %get3A_493] {strides = array<i32>} : memref<77x256xf32, #tpu.memory_space<vmem>>, vector<1x16xf32>,
    %get3A_495 = vector.shape_cast %get3A_494 : vector<1x16xf32> to vector<16xf32>
    %get3A_496 = arith.constant 75 : i32
    %get3A_497 = arith.index_cast %get3A_496 : i32 to index
    %get3A_498 = arith.constant 224 : index
    %get3A_499 = tpu.vector_load %arg7[%get3A_497, %get3A_498] {strides = array<i32>} : memref<77x256xf32, #tpu.memory_space<vmem>>, vector<1x16xf32>,
    %get3A_500 = vector.shape_cast %get3A_499 : vector<1x16xf32> to vector<16xf32>
    %get3A_501 = arith.constant 75 : i32
    %get3A_502 = arith.index_cast %get3A_501 : i32 to index
    %get3A_503 = arith.constant 240 : index
    %get3A_504 = tpu.vector_load %arg7[%get3A_502, %get3A_503] {strides = array<i32>} : memref<77x256xf32, #tpu.memory_space<vmem>>, vector<1x16xf32>,
    %get3A_505 = vector.shape_cast %get3A_504 : vector<1x16xf32> to vector<16xf32>
    %parallel_loop3A_506 = arith.constant 0 : i32
    %parallel_loop3A_507 = arith.constant 64 : i32
    %parallel_loop3A_508 = arith.constant 1 : i32
    scf.for %parallel_loop3A_674 = %parallel_loop3A_506 to %parallel_loop3A_507 step %parallel_loop3A_508  : i32 {
      %parallel_loop3A_675 = arith.index_cast %parallel_loop3A_674 : i32 to index
      %parallel_loop3A_676 = arith.constant 0 : index
      %parallel_loop3A_677 = tpu.vector_load %arg8[%parallel_loop3A_675, %parallel_loop3A_676] {strides = array<i32>} : memref<128x256xf32, #tpu.memory_space<vmem>>, vector<1x16xf32>,
      %parallel_loop3A_678 = vector.shape_cast %parallel_loop3A_677 : vector<1x16xf32> to vector<16xf32>
      %parallel_loop3A_679 = vector.shape_cast %get3A_430 : vector<16xf32> to vector<1x16xf32>
      tpu.vector_store %arg8[%parallel_loop3A_675, %parallel_loop3A_676], %parallel_loop3A_679 {add = true, strides = array<i32>} : memref<128x256xf32, #tpu.memory_space<vmem>>, vector<1x16xf32>,
      %parallel_loop3A_680 = arith.index_cast %parallel_loop3A_674 : i32 to index
      %parallel_loop3A_681 = arith.constant 16 : index
      %parallel_loop3A_682 = tpu.vector_load %arg8[%parallel_loop3A_680, %parallel_loop3A_681] {strides = array<i32>} : memref<128x256xf32, #tpu.memory_space<vmem>>, vector<1x16xf32>,
      %parallel_loop3A_683 = vector.shape_cast %parallel_loop3A_682 : vector<1x16xf32> to vector<16xf32>
      %parallel_loop3A_684 = vector.shape_cast %get3A_435 : vector<16xf32> to vector<1x16xf32>
      tpu.vector_store %arg8[%parallel_loop3A_680, %parallel_loop3A_681], %parallel_loop3A_684 {add = true, strides = array<i32>} : memref<128x256xf32, #tpu.memory_space<vmem>>, vector<1x16xf32>,
      %parallel_loop3A_685 = arith.index_cast %parallel_loop3A_674 : i32 to index
      %parallel_loop3A_686 = arith.constant 32 : index
      %parallel_loop3A_687 = tpu.vector_load %arg8[%parallel_loop3A_685, %parallel_loop3A_686] {strides = array<i32>} : memref<128x256xf32, #tpu.memory_space<vmem>>, vector<1x16xf32>,
      %parallel_loop3A_688 = vector.shape_cast %parallel_loop3A_687 : vector<1x16xf32> to vector<16xf32>
      %parallel_loop3A_689 = vector.shape_cast %get3A_440 : vector<16xf32> to vector<1x16xf32>
      tpu.vector_store %arg8[%parallel_loop3A_685, %parallel_loop3A_686], %parallel_loop3A_689 {add = true, strides = array<i32>} : memref<128x256xf32, #tpu.memory_space<vmem>>, vector<1x16xf32>,
      %parallel_loop3A_690 = arith.index_cast %parallel_loop3A_674 : i32 to index
      %parallel_loop3A_691 = arith.constant 48 : index
      %parallel_loop3A_692 = tpu.vector_load %arg8[%parallel_loop3A_690, %parallel_loop3A_691] {strides = array<i32>} : memref<128x256xf32, #tpu.memory_space<vmem>>, vector<1x16xf32>,
      %parallel_loop3A_693 = vector.shape_cast %parallel_loop3A_692 : vector<1x16xf32> to vector<16xf32>
      %parallel_loop3A_694 = vector.shape_cast %get3A_445 : vector<16xf32> to vector<1x16xf32>
      tpu.vector_store %arg8[%parallel_loop3A_690, %parallel_loop3A_691], %parallel_loop3A_694 {add = true, strides = array<i32>} : memref<128x256xf32, #tpu.memory_space<vmem>>, vector<1x16xf32>,
      %parallel_loop3A_695 = arith.index_cast %parallel_loop3A_674 : i32 to index
      %parallel_loop3A_696 = arith.constant 64 : index
      %parallel_loop3A_697 = tpu.vector_load %arg8[%parallel_loop3A_695, %parallel_loop3A_696] {strides = array<i32>} : memref<128x256xf32, #tpu.memory_space<vmem>>, vector<1x16xf32>,
      %parallel_loop3A_698 = vector.shape_cast %parallel_loop3A_697 : vector<1x16xf32> to vector<16xf32>
      %parallel_loop3A_699 = vector.shape_cast %get3A_450 : vector<16xf32> to vector<1x16xf32>
      tpu.vector_store %arg8[%parallel_loop3A_695, %parallel_loop3A_696], %parallel_loop3A_699 {add = true, strides = array<i32>} : memref<128x256xf32, #tpu.memory_space<vmem>>, vector<1x16xf32>,
      %parallel_loop3A_700 = arith.index_cast %parallel_loop3A_674 : i32 to index
      %parallel_loop3A_701 = arith.constant 80 : index
      %parallel_loop3A_702 = tpu.vector_load %arg8[%parallel_loop3A_700, %parallel_loop3A_701] {strides = array<i32>} : memref<128x256xf32, #tpu.memory_space<vmem>>, vector<1x16xf32>,
      %parallel_loop3A_703 = vector.shape_cast %parallel_loop3A_702 : vector<1x16xf32> to vector<16xf32>
      %parallel_loop3A_704 = vector.shape_cast %get3A_455 : vector<16xf32> to vector<1x16xf32>
      tpu.vector_store %arg8[%parallel_loop3A_700, %parallel_loop3A_701], %parallel_loop3A_704 {add = true, strides = array<i32>} : memref<128x256xf32, #tpu.memory_space<vmem>>, vector<1x16xf32>,
      %parallel_loop3A_705 = arith.index_cast %parallel_loop3A_674 : i32 to index
      %parallel_loop3A_706 = arith.constant 96 : index
      %parallel_loop3A_707 = tpu.vector_load %arg8[%parallel_loop3A_705, %parallel_loop3A_706] {strides = array<i32>} : memref<128x256xf32, #tpu.memory_space<vmem>>, vector<1x16xf32>,
      %parallel_loop3A_708 = vector.shape_cast %parallel_loop3A_707 : vector<1x16xf32> to vector<16xf32>
      %parallel_loop3A_709 = vector.shape_cast %get3A_460 : vector<16xf32> to vector<1x16xf32>
      tpu.vector_store %arg8[%parallel_loop3A_705, %parallel_loop3A_706], %parallel_loop3A_709 {add = true, strides = array<i32>} : memref<128x256xf32, #tpu.memory_space<vmem>>, vector<1x16xf32>,
      %parallel_loop3A_710 = arith.index_cast %parallel_loop3A_674 : i32 to index
      %parallel_loop3A_711 = arith.constant 112 : index
      %parallel_loop3A_712 = tpu.vector_load %arg8[%parallel_loop3A_710, %parallel_loop3A_711] {strides = array<i32>} : memref<128x256xf32, #tpu.memory_space<vmem>>, vector<1x16xf32>,
      %parallel_loop3A_713 = vector.shape_cast %parallel_loop3A_712 : vector<1x16xf32> to vector<16xf32>
      %parallel_loop3A_714 = vector.shape_cast %get3A_465 : vector<16xf32> to vector<1x16xf32>
      tpu.vector_store %arg8[%parallel_loop3A_710, %parallel_loop3A_711], %parallel_loop3A_714 {add = true, strides = array<i32>} : memref<128x256xf32, #tpu.memory_space<vmem>>, vector<1x16xf32>,
      %parallel_loop3A_715 = arith.index_cast %parallel_loop3A_674 : i32 to index
      %parallel_loop3A_716 = arith.constant 128 : index
      %parallel_loop3A_717 = tpu.vector_load %arg8[%parallel_loop3A_715, %parallel_loop3A_716] {strides = array<i32>} : memref<128x256xf32, #tpu.memory_space<vmem>>, vector<1x16xf32>,
      %parallel_loop3A_718 = vector.shape_cast %parallel_loop3A_717 : vector<1x16xf32> to vector<16xf32>
      %parallel_loop3A_719 = vector.shape_cast %get3A_470 : vector<16xf32> to vector<1x16xf32>
      tpu.vector_store %arg8[%parallel_loop3A_715, %parallel_loop3A_716], %parallel_loop3A_719 {add = true, strides = array<i32>} : memref<128x256xf32, #tpu.memory_space<vmem>>, vector<1x16xf32>,
      %parallel_loop3A_720 = arith.index_cast %parallel_loop3A_674 : i32 to index
      %parallel_loop3A_721 = arith.constant 144 : index
      %parallel_loop3A_722 = tpu.vector_load %arg8[%parallel_loop3A_720, %parallel_loop3A_721] {strides = array<i32>} : memref<128x256xf32, #tpu.memory_space<vmem>>, vector<1x16xf32>,
      %parallel_loop3A_723 = vector.shape_cast %parallel_loop3A_722 : vector<1x16xf32> to vector<16xf32>
      %parallel_loop3A_724 = vector.shape_cast %get3A_475 : vector<16xf32> to vector<1x16xf32>
      tpu.vector_store %arg8[%parallel_loop3A_720, %parallel_loop3A_721], %parallel_loop3A_724 {add = true, strides = array<i32>} : memref<128x256xf32, #tpu.memory_space<vmem>>, vector<1x16xf32>,
      %parallel_loop3A_725 = arith.index_cast %parallel_loop3A_674 : i32 to index
      %parallel_loop3A_726 = arith.constant 160 : index
      %parallel_loop3A_727 = tpu.vector_load %arg8[%parallel_loop3A_725, %parallel_loop3A_726] {strides = array<i32>} : memref<128x256xf32, #tpu.memory_space<vmem>>, vector<1x16xf32>,
      %parallel_loop3A_728 = vector.shape_cast %parallel_loop3A_727 : vector<1x16xf32> to vector<16xf32>
      %parallel_loop3A_729 = vector.shape_cast %get3A_480 : vector<16xf32> to vector<1x16xf32>
      tpu.vector_store %arg8[%parallel_loop3A_725, %parallel_loop3A_726], %parallel_loop3A_729 {add = true, strides = array<i32>} : memref<128x256xf32, #tpu.memory_space<vmem>>, vector<1x16xf32>,
      %parallel_loop3A_730 = arith.index_cast %parallel_loop3A_674 : i32 to index
      %parallel_loop3A_731 = arith.constant 176 : index
      %parallel_loop3A_732 = tpu.vector_load %arg8[%parallel_loop3A_730, %parallel_loop3A_731] {strides = array<i32>} : memref<128x256xf32, #tpu.memory_space<vmem>>, vector<1x16xf32>,
      %parallel_loop3A_733 = vector.shape_cast %parallel_loop3A_732 : vector<1x16xf32> to vector<16xf32>
      %parallel_loop3A_734 = vector.shape_cast %get3A_485 : vector<16xf32> to vector<1x16xf32>
      tpu.vector_store %arg8[%parallel_loop3A_730, %parallel_loop3A_731], %parallel_loop3A_734 {add = true, strides = array<i32>} : memref<128x256xf32, #tpu.memory_space<vmem>>, vector<1x16xf32>,
      %parallel_loop3A_735 = arith.index_cast %parallel_loop3A_674 : i32 to index
      %parallel_loop3A_736 = arith.constant 192 : index
      %parallel_loop3A_737 = tpu.vector_load %arg8[%parallel_loop3A_735, %parallel_loop3A_736] {strides = array<i32>} : memref<128x256xf32, #tpu.memory_space<vmem>>, vector<1x16xf32>,
      %parallel_loop3A_738 = vector.shape_cast %parallel_loop3A_737 : vector<1x16xf32> to vector<16xf32>
      %parallel_loop3A_739 = vector.shape_cast %get3A_490 : vector<16xf32> to vector<1x16xf32>
      tpu.vector_store %arg8[%parallel_loop3A_735, %parallel_loop3A_736], %parallel_loop3A_739 {add = true, strides = array<i32>} : memref<128x256xf32, #tpu.memory_space<vmem>>, vector<1x16xf32>,
      %parallel_loop3A_740 = arith.index_cast %parallel_loop3A_674 : i32 to index
      %parallel_loop3A_741 = arith.constant 208 : index
      %parallel_loop3A_742 = tpu.vector_load %arg8[%parallel_loop3A_740, %parallel_loop3A_741] {strides = array<i32>} : memref<128x256xf32, #tpu.memory_space<vmem>>, vector<1x16xf32>,
      %parallel_loop3A_743 = vector.shape_cast %parallel_loop3A_742 : vector<1x16xf32> to vector<16xf32>
      %parallel_loop3A_744 = vector.shape_cast %get3A_495 : vector<16xf32> to vector<1x16xf32>
      tpu.vector_store %arg8[%parallel_loop3A_740, %parallel_loop3A_741], %parallel_loop3A_744 {add = true, strides = array<i32>} : memref<128x256xf32, #tpu.memory_space<vmem>>, vector<1x16xf32>,
      %parallel_loop3A_745 = arith.index_cast %parallel_loop3A_674 : i32 to index
      %parallel_loop3A_746 = arith.constant 224 : index
      %parallel_loop3A_747 = tpu.vector_load %arg8[%parallel_loop3A_745, %parallel_loop3A_746] {strides = array<i32>} : memref<128x256xf32, #tpu.memory_space<vmem>>, vector<1x16xf32>,
      %parallel_loop3A_748 = vector.shape_cast %parallel_loop3A_747 : vector<1x16xf32> to vector<16xf32>
      %parallel_loop3A_749 = vector.shape_cast %get3A_500 : vector<16xf32> to vector<1x16xf32>
      tpu.vector_store %arg8[%parallel_loop3A_745, %parallel_loop3A_746], %parallel_loop3A_749 {add = true, strides = array<i32>} : memref<128x256xf32, #tpu.memory_space<vmem>>, vector<1x16xf32>,
      %parallel_loop3A_750 = arith.index_cast %parallel_loop3A_674 : i32 to index
      %parallel_loop3A_751 = arith.constant 240 : index
      %parallel_loop3A_752 = tpu.vector_load %arg8[%parallel_loop3A_750, %parallel_loop3A_751] {strides = array<i32>} : memref<128x256xf32, #tpu.memory_space<vmem>>, vector<1x16xf32>,
      %parallel_loop3A_753 = vector.shape_cast %parallel_loop3A_752 : vector<1x16xf32> to vector<16xf32>
      %parallel_loop3A_754 = vector.shape_cast %get3A_505 : vector<16xf32> to vector<1x16xf32>
      tpu.vector_store %arg8[%parallel_loop3A_750, %parallel_loop3A_751], %parallel_loop3A_754 {add = true, strides = array<i32>} : memref<128x256xf32, #tpu.memory_space<vmem>>, vector<1x16xf32>,
    } {sc.loop_unroll_factor = 2 : i64, sc.parallel_access}
    %dma_start3A_509 = arith.constant 75 : i32
    %dma_start3A_510 = arith.constant 0 : i32
    %dma_start3A_511 = arith.constant 0 : i32
    %dma_start3A_512 = tpu.memref_slice %arg8[%dma_start3A_510, %dma_start3A_511] : memref<128x256xf32, #tpu.memory_space<vmem>> -> memref<64x256xf32, #tpu.memory_space<vmem>>
    %dma_start3A_513 = arith.constant 0 : i32
    %dma_start3A_514 = tpu.memref_slice %arg5[%dma_start3A_509, %mul3A_2, %dma_start3A_513] : memref<77x4096x256xf32, #tpu.memory_space<hbm>> -> memref<1x64x256xf32, #tpu.memory_space<hbm>>
    %dma_start3A_515 = tpu.memref_squeeze %dma_start3A_514 : memref<1x64x256xf32, #tpu.memory_space<hbm>> -> memref<64x256xf32, #tpu.memory_space<hbm>>
    %dma_start3A_516 = arith.constant 0 : i32
    %dma_start3A_517 = tpu.memref_slice %arg5[%dma_start3A_509, %mul3A_2, %dma_start3A_516] : memref<77x4096x256xf32, #tpu.memory_space<hbm>> -> memref<1x64x256xf32, #tpu.memory_space<hbm>>
    %dma_start3A_518 = tpu.memref_squeeze %dma_start3A_517 : memref<1x64x256xf32, #tpu.memory_space<hbm>> -> memref<64x256xf32, #tpu.memory_space<hbm>>
    %dma_start3A_519 = arith.constant 0 : i32
    %dma_start3A_520 = arith.constant 0 : i32
    %dma_start3A_521 = tpu.memref_slice %arg8[%dma_start3A_519, %dma_start3A_520] : memref<128x256xf32, #tpu.memory_space<vmem>> -> memref<64x256xf32, #tpu.memory_space<vmem>>
    tpu.enqueue_dma source(%dma_start3A_521 : memref<64x256xf32, #tpu.memory_space<vmem>>) target(%dma_start3A_518 : memref<64x256xf32, #tpu.memory_space<hbm>>) target_semaphore(%arg14 : memref<!tpu.dma_semaphore, #tpu.memory_space<semaphore_mem>>)
    %parallel_loop3A_522 = arith.constant 64 : i32
    %parallel_loop3A_523 = arith.constant 128 : i32
    %parallel_loop3A_524 = arith.constant 1 : i32
    scf.for %parallel_loop3A_674 = %parallel_loop3A_522 to %parallel_loop3A_523 step %parallel_loop3A_524  : i32 {
      %parallel_loop3A_675 = arith.index_cast %parallel_loop3A_674 : i32 to index
      %parallel_loop3A_676 = arith.constant 0 : index
      %parallel_loop3A_677 = tpu.vector_load %arg8[%parallel_loop3A_675, %parallel_loop3A_676] {strides = array<i32>} : memref<128x256xf32, #tpu.memory_space<vmem>>, vector<1x16xf32>,
      %parallel_loop3A_678 = vector.shape_cast %parallel_loop3A_677 : vector<1x16xf32> to vector<16xf32>
      %parallel_loop3A_679 = vector.shape_cast %get3A_430 : vector<16xf32> to vector<1x16xf32>
      tpu.vector_store %arg8[%parallel_loop3A_675, %parallel_loop3A_676], %parallel_loop3A_679 {add = true, strides = array<i32>} : memref<128x256xf32, #tpu.memory_space<vmem>>, vector<1x16xf32>,
      %parallel_loop3A_680 = arith.index_cast %parallel_loop3A_674 : i32 to index
      %parallel_loop3A_681 = arith.constant 16 : index
      %parallel_loop3A_682 = tpu.vector_load %arg8[%parallel_loop3A_680, %parallel_loop3A_681] {strides = array<i32>} : memref<128x256xf32, #tpu.memory_space<vmem>>, vector<1x16xf32>,
      %parallel_loop3A_683 = vector.shape_cast %parallel_loop3A_682 : vector<1x16xf32> to vector<16xf32>
      %parallel_loop3A_684 = vector.shape_cast %get3A_435 : vector<16xf32> to vector<1x16xf32>
      tpu.vector_store %arg8[%parallel_loop3A_680, %parallel_loop3A_681], %parallel_loop3A_684 {add = true, strides = array<i32>} : memref<128x256xf32, #tpu.memory_space<vmem>>, vector<1x16xf32>,
      %parallel_loop3A_685 = arith.index_cast %parallel_loop3A_674 : i32 to index
      %parallel_loop3A_686 = arith.constant 32 : index
      %parallel_loop3A_687 = tpu.vector_load %arg8[%parallel_loop3A_685, %parallel_loop3A_686] {strides = array<i32>} : memref<128x256xf32, #tpu.memory_space<vmem>>, vector<1x16xf32>,
      %parallel_loop3A_688 = vector.shape_cast %parallel_loop3A_687 : vector<1x16xf32> to vector<16xf32>
      %parallel_loop3A_689 = vector.shape_cast %get3A_440 : vector<16xf32> to vector<1x16xf32>
      tpu.vector_store %arg8[%parallel_loop3A_685, %parallel_loop3A_686], %parallel_loop3A_689 {add = true, strides = array<i32>} : memref<128x256xf32, #tpu.memory_space<vmem>>, vector<1x16xf32>,
      %parallel_loop3A_690 = arith.index_cast %parallel_loop3A_674 : i32 to index
      %parallel_loop3A_691 = arith.constant 48 : index
      %parallel_loop3A_692 = tpu.vector_load %arg8[%parallel_loop3A_690, %parallel_loop3A_691] {strides = array<i32>} : memref<128x256xf32, #tpu.memory_space<vmem>>, vector<1x16xf32>,
      %parallel_loop3A_693 = vector.shape_cast %parallel_loop3A_692 : vector<1x16xf32> to vector<16xf32>
      %parallel_loop3A_694 = vector.shape_cast %get3A_445 : vector<16xf32> to vector<1x16xf32>
      tpu.vector_store %arg8[%parallel_loop3A_690, %parallel_loop3A_691], %parallel_loop3A_694 {add = true, strides = array<i32>} : memref<128x256xf32, #tpu.memory_space<vmem>>, vector<1x16xf32>,
      %parallel_loop3A_695 = arith.index_cast %parallel_loop3A_674 : i32 to index
      %parallel_loop3A_696 = arith.constant 64 : index
      %parallel_loop3A_697 = tpu.vector_load %arg8[%parallel_loop3A_695, %parallel_loop3A_696] {strides = array<i32>} : memref<128x256xf32, #tpu.memory_space<vmem>>, vector<1x16xf32>,
      %parallel_loop3A_698 = vector.shape_cast %parallel_loop3A_697 : vector<1x16xf32> to vector<16xf32>
      %parallel_loop3A_699 = vector.shape_cast %get3A_450 : vector<16xf32> to vector<1x16xf32>
      tpu.vector_store %arg8[%parallel_loop3A_695, %parallel_loop3A_696], %parallel_loop3A_699 {add = true, strides = array<i32>} : memref<128x256xf32, #tpu.memory_space<vmem>>, vector<1x16xf32>,
      %parallel_loop3A_700 = arith.index_cast %parallel_loop3A_674 : i32 to index
      %parallel_loop3A_701 = arith.constant 80 : index
      %parallel_loop3A_702 = tpu.vector_load %arg8[%parallel_loop3A_700, %parallel_loop3A_701] {strides = array<i32>} : memref<128x256xf32, #tpu.memory_space<vmem>>, vector<1x16xf32>,
      %parallel_loop3A_703 = vector.shape_cast %parallel_loop3A_702 : vector<1x16xf32> to vector<16xf32>
      %parallel_loop3A_704 = vector.shape_cast %get3A_455 : vector<16xf32> to vector<1x16xf32>
      tpu.vector_store %arg8[%parallel_loop3A_700, %parallel_loop3A_701], %parallel_loop3A_704 {add = true, strides = array<i32>} : memref<128x256xf32, #tpu.memory_space<vmem>>, vector<1x16xf32>,
      %parallel_loop3A_705 = arith.index_cast %parallel_loop3A_674 : i32 to index
      %parallel_loop3A_706 = arith.constant 96 : index
      %parallel_loop3A_707 = tpu.vector_load %arg8[%parallel_loop3A_705, %parallel_loop3A_706] {strides = array<i32>} : memref<128x256xf32, #tpu.memory_space<vmem>>, vector<1x16xf32>,
      %parallel_loop3A_708 = vector.shape_cast %parallel_loop3A_707 : vector<1x16xf32> to vector<16xf32>
      %parallel_loop3A_709 = vector.shape_cast %get3A_460 : vector<16xf32> to vector<1x16xf32>
      tpu.vector_store %arg8[%parallel_loop3A_705, %parallel_loop3A_706], %parallel_loop3A_709 {add = true, strides = array<i32>} : memref<128x256xf32, #tpu.memory_space<vmem>>, vector<1x16xf32>,
      %parallel_loop3A_710 = arith.index_cast %parallel_loop3A_674 : i32 to index
      %parallel_loop3A_711 = arith.constant 112 : index
      %parallel_loop3A_712 = tpu.vector_load %arg8[%parallel_loop3A_710, %parallel_loop3A_711] {strides = array<i32>} : memref<128x256xf32, #tpu.memory_space<vmem>>, vector<1x16xf32>,
      %parallel_loop3A_713 = vector.shape_cast %parallel_loop3A_712 : vector<1x16xf32> to vector<16xf32>
      %parallel_loop3A_714 = vector.shape_cast %get3A_465 : vector<16xf32> to vector<1x16xf32>
      tpu.vector_store %arg8[%parallel_loop3A_710, %parallel_loop3A_711], %parallel_loop3A_714 {add = true, strides = array<i32>} : memref<128x256xf32, #tpu.memory_space<vmem>>, vector<1x16xf32>,
      %parallel_loop3A_715 = arith.index_cast %parallel_loop3A_674 : i32 to index
      %parallel_loop3A_716 = arith.constant 128 : index
      %parallel_loop3A_717 = tpu.vector_load %arg8[%parallel_loop3A_715, %parallel_loop3A_716] {strides = array<i32>} : memref<128x256xf32, #tpu.memory_space<vmem>>, vector<1x16xf32>,
      %parallel_loop3A_718 = vector.shape_cast %parallel_loop3A_717 : vector<1x16xf32> to vector<16xf32>
      %parallel_loop3A_719 = vector.shape_cast %get3A_470 : vector<16xf32> to vector<1x16xf32>
      tpu.vector_store %arg8[%parallel_loop3A_715, %parallel_loop3A_716], %parallel_loop3A_719 {add = true, strides = array<i32>} : memref<128x256xf32, #tpu.memory_space<vmem>>, vector<1x16xf32>,
      %parallel_loop3A_720 = arith.index_cast %parallel_loop3A_674 : i32 to index
      %parallel_loop3A_721 = arith.constant 144 : index
      %parallel_loop3A_722 = tpu.vector_load %arg8[%parallel_loop3A_720, %parallel_loop3A_721] {strides = array<i32>} : memref<128x256xf32, #tpu.memory_space<vmem>>, vector<1x16xf32>,
      %parallel_loop3A_723 = vector.shape_cast %parallel_loop3A_722 : vector<1x16xf32> to vector<16xf32>
      %parallel_loop3A_724 = vector.shape_cast %get3A_475 : vector<16xf32> to vector<1x16xf32>
      tpu.vector_store %arg8[%parallel_loop3A_720, %parallel_loop3A_721], %parallel_loop3A_724 {add = true, strides = array<i32>} : memref<128x256xf32, #tpu.memory_space<vmem>>, vector<1x16xf32>,
      %parallel_loop3A_725 = arith.index_cast %parallel_loop3A_674 : i32 to index
      %parallel_loop3A_726 = arith.constant 160 : index
      %parallel_loop3A_727 = tpu.vector_load %arg8[%parallel_loop3A_725, %parallel_loop3A_726] {strides = array<i32>} : memref<128x256xf32, #tpu.memory_space<vmem>>, vector<1x16xf32>,
      %parallel_loop3A_728 = vector.shape_cast %parallel_loop3A_727 : vector<1x16xf32> to vector<16xf32>
      %parallel_loop3A_729 = vector.shape_cast %get3A_480 : vector<16xf32> to vector<1x16xf32>
      tpu.vector_store %arg8[%parallel_loop3A_725, %parallel_loop3A_726], %parallel_loop3A_729 {add = true, strides = array<i32>} : memref<128x256xf32, #tpu.memory_space<vmem>>, vector<1x16xf32>,
      %parallel_loop3A_730 = arith.index_cast %parallel_loop3A_674 : i32 to index
      %parallel_loop3A_731 = arith.constant 176 : index
      %parallel_loop3A_732 = tpu.vector_load %arg8[%parallel_loop3A_730, %parallel_loop3A_731] {strides = array<i32>} : memref<128x256xf32, #tpu.memory_space<vmem>>, vector<1x16xf32>,
      %parallel_loop3A_733 = vector.shape_cast %parallel_loop3A_732 : vector<1x16xf32> to vector<16xf32>
      %parallel_loop3A_734 = vector.shape_cast %get3A_485 : vector<16xf32> to vector<1x16xf32>
      tpu.vector_store %arg8[%parallel_loop3A_730, %parallel_loop3A_731], %parallel_loop3A_734 {add = true, strides = array<i32>} : memref<128x256xf32, #tpu.memory_space<vmem>>, vector<1x16xf32>,
      %parallel_loop3A_735 = arith.index_cast %parallel_loop3A_674 : i32 to index
      %parallel_loop3A_736 = arith.constant 192 : index
      %parallel_loop3A_737 = tpu.vector_load %arg8[%parallel_loop3A_735, %parallel_loop3A_736] {strides = array<i32>} : memref<128x256xf32, #tpu.memory_space<vmem>>, vector<1x16xf32>,
      %parallel_loop3A_738 = vector.shape_cast %parallel_loop3A_737 : vector<1x16xf32> to vector<16xf32>
      %parallel_loop3A_739 = vector.shape_cast %get3A_490 : vector<16xf32> to vector<1x16xf32>
      tpu.vector_store %arg8[%parallel_loop3A_735, %parallel_loop3A_736], %parallel_loop3A_739 {add = true, strides = array<i32>} : memref<128x256xf32, #tpu.memory_space<vmem>>, vector<1x16xf32>,
      %parallel_loop3A_740 = arith.index_cast %parallel_loop3A_674 : i32 to index
      %parallel_loop3A_741 = arith.constant 208 : index
      %parallel_loop3A_742 = tpu.vector_load %arg8[%parallel_loop3A_740, %parallel_loop3A_741] {strides = array<i32>} : memref<128x256xf32, #tpu.memory_space<vmem>>, vector<1x16xf32>,
      %parallel_loop3A_743 = vector.shape_cast %parallel_loop3A_742 : vector<1x16xf32> to vector<16xf32>
      %parallel_loop3A_744 = vector.shape_cast %get3A_495 : vector<16xf32> to vector<1x16xf32>
      tpu.vector_store %arg8[%parallel_loop3A_740, %parallel_loop3A_741], %parallel_loop3A_744 {add = true, strides = array<i32>} : memref<128x256xf32, #tpu.memory_space<vmem>>, vector<1x16xf32>,
      %parallel_loop3A_745 = arith.index_cast %parallel_loop3A_674 : i32 to index
      %parallel_loop3A_746 = arith.constant 224 : index
      %parallel_loop3A_747 = tpu.vector_load %arg8[%parallel_loop3A_745, %parallel_loop3A_746] {strides = array<i32>} : memref<128x256xf32, #tpu.memory_space<vmem>>, vector<1x16xf32>,
      %parallel_loop3A_748 = vector.shape_cast %parallel_loop3A_747 : vector<1x16xf32> to vector<16xf32>
      %parallel_loop3A_749 = vector.shape_cast %get3A_500 : vector<16xf32> to vector<1x16xf32>
      tpu.vector_store %arg8[%parallel_loop3A_745, %parallel_loop3A_746], %parallel_loop3A_749 {add = true, strides = array<i32>} : memref<128x256xf32, #tpu.memory_space<vmem>>, vector<1x16xf32>,
      %parallel_loop3A_750 = arith.index_cast %parallel_loop3A_674 : i32 to index
      %parallel_loop3A_751 = arith.constant 240 : index
      %parallel_loop3A_752 = tpu.vector_load %arg8[%parallel_loop3A_750, %parallel_loop3A_751] {strides = array<i32>} : memref<128x256xf32, #tpu.memory_space<vmem>>, vector<1x16xf32>,
      %parallel_loop3A_753 = vector.shape_cast %parallel_loop3A_752 : vector<1x16xf32> to vector<16xf32>
      %parallel_loop3A_754 = vector.shape_cast %get3A_505 : vector<16xf32> to vector<1x16xf32>
      tpu.vector_store %arg8[%parallel_loop3A_750, %parallel_loop3A_751], %parallel_loop3A_754 {add = true, strides = array<i32>} : memref<128x256xf32, #tpu.memory_space<vmem>>, vector<1x16xf32>,
    } {sc.loop_unroll_factor = 2 : i64, sc.parallel_access}
    %add3A_525 = arith.constant 64 : i32
    %add3A_526 = arith.addi %mul3A_2, %add3A_525 : i32
    %dma_start3A_527 = arith.constant 75 : i32
    %dma_start3A_528 = arith.constant 64 : i32
    %dma_start3A_529 = arith.constant 0 : i32
    %dma_start3A_530 = tpu.memref_slice %arg8[%dma_start3A_528, %dma_start3A_529] : memref<128x256xf32, #tpu.memory_space<vmem>> -> memref<64x256xf32, #tpu.memory_space<vmem>>
    %dma_start3A_531 = arith.constant 0 : i32
    %dma_start3A_532 = tpu.memref_slice %arg5[%dma_start3A_527, %add3A_526, %dma_start3A_531] : memref<77x4096x256xf32, #tpu.memory_space<hbm>> -> memref<1x64x256xf32, #tpu.memory_space<hbm>>
    %dma_start3A_533 = tpu.memref_squeeze %dma_start3A_532 : memref<1x64x256xf32, #tpu.memory_space<hbm>> -> memref<64x256xf32, #tpu.memory_space<hbm>>
    %dma_start3A_534 = arith.constant 0 : i32
    %dma_start3A_535 = tpu.memref_slice %arg5[%dma_start3A_527, %add3A_526, %dma_start3A_534] : memref<77x4096x256xf32, #tpu.memory_space<hbm>> -> memref<1x64x256xf32, #tpu.memory_space<hbm>>
    %dma_start3A_536 = tpu.memref_squeeze %dma_start3A_535 : memref<1x64x256xf32, #tpu.memory_space<hbm>> -> memref<64x256xf32, #tpu.memory_space<hbm>>
    %dma_start3A_537 = arith.constant 64 : i32
    %dma_start3A_538 = arith.constant 0 : i32
    %dma_start3A_539 = tpu.memref_slice %arg8[%dma_start3A_537, %dma_start3A_538] : memref<128x256xf32, #tpu.memory_space<vmem>> -> memref<64x256xf32, #tpu.memory_space<vmem>>
    tpu.enqueue_dma source(%dma_start3A_539 : memref<64x256xf32, #tpu.memory_space<vmem>>) target(%dma_start3A_536 : memref<64x256xf32, #tpu.memory_space<hbm>>) target_semaphore(%arg14 : memref<!tpu.dma_semaphore, #tpu.memory_space<semaphore_mem>>)
    %dma_wait3A_540 = arith.constant 0 : i32
    %dma_wait3A_541 = arith.constant 0 : i32
    %dma_wait3A_542 = tpu.memref_slice %arg5[%dma_wait3A_540, %mul3A_2, %dma_wait3A_541] : memref<77x4096x256xf32, #tpu.memory_space<hbm>> -> memref<1x128x256xf32, #tpu.memory_space<hbm>>
    %dma_wait3A_543 = tpu.memref_squeeze %dma_wait3A_542 : memref<1x128x256xf32, #tpu.memory_space<hbm>> -> memref<128x256xf32, #tpu.memory_space<hbm>>
    %dma_wait3A_544 = arith.constant 0 : i32
    %dma_wait3A_545 = tpu.memref_slice %arg5[%dma_wait3A_540, %mul3A_2, %dma_wait3A_544] : memref<77x4096x256xf32, #tpu.memory_space<hbm>> -> memref<1x128x256xf32, #tpu.memory_space<hbm>>
    %dma_wait3A_546 = tpu.memref_squeeze %dma_wait3A_545 : memref<1x128x256xf32, #tpu.memory_space<hbm>> -> memref<128x256xf32, #tpu.memory_space<hbm>>
    tpu.wait_dma2 semaphore(%arg14 : memref<!tpu.dma_semaphore, #tpu.memory_space<semaphore_mem>>) src(%arg8 : memref<128x256xf32, #tpu.memory_space<vmem>>) dst(%dma_wait3A_546 : memref<128x256xf32, #tpu.memory_space<hbm>>)
    %dma_wait3A_547 = arith.constant 0 : i32
    %dma_wait3A_548 = arith.constant 0 : i32
    %dma_wait3A_549 = tpu.memref_slice %arg3[%dma_wait3A_547, %dma_wait3A_548] : memref<49408x256xf32, #tpu.memory_space<hbm>> -> memref<128x256xf32, #tpu.memory_space<hbm>>
    %dma_wait3A_550 = arith.constant 0 : i32
    %dma_wait3A_551 = arith.constant 0 : i32
    %dma_wait3A_552 = tpu.memref_slice %arg3[%dma_wait3A_550, %dma_wait3A_551] : memref<49408x256xf32, #tpu.memory_space<hbm>> -> memref<128x256xf32, #tpu.memory_space<hbm>>
    tpu.wait_dma2 semaphore(%arg12 : memref<!tpu.dma_semaphore, #tpu.memory_space<semaphore_mem>>) src(%dma_wait3A_552 : memref<128x256xf32, #tpu.memory_space<hbm>>) dst(%arg9 : memref<128x256xf32, #tpu.memory_space<vmem>>)
    %get3A_553 = arith.constant 76 : i32
    %get3A_554 = arith.index_cast %get3A_553 : i32 to index
    %get3A_555 = arith.constant 0 : index
    %get3A_556 = tpu.vector_load %arg7[%get3A_554, %get3A_555] {strides = array<i32>} : memref<77x256xf32, #tpu.memory_space<vmem>>, vector<1x16xf32>,
    %get3A_557 = vector.shape_cast %get3A_556 : vector<1x16xf32> to vector<16xf32>
    %get3A_558 = arith.constant 76 : i32
    %get3A_559 = arith.index_cast %get3A_558 : i32 to index
    %get3A_560 = arith.constant 16 : index
    %get3A_561 = tpu.vector_load %arg7[%get3A_559, %get3A_560] {strides = array<i32>} : memref<77x256xf32, #tpu.memory_space<vmem>>, vector<1x16xf32>,
    %get3A_562 = vector.shape_cast %get3A_561 : vector<1x16xf32> to vector<16xf32>
    %get3A_563 = arith.constant 76 : i32
    %get3A_564 = arith.index_cast %get3A_563 : i32 to index
    %get3A_565 = arith.constant 32 : index
    %get3A_566 = tpu.vector_load %arg7[%get3A_564, %get3A_565] {strides = array<i32>} : memref<77x256xf32, #tpu.memory_space<vmem>>, vector<1x16xf32>,
    %get3A_567 = vector.shape_cast %get3A_566 : vector<1x16xf32> to vector<16xf32>
    %get3A_568 = arith.constant 76 : i32
    %get3A_569 = arith.index_cast %get3A_568 : i32 to index
    %get3A_570 = arith.constant 48 : index
    %get3A_571 = tpu.vector_load %arg7[%get3A_569, %get3A_570] {strides = array<i32>} : memref<77x256xf32, #tpu.memory_space<vmem>>, vector<1x16xf32>,
    %get3A_572 = vector.shape_cast %get3A_571 : vector<1x16xf32> to vector<16xf32>
    %get3A_573 = arith.constant 76 : i32
    %get3A_574 = arith.index_cast %get3A_573 : i32 to index
    %get3A_575 = arith.constant 64 : index
    %get3A_576 = tpu.vector_load %arg7[%get3A_574, %get3A_575] {strides = array<i32>} : memref<77x256xf32, #tpu.memory_space<vmem>>, vector<1x16xf32>,
    %get3A_577 = vector.shape_cast %get3A_576 : vector<1x16xf32> to vector<16xf32>
    %get3A_578 = arith.constant 76 : i32
    %get3A_579 = arith.index_cast %get3A_578 : i32 to index
    %get3A_580 = arith.constant 80 : index
    %get3A_581 = tpu.vector_load %arg7[%get3A_579, %get3A_580] {strides = array<i32>} : memref<77x256xf32, #tpu.memory_space<vmem>>, vector<1x16xf32>,
    %get3A_582 = vector.shape_cast %get3A_581 : vector<1x16xf32> to vector<16xf32>
    %get3A_583 = arith.constant 76 : i32
    %get3A_584 = arith.index_cast %get3A_583 : i32 to index
    %get3A_585 = arith.constant 96 : index
    %get3A_586 = tpu.vector_load %arg7[%get3A_584, %get3A_585] {strides = array<i32>} : memref<77x256xf32, #tpu.memory_space<vmem>>, vector<1x16xf32>,
    %get3A_587 = vector.shape_cast %get3A_586 : vector<1x16xf32> to vector<16xf32>
    %get3A_588 = arith.constant 76 : i32
    %get3A_589 = arith.index_cast %get3A_588 : i32 to index
    %get3A_590 = arith.constant 112 : index
    %get3A_591 = tpu.vector_load %arg7[%get3A_589, %get3A_590] {strides = array<i32>} : memref<77x256xf32, #tpu.memory_space<vmem>>, vector<1x16xf32>,
    %get3A_592 = vector.shape_cast %get3A_591 : vector<1x16xf32> to vector<16xf32>
    %get3A_593 = arith.constant 76 : i32
    %get3A_594 = arith.index_cast %get3A_593 : i32 to index
    %get3A_595 = arith.constant 128 : index
    %get3A_596 = tpu.vector_load %arg7[%get3A_594, %get3A_595] {strides = array<i32>} : memref<77x256xf32, #tpu.memory_space<vmem>>, vector<1x16xf32>,
    %get3A_597 = vector.shape_cast %get3A_596 : vector<1x16xf32> to vector<16xf32>
    %get3A_598 = arith.constant 76 : i32
    %get3A_599 = arith.index_cast %get3A_598 : i32 to index
    %get3A_600 = arith.constant 144 : index
    %get3A_601 = tpu.vector_load %arg7[%get3A_599, %get3A_600] {strides = array<i32>} : memref<77x256xf32, #tpu.memory_space<vmem>>, vector<1x16xf32>,
    %get3A_602 = vector.shape_cast %get3A_601 : vector<1x16xf32> to vector<16xf32>
    %get3A_603 = arith.constant 76 : i32
    %get3A_604 = arith.index_cast %get3A_603 : i32 to index
    %get3A_605 = arith.constant 160 : index
    %get3A_606 = tpu.vector_load %arg7[%get3A_604, %get3A_605] {strides = array<i32>} : memref<77x256xf32, #tpu.memory_space<vmem>>, vector<1x16xf32>,
    %get3A_607 = vector.shape_cast %get3A_606 : vector<1x16xf32> to vector<16xf32>
    %get3A_608 = arith.constant 76 : i32
    %get3A_609 = arith.index_cast %get3A_608 : i32 to index
    %get3A_610 = arith.constant 176 : index
    %get3A_611 = tpu.vector_load %arg7[%get3A_609, %get3A_610] {strides = array<i32>} : memref<77x256xf32, #tpu.memory_space<vmem>>, vector<1x16xf32>,
    %get3A_612 = vector.shape_cast %get3A_611 : vector<1x16xf32> to vector<16xf32>
    %get3A_613 = arith.constant 76 : i32
    %get3A_614 = arith.index_cast %get3A_613 : i32 to index
    %get3A_615 = arith.constant 192 : index
    %get3A_616 = tpu.vector_load %arg7[%get3A_614, %get3A_615] {strides = array<i32>} : memref<77x256xf32, #tpu.memory_space<vmem>>, vector<1x16xf32>,
    %get3A_617 = vector.shape_cast %get3A_616 : vector<1x16xf32> to vector<16xf32>
    %get3A_618 = arith.constant 76 : i32
    %get3A_619 = arith.index_cast %get3A_618 : i32 to index
    %get3A_620 = arith.constant 208 : index
    %get3A_621 = tpu.vector_load %arg7[%get3A_619, %get3A_620] {strides = array<i32>} : memref<77x256xf32, #tpu.memory_space<vmem>>, vector<1x16xf32>,
    %get3A_622 = vector.shape_cast %get3A_621 : vector<1x16xf32> to vector<16xf32>
    %get3A_623 = arith.constant 76 : i32
    %get3A_624 = arith.index_cast %get3A_623 : i32 to index
    %get3A_625 = arith.constant 224 : index
    %get3A_626 = tpu.vector_load %arg7[%get3A_624, %get3A_625] {strides = array<i32>} : memref<77x256xf32, #tpu.memory_space<vmem>>, vector<1x16xf32>,
    %get3A_627 = vector.shape_cast %get3A_626 : vector<1x16xf32> to vector<16xf32>
    %get3A_628 = arith.constant 76 : i32
    %get3A_629 = arith.index_cast %get3A_628 : i32 to index
    %get3A_630 = arith.constant 240 : index
    %get3A_631 = tpu.vector_load %arg7[%get3A_629, %get3A_630] {strides = array<i32>} : memref<77x256xf32, #tpu.memory_space<vmem>>, vector<1x16xf32>,
    %get3A_632 = vector.shape_cast %get3A_631 : vector<1x16xf32> to vector<16xf32>
    %parallel_loop3A_633 = arith.constant 0 : i32
    %parallel_loop3A_634 = arith.constant 64 : i32
    %parallel_loop3A_635 = arith.constant 1 : i32
    scf.for %parallel_loop3A_674 = %parallel_loop3A_633 to %parallel_loop3A_634 step %parallel_loop3A_635  : i32 {
      %parallel_loop3A_675 = arith.index_cast %parallel_loop3A_674 : i32 to index
      %parallel_loop3A_676 = arith.constant 0 : index
      %parallel_loop3A_677 = tpu.vector_load %arg9[%parallel_loop3A_675, %parallel_loop3A_676] {strides = array<i32>} : memref<128x256xf32, #tpu.memory_space<vmem>>, vector<1x16xf32>,
      %parallel_loop3A_678 = vector.shape_cast %parallel_loop3A_677 : vector<1x16xf32> to vector<16xf32>
      %parallel_loop3A_679 = vector.shape_cast %get3A_557 : vector<16xf32> to vector<1x16xf32>
      tpu.vector_store %arg9[%parallel_loop3A_675, %parallel_loop3A_676], %parallel_loop3A_679 {add = true, strides = array<i32>} : memref<128x256xf32, #tpu.memory_space<vmem>>, vector<1x16xf32>,
      %parallel_loop3A_680 = arith.index_cast %parallel_loop3A_674 : i32 to index
      %parallel_loop3A_681 = arith.constant 16 : index
      %parallel_loop3A_682 = tpu.vector_load %arg9[%parallel_loop3A_680, %parallel_loop3A_681] {strides = array<i32>} : memref<128x256xf32, #tpu.memory_space<vmem>>, vector<1x16xf32>,
      %parallel_loop3A_683 = vector.shape_cast %parallel_loop3A_682 : vector<1x16xf32> to vector<16xf32>
      %parallel_loop3A_684 = vector.shape_cast %get3A_562 : vector<16xf32> to vector<1x16xf32>
      tpu.vector_store %arg9[%parallel_loop3A_680, %parallel_loop3A_681], %parallel_loop3A_684 {add = true, strides = array<i32>} : memref<128x256xf32, #tpu.memory_space<vmem>>, vector<1x16xf32>,
      %parallel_loop3A_685 = arith.index_cast %parallel_loop3A_674 : i32 to index
      %parallel_loop3A_686 = arith.constant 32 : index
      %parallel_loop3A_687 = tpu.vector_load %arg9[%parallel_loop3A_685, %parallel_loop3A_686] {strides = array<i32>} : memref<128x256xf32, #tpu.memory_space<vmem>>, vector<1x16xf32>,
      %parallel_loop3A_688 = vector.shape_cast %parallel_loop3A_687 : vector<1x16xf32> to vector<16xf32>
      %parallel_loop3A_689 = vector.shape_cast %get3A_567 : vector<16xf32> to vector<1x16xf32>
      tpu.vector_store %arg9[%parallel_loop3A_685, %parallel_loop3A_686], %parallel_loop3A_689 {add = true, strides = array<i32>} : memref<128x256xf32, #tpu.memory_space<vmem>>, vector<1x16xf32>,
      %parallel_loop3A_690 = arith.index_cast %parallel_loop3A_674 : i32 to index
      %parallel_loop3A_691 = arith.constant 48 : index
      %parallel_loop3A_692 = tpu.vector_load %arg9[%parallel_loop3A_690, %parallel_loop3A_691] {strides = array<i32>} : memref<128x256xf32, #tpu.memory_space<vmem>>, vector<1x16xf32>,
      %parallel_loop3A_693 = vector.shape_cast %parallel_loop3A_692 : vector<1x16xf32> to vector<16xf32>
      %parallel_loop3A_694 = vector.shape_cast %get3A_572 : vector<16xf32> to vector<1x16xf32>
      tpu.vector_store %arg9[%parallel_loop3A_690, %parallel_loop3A_691], %parallel_loop3A_694 {add = true, strides = array<i32>} : memref<128x256xf32, #tpu.memory_space<vmem>>, vector<1x16xf32>,
      %parallel_loop3A_695 = arith.index_cast %parallel_loop3A_674 : i32 to index
      %parallel_loop3A_696 = arith.constant 64 : index
      %parallel_loop3A_697 = tpu.vector_load %arg9[%parallel_loop3A_695, %parallel_loop3A_696] {strides = array<i32>} : memref<128x256xf32, #tpu.memory_space<vmem>>, vector<1x16xf32>,
      %parallel_loop3A_698 = vector.shape_cast %parallel_loop3A_697 : vector<1x16xf32> to vector<16xf32>
      %parallel_loop3A_699 = vector.shape_cast %get3A_577 : vector<16xf32> to vector<1x16xf32>
      tpu.vector_store %arg9[%parallel_loop3A_695, %parallel_loop3A_696], %parallel_loop3A_699 {add = true, strides = array<i32>} : memref<128x256xf32, #tpu.memory_space<vmem>>, vector<1x16xf32>,
      %parallel_loop3A_700 = arith.index_cast %parallel_loop3A_674 : i32 to index
      %parallel_loop3A_701 = arith.constant 80 : index
      %parallel_loop3A_702 = tpu.vector_load %arg9[%parallel_loop3A_700, %parallel_loop3A_701] {strides = array<i32>} : memref<128x256xf32, #tpu.memory_space<vmem>>, vector<1x16xf32>,
      %parallel_loop3A_703 = vector.shape_cast %parallel_loop3A_702 : vector<1x16xf32> to vector<16xf32>
      %parallel_loop3A_704 = vector.shape_cast %get3A_582 : vector<16xf32> to vector<1x16xf32>
      tpu.vector_store %arg9[%parallel_loop3A_700, %parallel_loop3A_701], %parallel_loop3A_704 {add = true, strides = array<i32>} : memref<128x256xf32, #tpu.memory_space<vmem>>, vector<1x16xf32>,
      %parallel_loop3A_705 = arith.index_cast %parallel_loop3A_674 : i32 to index
      %parallel_loop3A_706 = arith.constant 96 : index
      %parallel_loop3A_707 = tpu.vector_load %arg9[%parallel_loop3A_705, %parallel_loop3A_706] {strides = array<i32>} : memref<128x256xf32, #tpu.memory_space<vmem>>, vector<1x16xf32>,
      %parallel_loop3A_708 = vector.shape_cast %parallel_loop3A_707 : vector<1x16xf32> to vector<16xf32>
      %parallel_loop3A_709 = vector.shape_cast %get3A_587 : vector<16xf32> to vector<1x16xf32>
      tpu.vector_store %arg9[%parallel_loop3A_705, %parallel_loop3A_706], %parallel_loop3A_709 {add = true, strides = array<i32>} : memref<128x256xf32, #tpu.memory_space<vmem>>, vector<1x16xf32>,
      %parallel_loop3A_710 = arith.index_cast %parallel_loop3A_674 : i32 to index
      %parallel_loop3A_711 = arith.constant 112 : index
      %parallel_loop3A_712 = tpu.vector_load %arg9[%parallel_loop3A_710, %parallel_loop3A_711] {strides = array<i32>} : memref<128x256xf32, #tpu.memory_space<vmem>>, vector<1x16xf32>,
      %parallel_loop3A_713 = vector.shape_cast %parallel_loop3A_712 : vector<1x16xf32> to vector<16xf32>
      %parallel_loop3A_714 = vector.shape_cast %get3A_592 : vector<16xf32> to vector<1x16xf32>
      tpu.vector_store %arg9[%parallel_loop3A_710, %parallel_loop3A_711], %parallel_loop3A_714 {add = true, strides = array<i32>} : memref<128x256xf32, #tpu.memory_space<vmem>>, vector<1x16xf32>,
      %parallel_loop3A_715 = arith.index_cast %parallel_loop3A_674 : i32 to index
      %parallel_loop3A_716 = arith.constant 128 : index
      %parallel_loop3A_717 = tpu.vector_load %arg9[%parallel_loop3A_715, %parallel_loop3A_716] {strides = array<i32>} : memref<128x256xf32, #tpu.memory_space<vmem>>, vector<1x16xf32>,
      %parallel_loop3A_718 = vector.shape_cast %parallel_loop3A_717 : vector<1x16xf32> to vector<16xf32>
      %parallel_loop3A_719 = vector.shape_cast %get3A_597 : vector<16xf32> to vector<1x16xf32>
      tpu.vector_store %arg9[%parallel_loop3A_715, %parallel_loop3A_716], %parallel_loop3A_719 {add = true, strides = array<i32>} : memref<128x256xf32, #tpu.memory_space<vmem>>, vector<1x16xf32>,
      %parallel_loop3A_720 = arith.index_cast %parallel_loop3A_674 : i32 to index
      %parallel_loop3A_721 = arith.constant 144 : index
      %parallel_loop3A_722 = tpu.vector_load %arg9[%parallel_loop3A_720, %parallel_loop3A_721] {strides = array<i32>} : memref<128x256xf32, #tpu.memory_space<vmem>>, vector<1x16xf32>,
      %parallel_loop3A_723 = vector.shape_cast %parallel_loop3A_722 : vector<1x16xf32> to vector<16xf32>
      %parallel_loop3A_724 = vector.shape_cast %get3A_602 : vector<16xf32> to vector<1x16xf32>
      tpu.vector_store %arg9[%parallel_loop3A_720, %parallel_loop3A_721], %parallel_loop3A_724 {add = true, strides = array<i32>} : memref<128x256xf32, #tpu.memory_space<vmem>>, vector<1x16xf32>,
      %parallel_loop3A_725 = arith.index_cast %parallel_loop3A_674 : i32 to index
      %parallel_loop3A_726 = arith.constant 160 : index
      %parallel_loop3A_727 = tpu.vector_load %arg9[%parallel_loop3A_725, %parallel_loop3A_726] {strides = array<i32>} : memref<128x256xf32, #tpu.memory_space<vmem>>, vector<1x16xf32>,
      %parallel_loop3A_728 = vector.shape_cast %parallel_loop3A_727 : vector<1x16xf32> to vector<16xf32>
      %parallel_loop3A_729 = vector.shape_cast %get3A_607 : vector<16xf32> to vector<1x16xf32>
      tpu.vector_store %arg9[%parallel_loop3A_725, %parallel_loop3A_726], %parallel_loop3A_729 {add = true, strides = array<i32>} : memref<128x256xf32, #tpu.memory_space<vmem>>, vector<1x16xf32>,
      %parallel_loop3A_730 = arith.index_cast %parallel_loop3A_674 : i32 to index
      %parallel_loop3A_731 = arith.constant 176 : index
      %parallel_loop3A_732 = tpu.vector_load %arg9[%parallel_loop3A_730, %parallel_loop3A_731] {strides = array<i32>} : memref<128x256xf32, #tpu.memory_space<vmem>>, vector<1x16xf32>,
      %parallel_loop3A_733 = vector.shape_cast %parallel_loop3A_732 : vector<1x16xf32> to vector<16xf32>
      %parallel_loop3A_734 = vector.shape_cast %get3A_612 : vector<16xf32> to vector<1x16xf32>
      tpu.vector_store %arg9[%parallel_loop3A_730, %parallel_loop3A_731], %parallel_loop3A_734 {add = true, strides = array<i32>} : memref<128x256xf32, #tpu.memory_space<vmem>>, vector<1x16xf32>,
      %parallel_loop3A_735 = arith.index_cast %parallel_loop3A_674 : i32 to index
      %parallel_loop3A_736 = arith.constant 192 : index
      %parallel_loop3A_737 = tpu.vector_load %arg9[%parallel_loop3A_735, %parallel_loop3A_736] {strides = array<i32>} : memref<128x256xf32, #tpu.memory_space<vmem>>, vector<1x16xf32>,
      %parallel_loop3A_738 = vector.shape_cast %parallel_loop3A_737 : vector<1x16xf32> to vector<16xf32>
      %parallel_loop3A_739 = vector.shape_cast %get3A_617 : vector<16xf32> to vector<1x16xf32>
      tpu.vector_store %arg9[%parallel_loop3A_735, %parallel_loop3A_736], %parallel_loop3A_739 {add = true, strides = array<i32>} : memref<128x256xf32, #tpu.memory_space<vmem>>, vector<1x16xf32>,
      %parallel_loop3A_740 = arith.index_cast %parallel_loop3A_674 : i32 to index
      %parallel_loop3A_741 = arith.constant 208 : index
      %parallel_loop3A_742 = tpu.vector_load %arg9[%parallel_loop3A_740, %parallel_loop3A_741] {strides = array<i32>} : memref<128x256xf32, #tpu.memory_space<vmem>>, vector<1x16xf32>,
      %parallel_loop3A_743 = vector.shape_cast %parallel_loop3A_742 : vector<1x16xf32> to vector<16xf32>
      %parallel_loop3A_744 = vector.shape_cast %get3A_622 : vector<16xf32> to vector<1x16xf32>
      tpu.vector_store %arg9[%parallel_loop3A_740, %parallel_loop3A_741], %parallel_loop3A_744 {add = true, strides = array<i32>} : memref<128x256xf32, #tpu.memory_space<vmem>>, vector<1x16xf32>,
      %parallel_loop3A_745 = arith.index_cast %parallel_loop3A_674 : i32 to index
      %parallel_loop3A_746 = arith.constant 224 : index
      %parallel_loop3A_747 = tpu.vector_load %arg9[%parallel_loop3A_745, %parallel_loop3A_746] {strides = array<i32>} : memref<128x256xf32, #tpu.memory_space<vmem>>, vector<1x16xf32>,
      %parallel_loop3A_748 = vector.shape_cast %parallel_loop3A_747 : vector<1x16xf32> to vector<16xf32>
      %parallel_loop3A_749 = vector.shape_cast %get3A_627 : vector<16xf32> to vector<1x16xf32>
      tpu.vector_store %arg9[%parallel_loop3A_745, %parallel_loop3A_746], %parallel_loop3A_749 {add = true, strides = array<i32>} : memref<128x256xf32, #tpu.memory_space<vmem>>, vector<1x16xf32>,
      %parallel_loop3A_750 = arith.index_cast %parallel_loop3A_674 : i32 to index
      %parallel_loop3A_751 = arith.constant 240 : index
      %parallel_loop3A_752 = tpu.vector_load %arg9[%parallel_loop3A_750, %parallel_loop3A_751] {strides = array<i32>} : memref<128x256xf32, #tpu.memory_space<vmem>>, vector<1x16xf32>,
      %parallel_loop3A_753 = vector.shape_cast %parallel_loop3A_752 : vector<1x16xf32> to vector<16xf32>
      %parallel_loop3A_754 = vector.shape_cast %get3A_632 : vector<16xf32> to vector<1x16xf32>
      tpu.vector_store %arg9[%parallel_loop3A_750, %parallel_loop3A_751], %parallel_loop3A_754 {add = true, strides = array<i32>} : memref<128x256xf32, #tpu.memory_space<vmem>>, vector<1x16xf32>,
    } {sc.loop_unroll_factor = 2 : i64, sc.parallel_access}
    %dma_start3A_636 = arith.constant 76 : i32
    %dma_start3A_637 = arith.constant 0 : i32
    %dma_start3A_638 = arith.constant 0 : i32
    %dma_start3A_639 = tpu.memref_slice %arg9[%dma_start3A_637, %dma_start3A_638] : memref<128x256xf32, #tpu.memory_space<vmem>> -> memref<64x256xf32, #tpu.memory_space<vmem>>
    %dma_start3A_640 = arith.constant 0 : i32
    %dma_start3A_641 = tpu.memref_slice %arg5[%dma_start3A_636, %mul3A_2, %dma_start3A_640] : memref<77x4096x256xf32, #tpu.memory_space<hbm>> -> memref<1x64x256xf32, #tpu.memory_space<hbm>>
    %dma_start3A_642 = tpu.memref_squeeze %dma_start3A_641 : memref<1x64x256xf32, #tpu.memory_space<hbm>> -> memref<64x256xf32, #tpu.memory_space<hbm>>
    %dma_start3A_643 = arith.constant 0 : i32
    %dma_start3A_644 = tpu.memref_slice %arg5[%dma_start3A_636, %mul3A_2, %dma_start3A_643] : memref<77x4096x256xf32, #tpu.memory_space<hbm>> -> memref<1x64x256xf32, #tpu.memory_space<hbm>>
    %dma_start3A_645 = tpu.memref_squeeze %dma_start3A_644 : memref<1x64x256xf32, #tpu.memory_space<hbm>> -> memref<64x256xf32, #tpu.memory_space<hbm>>
    %dma_start3A_646 = arith.constant 0 : i32
    %dma_start3A_647 = arith.constant 0 : i32
    %dma_start3A_648 = tpu.memref_slice %arg9[%dma_start3A_646, %dma_start3A_647] : memref<128x256xf32, #tpu.memory_space<vmem>> -> memref<64x256xf32, #tpu.memory_space<vmem>>
    tpu.enqueue_dma source(%dma_start3A_648 : memref<64x256xf32, #tpu.memory_space<vmem>>) target(%dma_start3A_645 : memref<64x256xf32, #tpu.memory_space<hbm>>) target_semaphore(%arg15 : memref<!tpu.dma_semaphore, #tpu.memory_space<semaphore_mem>>)
    %parallel_loop3A_649 = arith.constant 64 : i32
    %parallel_loop3A_650 = arith.constant 128 : i32
    %parallel_loop3A_651 = arith.constant 1 : i32
    scf.for %parallel_loop3A_674 = %parallel_loop3A_649 to %parallel_loop3A_650 step %parallel_loop3A_651  : i32 {
      %parallel_loop3A_675 = arith.index_cast %parallel_loop3A_674 : i32 to index
      %parallel_loop3A_676 = arith.constant 0 : index
      %parallel_loop3A_677 = tpu.vector_load %arg9[%parallel_loop3A_675, %parallel_loop3A_676] {strides = array<i32>} : memref<128x256xf32, #tpu.memory_space<vmem>>, vector<1x16xf32>,
      %parallel_loop3A_678 = vector.shape_cast %parallel_loop3A_677 : vector<1x16xf32> to vector<16xf32>
      %parallel_loop3A_679 = vector.shape_cast %get3A_557 : vector<16xf32> to vector<1x16xf32>
      tpu.vector_store %arg9[%parallel_loop3A_675, %parallel_loop3A_676], %parallel_loop3A_679 {add = true, strides = array<i32>} : memref<128x256xf32, #tpu.memory_space<vmem>>, vector<1x16xf32>,
      %parallel_loop3A_680 = arith.index_cast %parallel_loop3A_674 : i32 to index
      %parallel_loop3A_681 = arith.constant 16 : index
      %parallel_loop3A_682 = tpu.vector_load %arg9[%parallel_loop3A_680, %parallel_loop3A_681] {strides = array<i32>} : memref<128x256xf32, #tpu.memory_space<vmem>>, vector<1x16xf32>,
      %parallel_loop3A_683 = vector.shape_cast %parallel_loop3A_682 : vector<1x16xf32> to vector<16xf32>
      %parallel_loop3A_684 = vector.shape_cast %get3A_562 : vector<16xf32> to vector<1x16xf32>
      tpu.vector_store %arg9[%parallel_loop3A_680, %parallel_loop3A_681], %parallel_loop3A_684 {add = true, strides = array<i32>} : memref<128x256xf32, #tpu.memory_space<vmem>>, vector<1x16xf32>,
      %parallel_loop3A_685 = arith.index_cast %parallel_loop3A_674 : i32 to index
      %parallel_loop3A_686 = arith.constant 32 : index
      %parallel_loop3A_687 = tpu.vector_load %arg9[%parallel_loop3A_685, %parallel_loop3A_686] {strides = array<i32>} : memref<128x256xf32, #tpu.memory_space<vmem>>, vector<1x16xf32>,
      %parallel_loop3A_688 = vector.shape_cast %parallel_loop3A_687 : vector<1x16xf32> to vector<16xf32>
      %parallel_loop3A_689 = vector.shape_cast %get3A_567 : vector<16xf32> to vector<1x16xf32>
      tpu.vector_store %arg9[%parallel_loop3A_685, %parallel_loop3A_686], %parallel_loop3A_689 {add = true, strides = array<i32>} : memref<128x256xf32, #tpu.memory_space<vmem>>, vector<1x16xf32>,
      %parallel_loop3A_690 = arith.index_cast %parallel_loop3A_674 : i32 to index
      %parallel_loop3A_691 = arith.constant 48 : index
      %parallel_loop3A_692 = tpu.vector_load %arg9[%parallel_loop3A_690, %parallel_loop3A_691] {strides = array<i32>} : memref<128x256xf32, #tpu.memory_space<vmem>>, vector<1x16xf32>,
      %parallel_loop3A_693 = vector.shape_cast %parallel_loop3A_692 : vector<1x16xf32> to vector<16xf32>
      %parallel_loop3A_694 = vector.shape_cast %get3A_572 : vector<16xf32> to vector<1x16xf32>
      tpu.vector_store %arg9[%parallel_loop3A_690, %parallel_loop3A_691], %parallel_loop3A_694 {add = true, strides = array<i32>} : memref<128x256xf32, #tpu.memory_space<vmem>>, vector<1x16xf32>,
      %parallel_loop3A_695 = arith.index_cast %parallel_loop3A_674 : i32 to index
      %parallel_loop3A_696 = arith.constant 64 : index
      %parallel_loop3A_697 = tpu.vector_load %arg9[%parallel_loop3A_695, %parallel_loop3A_696] {strides = array<i32>} : memref<128x256xf32, #tpu.memory_space<vmem>>, vector<1x16xf32>,
      %parallel_loop3A_698 = vector.shape_cast %parallel_loop3A_697 : vector<1x16xf32> to vector<16xf32>
      %parallel_loop3A_699 = vector.shape_cast %get3A_577 : vector<16xf32> to vector<1x16xf32>
      tpu.vector_store %arg9[%parallel_loop3A_695, %parallel_loop3A_696], %parallel_loop3A_699 {add = true, strides = array<i32>} : memref<128x256xf32, #tpu.memory_space<vmem>>, vector<1x16xf32>,
      %parallel_loop3A_700 = arith.index_cast %parallel_loop3A_674 : i32 to index
      %parallel_loop3A_701 = arith.constant 80 : index
      %parallel_loop3A_702 = tpu.vector_load %arg9[%parallel_loop3A_700, %parallel_loop3A_701] {strides = array<i32>} : memref<128x256xf32, #tpu.memory_space<vmem>>, vector<1x16xf32>,
      %parallel_loop3A_703 = vector.shape_cast %parallel_loop3A_702 : vector<1x16xf32> to vector<16xf32>
      %parallel_loop3A_704 = vector.shape_cast %get3A_582 : vector<16xf32> to vector<1x16xf32>
      tpu.vector_store %arg9[%parallel_loop3A_700, %parallel_loop3A_701], %parallel_loop3A_704 {add = true, strides = array<i32>} : memref<128x256xf32, #tpu.memory_space<vmem>>, vector<1x16xf32>,
      %parallel_loop3A_705 = arith.index_cast %parallel_loop3A_674 : i32 to index
      %parallel_loop3A_706 = arith.constant 96 : index
      %parallel_loop3A_707 = tpu.vector_load %arg9[%parallel_loop3A_705, %parallel_loop3A_706] {strides = array<i32>} : memref<128x256xf32, #tpu.memory_space<vmem>>, vector<1x16xf32>,
      %parallel_loop3A_708 = vector.shape_cast %parallel_loop3A_707 : vector<1x16xf32> to vector<16xf32>
      %parallel_loop3A_709 = vector.shape_cast %get3A_587 : vector<16xf32> to vector<1x16xf32>
      tpu.vector_store %arg9[%parallel_loop3A_705, %parallel_loop3A_706], %parallel_loop3A_709 {add = true, strides = array<i32>} : memref<128x256xf32, #tpu.memory_space<vmem>>, vector<1x16xf32>,
      %parallel_loop3A_710 = arith.index_cast %parallel_loop3A_674 : i32 to index
      %parallel_loop3A_711 = arith.constant 112 : index
      %parallel_loop3A_712 = tpu.vector_load %arg9[%parallel_loop3A_710, %parallel_loop3A_711] {strides = array<i32>} : memref<128x256xf32, #tpu.memory_space<vmem>>, vector<1x16xf32>,
      %parallel_loop3A_713 = vector.shape_cast %parallel_loop3A_712 : vector<1x16xf32> to vector<16xf32>
      %parallel_loop3A_714 = vector.shape_cast %get3A_592 : vector<16xf32> to vector<1x16xf32>
      tpu.vector_store %arg9[%parallel_loop3A_710, %parallel_loop3A_711], %parallel_loop3A_714 {add = true, strides = array<i32>} : memref<128x256xf32, #tpu.memory_space<vmem>>, vector<1x16xf32>,
      %parallel_loop3A_715 = arith.index_cast %parallel_loop3A_674 : i32 to index
      %parallel_loop3A_716 = arith.constant 128 : index
      %parallel_loop3A_717 = tpu.vector_load %arg9[%parallel_loop3A_715, %parallel_loop3A_716] {strides = array<i32>} : memref<128x256xf32, #tpu.memory_space<vmem>>, vector<1x16xf32>,
      %parallel_loop3A_718 = vector.shape_cast %parallel_loop3A_717 : vector<1x16xf32> to vector<16xf32>
      %parallel_loop3A_719 = vector.shape_cast %get3A_597 : vector<16xf32> to vector<1x16xf32>
      tpu.vector_store %arg9[%parallel_loop3A_715, %parallel_loop3A_716], %parallel_loop3A_719 {add = true, strides = array<i32>} : memref<128x256xf32, #tpu.memory_space<vmem>>, vector<1x16xf32>,
      %parallel_loop3A_720 = arith.index_cast %parallel_loop3A_674 : i32 to index
      %parallel_loop3A_721 = arith.constant 144 : index
      %parallel_loop3A_722 = tpu.vector_load %arg9[%parallel_loop3A_720, %parallel_loop3A_721] {strides = array<i32>} : memref<128x256xf32, #tpu.memory_space<vmem>>, vector<1x16xf32>,
      %parallel_loop3A_723 = vector.shape_cast %parallel_loop3A_722 : vector<1x16xf32> to vector<16xf32>
      %parallel_loop3A_724 = vector.shape_cast %get3A_602 : vector<16xf32> to vector<1x16xf32>
      tpu.vector_store %arg9[%parallel_loop3A_720, %parallel_loop3A_721], %parallel_loop3A_724 {add = true, strides = array<i32>} : memref<128x256xf32, #tpu.memory_space<vmem>>, vector<1x16xf32>,
      %parallel_loop3A_725 = arith.index_cast %parallel_loop3A_674 : i32 to index
      %parallel_loop3A_726 = arith.constant 160 : index
      %parallel_loop3A_727 = tpu.vector_load %arg9[%parallel_loop3A_725, %parallel_loop3A_726] {strides = array<i32>} : memref<128x256xf32, #tpu.memory_space<vmem>>, vector<1x16xf32>,
      %parallel_loop3A_728 = vector.shape_cast %parallel_loop3A_727 : vector<1x16xf32> to vector<16xf32>
      %parallel_loop3A_729 = vector.shape_cast %get3A_607 : vector<16xf32> to vector<1x16xf32>
      tpu.vector_store %arg9[%parallel_loop3A_725, %parallel_loop3A_726], %parallel_loop3A_729 {add = true, strides = array<i32>} : memref<128x256xf32, #tpu.memory_space<vmem>>, vector<1x16xf32>,
      %parallel_loop3A_730 = arith.index_cast %parallel_loop3A_674 : i32 to index
      %parallel_loop3A_731 = arith.constant 176 : index
      %parallel_loop3A_732 = tpu.vector_load %arg9[%parallel_loop3A_730, %parallel_loop3A_731] {strides = array<i32>} : memref<128x256xf32, #tpu.memory_space<vmem>>, vector<1x16xf32>,
      %parallel_loop3A_733 = vector.shape_cast %parallel_loop3A_732 : vector<1x16xf32> to vector<16xf32>
      %parallel_loop3A_734 = vector.shape_cast %get3A_612 : vector<16xf32> to vector<1x16xf32>
      tpu.vector_store %arg9[%parallel_loop3A_730, %parallel_loop3A_731], %parallel_loop3A_734 {add = true, strides = array<i32>} : memref<128x256xf32, #tpu.memory_space<vmem>>, vector<1x16xf32>,
      %parallel_loop3A_735 = arith.index_cast %parallel_loop3A_674 : i32 to index
      %parallel_loop3A_736 = arith.constant 192 : index
      %parallel_loop3A_737 = tpu.vector_load %arg9[%parallel_loop3A_735, %parallel_loop3A_736] {strides = array<i32>} : memref<128x256xf32, #tpu.memory_space<vmem>>, vector<1x16xf32>,
      %parallel_loop3A_738 = vector.shape_cast %parallel_loop3A_737 : vector<1x16xf32> to vector<16xf32>
      %parallel_loop3A_739 = vector.shape_cast %get3A_617 : vector<16xf32> to vector<1x16xf32>
      tpu.vector_store %arg9[%parallel_loop3A_735, %parallel_loop3A_736], %parallel_loop3A_739 {add = true, strides = array<i32>} : memref<128x256xf32, #tpu.memory_space<vmem>>, vector<1x16xf32>,
      %parallel_loop3A_740 = arith.index_cast %parallel_loop3A_674 : i32 to index
      %parallel_loop3A_741 = arith.constant 208 : index
      %parallel_loop3A_742 = tpu.vector_load %arg9[%parallel_loop3A_740, %parallel_loop3A_741] {strides = array<i32>} : memref<128x256xf32, #tpu.memory_space<vmem>>, vector<1x16xf32>,
      %parallel_loop3A_743 = vector.shape_cast %parallel_loop3A_742 : vector<1x16xf32> to vector<16xf32>
      %parallel_loop3A_744 = vector.shape_cast %get3A_622 : vector<16xf32> to vector<1x16xf32>
      tpu.vector_store %arg9[%parallel_loop3A_740, %parallel_loop3A_741], %parallel_loop3A_744 {add = true, strides = array<i32>} : memref<128x256xf32, #tpu.memory_space<vmem>>, vector<1x16xf32>,
      %parallel_loop3A_745 = arith.index_cast %parallel_loop3A_674 : i32 to index
      %parallel_loop3A_746 = arith.constant 224 : index
      %parallel_loop3A_747 = tpu.vector_load %arg9[%parallel_loop3A_745, %parallel_loop3A_746] {strides = array<i32>} : memref<128x256xf32, #tpu.memory_space<vmem>>, vector<1x16xf32>,
      %parallel_loop3A_748 = vector.shape_cast %parallel_loop3A_747 : vector<1x16xf32> to vector<16xf32>
      %parallel_loop3A_749 = vector.shape_cast %get3A_627 : vector<16xf32> to vector<1x16xf32>
      tpu.vector_store %arg9[%parallel_loop3A_745, %parallel_loop3A_746], %parallel_loop3A_749 {add = true, strides = array<i32>} : memref<128x256xf32, #tpu.memory_space<vmem>>, vector<1x16xf32>,
      %parallel_loop3A_750 = arith.index_cast %parallel_loop3A_674 : i32 to index
      %parallel_loop3A_751 = arith.constant 240 : index
      %parallel_loop3A_752 = tpu.vector_load %arg9[%parallel_loop3A_750, %parallel_loop3A_751] {strides = array<i32>} : memref<128x256xf32, #tpu.memory_space<vmem>>, vector<1x16xf32>,
      %parallel_loop3A_753 = vector.shape_cast %parallel_loop3A_752 : vector<1x16xf32> to vector<16xf32>
      %parallel_loop3A_754 = vector.shape_cast %get3A_632 : vector<16xf32> to vector<1x16xf32>
      tpu.vector_store %arg9[%parallel_loop3A_750, %parallel_loop3A_751], %parallel_loop3A_754 {add = true, strides = array<i32>} : memref<128x256xf32, #tpu.memory_space<vmem>>, vector<1x16xf32>,
    } {sc.loop_unroll_factor = 2 : i64, sc.parallel_access}
    %add3A_652 = arith.constant 64 : i32
    %add3A_653 = arith.addi %mul3A_2, %add3A_652 : i32
    %dma_start3A_654 = arith.constant 76 : i32
    %dma_start3A_655 = arith.constant 64 : i32
    %dma_start3A_656 = arith.constant 0 : i32
    %dma_start3A_657 = tpu.memref_slice %arg9[%dma_start3A_655, %dma_start3A_656] : memref<128x256xf32, #tpu.memory_space<vmem>> -> memref<64x256xf32, #tpu.memory_space<vmem>>
    %dma_start3A_658 = arith.constant 0 : i32
    %dma_start3A_659 = tpu.memref_slice %arg5[%dma_start3A_654, %add3A_653, %dma_start3A_658] : memref<77x4096x256xf32, #tpu.memory_space<hbm>> -> memref<1x64x256xf32, #tpu.memory_space<hbm>>
    %dma_start3A_660 = tpu.memref_squeeze %dma_start3A_659 : memref<1x64x256xf32, #tpu.memory_space<hbm>> -> memref<64x256xf32, #tpu.memory_space<hbm>>
    %dma_start3A_661 = arith.constant 0 : i32
    %dma_start3A_662 = tpu.memref_slice %arg5[%dma_start3A_654, %add3A_653, %dma_start3A_661] : memref<77x4096x256xf32, #tpu.memory_space<hbm>> -> memref<1x64x256xf32, #tpu.memory_space<hbm>>
    %dma_start3A_663 = tpu.memref_squeeze %dma_start3A_662 : memref<1x64x256xf32, #tpu.memory_space<hbm>> -> memref<64x256xf32, #tpu.memory_space<hbm>>
    %dma_start3A_664 = arith.constant 64 : i32
    %dma_start3A_665 = arith.constant 0 : i32
    %dma_start3A_666 = tpu.memref_slice %arg9[%dma_start3A_664, %dma_start3A_665] : memref<128x256xf32, #tpu.memory_space<vmem>> -> memref<64x256xf32, #tpu.memory_space<vmem>>
    tpu.enqueue_dma source(%dma_start3A_666 : memref<64x256xf32, #tpu.memory_space<vmem>>) target(%dma_start3A_663 : memref<64x256xf32, #tpu.memory_space<hbm>>) target_semaphore(%arg15 : memref<!tpu.dma_semaphore, #tpu.memory_space<semaphore_mem>>)
    %dma_wait3A_667 = arith.constant 0 : i32
    %dma_wait3A_668 = arith.constant 0 : i32
    %dma_wait3A_669 = tpu.memref_slice %arg5[%dma_wait3A_667, %mul3A_2, %dma_wait3A_668] : memref<77x4096x256xf32, #tpu.memory_space<hbm>> -> memref<1x128x256xf32, #tpu.memory_space<hbm>>
    %dma_wait3A_670 = tpu.memref_squeeze %dma_wait3A_669 : memref<1x128x256xf32, #tpu.memory_space<hbm>> -> memref<128x256xf32, #tpu.memory_space<hbm>>
    %dma_wait3A_671 = arith.constant 0 : i32
    %dma_wait3A_672 = tpu.memref_slice %arg5[%dma_wait3A_667, %mul3A_2, %dma_wait3A_671] : memref<77x4096x256xf32, #tpu.memory_space<hbm>> -> memref<1x128x256xf32, #tpu.memory_space<hbm>>
    %dma_wait3A_673 = tpu.memref_squeeze %dma_wait3A_672 : memref<1x128x256xf32, #tpu.memory_space<hbm>> -> memref<128x256xf32, #tpu.memory_space<hbm>>
    tpu.wait_dma2 semaphore(%arg15 : memref<!tpu.dma_semaphore, #tpu.memory_space<semaphore_mem>>) src(%arg9 : memref<128x256xf32, #tpu.memory_space<vmem>>) dst(%dma_wait3A_673 : memref<128x256xf32, #tpu.memory_space<hbm>>)
    return
  }
}

</mosaic_0001>

<sc_bundles>
// kernel: _run.3.cloned.1.call-start
scs
__scs_entry_jumppad:
0x0: {  	(pc) =	sbr.rel $0x88, $3  }
0x1: {  	(tag) =	ssettag $0x0;
	lr =	simm.s32 $0x1  }
0x2: {  	[smem:$0x3F9E] =	sst lr;
	_ =	strace $0xD0000000  }
0x3: {  	_ = 	snop  }
0x4: {  	_ = 	snop  }
0x5: {  	_ = 	snop  }
0x6: {  	_ = 	snop  }
0x7: {  	_ = 	snop  }
__scs_overlays_trampoline_lowered:
0x8: {  	[smem:$0x3FAD] =	sst s0  }
0x9: {  	[smem:$0x3FAE] =	sst s1  }
0xa: {  	[smem:$0x3FAF] =	sst s2  }
0xb: {  	[smem:$0x3FB0] =	sst s3  }
0xc: {  	[smem:$0x3FB1] =	sst s4  }
0xd: {  	[smem:$0x3FB2] =	sst s5  }
0xe: {  	[smem:$0x3FB3] =	sst s6  }
0xf: {  	[smem:$0x3FB4] =	sst s7  }
0x10: {  	[smem:$0x3FB5] =	sst s8  }
0x11: {  	[smem:$0x3FB6] =	sst s9;
	s0 =	simm.s32 @!p0 $0x0  }
0x12: {  	s1 =	sld [smem:$0x3F9C];
	s0 =	simm.s32 @p0 $0x1  }
0x13: {  	[smem:$0x3FB7] =	sst s0;
	s0 =	simm.s32 @!p1 $0x0  }
0x14: {  	s2 =	sld [smem:$0x3F9B];
	s0 =	simm.s32 @p1 $0x1  }
0x15: {  	[smem:$0x3FB8] =	sst s0;
	s0 =	simm.s32 @!p2 $0x0  }
0x16: {  	s3 =	sld [smem:$0x3FDB];
	s0 =	simm.s32 @p2 $0x1  }
0x17: {  	s4 =	simm.s32 $0x1BF5;
	[smem:$0x3FBA] =	sst s0  }
0x18: {  	s0 =	sld [smem:$0x3F9D];
	_ =	swait.ge [sflag:s4], $0x0  }
0x19: {  	s7 =	sld [smem:$0x3F9E]  }
0x1a: {  	s8 =	sadd.s32 $0xFFFFE003, lr  }
0x1b: {  	s9 =	sadd.s32 $0xFFFFFEF7, lr;
	s5 =	simm.s32 $0xFFFFFFFF;
	p2 =	slt.u32 s8, $0xFFFFF086  }
0x1c: {  	p1 =	slt.u32 s9, $0xF7A;
	s5 =	simm.s32 @!p2 $0x0  }
0x1d: {  	s5 =	simm.s32 @p1 $0x1;
	p0 =	seq.s32 s7, s2  }
0x1e: {  	s7 =	smul.u32 @!p0 $0xF7A, s2;
	p2 =	seq.s32 @!p0 s5, $0x0  }
0x1f: {  	s9 =	smul.u32 $0xF7A, s1;
	s8 =	simm.s32 @!p0 $0x1BF5;
	p2 =	por !p2, p0  }
0x20: {  	[sflag:s8] =	ssyncset.s32 @!p0 $0xFFFFF086;
	s6 =	sadd.s32 @!p0 s3, s7;
	s7 =	simm.s32 @!p0 $0x108  }
0x21: {  	s3 =	sadd.s32 s3, s9;
	s6 =	sadd.s32 @!p0 $0x88, s6;
	s7 =	simm.s32 @p2 $0x1082  }
0x22: {  	[simem:s7], [sflag:s8] =	dma.local @!p0 [hbm:s6], $0xF7A  }
0x23: {  	s9 =	sor.u32 $0xD0000000, s2;
	s6 =	simm.s32 $0x108;
	_ =	swait.ge @!p0 [sflag:s8], $0x0  }
0x24: {  	s3 =	sadd.s32 $0x88, s3;
	s6 =	simm.s32 @!p1 $0x1082;
	[sflag:s4] =	ssyncset.s32 $0xFFFFF086  }
0x25: {  	[simem:s6], [sflag:s4] =	dma.local [hbm:s3], $0xF7A  }
0x26: {  	[smem:$0x3F9E] =	sst s1;
	(tag) =	ssettag s2;
	_ =	strace s9  }
0x27: {  	s1 =	sld [smem:$0x3FAE]  }
0x28: {  	s2 =	sld [smem:$0x3FAF]  }
0x29: {  	s4 =	sld [smem:$0x3FB1]  }
0x2a: {  	p0 =	seq.s32 s5, $0x0;
	s5 =	sld [smem:$0x3FB2]  }
0x2b: {  	s6 =	sld [smem:$0x3FB3]  }
0x2c: {  	s7 =	sld [smem:$0x3FB4]  }
0x2d: {  	s3 =	simm.s32 $0x108;
	s8 =	sld [smem:$0x3FB5]  }
0x2e: {  	s3 =	simm.s32 @!p0 $0x1082;
	s9 =	sld [smem:$0x3FB6]  }
0x2f: {  	lr =	sadd.s32 s0, s3;
	s0 =	sld [smem:$0x3FAD]  }
0x30: {  	s3 =	sld [smem:$0x3FB0]  }
0x31: {  	[smem:$0x3FB9] =	sst s10  }
0x32: {  	s10 =	sld [smem:$0x3FB7];
	_ =	sdelay $0x3  }
0x33: {  	p0 =	seq.s32 s10, $0x1;
	s10 =	sld [smem:$0x3FB9];
	_ =	sdelay $0x3  }
0x34: {  	[smem:$0x3FB9] =	sst s10  }
0x35: {  	s10 =	sld [smem:$0x3FB8];
	_ =	sdelay $0x3  }
0x36: {  	p1 =	seq.s32 s10, $0x1;
	s10 =	sld [smem:$0x3FB9];
	_ =	sdelay $0x3  }
0x37: {  	[smem:$0x3FB9] =	sst s10  }
0x38: {  	s10 =	sld [smem:$0x3FBA]  }
0x39: {  	_ = 	snop;
	(pc) =	sbr.ind lr, $3  }
0x3a: {  	_ = 	snop  }
0x3b: {  	_ = 	snop  }
0x3c: {  	p2 =	seq.s32 s10, $0x1;
	s10 =	sld [smem:$0x3FB9]  }
0x3d: {  	_ =	shalt  }
0x3e: {  	_ =	shalt  }
0x3f: {  	_ =	shalt  }
0x40: {  	_ =	shalt  }
0x41: {  	_ =	shalt  }
0x42: {  	_ =	shalt  }
0x43: {  	_ =	shalt  }
0x44: {  	_ =	shalt  }
0x45: {  	_ =	shalt  }
0x46: {  	_ =	shalt  }
0x47: {  	_ =	shalt  }
0x48: {  	_ =	shalt  }
0x49: {  	_ =	shalt  }
0x4a: {  	_ =	shalt  }
0x4b: {  	_ =	shalt  }
0x4c: {  	_ =	shalt  }
0x4d: {  	_ =	shalt  }
0x4e: {  	_ =	shalt  }
0x4f: {  	_ =	shalt  }
0x50: {  	_ =	shalt  }
0x51: {  	_ =	shalt  }
0x52: {  	_ =	shalt  }
0x53: {  	_ =	shalt  }
0x54: {  	_ =	shalt  }
0x55: {  	_ =	shalt  }
0x56: {  	_ =	shalt  }
0x57: {  	_ =	shalt  }
0x58: {  	_ =	shalt  }
0x59: {  	_ =	shalt  }
0x5a: {  	_ =	shalt  }
0x5b: {  	_ =	shalt  }
0x5c: {  	_ =	shalt  }
0x5d: {  	_ =	shalt  }
0x5e: {  	_ =	shalt  }
0x5f: {  	_ =	shalt  }
0x60: {  	_ =	shalt  }
0x61: {  	_ =	shalt  }
0x62: {  	_ =	shalt  }
0x63: {  	_ =	shalt  }
0x64: {  	_ =	shalt  }
0x65: {  	_ =	shalt  }
0x66: {  	_ =	shalt  }
0x67: {  	_ =	shalt  }
0x68: {  	_ =	shalt  }
0x69: {  	_ =	shalt  }
0x6a: {  	_ =	shalt  }
0x6b: {  	_ =	shalt  }
0x6c: {  	_ =	shalt  }
0x6d: {  	_ =	shalt  }
0x6e: {  	_ =	shalt  }
0x6f: {  	_ =	shalt  }
0x70: {  	_ =	shalt  }
0x71: {  	_ =	shalt  }
0x72: {  	_ =	shalt  }
0x73: {  	_ =	shalt  }
0x74: {  	_ =	shalt  }
0x75: {  	_ =	shalt  }
0x76: {  	_ =	shalt  }
0x77: {  	_ =	shalt  }
0x78: {  	_ =	shalt  }
0x79: {  	_ =	shalt  }
0x7a: {  	_ =	shalt  }
0x7b: {  	_ =	shalt  }
0x7c: {  	_ =	shalt  }
0x7d: {  	_ =	shalt  }
0x7e: {  	_ =	shalt  }
0x7f: {  	_ =	shalt  }
0x80: {  	_ =	shalt  }
0x81: {  	_ =	shalt  }
0x82: {  	_ =	shalt  }
0x83: {  	_ =	shalt  }
0x84: {  	_ =	shalt  }
0x85: {  	_ =	shalt  }
0x86: {  	_ =	shalt  }
0x87: {  	_ =	shalt  }
.Lfunc_end0:
.L_simem_size_0:
called_computation_lowered:
.L_overlay_start_0:
0x88: {  	s2 =	sld [smem:$0x3FD9]  }
0x89: {  	s3 =	sld [smem:$0x3FFE];
	_ =	sdelay $0x1  }
0x8a: {  	s1 =	srdreg.scid  }
0x8b: {  	s0 =	sand.u32 $0x1, s1  }
0x8c: {  	s17 =	sshll.u32 s0, $0xA;
	s2 =	sadd.s32 s3, s2  }
0x8d: {  	s2 =	sadd.s32 s2, s17  }
0x8e: {  	[smem:$0x3FC5] =	sst s2  }
0x8f: {  	_ = 	snop  }
0x90: {  	s2 =	sld [smem:$0x3FC8]  }
0x91: {  	s18 =	sld [smem:$0x3FC7]  }
0x92: {  	s4 =	sld [smem:$0x3FD0];
	(tm) =	ssettm $0x1  }
0x93: {  	s5 =	sld [smem:$0x3FFB];
	_ =	sdelay $0x3  }
0x94: {  	_ =	strace s5  }
0x95: {  	s5 =	sld [smem:$0x3FFC];
	_ =	sdelay $0x3  }
0x96: {  	_ =	strace s5  }
0x97: {  	s5 =	sld [smem:$0x3FFD];
	_ =	sdelay $0x3  }
0x98: {  	_ =	strace s5  }
0x99: {  	_ =	strace $0x8FFFFFFF  }
0x9a: {  	s19 =	sld [smem:$0x3FDB];
	_ =	sdelay $0x1  }
0x9b: {  	s6 =	simm.s32 $_scs_section_size  }
0x9c: {  	s7 =	simm.s32 $_size__tile_overlayer_lowered;
	s8 =	simm.s32 $_tile_overlayer_lowered  }
0x9d: {  	s22 =	simm.s32 $0x1BFF;
	s21 =	sshll.u32 s8, $0x1;
	s5 =	sadd.s32 s6, s19  }
0x9e: {  	s9 =	simm.s32 $0x0;
	s20 =	sshll.u32 s7, $0x1;
	s7 =	sadd.s32 s21, s5  }
0x9f: {  	[timem:s9], [sflag:s22] =	dma.local [hbm:s7], s20  }
0xa0: {  	_ =	swait.ge [sflag:s22], s20  }
0xa1: {  	s6 =	ssub.s32 $0x0, s20;
	[sflag:s22] =	ssyncset.done $0x0  }
0xa2: {  	[sflag:s22] =	ssyncadd.s32 s6;
	_ =	sdelay $0x1  }
0xa3: {  	s23 =	simm.s32 $0x1B8B  }
0xa4: {  	_ =	swait.ge [sflag:s23], $0x1  }
0xa5: {  	[sflag:s23] =	ssyncset.done $0x0  }
0xa6: {  	s25 =	simm.s32 $0x1B8E;
	s24 =	sld [smem:$0x3FFE];
	[sflag:s23] =	ssyncadd.s32 $0xFFFFFFFF  }
0xa7: {  	s26 =	simm.s32 $execute0_lowered;
	[smem:$0x3FD2] =	sst s25  }
0xa8: {  	s7 =	sshll.u32 s26, $0x1;
	_ =	strace $0x80000046;
	[dreg:$0x1] =	wrdreg $0xFFFFFFFF  }
0xa9: {  	s28 =	simm.s32 $_size_execute0_lowered;
	s5 =	sadd.s32 s5, s7;
	[dreg:$0x0] =	wrdreg $0x0  }
0xaa: {  	s7 =	sshll.u32 s28, $0x1;
	[dreg:$0x2] =	wrdreg s5  }
0xab: {  	[dreg:$0x3] =	wrdreg s7  }
0xac: {  	[dreg:$0x4] =	wrdreg $0xC0  }
0xad: {  	_ =	task [dreg:s9], $0x5FFFF  }
0xae: {  	[dreg:$0x1] =	wrdreg $0xFFFFFFFF  }
0xaf: {  	[dreg:$0x0] =	wrdreg $0x60  }
0xb0: {  	[dreg:$0x2] =	wrdreg s24  }
0xb1: {  	[dreg:$0x3] =	wrdreg s2  }
0xb2: {  	[dreg:$0x4] =	wrdreg s18  }
0xb3: {  	[dreg:$0x5] =	wrdreg s4  }
0xb4: {  	[dreg:$0x6] =	wrdreg $0x9  }
0xb5: {  	_ =	task.clear_ibuf [dreg:s9], $0x7FFFF;
	_ =	strace $0x90000046  }
0xb6: {  	s29 =	simm.s32 $0x9;
	_ =	strace $0x80000048  }
0xb7: {  	_ =	swait.ge [sflag:s29], $0x1  }
0xb8: {  	[sflag:s29] =	ssyncadd.s32 $0xFFFFFFFF  }
0xb9: {  	_ =	strace $0x90000048  }
0xba: {  	_ =	sfence  }
0xbb: {  	s30 =	sld [smem:$0x0];
	_ =	sdelay $0x2  }
0xbc: {  	s31 =	sshll.u32 s1, $0xD;
	s1 =	sshrl.u32 s1, $0x2  }
0xbd: {  	s3 =	sand.u32 $0x4000, s31;
	s1 =	sadd.s32 s1, s30  }
0xbe: {  	s0 =	sor.u32 s3, s0;
	s1 =	sshll.u32 s1, $0x11  }
0xbf: {  	s0 =	sor.u32 s1, s0  }
0xc0: {  	s0 =	sadd.s32 $0x8F2B, s0  }
0xc1: {  	[sflag:s0] =	ssyncadd.remote.s32 $0x1  }
0xc2: {  	_ =	sfence.sel $0xFFFF  }
0xc3: {  	[dreg:$0x0] =	wrdreg $0xFFFFFFFF;
	(pc) =	sbr.abs _section_cstart, $3  }
0xc4: {  	[dreg:$0x1] =	wrdreg $0xFFFFFFFF  }
0xc5: {  	_ =	task.clear_ibuf [dreg:s9], $0x2FFFF;
	_ =	strace $0x9FFFFFFF  }
0xc6: {  	(tm) =	ssettm $0x7FFFFFFF  }
0xc7: {  	_ =	shalt  }
tec
execute0_lowered:
.L_overlay_start_1:
0x0: {  	(tag) =	ssettag $0x1  }
0x1: {  	s0 =	rddreg [dreg:$0x0]  }
0x2: {  	s1 =	rddreg [dreg:$0x1];
	s2 =	srdreg.scid  }
0x3: {  	s3 =	stileid.u32;
	s4 =	rddreg [dreg:$0x3]  }
0x4: {  	s5 =	simm.s32 $0x0;
	s2 =	sand.u32 $0x1, s2;
	s3 =	sshll.u32 s3, $0x1  }
0x5: {  	s11 =	simm.s32 $0x7800;
	s17 =	simm.s32 $0xF800;
	s3 =	sor.u32 s2, s3  }
0x6: {  	s7 =	smul.u32 $0x500, s3;
	s6 =	sshll.u32 s3, $0xF;
	s3 =	sshll.u32 s3, $0xC  }
0x7: {  	s18 =	simm.s32 $0x13800;
	[smem:$0x7FF] =	sst s5;
	s21 =	sadd.s32 s4, s3  }
0x8: {  	_ =	strace $0x80000047;
	s23 =	sadd.s32 $0x20000, s21;
	[dreg:$0x6] =	wrdreg s21  }
0x9: {  	s12 =	simm.s32 $0x1B800;
	s24 =	sadd.s32 $0x20800, s21;
	[dreg:$0x8] =	wrdreg s23  }
0xa: {  	s10 =	simm.s32 $0x0;
	s25 =	sadd.s32 $0x40000, s21;
	[dreg:$0x9] =	wrdreg s24  }
0xb: {  	s2 =	ssub.s32 $0x2, s2;
	s26 =	sadd.s32 $0x40800, s21;
	[dreg:$0xa] =	wrdreg s25  }
0xc: {  	s8 =	sshrl.u32 s2, $0x1;
	s28 =	sadd.s32 $0x960000, s21;
	[dreg:$0xb] =	wrdreg s26  }
0xd: {  	s2 =	ssub.s32 s2, s8;
	s29 =	sadd.s32 $0x960800, s21;
	[dreg:$0xc] =	wrdreg s28  }
0xe: {  	s0 =	sadd.s32 s7, s0;
	s30 =	sadd.s32 $0x980000, s21;
	[dreg:$0xd] =	wrdreg s29  }
0xf: {  	s7 =	sor.u32 $0x4000, s6;
	s31 =	smax.u32 s2, $0x1;
	[dreg:$0xe] =	wrdreg s30  }
0x10: {  	s20 =	sshrl.u32 s7, $0x3;
	s0 =	sadd.s32 $0x400, s0;
	[dreg:$0x10] =	wrdreg s31  }
0x11: {  	v2 =	vlaneseq.u32;
	s3 =	simm.s32 $0x2;
	[dreg:$0x5] =	wrdreg s0;
	s22 =	sadd.s32 s4, s20  }
0x12: {  	vm0 =	vmmov $0xffff;
	v1 =	vshrl.u32 v2, $0x3;
	s8 =	simm.s32 $0x5;
	s0 =	sadd.s32 $0x980800, s21;
	[dreg:$0x7] =	wrdreg s22  }
0x13: {  	v0 =	vand.u32 $0x7, v2;
	v2 =	vor.u32 $0x8, v2;
	v1 =	vmul.u32 $0x8, v1;
	s2 =	simm.s32 $0xB800;
	[dreg:$0xf] =	wrdreg s0;
	s0 =	simm.s32 $0x4  }
.LBB2_1:
0x14: {  	[dreg:$0x11] =	wrdreg s10  }
0x15: {  	s9 =	rddreg [dreg:$0x5];
	s10 =	simm.s32 $0x7  }
0x16: {  	[tilespmem:s5], [sflag:$0x7] =	stream.linear.gather [hbm4b:s9+s5], $0x2680, $0x38;
	[tilespmem:$0x1F800] =	vst v63  }
0x17: {  	_ =	swait.ge [sflag:s10], $0x2680  }
0x18: {  	[sflag:s10] =	ssyncset.done $0x0  }
0x19: {  	[sflag:s10] =	ssyncadd.s32 $0xFFFFD980  }
0x1a: {  	v3 =	vld [tilespmem:$0x0];
	_ =	sdelay $0x4  }
0x1b: {  	v4 =	vshll.u32 v3, $0x1  }
0x1c: {  	v3 =	vand.u32 $0x7, v3;
	v4 =	vand.u32 $0xFFFFFFF0, v4  }
0x1d: {  	v3 =	vor.u32 v3, v4  }
0x1e: {  	v4 =	vperm.xlane v3, v0;
	_ =	sdelay $0x1  }
0x1f: {  	v3 =	vperm.xlane v3, v2;
	v4 =	vadd.s32 v1, v4;
	_ =	sdelay $0x1  }
0x20: {  	v3 =	vadd.s32 v1, v3;
	_ =	sdelay $0x2  }
0x21: {  	[tilespmem:s11], [sflag:$0x1] =	stream.indirect_vreg.gather [hbm4b:s1+s5], $0x80, v4, vm0, $0xb8;
	[tilespmem:$0x1F800] =	vst v63  }
0x22: {  	s16 =	simm.s32 $0x8000  }
0x23: {  	[tilespmem:s16], [sflag:$0x1] =	stream.indirect_vreg.gather [hbm4b:s1+s5], $0x80, v3, vm0, $0xb8;
	[tilespmem:$0x1F800] =	vst v63  }
0x24: {  	v3 =	vld [tilespmem:$0x10];
	_ =	sdelay $0x4  }
0x25: {  	v4 =	vshll.u32 v3, $0x1  }
0x26: {  	v3 =	vand.u32 $0x7, v3;
	v4 =	vand.u32 $0xFFFFFFF0, v4  }
0x27: {  	v3 =	vor.u32 v3, v4  }
0x28: {  	v4 =	vperm.xlane v3, v0;
	_ =	sdelay $0x1  }
0x29: {  	v3 =	vperm.xlane v3, v2;
	v4 =	vadd.s32 v1, v4;
	_ =	sdelay $0x1  }
0x2a: {  	v3 =	vadd.s32 v1, v3;
	_ =	sdelay $0x1  }
0x2b: {  	s19 =	simm.s32 $0x8800  }
0x2c: {  	[tilespmem:s19], [sflag:$0x1] =	stream.indirect_vreg.gather [hbm4b:s1+s5], $0x80, v4, vm0, $0xb8;
	[tilespmem:$0x1F800] =	vst v63  }
0x2d: {  	s20 =	simm.s32 $0x9000  }
0x2e: {  	[tilespmem:s20], [sflag:$0x1] =	stream.indirect_vreg.gather [hbm4b:s1+s5], $0x80, v3, vm0, $0xb8;
	[tilespmem:$0x1F800] =	vst v63  }
0x2f: {  	v3 =	vld [tilespmem:$0x20];
	_ =	sdelay $0x4  }
0x30: {  	v4 =	vshll.u32 v3, $0x1  }
0x31: {  	v3 =	vand.u32 $0x7, v3;
	v4 =	vand.u32 $0xFFFFFFF0, v4  }
0x32: {  	v3 =	vor.u32 v3, v4  }
0x33: {  	v4 =	vperm.xlane v3, v0;
	_ =	sdelay $0x1  }
0x34: {  	v3 =	vperm.xlane v3, v2;
	v4 =	vadd.s32 v1, v4;
	_ =	sdelay $0x1  }
0x35: {  	v3 =	vadd.s32 v1, v3;
	_ =	sdelay $0x1  }
0x36: {  	s21 =	simm.s32 $0x9800  }
0x37: {  	[tilespmem:s21], [sflag:$0x1] =	stream.indirect_vreg.gather [hbm4b:s1+s5], $0x80, v4, vm0, $0xb8;
	[tilespmem:$0x1F800] =	vst v63  }
0x38: {  	s22 =	simm.s32 $0xA000  }
0x39: {  	[tilespmem:s22], [sflag:$0x1] =	stream.indirect_vreg.gather [hbm4b:s1+s5], $0x80, v3, vm0, $0xb8;
	[tilespmem:$0x1F800] =	vst v63  }
0x3a: {  	v3 =	vld [tilespmem:$0x30];
	_ =	sdelay $0x4  }
0x3b: {  	v4 =	vshll.u32 v3, $0x1  }
0x3c: {  	v3 =	vand.u32 $0x7, v3;
	v4 =	vand.u32 $0xFFFFFFF0, v4  }
0x3d: {  	v3 =	vor.u32 v3, v4  }
0x3e: {  	v4 =	vperm.xlane v3, v0;
	_ =	sdelay $0x1  }
0x3f: {  	v3 =	vperm.xlane v3, v2;
	v4 =	vadd.s32 v1, v4;
	_ =	sdelay $0x1  }
0x40: {  	v3 =	vadd.s32 v1, v3;
	_ =	sdelay $0x1  }
0x41: {  	s23 =	simm.s32 $0xA800  }
0x42: {  	[tilespmem:s23], [sflag:$0x1] =	stream.indirect_vreg.gather [hbm4b:s1+s5], $0x80, v4, vm0, $0xb8;
	[tilespmem:$0x1F800] =	vst v63  }
0x43: {  	s24 =	simm.s32 $0xB000  }
0x44: {  	[tilespmem:s24], [sflag:$0x1] =	stream.indirect_vreg.gather [hbm4b:s1+s5], $0x80, v3, vm0, $0xb8;
	[tilespmem:$0x1F800] =	vst v63  }
0x45: {  	v3 =	vld [tilespmem:$0x40];
	_ =	sdelay $0x4  }
0x46: {  	v4 =	vshll.u32 v3, $0x1  }
0x47: {  	v3 =	vand.u32 $0x7, v3;
	v4 =	vand.u32 $0xFFFFFFF0, v4  }
0x48: {  	v3 =	vor.u32 v3, v4  }
0x49: {  	v4 =	vperm.xlane v3, v0;
	_ =	sdelay $0x1  }
0x4a: {  	v3 =	vperm.xlane v3, v2;
	v4 =	vadd.s32 v1, v4;
	_ =	sdelay $0x1  }
0x4b: {  	v3 =	vadd.s32 v1, v3;
	_ =	sdelay $0x2  }
0x4c: {  	[tilespmem:s2], [sflag:$0x1] =	stream.indirect_vreg.gather [hbm4b:s1+s5], $0x80, v4, vm0, $0xb8;
	[tilespmem:$0x1F800] =	vst v63  }
0x4d: {  	s25 =	simm.s32 $0xC000  }
0x4e: {  	[tilespmem:s25], [sflag:$0x1] =	stream.indirect_vreg.gather [hbm4b:s1+s5], $0x80, v3, vm0, $0xb8;
	[tilespmem:$0x1F800] =	vst v63  }
0x4f: {  	v3 =	vld [tilespmem:$0x50];
	_ =	sdelay $0x4  }
0x50: {  	v4 =	vshll.u32 v3, $0x1  }
0x51: {  	v3 =	vand.u32 $0x7, v3;
	v4 =	vand.u32 $0xFFFFFFF0, v4  }
0x52: {  	v3 =	vor.u32 v3, v4  }
0x53: {  	v4 =	vperm.xlane v3, v0;
	_ =	sdelay $0x1  }
0x54: {  	v3 =	vperm.xlane v3, v2;
	v4 =	vadd.s32 v1, v4;
	_ =	sdelay $0x1  }
0x55: {  	v3 =	vadd.s32 v1, v3;
	_ =	sdelay $0x1  }
0x56: {  	s26 =	simm.s32 $0xC800  }
0x57: {  	[tilespmem:s26], [sflag:$0x1] =	stream.indirect_vreg.gather [hbm4b:s1+s5], $0x80, v4, vm0, $0xb8;
	[tilespmem:$0x1F800] =	vst v63  }
0x58: {  	s28 =	simm.s32 $0xD000  }
0x59: {  	[tilespmem:s28], [sflag:$0x1] =	stream.indirect_vreg.gather [hbm4b:s1+s5], $0x80, v3, vm0, $0xb8;
	[tilespmem:$0x1F800] =	vst v63  }
0x5a: {  	v3 =	vld [tilespmem:$0x60];
	_ =	sdelay $0x4  }
0x5b: {  	v4 =	vshll.u32 v3, $0x1  }
0x5c: {  	v3 =	vand.u32 $0x7, v3;
	v4 =	vand.u32 $0xFFFFFFF0, v4  }
0x5d: {  	v3 =	vor.u32 v3, v4  }
0x5e: {  	v4 =	vperm.xlane v3, v0;
	_ =	sdelay $0x1  }
0x5f: {  	v3 =	vperm.xlane v3, v2;
	v4 =	vadd.s32 v1, v4;
	_ =	sdelay $0x1  }
0x60: {  	v3 =	vadd.s32 v1, v3;
	_ =	sdelay $0x1  }
0x61: {  	s29 =	simm.s32 $0xD800  }
0x62: {  	[tilespmem:s29], [sflag:$0x1] =	stream.indirect_vreg.gather [hbm4b:s1+s5], $0x80, v4, vm0, $0xb8;
	[tilespmem:$0x1F800] =	vst v63  }
0x63: {  	s30 =	simm.s32 $0xE000  }
0x64: {  	[tilespmem:s30], [sflag:$0x1] =	stream.indirect_vreg.gather [hbm4b:s1+s5], $0x80, v3, vm0, $0xb8;
	[tilespmem:$0x1F800] =	vst v63  }
0x65: {  	v3 =	vld [tilespmem:$0x70];
	_ =	sdelay $0x4  }
0x66: {  	v4 =	vshll.u32 v3, $0x1  }
0x67: {  	v3 =	vand.u32 $0x7, v3;
	v4 =	vand.u32 $0xFFFFFFF0, v4  }
0x68: {  	v3 =	vor.u32 v3, v4  }
0x69: {  	v4 =	vperm.xlane v3, v0;
	_ =	sdelay $0x1  }
0x6a: {  	v3 =	vperm.xlane v3, v2;
	v4 =	vadd.s32 v1, v4;
	_ =	sdelay $0x1  }
0x6b: {  	v3 =	vadd.s32 v1, v3;
	_ =	sdelay $0x1  }
0x6c: {  	s31 =	simm.s32 $0xE800  }
0x6d: {  	[tilespmem:s31], [sflag:$0x1] =	stream.indirect_vreg.gather [hbm4b:s1+s5], $0x80, v4, vm0, $0xb8;
	[tilespmem:$0x1F800] =	vst v63  }
0x6e: {  	s9 =	simm.s32 $0xF000  }
0x6f: {  	[tilespmem:s9], [sflag:$0x1] =	stream.indirect_vreg.gather [hbm4b:s1+s5], $0x80, v3, vm0, $0xb8;
	[tilespmem:$0x1F800] =	vst v63  }
0x70: {  	v3 =	vld [tilespmem:$0x80];
	_ =	sdelay $0x4  }
0x71: {  	v4 =	vshll.u32 v3, $0x1  }
0x72: {  	v3 =	vand.u32 $0x7, v3;
	v4 =	vand.u32 $0xFFFFFFF0, v4  }
0x73: {  	v3 =	vor.u32 v3, v4  }
0x74: {  	v4 =	vperm.xlane v3, v0;
	_ =	sdelay $0x1  }
0x75: {  	v3 =	vperm.xlane v3, v2;
	v4 =	vadd.s32 v1, v4;
	_ =	sdelay $0x1  }
0x76: {  	v3 =	vadd.s32 v1, v3;
	_ =	sdelay $0x2  }
0x77: {  	[tilespmem:s17], [sflag:$0x2] =	stream.indirect_vreg.gather [hbm4b:s1+s5], $0x80, v4, vm0, $0xb8;
	[tilespmem:$0x1F800] =	vst v63  }
0x78: {  	s13 =	simm.s32 $0x10000  }
0x79: {  	[tilespmem:s13], [sflag:$0x2] =	stream.indirect_vreg.gather [hbm4b:s1+s5], $0x80, v3, vm0, $0xb8;
	[tilespmem:$0x1F800] =	vst v63  }
0x7a: {  	v3 =	vld [tilespmem:$0x90];
	_ =	sdelay $0x4  }
0x7b: {  	v4 =	vshll.u32 v3, $0x1  }
0x7c: {  	v3 =	vand.u32 $0x7, v3;
	v4 =	vand.u32 $0xFFFFFFF0, v4  }
0x7d: {  	v3 =	vor.u32 v3, v4  }
0x7e: {  	v4 =	vperm.xlane v3, v0;
	_ =	sdelay $0x1  }
0x7f: {  	v3 =	vperm.xlane v3, v2;
	v4 =	vadd.s32 v1, v4;
	_ =	sdelay $0x1  }
0x80: {  	v3 =	vadd.s32 v1, v3;
	_ =	sdelay $0x1  }
0x81: {  	s14 =	simm.s32 $0x10800  }
0x82: {  	[tilespmem:s14], [sflag:$0x2] =	stream.indirect_vreg.gather [hbm4b:s1+s5], $0x80, v4, vm0, $0xb8;
	[tilespmem:$0x1F800] =	vst v63  }
0x83: {  	s15 =	simm.s32 $0x11000  }
0x84: {  	[tilespmem:s15], [sflag:$0x2] =	stream.indirect_vreg.gather [hbm4b:s1+s5], $0x80, v3, vm0, $0xb8;
	[tilespmem:$0x1F800] =	vst v63  }
0x85: {  	v3 =	vld [tilespmem:$0xA0];
	_ =	sdelay $0x4  }
0x86: {  	v4 =	vshll.u32 v3, $0x1  }
0x87: {  	v3 =	vand.u32 $0x7, v3;
	v4 =	vand.u32 $0xFFFFFFF0, v4  }
0x88: {  	v3 =	vor.u32 v3, v4  }
0x89: {  	v4 =	vperm.xlane v3, v0;
	_ =	sdelay $0x1  }
0x8a: {  	v3 =	vperm.xlane v3, v2;
	v4 =	vadd.s32 v1, v4;
	_ =	sdelay $0x1  }
0x8b: {  	v3 =	vadd.s32 v1, v3;
	_ =	sdelay $0x1  }
0x8c: {  	s16 =	simm.s32 $0x11800  }
0x8d: {  	[tilespmem:s16], [sflag:$0x2] =	stream.indirect_vreg.gather [hbm4b:s1+s5], $0x80, v4, vm0, $0xb8;
	[tilespmem:$0x1F800] =	vst v63  }
0x8e: {  	s19 =	simm.s32 $0x12000  }
0x8f: {  	[tilespmem:s19], [sflag:$0x2] =	stream.indirect_vreg.gather [hbm4b:s1+s5], $0x80, v3, vm0, $0xb8;
	[tilespmem:$0x1F800] =	vst v63  }
0x90: {  	v3 =	vld [tilespmem:$0xB0];
	_ =	sdelay $0x4  }
0x91: {  	v4 =	vshll.u32 v3, $0x1  }
0x92: {  	v3 =	vand.u32 $0x7, v3;
	v4 =	vand.u32 $0xFFFFFFF0, v4  }
0x93: {  	v3 =	vor.u32 v3, v4  }
0x94: {  	v4 =	vperm.xlane v3, v0;
	_ =	sdelay $0x1  }
0x95: {  	v3 =	vperm.xlane v3, v2;
	v4 =	vadd.s32 v1, v4;
	_ =	sdelay $0x1  }
0x96: {  	v3 =	vadd.s32 v1, v3;
	_ =	sdelay $0x1  }
0x97: {  	s20 =	simm.s32 $0x12800  }
0x98: {  	[tilespmem:s20], [sflag:$0x2] =	stream.indirect_vreg.gather [hbm4b:s1+s5], $0x80, v4, vm0, $0xb8;
	[tilespmem:$0x1F800] =	vst v63  }
0x99: {  	s21 =	simm.s32 $0x13000  }
0x9a: {  	[tilespmem:s21], [sflag:$0x2] =	stream.indirect_vreg.gather [hbm4b:s1+s5], $0x80, v3, vm0, $0xb8;
	[tilespmem:$0x1F800] =	vst v63  }
0x9b: {  	v3 =	vld [tilespmem:$0xC0];
	_ =	sdelay $0x4  }
0x9c: {  	v4 =	vshll.u32 v3, $0x1  }
0x9d: {  	v3 =	vand.u32 $0x7, v3;
	v4 =	vand.u32 $0xFFFFFFF0, v4  }
0x9e: {  	v3 =	vor.u32 v3, v4  }
0x9f: {  	v4 =	vperm.xlane v3, v0;
	_ =	sdelay $0x1  }
0xa0: {  	v3 =	vperm.xlane v3, v2;
	v4 =	vadd.s32 v1, v4;
	_ =	sdelay $0x1  }
0xa1: {  	v3 =	vadd.s32 v1, v3;
	_ =	sdelay $0x2  }
0xa2: {  	[tilespmem:s18], [sflag:$0x2] =	stream.indirect_vreg.gather [hbm4b:s1+s5], $0x80, v4, vm0, $0xb8;
	[tilespmem:$0x1F800] =	vst v63  }
0xa3: {  	s22 =	simm.s32 $0x14000  }
0xa4: {  	[tilespmem:s22], [sflag:$0x2] =	stream.indirect_vreg.gather [hbm4b:s1+s5], $0x80, v3, vm0, $0xb8;
	[tilespmem:$0x1F800] =	vst v63  }
0xa5: {  	v3 =	vld [tilespmem:$0xD0];
	_ =	sdelay $0x4  }
0xa6: {  	v4 =	vshll.u32 v3, $0x1  }
0xa7: {  	v3 =	vand.u32 $0x7, v3;
	v4 =	vand.u32 $0xFFFFFFF0, v4  }
0xa8: {  	v3 =	vor.u32 v3, v4  }
0xa9: {  	v4 =	vperm.xlane v3, v0;
	_ =	sdelay $0x1  }
0xaa: {  	v3 =	vperm.xlane v3, v2;
	v4 =	vadd.s32 v1, v4;
	_ =	sdelay $0x1  }
0xab: {  	v3 =	vadd.s32 v1, v3;
	_ =	sdelay $0x1  }
0xac: {  	s23 =	simm.s32 $0x14800  }
0xad: {  	[tilespmem:s23], [sflag:$0x2] =	stream.indirect_vreg.gather [hbm4b:s1+s5], $0x80, v4, vm0, $0xb8;
	[tilespmem:$0x1F800] =	vst v63  }
0xae: {  	s24 =	simm.s32 $0x15000  }
0xaf: {  	[tilespmem:s24], [sflag:$0x2] =	stream.indirect_vreg.gather [hbm4b:s1+s5], $0x80, v3, vm0, $0xb8;
	[tilespmem:$0x1F800] =	vst v63  }
0xb0: {  	v3 =	vld [tilespmem:$0xE0];
	_ =	sdelay $0x4  }
0xb1: {  	v4 =	vshll.u32 v3, $0x1  }
0xb2: {  	v3 =	vand.u32 $0x7, v3;
	v4 =	vand.u32 $0xFFFFFFF0, v4  }
0xb3: {  	v3 =	vor.u32 v3, v4  }
0xb4: {  	v4 =	vperm.xlane v3, v0;
	_ =	sdelay $0x1  }
0xb5: {  	v3 =	vperm.xlane v3, v2;
	v4 =	vadd.s32 v1, v4;
	_ =	sdelay $0x1  }
0xb6: {  	v3 =	vadd.s32 v1, v3;
	_ =	sdelay $0x1  }
0xb7: {  	s25 =	simm.s32 $0x15800  }
0xb8: {  	[tilespmem:s25], [sflag:$0x2] =	stream.indirect_vreg.gather [hbm4b:s1+s5], $0x80, v4, vm0, $0xb8;
	[tilespmem:$0x1F800] =	vst v63  }
0xb9: {  	s26 =	simm.s32 $0x16000  }
0xba: {  	[tilespmem:s26], [sflag:$0x2] =	stream.indirect_vreg.gather [hbm4b:s1+s5], $0x80, v3, vm0, $0xb8;
	[tilespmem:$0x1F800] =	vst v63  }
0xbb: {  	v3 =	vld [tilespmem:$0xF0];
	_ =	sdelay $0x4  }
0xbc: {  	v4 =	vshll.u32 v3, $0x1  }
0xbd: {  	v3 =	vand.u32 $0x7, v3;
	v4 =	vand.u32 $0xFFFFFFF0, v4  }
0xbe: {  	v3 =	vor.u32 v3, v4  }
0xbf: {  	v4 =	vperm.xlane v3, v0;
	_ =	sdelay $0x1  }
0xc0: {  	v3 =	vperm.xlane v3, v2;
	v4 =	vadd.s32 v1, v4;
	_ =	sdelay $0x1  }
0xc1: {  	v3 =	vadd.s32 v1, v3;
	_ =	sdelay $0x1  }
0xc2: {  	s28 =	simm.s32 $0x16800  }
0xc3: {  	[tilespmem:s28], [sflag:$0x2] =	stream.indirect_vreg.gather [hbm4b:s1+s5], $0x80, v4, vm0, $0xb8;
	[tilespmem:$0x1F800] =	vst v63  }
0xc4: {  	s29 =	simm.s32 $0x17000  }
0xc5: {  	[tilespmem:s29], [sflag:$0x2] =	stream.indirect_vreg.gather [hbm4b:s1+s5], $0x80, v3, vm0, $0xb8;
	[tilespmem:$0x1F800] =	vst v63  }
0xc6: {  	s30 =	rddreg [dreg:$0x2];
	s31 =	simm.s32 $0x2800  }
0xc7: {  	[tilespmem:s31], [sflag:$0x7] =	stream.linear.gather [hbm4b:s30+s5], $0x5000, $0x38;
	[tilespmem:$0x1F800] =	vst v63  }
0xc8: {  	_ =	swait.ge [sflag:s10], $0x5000  }
0xc9: {  	[sflag:s10] =	ssyncset.done $0x0  }
0xca: {  	[sflag:s10] =	ssyncadd.s32 $0xFFFFB000  }
0xcb: {  	v3 =	vld [tilespmem:$0x100];
	_ =	sdelay $0x4  }
0xcc: {  	v4 =	vshll.u32 v3, $0x1  }
0xcd: {  	v3 =	vand.u32 $0x7, v3;
	v4 =	vand.u32 $0xFFFFFFF0, v4  }
0xce: {  	v3 =	vor.u32 v3, v4  }
0xcf: {  	v4 =	vperm.xlane v3, v0;
	_ =	sdelay $0x1  }
0xd0: {  	v3 =	vperm.xlane v3, v2;
	v4 =	vadd.s32 v1, v4;
	_ =	sdelay $0x1  }
0xd1: {  	v3 =	vadd.s32 v1, v3;
	_ =	sdelay $0x1  }
0xd2: {  	s9 =	simm.s32 $0x17800  }
0xd3: {  	[tilespmem:s9], [sflag:$0x3] =	stream.indirect_vreg.gather [hbm4b:s1+s5], $0x80, v4, vm0, $0xb8;
	[tilespmem:$0x1F800] =	vst v63  }
0xd4: {  	s10 =	simm.s32 $0x18000  }
0xd5: {  	[tilespmem:s10], [sflag:$0x3] =	stream.indirect_vreg.gather [hbm4b:s1+s5], $0x80, v3, vm0, $0xb8;
	[tilespmem:$0x1F800] =	vst v63  }
0xd6: {  	v3 =	vld [tilespmem:$0x110];
	_ =	sdelay $0x4  }
0xd7: {  	v4 =	vshll.u32 v3, $0x1  }
0xd8: {  	v3 =	vand.u32 $0x7, v3;
	v4 =	vand.u32 $0xFFFFFFF0, v4  }
0xd9: {  	v3 =	vor.u32 v3, v4  }
0xda: {  	v4 =	vperm.xlane v3, v0;
	_ =	sdelay $0x1  }
0xdb: {  	v3 =	vperm.xlane v3, v2;
	v4 =	vadd.s32 v1, v4;
	_ =	sdelay $0x1  }
0xdc: {  	v3 =	vadd.s32 v1, v3;
	_ =	sdelay $0x1  }
0xdd: {  	s13 =	simm.s32 $0x18800  }
0xde: {  	[tilespmem:s13], [sflag:$0x3] =	stream.indirect_vreg.gather [hbm4b:s1+s5], $0x80, v4, vm0, $0xb8;
	[tilespmem:$0x1F800] =	vst v63  }
0xdf: {  	s14 =	simm.s32 $0x19000  }
0xe0: {  	[tilespmem:s14], [sflag:$0x3] =	stream.indirect_vreg.gather [hbm4b:s1+s5], $0x80, v3, vm0, $0xb8;
	[tilespmem:$0x1F800] =	vst v63  }
0xe1: {  	v3 =	vld [tilespmem:$0x120];
	_ =	sdelay $0x4  }
0xe2: {  	v4 =	vshll.u32 v3, $0x1  }
0xe3: {  	v3 =	vand.u32 $0x7, v3;
	v4 =	vand.u32 $0xFFFFFFF0, v4  }
0xe4: {  	v3 =	vor.u32 v3, v4  }
0xe5: {  	v4 =	vperm.xlane v3, v0;
	_ =	sdelay $0x1  }
0xe6: {  	v3 =	vperm.xlane v3, v2;
	v4 =	vadd.s32 v1, v4;
	_ =	sdelay $0x1  }
0xe7: {  	v3 =	vadd.s32 v1, v3;
	_ =	sdelay $0x1  }
0xe8: {  	s15 =	simm.s32 $0x19800  }
0xe9: {  	[tilespmem:s15], [sflag:$0x3] =	stream.indirect_vreg.gather [hbm4b:s1+s5], $0x80, v4, vm0, $0xb8;
	[tilespmem:$0x1F800] =	vst v63  }
0xea: {  	s16 =	simm.s32 $0x1A000  }
0xeb: {  	[tilespmem:s16], [sflag:$0x3] =	stream.indirect_vreg.gather [hbm4b:s1+s5], $0x80, v3, vm0, $0xb8;
	[tilespmem:$0x1F800] =	vst v63  }
0xec: {  	v3 =	vld [tilespmem:$0x130];
	_ =	sdelay $0x4  }
0xed: {  	v4 =	vshll.u32 v3, $0x1  }
0xee: {  	v3 =	vand.u32 $0x7, v3;
	v4 =	vand.u32 $0xFFFFFFF0, v4  }
0xef: {  	v3 =	vor.u32 v3, v4  }
0xf0: {  	v4 =	vperm.xlane v3, v0;
	_ =	sdelay $0x1  }
0xf1: {  	v3 =	vperm.xlane v3, v2;
	v4 =	vadd.s32 v1, v4;
	_ =	sdelay $0x1  }
0xf2: {  	v3 =	vadd.s32 v1, v3;
	_ =	sdelay $0x1  }
0xf3: {  	s19 =	simm.s32 $0x1A800  }
0xf4: {  	[tilespmem:s19], [sflag:$0x3] =	stream.indirect_vreg.gather [hbm4b:s1+s5], $0x80, v4, vm0, $0xb8;
	[tilespmem:$0x1F800] =	vst v63  }
0xf5: {  	s20 =	simm.s32 $0x1B000  }
0xf6: {  	[tilespmem:s20], [sflag:$0x3] =	stream.indirect_vreg.gather [hbm4b:s1+s5], $0x80, v3, vm0, $0xb8;
	[tilespmem:$0x1F800] =	vst v63  }
0xf7: {  	v3 =	vld [tilespmem:$0x140];
	_ =	sdelay $0x4  }
0xf8: {  	v4 =	vshll.u32 v3, $0x1  }
0xf9: {  	v3 =	vand.u32 $0x7, v3;
	v4 =	vand.u32 $0xFFFFFFF0, v4  }
0xfa: {  	v3 =	vor.u32 v3, v4  }
0xfb: {  	v4 =	vperm.xlane v3, v0;
	_ =	sdelay $0x1  }
0xfc: {  	v3 =	vperm.xlane v3, v2;
	v4 =	vadd.s32 v1, v4;
	_ =	sdelay $0x1  }
0xfd: {  	v3 =	vadd.s32 v1, v3;
	_ =	sdelay $0x2  }
0xfe: {  	[tilespmem:s12], [sflag:$0x3] =	stream.indirect_vreg.gather [hbm4b:s1+s5], $0x80, v4, vm0, $0xb8;
	[tilespmem:$0x1F800] =	vst v63  }
0xff: {  	s21 =	simm.s32 $0x1C000  }
0x100: {  	[tilespmem:s21], [sflag:$0x3] =	stream.indirect_vreg.gather [hbm4b:s1+s5], $0x80, v3, vm0, $0xb8;
	[tilespmem:$0x1F800] =	vst v63  }
0x101: {  	v3 =	vld [tilespmem:$0x150];
	_ =	sdelay $0x4  }
0x102: {  	v4 =	vshll.u32 v3, $0x1  }
0x103: {  	v3 =	vand.u32 $0x7, v3;
	v4 =	vand.u32 $0xFFFFFFF0, v4  }
0x104: {  	v3 =	vor.u32 v3, v4  }
0x105: {  	v4 =	vperm.xlane v3, v0;
	_ =	sdelay $0x1  }
0x106: {  	v3 =	vperm.xlane v3, v2;
	v4 =	vadd.s32 v1, v4;
	_ =	sdelay $0x1  }
0x107: {  	v3 =	vadd.s32 v1, v3;
	_ =	sdelay $0x1  }
0x108: {  	s22 =	simm.s32 $0x1C800  }
0x109: {  	[tilespmem:s22], [sflag:$0x3] =	stream.indirect_vreg.gather [hbm4b:s1+s5], $0x80, v4, vm0, $0xb8;
	[tilespmem:$0x1F800] =	vst v63  }
0x10a: {  	s23 =	simm.s32 $0x1D000  }
0x10b: {  	[tilespmem:s23], [sflag:$0x3] =	stream.indirect_vreg.gather [hbm4b:s1+s5], $0x80, v3, vm0, $0xb8;
	[tilespmem:$0x1F800] =	vst v63  }
0x10c: {  	v3 =	vld [tilespmem:$0x160];
	_ =	sdelay $0x4  }
0x10d: {  	v4 =	vshll.u32 v3, $0x1  }
0x10e: {  	v3 =	vand.u32 $0x7, v3;
	v4 =	vand.u32 $0xFFFFFFF0, v4  }
0x10f: {  	v3 =	vor.u32 v3, v4  }
0x110: {  	v4 =	vperm.xlane v3, v0;
	_ =	sdelay $0x1  }
0x111: {  	v3 =	vperm.xlane v3, v2;
	v4 =	vadd.s32 v1, v4;
	_ =	sdelay $0x1  }
0x112: {  	v3 =	vadd.s32 v1, v3;
	_ =	sdelay $0x1  }
0x113: {  	s24 =	simm.s32 $0x1D800  }
0x114: {  	[tilespmem:s24], [sflag:$0x3] =	stream.indirect_vreg.gather [hbm4b:s1+s5], $0x80, v4, vm0, $0xb8;
	[tilespmem:$0x1F800] =	vst v63  }
0x115: {  	s25 =	simm.s32 $0x1E000  }
0x116: {  	[tilespmem:s25], [sflag:$0x3] =	stream.indirect_vreg.gather [hbm4b:s1+s5], $0x80, v3, vm0, $0xb8;
	[tilespmem:$0x1F800] =	vst v63  }
0x117: {  	v3 =	vld [tilespmem:$0x170];
	_ =	sdelay $0x4  }
0x118: {  	v4 =	vshll.u32 v3, $0x1  }
0x119: {  	v3 =	vand.u32 $0x7, v3;
	v4 =	vand.u32 $0xFFFFFFF0, v4  }
0x11a: {  	v3 =	vor.u32 v3, v4  }
0x11b: {  	v4 =	vperm.xlane v3, v0;
	_ =	sdelay $0x1  }
0x11c: {  	v3 =	vperm.xlane v3, v2;
	v4 =	vadd.s32 v1, v4;
	_ =	sdelay $0x1  }
0x11d: {  	v3 =	vadd.s32 v1, v3;
	_ =	sdelay $0x1  }
0x11e: {  	s26 =	simm.s32 $0x1E800  }
0x11f: {  	[tilespmem:s26], [sflag:$0x3] =	stream.indirect_vreg.gather [hbm4b:s1+s5], $0x80, v4, vm0, $0xb8;
	[tilespmem:$0x1F800] =	vst v63  }
0x120: {  	s28 =	simm.s32 $0x1F000;
	s29 =	simm.s32 $0x1  }
0x121: {  	[tilespmem:s28], [sflag:$0x3] =	stream.indirect_vreg.gather [hbm4b:s1+s5], $0x80, v3, vm0, $0xb8;
	[tilespmem:$0x1F800] =	vst v63  }
0x122: {  	_ =	swait.ge [sflag:s29], $0x8000  }
0x123: {  	[sflag:s29] =	ssyncset.done $0x0  }
0x124: {  	[sflag:s29] =	ssyncadd.s32 $0xFFFF8000  }
0x125: {  	v3 =	vld [tilespmem:$0x2800]  }
0x126: {  	v4 =	vld [tilespmem:$0x2810]  }
0x127: {  	v5 =	vld [tilespmem:$0x2820]  }
0x128: {  	v6 =	vld [tilespmem:$0x2830]  }
0x129: {  	v7 =	vld [tilespmem:$0x2840]  }
0x12a: {  	v8 =	vld [tilespmem:$0x2850]  }
0x12b: {  	v9 =	vld [tilespmem:$0x2860]  }
0x12c: {  	v10 =	vld [tilespmem:$0x2870]  }
0x12d: {  	v11 =	vld [tilespmem:$0x2C00]  }
0x12e: {  	v12 =	vld [tilespmem:$0x2C10]  }
0x12f: {  	v13 =	vld [tilespmem:$0x2C20]  }
0x130: {  	v14 =	vld [tilespmem:$0x2C70]  }
0x131: {  	v15 =	vld [tilespmem:$0x2C30]  }
0x132: {  	v17 =	vld [tilespmem:$0x2C40]  }
0x133: {  	s30 =	sand.u32 $0x3800, s5;
	s31 =	sand.u32 $0x300, s5;
	v16 =	vld [tilespmem:$0x2C50]  }
0x134: {  	s13 =	sor.u32 s31, s30;
	v18 =	vld [tilespmem:$0x2C60]  }
0x135: {  	[tilespmem:s13+$0x7CF0] =	vst.add.f32.msk $0xffff, v14  }
0x136: {  	[tilespmem:s13+$0x7800] =	vst.add.f32.msk $0xffff, v3  }
0x137: {  	[tilespmem:s13+$0x7810] =	vst.add.f32.msk $0xffff, v4  }
0x138: {  	[tilespmem:s13+$0x7820] =	vst.add.f32.msk $0xffff, v5  }
0x139: {  	[tilespmem:s13+$0x7830] =	vst.add.f32.msk $0xffff, v6  }
0x13a: {  	[tilespmem:s13+$0x7840] =	vst.add.f32.msk $0xffff, v7  }
0x13b: {  	[tilespmem:s13+$0x7850] =	vst.add.f32.msk $0xffff, v8  }
0x13c: {  	[tilespmem:s13+$0x7860] =	vst.add.f32.msk $0xffff, v9  }
0x13d: {  	[tilespmem:s13+$0x7870] =	vst.add.f32.msk $0xffff, v10  }
0x13e: {  	[tilespmem:s13+$0x7C00] =	vst.add.f32.msk $0xffff, v11  }
0x13f: {  	[tilespmem:s13+$0x7C10] =	vst.add.f32.msk $0xffff, v12  }
0x140: {  	[tilespmem:s13+$0x7C20] =	vst.add.f32.msk $0xffff, v13  }
0x141: {  	[tilespmem:s13+$0x7C30] =	vst.add.f32.msk $0xffff, v15  }
0x142: {  	[tilespmem:s13+$0x7C40] =	vst.add.f32.msk $0xffff, v17  }
0x143: {  	[tilespmem:s13+$0x7C50] =	vst.add.f32.msk $0xffff, v16  }
0x144: {  	[tilespmem:s13+$0x7C60] =	vst.add.f32.msk $0xffff, v18  }
0x145: {  	[tilespmem:s13+$0x7C70] =	vst.add.f32.msk $0xffff, v14  }
0x146: {  	[tilespmem:s13+$0x7880] =	vst.add.f32.msk $0xffff, v3  }
0x147: {  	[tilespmem:s13+$0x7890] =	vst.add.f32.msk $0xffff, v4  }
0x148: {  	[tilespmem:s13+$0x78A0] =	vst.add.f32.msk $0xffff, v5  }
0x149: {  	[tilespmem:s13+$0x78B0] =	vst.add.f32.msk $0xffff, v6  }
0x14a: {  	[tilespmem:s13+$0x78C0] =	vst.add.f32.msk $0xffff, v7  }
0x14b: {  	[tilespmem:s13+$0x78D0] =	vst.add.f32.msk $0xffff, v8  }
0x14c: {  	[tilespmem:s13+$0x78E0] =	vst.add.f32.msk $0xffff, v9  }
0x14d: {  	[tilespmem:s13+$0x78F0] =	vst.add.f32.msk $0xffff, v10  }
0x14e: {  	[tilespmem:s13+$0x7C80] =	vst.add.f32.msk $0xffff, v11  }
0x14f: {  	[tilespmem:s13+$0x7C90] =	vst.add.f32.msk $0xffff, v12  }
0x150: {  	[tilespmem:s13+$0x7CA0] =	vst.add.f32.msk $0xffff, v13  }
0x151: {  	[tilespmem:s13+$0x7CB0] =	vst.add.f32.msk $0xffff, v15  }
0x152: {  	s14 =	simm.s32 $0x0;
	s15 =	simm.s32 $0x100;
	s16 =	simm.s32 $0x200;
	[tilespmem:s13+$0x7CC0] =	vst.add.f32.msk $0xffff, v17  }
.LBB2_2:
0x153: {  	s9 =	sand.u32 $0x3800, s16;
	s12 =	sand.u32 $0x300, s15;
	s14 =	sadd.s32 $0x2, s14;
	[tilespmem:s13+$0x7CD0] =	vst.add.f32.msk $0xffff, v16  }
0x154: {  	p0 =	slt.u32 s14, $0x3E;
	[tilespmem:s13+$0x7CE0] =	vst.add.f32.msk $0xffff, v18;
	s13 =	sor.u32 s12, s9  }
0x155: {  	[tilespmem:s13+$0x7CF0] =	vst.add.f32.msk $0xffff, v14  }
0x156: {  	[tilespmem:s13+$0x7800] =	vst.add.f32.msk $0xffff, v3  }
0x157: {  	[tilespmem:s13+$0x7810] =	vst.add.f32.msk $0xffff, v4  }
0x158: {  	[tilespmem:s13+$0x7820] =	vst.add.f32.msk $0xffff, v5  }
0x159: {  	[tilespmem:s13+$0x7830] =	vst.add.f32.msk $0xffff, v6  }
0x15a: {  	[tilespmem:s13+$0x7840] =	vst.add.f32.msk $0xffff, v7  }
0x15b: {  	[tilespmem:s13+$0x7850] =	vst.add.f32.msk $0xffff, v8  }
0x15c: {  	[tilespmem:s13+$0x7860] =	vst.add.f32.msk $0xffff, v9  }
0x15d: {  	[tilespmem:s13+$0x7870] =	vst.add.f32.msk $0xffff, v10  }
0x15e: {  	[tilespmem:s13+$0x7C00] =	vst.add.f32.msk $0xffff, v11  }
0x15f: {  	[tilespmem:s13+$0x7C10] =	vst.add.f32.msk $0xffff, v12  }
0x160: {  	[tilespmem:s13+$0x7C20] =	vst.add.f32.msk $0xffff, v13  }
0x161: {  	[tilespmem:s13+$0x7C30] =	vst.add.f32.msk $0xffff, v15  }
0x162: {  	[tilespmem:s13+$0x7C40] =	vst.add.f32.msk $0xffff, v17  }
0x163: {  	[tilespmem:s13+$0x7C50] =	vst.add.f32.msk $0xffff, v16  }
0x164: {  	[tilespmem:s13+$0x7C60] =	vst.add.f32.msk $0xffff, v18  }
0x165: {  	[tilespmem:s13+$0x7C70] =	vst.add.f32.msk $0xffff, v14  }
0x166: {  	[tilespmem:s13+$0x7880] =	vst.add.f32.msk $0xffff, v3  }
0x167: {  	[tilespmem:s13+$0x7890] =	vst.add.f32.msk $0xffff, v4  }
0x168: {  	[tilespmem:s13+$0x78A0] =	vst.add.f32.msk $0xffff, v5  }
0x169: {  	[tilespmem:s13+$0x78B0] =	vst.add.f32.msk $0xffff, v6  }
0x16a: {  	[tilespmem:s13+$0x78C0] =	vst.add.f32.msk $0xffff, v7  }
0x16b: {  	[tilespmem:s13+$0x78D0] =	vst.add.f32.msk $0xffff, v8  }
0x16c: {  	[tilespmem:s13+$0x78E0] =	vst.add.f32.msk $0xffff, v9  }
0x16d: {  	[tilespmem:s13+$0x78F0] =	vst.add.f32.msk $0xffff, v10  }
.Ltmp0:
0x16e: {  	[tilespmem:s13+$0x7C80] =	vst.add.f32.msk $0xffff, v11;
	(pc) =	sbr.rel @p0 .LBB2_2-.Ltmp0, $4  }
0x16f: {  	[tilespmem:s13+$0x7C90] =	vst.add.f32.msk $0xffff, v12  }
0x170: {  	[tilespmem:s13+$0x7CA0] =	vst.add.f32.msk $0xffff, v13  }
0x171: {  	[tilespmem:s13+$0x7CB0] =	vst.add.f32.msk $0xffff, v15  }
0x172: {  	s15 =	sadd.s32 $0x100, s15;
	s16 =	sadd.s32 $0x200, s16;
	[tilespmem:s13+$0x7CC0] =	vst.add.f32.msk $0xffff, v17  }
0x173: {  	[tilespmem:s13+$0x7CD0] =	vst.add.f32.msk $0xffff, v16  }
0x174: {  	[tilespmem:s13+$0x7CE0] =	vst.add.f32.msk $0xffff, v18  }
0x175: {  	s31 =	simm.s32 $0x2000;
	s12 =	simm.s32 $0x4000;
	s9 =	rddreg [dreg:$0x6]  }
0x176: {  	[hbm4b:s9+s5] =	stream.linear.scatter [tilespmem:s11], [sflag:$0x4], $0x4000, $0x38;
	[tilespmem:$0x1F800] =	vst v63  }
0x177: {  	s12 =	sand.u32 $0x7800, s12;
	s9 =	sand.u32 $0x300, s31  }
0x178: {  	s13 =	sor.u32 s9, s12  }
0x179: {  	[tilespmem:s13+$0x7CF0] =	vst.add.f32.msk $0xffff, v14  }
0x17a: {  	[tilespmem:s13+$0x7800] =	vst.add.f32.msk $0xffff, v3  }
0x17b: {  	[tilespmem:s13+$0x7810] =	vst.add.f32.msk $0xffff, v4  }
0x17c: {  	[tilespmem:s13+$0x7820] =	vst.add.f32.msk $0xffff, v5  }
0x17d: {  	[tilespmem:s13+$0x7830] =	vst.add.f32.msk $0xffff, v6  }
0x17e: {  	[tilespmem:s13+$0x7840] =	vst.add.f32.msk $0xffff, v7  }
0x17f: {  	[tilespmem:s13+$0x7850] =	vst.add.f32.msk $0xffff, v8  }
0x180: {  	[tilespmem:s13+$0x7860] =	vst.add.f32.msk $0xffff, v9  }
0x181: {  	[tilespmem:s13+$0x7870] =	vst.add.f32.msk $0xffff, v10  }
0x182: {  	[tilespmem:s13+$0x7C00] =	vst.add.f32.msk $0xffff, v11  }
0x183: {  	[tilespmem:s13+$0x7C10] =	vst.add.f32.msk $0xffff, v12  }
0x184: {  	[tilespmem:s13+$0x7C20] =	vst.add.f32.msk $0xffff, v13  }
0x185: {  	[tilespmem:s13+$0x7C30] =	vst.add.f32.msk $0xffff, v15  }
0x186: {  	[tilespmem:s13+$0x7C40] =	vst.add.f32.msk $0xffff, v17  }
0x187: {  	[tilespmem:s13+$0x7C50] =	vst.add.f32.msk $0xffff, v16  }
0x188: {  	[tilespmem:s13+$0x7C60] =	vst.add.f32.msk $0xffff, v18  }
0x189: {  	[tilespmem:s13+$0x7C70] =	vst.add.f32.msk $0xffff, v14  }
0x18a: {  	[tilespmem:s13+$0x7880] =	vst.add.f32.msk $0xffff, v3  }
0x18b: {  	[tilespmem:s13+$0x7890] =	vst.add.f32.msk $0xffff, v4  }
0x18c: {  	[tilespmem:s13+$0x78A0] =	vst.add.f32.msk $0xffff, v5  }
0x18d: {  	[tilespmem:s13+$0x78B0] =	vst.add.f32.msk $0xffff, v6  }
0x18e: {  	[tilespmem:s13+$0x78C0] =	vst.add.f32.msk $0xffff, v7  }
0x18f: {  	[tilespmem:s13+$0x78D0] =	vst.add.f32.msk $0xffff, v8  }
0x190: {  	[tilespmem:s13+$0x78E0] =	vst.add.f32.msk $0xffff, v9  }
0x191: {  	[tilespmem:s13+$0x78F0] =	vst.add.f32.msk $0xffff, v10  }
0x192: {  	[tilespmem:s13+$0x7C80] =	vst.add.f32.msk $0xffff, v11  }
0x193: {  	[tilespmem:s13+$0x7C90] =	vst.add.f32.msk $0xffff, v12  }
0x194: {  	[tilespmem:s13+$0x7CA0] =	vst.add.f32.msk $0xffff, v13  }
0x195: {  	[tilespmem:s13+$0x7CB0] =	vst.add.f32.msk $0xffff, v15  }
0x196: {  	s14 =	simm.s32 $0x40;
	s15 =	simm.s32 $0x2100;
	s16 =	simm.s32 $0x4200;
	[tilespmem:s13+$0x7CC0] =	vst.add.f32.msk $0xffff, v17  }
.LBB2_4:
0x197: {  	s9 =	sand.u32 $0x7800, s16;
	s12 =	sand.u32 $0x300, s15;
	s14 =	sadd.s32 $0x2, s14;
	[tilespmem:s13+$0x7CD0] =	vst.add.f32.msk $0xffff, v16  }
0x198: {  	p0 =	slt.u32 s14, $0x7E;
	[tilespmem:s13+$0x7CE0] =	vst.add.f32.msk $0xffff, v18;
	s13 =	sor.u32 s12, s9  }
0x199: {  	[tilespmem:s13+$0x7CF0] =	vst.add.f32.msk $0xffff, v14  }
0x19a: {  	[tilespmem:s13+$0x7800] =	vst.add.f32.msk $0xffff, v3  }
0x19b: {  	[tilespmem:s13+$0x7810] =	vst.add.f32.msk $0xffff, v4  }
0x19c: {  	[tilespmem:s13+$0x7820] =	vst.add.f32.msk $0xffff, v5  }
0x19d: {  	[tilespmem:s13+$0x7830] =	vst.add.f32.msk $0xffff, v6  }
0x19e: {  	[tilespmem:s13+$0x7840] =	vst.add.f32.msk $0xffff, v7  }
0x19f: {  	[tilespmem:s13+$0x7850] =	vst.add.f32.msk $0xffff, v8  }
0x1a0: {  	[tilespmem:s13+$0x7860] =	vst.add.f32.msk $0xffff, v9  }
0x1a1: {  	[tilespmem:s13+$0x7870] =	vst.add.f32.msk $0xffff, v10  }
0x1a2: {  	[tilespmem:s13+$0x7C00] =	vst.add.f32.msk $0xffff, v11  }
0x1a3: {  	[tilespmem:s13+$0x7C10] =	vst.add.f32.msk $0xffff, v12  }
0x1a4: {  	[tilespmem:s13+$0x7C20] =	vst.add.f32.msk $0xffff, v13  }
0x1a5: {  	[tilespmem:s13+$0x7C30] =	vst.add.f32.msk $0xffff, v15  }
0x1a6: {  	[tilespmem:s13+$0x7C40] =	vst.add.f32.msk $0xffff, v17  }
0x1a7: {  	[tilespmem:s13+$0x7C50] =	vst.add.f32.msk $0xffff, v16  }
0x1a8: {  	[tilespmem:s13+$0x7C60] =	vst.add.f32.msk $0xffff, v18  }
0x1a9: {  	[tilespmem:s13+$0x7C70] =	vst.add.f32.msk $0xffff, v14  }
0x1aa: {  	[tilespmem:s13+$0x7880] =	vst.add.f32.msk $0xffff, v3  }
0x1ab: {  	[tilespmem:s13+$0x7890] =	vst.add.f32.msk $0xffff, v4  }
0x1ac: {  	[tilespmem:s13+$0x78A0] =	vst.add.f32.msk $0xffff, v5  }
0x1ad: {  	[tilespmem:s13+$0x78B0] =	vst.add.f32.msk $0xffff, v6  }
0x1ae: {  	[tilespmem:s13+$0x78C0] =	vst.add.f32.msk $0xffff, v7  }
0x1af: {  	[tilespmem:s13+$0x78D0] =	vst.add.f32.msk $0xffff, v8  }
0x1b0: {  	[tilespmem:s13+$0x78E0] =	vst.add.f32.msk $0xffff, v9  }
0x1b1: {  	[tilespmem:s13+$0x78F0] =	vst.add.f32.msk $0xffff, v10  }
.Ltmp1:
0x1b2: {  	[tilespmem:s13+$0x7C80] =	vst.add.f32.msk $0xffff, v11;
	(pc) =	sbr.rel @p0 .LBB2_4-.Ltmp1, $4  }
0x1b3: {  	[tilespmem:s13+$0x7C90] =	vst.add.f32.msk $0xffff, v12  }
0x1b4: {  	[tilespmem:s13+$0x7CA0] =	vst.add.f32.msk $0xffff, v13  }
0x1b5: {  	[tilespmem:s13+$0x7CB0] =	vst.add.f32.msk $0xffff, v15  }
0x1b6: {  	s15 =	sadd.s32 $0x100, s15;
	s16 =	sadd.s32 $0x200, s16;
	[tilespmem:s13+$0x7CC0] =	vst.add.f32.msk $0xffff, v17  }
0x1b7: {  	[tilespmem:s13+$0x7CD0] =	vst.add.f32.msk $0xffff, v16  }
0x1b8: {  	[tilespmem:s13+$0x7CE0] =	vst.add.f32.msk $0xffff, v18  }
0x1b9: {  	s12 =	simm.s32 $0x0;
	s2 =	simm.s32 $0xB800;
	s9 =	rddreg [dreg:$0x7]  }
0x1ba: {  	[hbm4b:s9+s12] =	stream.linear.scatter [tilespmem:s2], [sflag:$0x4], $0x4000, $0x38;
	[tilespmem:$0x1F800] =	vst v63  }
0x1bb: {  	_ =	swait.ge [sflag:s0], $0x8000  }
0x1bc: {  	[sflag:s0] =	ssyncset.done $0x0  }
0x1bd: {  	[sflag:s0] =	ssyncadd.s32 $0xFFFF8000  }
0x1be: {  	v3 =	vld [tilespmem:$0x180];
	_ =	sdelay $0x4  }
0x1bf: {  	v4 =	vshll.u32 v3, $0x1  }
0x1c0: {  	v3 =	vand.u32 $0x7, v3;
	v4 =	vand.u32 $0xFFFFFFF0, v4  }
0x1c1: {  	v3 =	vor.u32 v3, v4  }
0x1c2: {  	v4 =	vperm.xlane v3, v0;
	_ =	sdelay $0x1  }
0x1c3: {  	v3 =	vperm.xlane v3, v2;
	v4 =	vadd.s32 v1, v4;
	_ =	sdelay $0x1  }
0x1c4: {  	v3 =	vadd.s32 v1, v3;
	_ =	sdelay $0x2  }
0x1c5: {  	[tilespmem:s11], [sflag:$0x1] =	stream.indirect_vreg.gather [hbm4b:s1+s12], $0x80, v4, vm0, $0xb8;
	[tilespmem:$0x1F800] =	vst v63  }
0x1c6: {  	s14 =	simm.s32 $0x8000  }
0x1c7: {  	[tilespmem:s14], [sflag:$0x1] =	stream.indirect_vreg.gather [hbm4b:s1+s12], $0x80, v3, vm0, $0xb8;
	[tilespmem:$0x1F800] =	vst v63  }
0x1c8: {  	v3 =	vld [tilespmem:$0x190];
	_ =	sdelay $0x4  }
0x1c9: {  	v4 =	vshll.u32 v3, $0x1  }
0x1ca: {  	v3 =	vand.u32 $0x7, v3;
	v4 =	vand.u32 $0xFFFFFFF0, v4  }
0x1cb: {  	v3 =	vor.u32 v3, v4  }
0x1cc: {  	v4 =	vperm.xlane v3, v0;
	_ =	sdelay $0x1  }
0x1cd: {  	v3 =	vperm.xlane v3, v2;
	v4 =	vadd.s32 v1, v4;
	_ =	sdelay $0x1  }
0x1ce: {  	v3 =	vadd.s32 v1, v3;
	_ =	sdelay $0x1  }
0x1cf: {  	s15 =	simm.s32 $0x8800  }
0x1d0: {  	[tilespmem:s15], [sflag:$0x1] =	stream.indirect_vreg.gather [hbm4b:s1+s12], $0x80, v4, vm0, $0xb8;
	[tilespmem:$0x1F800] =	vst v63  }
0x1d1: {  	s16 =	simm.s32 $0x9000  }
0x1d2: {  	[tilespmem:s16], [sflag:$0x1] =	stream.indirect_vreg.gather [hbm4b:s1+s12], $0x80, v3, vm0, $0xb8;
	[tilespmem:$0x1F800] =	vst v63  }
0x1d3: {  	v3 =	vld [tilespmem:$0x1A0];
	_ =	sdelay $0x4  }
0x1d4: {  	v4 =	vshll.u32 v3, $0x1  }
0x1d5: {  	v3 =	vand.u32 $0x7, v3;
	v4 =	vand.u32 $0xFFFFFFF0, v4  }
0x1d6: {  	v3 =	vor.u32 v3, v4  }
0x1d7: {  	v4 =	vperm.xlane v3, v0;
	_ =	sdelay $0x1  }
0x1d8: {  	v3 =	vperm.xlane v3, v2;
	v4 =	vadd.s32 v1, v4;
	_ =	sdelay $0x1  }
0x1d9: {  	v3 =	vadd.s32 v1, v3;
	_ =	sdelay $0x1  }
0x1da: {  	s19 =	simm.s32 $0x9800  }
0x1db: {  	[tilespmem:s19], [sflag:$0x1] =	stream.indirect_vreg.gather [hbm4b:s1+s12], $0x80, v4, vm0, $0xb8;
	[tilespmem:$0x1F800] =	vst v63  }
0x1dc: {  	s20 =	simm.s32 $0xA000  }
0x1dd: {  	[tilespmem:s20], [sflag:$0x1] =	stream.indirect_vreg.gather [hbm4b:s1+s12], $0x80, v3, vm0, $0xb8;
	[tilespmem:$0x1F800] =	vst v63  }
0x1de: {  	v3 =	vld [tilespmem:$0x1B0];
	_ =	sdelay $0x4  }
0x1df: {  	v4 =	vshll.u32 v3, $0x1  }
0x1e0: {  	v3 =	vand.u32 $0x7, v3;
	v4 =	vand.u32 $0xFFFFFFF0, v4  }
0x1e1: {  	v3 =	vor.u32 v3, v4  }
0x1e2: {  	v4 =	vperm.xlane v3, v0;
	_ =	sdelay $0x1  }
0x1e3: {  	v3 =	vperm.xlane v3, v2;
	v4 =	vadd.s32 v1, v4;
	_ =	sdelay $0x1  }
0x1e4: {  	v3 =	vadd.s32 v1, v3;
	_ =	sdelay $0x1  }
0x1e5: {  	s21 =	simm.s32 $0xA800  }
0x1e6: {  	[tilespmem:s21], [sflag:$0x1] =	stream.indirect_vreg.gather [hbm4b:s1+s12], $0x80, v4, vm0, $0xb8;
	[tilespmem:$0x1F800] =	vst v63  }
0x1e7: {  	s22 =	simm.s32 $0xB000  }
0x1e8: {  	[tilespmem:s22], [sflag:$0x1] =	stream.indirect_vreg.gather [hbm4b:s1+s12], $0x80, v3, vm0, $0xb8;
	[tilespmem:$0x1F800] =	vst v63  }
0x1e9: {  	v3 =	vld [tilespmem:$0x1C0];
	_ =	sdelay $0x4  }
0x1ea: {  	v4 =	vshll.u32 v3, $0x1  }
0x1eb: {  	v3 =	vand.u32 $0x7, v3;
	v4 =	vand.u32 $0xFFFFFFF0, v4  }
0x1ec: {  	v3 =	vor.u32 v3, v4  }
0x1ed: {  	v4 =	vperm.xlane v3, v0;
	_ =	sdelay $0x1  }
0x1ee: {  	v3 =	vperm.xlane v3, v2;
	v4 =	vadd.s32 v1, v4;
	_ =	sdelay $0x1  }
0x1ef: {  	v3 =	vadd.s32 v1, v3;
	_ =	sdelay $0x2  }
0x1f0: {  	[tilespmem:s2], [sflag:$0x1] =	stream.indirect_vreg.gather [hbm4b:s1+s12], $0x80, v4, vm0, $0xb8;
	[tilespmem:$0x1F800] =	vst v63  }
0x1f1: {  	s23 =	simm.s32 $0xC000  }
0x1f2: {  	[tilespmem:s23], [sflag:$0x1] =	stream.indirect_vreg.gather [hbm4b:s1+s12], $0x80, v3, vm0, $0xb8;
	[tilespmem:$0x1F800] =	vst v63  }
0x1f3: {  	v3 =	vld [tilespmem:$0x1D0];
	_ =	sdelay $0x4  }
0x1f4: {  	v4 =	vshll.u32 v3, $0x1  }
0x1f5: {  	v3 =	vand.u32 $0x7, v3;
	v4 =	vand.u32 $0xFFFFFFF0, v4  }
0x1f6: {  	v3 =	vor.u32 v3, v4  }
0x1f7: {  	v4 =	vperm.xlane v3, v0;
	_ =	sdelay $0x1  }
0x1f8: {  	v3 =	vperm.xlane v3, v2;
	v4 =	vadd.s32 v1, v4;
	_ =	sdelay $0x1  }
0x1f9: {  	v3 =	vadd.s32 v1, v3;
	_ =	sdelay $0x1  }
0x1fa: {  	s24 =	simm.s32 $0xC800  }
0x1fb: {  	[tilespmem:s24], [sflag:$0x1] =	stream.indirect_vreg.gather [hbm4b:s1+s12], $0x80, v4, vm0, $0xb8;
	[tilespmem:$0x1F800] =	vst v63  }
0x1fc: {  	s25 =	simm.s32 $0xD000  }
0x1fd: {  	[tilespmem:s25], [sflag:$0x1] =	stream.indirect_vreg.gather [hbm4b:s1+s12], $0x80, v3, vm0, $0xb8;
	[tilespmem:$0x1F800] =	vst v63  }
0x1fe: {  	v3 =	vld [tilespmem:$0x1E0];
	_ =	sdelay $0x4  }
0x1ff: {  	v4 =	vshll.u32 v3, $0x1  }
0x200: {  	v3 =	vand.u32 $0x7, v3;
	v4 =	vand.u32 $0xFFFFFFF0, v4  }
0x201: {  	v3 =	vor.u32 v3, v4  }
0x202: {  	v4 =	vperm.xlane v3, v0;
	_ =	sdelay $0x1  }
0x203: {  	v3 =	vperm.xlane v3, v2;
	v4 =	vadd.s32 v1, v4;
	_ =	sdelay $0x1  }
0x204: {  	v3 =	vadd.s32 v1, v3;
	_ =	sdelay $0x1  }
0x205: {  	s26 =	simm.s32 $0xD800  }
0x206: {  	[tilespmem:s26], [sflag:$0x1] =	stream.indirect_vreg.gather [hbm4b:s1+s12], $0x80, v4, vm0, $0xb8;
	[tilespmem:$0x1F800] =	vst v63  }
0x207: {  	s28 =	simm.s32 $0xE000  }
0x208: {  	[tilespmem:s28], [sflag:$0x1] =	stream.indirect_vreg.gather [hbm4b:s1+s12], $0x80, v3, vm0, $0xb8;
	[tilespmem:$0x1F800] =	vst v63  }
0x209: {  	v3 =	vld [tilespmem:$0x1F0];
	_ =	sdelay $0x4  }
0x20a: {  	v4 =	vshll.u32 v3, $0x1  }
0x20b: {  	v3 =	vand.u32 $0x7, v3;
	v4 =	vand.u32 $0xFFFFFFF0, v4  }
0x20c: {  	v3 =	vor.u32 v3, v4  }
0x20d: {  	v4 =	vperm.xlane v3, v0;
	_ =	sdelay $0x1  }
0x20e: {  	v3 =	vperm.xlane v3, v2;
	v4 =	vadd.s32 v1, v4;
	_ =	sdelay $0x1  }
0x20f: {  	v3 =	vadd.s32 v1, v3;
	_ =	sdelay $0x1  }
0x210: {  	s29 =	simm.s32 $0xE800  }
0x211: {  	[tilespmem:s29], [sflag:$0x1] =	stream.indirect_vreg.gather [hbm4b:s1+s12], $0x80, v4, vm0, $0xb8;
	[tilespmem:$0x1F800] =	vst v63  }
0x212: {  	s30 =	simm.s32 $0xF000  }
0x213: {  	[tilespmem:s30], [sflag:$0x1] =	stream.indirect_vreg.gather [hbm4b:s1+s12], $0x80, v3, vm0, $0xb8;
	[tilespmem:$0x1F800] =	vst v63  }
0x214: {  	_ =	swait.ge [sflag:s3], $0x8000  }
0x215: {  	[sflag:s3] =	ssyncset.done $0x0  }
0x216: {  	[sflag:s3] =	ssyncadd.s32 $0xFFFF8000  }
0x217: {  	v3 =	vld [tilespmem:$0x2880]  }
0x218: {  	v4 =	vld [tilespmem:$0x2890]  }
0x219: {  	v5 =	vld [tilespmem:$0x28A0]  }
0x21a: {  	v6 =	vld [tilespmem:$0x28B0]  }
0x21b: {  	v7 =	vld [tilespmem:$0x28C0]  }
0x21c: {  	v8 =	vld [tilespmem:$0x28D0]  }
0x21d: {  	v9 =	vld [tilespmem:$0x28E0]  }
0x21e: {  	v10 =	vld [tilespmem:$0x28F0]  }
0x21f: {  	v11 =	vld [tilespmem:$0x2C80]  }
0x220: {  	v12 =	vld [tilespmem:$0x2C90]  }
0x221: {  	v13 =	vld [tilespmem:$0x2CA0]  }
0x222: {  	v14 =	vld [tilespmem:$0x2CF0]  }
0x223: {  	v15 =	vld [tilespmem:$0x2CB0]  }
0x224: {  	v17 =	vld [tilespmem:$0x2CC0]  }
0x225: {  	s31 =	sand.u32 $0x3800, s12;
	s12 =	sand.u32 $0x300, s12;
	v16 =	vld [tilespmem:$0x2CD0]  }
0x226: {  	s13 =	sor.u32 s12, s31;
	v18 =	vld [tilespmem:$0x2CE0]  }
0x227: {  	[tilespmem:s13+$0xFCF0] =	vst.add.f32.msk $0xffff, v14  }
0x228: {  	[tilespmem:s13+$0xF800] =	vst.add.f32.msk $0xffff, v3  }
0x229: {  	[tilespmem:s13+$0xF810] =	vst.add.f32.msk $0xffff, v4  }
0x22a: {  	[tilespmem:s13+$0xF820] =	vst.add.f32.msk $0xffff, v5  }
0x22b: {  	[tilespmem:s13+$0xF830] =	vst.add.f32.msk $0xffff, v6  }
0x22c: {  	[tilespmem:s13+$0xF840] =	vst.add.f32.msk $0xffff, v7  }
0x22d: {  	[tilespmem:s13+$0xF850] =	vst.add.f32.msk $0xffff, v8  }
0x22e: {  	[tilespmem:s13+$0xF860] =	vst.add.f32.msk $0xffff, v9  }
0x22f: {  	[tilespmem:s13+$0xF870] =	vst.add.f32.msk $0xffff, v10  }
0x230: {  	[tilespmem:s13+$0xFC00] =	vst.add.f32.msk $0xffff, v11  }
0x231: {  	[tilespmem:s13+$0xFC10] =	vst.add.f32.msk $0xffff, v12  }
0x232: {  	[tilespmem:s13+$0xFC20] =	vst.add.f32.msk $0xffff, v13  }
0x233: {  	[tilespmem:s13+$0xFC30] =	vst.add.f32.msk $0xffff, v15  }
0x234: {  	[tilespmem:s13+$0xFC40] =	vst.add.f32.msk $0xffff, v17  }
0x235: {  	[tilespmem:s13+$0xFC50] =	vst.add.f32.msk $0xffff, v16  }
0x236: {  	[tilespmem:s13+$0xFC60] =	vst.add.f32.msk $0xffff, v18  }
0x237: {  	[tilespmem:s13+$0xFC70] =	vst.add.f32.msk $0xffff, v14  }
0x238: {  	[tilespmem:s13+$0xF880] =	vst.add.f32.msk $0xffff, v3  }
0x239: {  	[tilespmem:s13+$0xF890] =	vst.add.f32.msk $0xffff, v4  }
0x23a: {  	[tilespmem:s13+$0xF8A0] =	vst.add.f32.msk $0xffff, v5  }
0x23b: {  	[tilespmem:s13+$0xF8B0] =	vst.add.f32.msk $0xffff, v6  }
0x23c: {  	[tilespmem:s13+$0xF8C0] =	vst.add.f32.msk $0xffff, v7  }
0x23d: {  	[tilespmem:s13+$0xF8D0] =	vst.add.f32.msk $0xffff, v8  }
0x23e: {  	[tilespmem:s13+$0xF8E0] =	vst.add.f32.msk $0xffff, v9  }
0x23f: {  	[tilespmem:s13+$0xF8F0] =	vst.add.f32.msk $0xffff, v10  }
0x240: {  	[tilespmem:s13+$0xFC80] =	vst.add.f32.msk $0xffff, v11  }
0x241: {  	[tilespmem:s13+$0xFC90] =	vst.add.f32.msk $0xffff, v12  }
0x242: {  	[tilespmem:s13+$0xFCA0] =	vst.add.f32.msk $0xffff, v13  }
0x243: {  	[tilespmem:s13+$0xFCB0] =	vst.add.f32.msk $0xffff, v15  }
0x244: {  	s14 =	simm.s32 $0x0;
	s15 =	simm.s32 $0x100;
	s16 =	simm.s32 $0x200;
	[tilespmem:s13+$0xFCC0] =	vst.add.f32.msk $0xffff, v17  }
.LBB2_6:
0x245: {  	s9 =	sand.u32 $0x3800, s16;
	s12 =	sand.u32 $0x300, s15;
	s14 =	sadd.s32 $0x2, s14;
	[tilespmem:s13+$0xFCD0] =	vst.add.f32.msk $0xffff, v16  }
0x246: {  	p0 =	slt.u32 s14, $0x3E;
	[tilespmem:s13+$0xFCE0] =	vst.add.f32.msk $0xffff, v18;
	s13 =	sor.u32 s12, s9  }
0x247: {  	[tilespmem:s13+$0xFCF0] =	vst.add.f32.msk $0xffff, v14  }
0x248: {  	[tilespmem:s13+$0xF800] =	vst.add.f32.msk $0xffff, v3  }
0x249: {  	[tilespmem:s13+$0xF810] =	vst.add.f32.msk $0xffff, v4  }
0x24a: {  	[tilespmem:s13+$0xF820] =	vst.add.f32.msk $0xffff, v5  }
0x24b: {  	[tilespmem:s13+$0xF830] =	vst.add.f32.msk $0xffff, v6  }
0x24c: {  	[tilespmem:s13+$0xF840] =	vst.add.f32.msk $0xffff, v7  }
0x24d: {  	[tilespmem:s13+$0xF850] =	vst.add.f32.msk $0xffff, v8  }
0x24e: {  	[tilespmem:s13+$0xF860] =	vst.add.f32.msk $0xffff, v9  }
0x24f: {  	[tilespmem:s13+$0xF870] =	vst.add.f32.msk $0xffff, v10  }
0x250: {  	[tilespmem:s13+$0xFC00] =	vst.add.f32.msk $0xffff, v11  }
0x251: {  	[tilespmem:s13+$0xFC10] =	vst.add.f32.msk $0xffff, v12  }
0x252: {  	[tilespmem:s13+$0xFC20] =	vst.add.f32.msk $0xffff, v13  }
0x253: {  	[tilespmem:s13+$0xFC30] =	vst.add.f32.msk $0xffff, v15  }
0x254: {  	[tilespmem:s13+$0xFC40] =	vst.add.f32.msk $0xffff, v17  }
0x255: {  	[tilespmem:s13+$0xFC50] =	vst.add.f32.msk $0xffff, v16  }
0x256: {  	[tilespmem:s13+$0xFC60] =	vst.add.f32.msk $0xffff, v18  }
0x257: {  	[tilespmem:s13+$0xFC70] =	vst.add.f32.msk $0xffff, v14  }
0x258: {  	[tilespmem:s13+$0xF880] =	vst.add.f32.msk $0xffff, v3  }
0x259: {  	[tilespmem:s13+$0xF890] =	vst.add.f32.msk $0xffff, v4  }
0x25a: {  	[tilespmem:s13+$0xF8A0] =	vst.add.f32.msk $0xffff, v5  }
0x25b: {  	[tilespmem:s13+$0xF8B0] =	vst.add.f32.msk $0xffff, v6  }
0x25c: {  	[tilespmem:s13+$0xF8C0] =	vst.add.f32.msk $0xffff, v7  }
0x25d: {  	[tilespmem:s13+$0xF8D0] =	vst.add.f32.msk $0xffff, v8  }
0x25e: {  	[tilespmem:s13+$0xF8E0] =	vst.add.f32.msk $0xffff, v9  }
0x25f: {  	[tilespmem:s13+$0xF8F0] =	vst.add.f32.msk $0xffff, v10  }
.Ltmp2:
0x260: {  	[tilespmem:s13+$0xFC80] =	vst.add.f32.msk $0xffff, v11;
	(pc) =	sbr.rel @p0 .LBB2_6-.Ltmp2, $4  }
0x261: {  	[tilespmem:s13+$0xFC90] =	vst.add.f32.msk $0xffff, v12  }
0x262: {  	[tilespmem:s13+$0xFCA0] =	vst.add.f32.msk $0xffff, v13  }
0x263: {  	[tilespmem:s13+$0xFCB0] =	vst.add.f32.msk $0xffff, v15  }
0x264: {  	s15 =	sadd.s32 $0x100, s15;
	s16 =	sadd.s32 $0x200, s16;
	[tilespmem:s13+$0xFCC0] =	vst.add.f32.msk $0xffff, v17  }
0x265: {  	[tilespmem:s13+$0xFCD0] =	vst.add.f32.msk $0xffff, v16  }
0x266: {  	[tilespmem:s13+$0xFCE0] =	vst.add.f32.msk $0xffff, v18  }
0x267: {  	s31 =	simm.s32 $0x2000;
	s12 =	simm.s32 $0x4000;
	s9 =	rddreg [dreg:$0x8]  }
0x268: {  	[hbm4b:s9+s5] =	stream.linear.scatter [tilespmem:s17], [sflag:$0x5], $0x4000, $0x38;
	[tilespmem:$0x1F800] =	vst v63  }
0x269: {  	s12 =	sand.u32 $0x7800, s12;
	s9 =	sand.u32 $0x300, s31  }
0x26a: {  	s13 =	sor.u32 s9, s12  }
0x26b: {  	[tilespmem:s13+$0xFCF0] =	vst.add.f32.msk $0xffff, v14  }
0x26c: {  	[tilespmem:s13+$0xF800] =	vst.add.f32.msk $0xffff, v3  }
0x26d: {  	[tilespmem:s13+$0xF810] =	vst.add.f32.msk $0xffff, v4  }
0x26e: {  	[tilespmem:s13+$0xF820] =	vst.add.f32.msk $0xffff, v5  }
0x26f: {  	[tilespmem:s13+$0xF830] =	vst.add.f32.msk $0xffff, v6  }
0x270: {  	[tilespmem:s13+$0xF840] =	vst.add.f32.msk $0xffff, v7  }
0x271: {  	[tilespmem:s13+$0xF850] =	vst.add.f32.msk $0xffff, v8  }
0x272: {  	[tilespmem:s13+$0xF860] =	vst.add.f32.msk $0xffff, v9  }
0x273: {  	[tilespmem:s13+$0xF870] =	vst.add.f32.msk $0xffff, v10  }
0x274: {  	[tilespmem:s13+$0xFC00] =	vst.add.f32.msk $0xffff, v11  }
0x275: {  	[tilespmem:s13+$0xFC10] =	vst.add.f32.msk $0xffff, v12  }
0x276: {  	[tilespmem:s13+$0xFC20] =	vst.add.f32.msk $0xffff, v13  }
0x277: {  	[tilespmem:s13+$0xFC30] =	vst.add.f32.msk $0xffff, v15  }
0x278: {  	[tilespmem:s13+$0xFC40] =	vst.add.f32.msk $0xffff, v17  }
0x279: {  	[tilespmem:s13+$0xFC50] =	vst.add.f32.msk $0xffff, v16  }
0x27a: {  	[tilespmem:s13+$0xFC60] =	vst.add.f32.msk $0xffff, v18  }
0x27b: {  	[tilespmem:s13+$0xFC70] =	vst.add.f32.msk $0xffff, v14  }
0x27c: {  	[tilespmem:s13+$0xF880] =	vst.add.f32.msk $0xffff, v3  }
0x27d: {  	[tilespmem:s13+$0xF890] =	vst.add.f32.msk $0xffff, v4  }
0x27e: {  	[tilespmem:s13+$0xF8A0] =	vst.add.f32.msk $0xffff, v5  }
0x27f: {  	[tilespmem:s13+$0xF8B0] =	vst.add.f32.msk $0xffff, v6  }
0x280: {  	[tilespmem:s13+$0xF8C0] =	vst.add.f32.msk $0xffff, v7  }
0x281: {  	[tilespmem:s13+$0xF8D0] =	vst.add.f32.msk $0xffff, v8  }
0x282: {  	[tilespmem:s13+$0xF8E0] =	vst.add.f32.msk $0xffff, v9  }
0x283: {  	[tilespmem:s13+$0xF8F0] =	vst.add.f32.msk $0xffff, v10  }
0x284: {  	[tilespmem:s13+$0xFC80] =	vst.add.f32.msk $0xffff, v11  }
0x285: {  	[tilespmem:s13+$0xFC90] =	vst.add.f32.msk $0xffff, v12  }
0x286: {  	[tilespmem:s13+$0xFCA0] =	vst.add.f32.msk $0xffff, v13  }
0x287: {  	[tilespmem:s13+$0xFCB0] =	vst.add.f32.msk $0xffff, v15  }
0x288: {  	s14 =	simm.s32 $0x40;
	s15 =	simm.s32 $0x2100;
	s16 =	simm.s32 $0x4200;
	[tilespmem:s13+$0xFCC0] =	vst.add.f32.msk $0xffff, v17  }
.LBB2_8:
0x289: {  	s9 =	sand.u32 $0x7800, s16;
	s12 =	sand.u32 $0x300, s15;
	s14 =	sadd.s32 $0x2, s14;
	[tilespmem:s13+$0xFCD0] =	vst.add.f32.msk $0xffff, v16  }
0x28a: {  	p0 =	slt.u32 s14, $0x7E;
	[tilespmem:s13+$0xFCE0] =	vst.add.f32.msk $0xffff, v18;
	s13 =	sor.u32 s12, s9  }
0x28b: {  	[tilespmem:s13+$0xFCF0] =	vst.add.f32.msk $0xffff, v14  }
0x28c: {  	[tilespmem:s13+$0xF800] =	vst.add.f32.msk $0xffff, v3  }
0x28d: {  	[tilespmem:s13+$0xF810] =	vst.add.f32.msk $0xffff, v4  }
0x28e: {  	[tilespmem:s13+$0xF820] =	vst.add.f32.msk $0xffff, v5  }
0x28f: {  	[tilespmem:s13+$0xF830] =	vst.add.f32.msk $0xffff, v6  }
0x290: {  	[tilespmem:s13+$0xF840] =	vst.add.f32.msk $0xffff, v7  }
0x291: {  	[tilespmem:s13+$0xF850] =	vst.add.f32.msk $0xffff, v8  }
0x292: {  	[tilespmem:s13+$0xF860] =	vst.add.f32.msk $0xffff, v9  }
0x293: {  	[tilespmem:s13+$0xF870] =	vst.add.f32.msk $0xffff, v10  }
0x294: {  	[tilespmem:s13+$0xFC00] =	vst.add.f32.msk $0xffff, v11  }
0x295: {  	[tilespmem:s13+$0xFC10] =	vst.add.f32.msk $0xffff, v12  }
0x296: {  	[tilespmem:s13+$0xFC20] =	vst.add.f32.msk $0xffff, v13  }
0x297: {  	[tilespmem:s13+$0xFC30] =	vst.add.f32.msk $0xffff, v15  }
0x298: {  	[tilespmem:s13+$0xFC40] =	vst.add.f32.msk $0xffff, v17  }
0x299: {  	[tilespmem:s13+$0xFC50] =	vst.add.f32.msk $0xffff, v16  }
0x29a: {  	[tilespmem:s13+$0xFC60] =	vst.add.f32.msk $0xffff, v18  }
0x29b: {  	[tilespmem:s13+$0xFC70] =	vst.add.f32.msk $0xffff, v14  }
0x29c: {  	[tilespmem:s13+$0xF880] =	vst.add.f32.msk $0xffff, v3  }
0x29d: {  	[tilespmem:s13+$0xF890] =	vst.add.f32.msk $0xffff, v4  }
0x29e: {  	[tilespmem:s13+$0xF8A0] =	vst.add.f32.msk $0xffff, v5  }
0x29f: {  	[tilespmem:s13+$0xF8B0] =	vst.add.f32.msk $0xffff, v6  }
0x2a0: {  	[tilespmem:s13+$0xF8C0] =	vst.add.f32.msk $0xffff, v7  }
0x2a1: {  	[tilespmem:s13+$0xF8D0] =	vst.add.f32.msk $0xffff, v8  }
0x2a2: {  	[tilespmem:s13+$0xF8E0] =	vst.add.f32.msk $0xffff, v9  }
0x2a3: {  	[tilespmem:s13+$0xF8F0] =	vst.add.f32.msk $0xffff, v10  }
.Ltmp3:
0x2a4: {  	[tilespmem:s13+$0xFC80] =	vst.add.f32.msk $0xffff, v11;
	(pc) =	sbr.rel @p0 .LBB2_8-.Ltmp3, $4  }
0x2a5: {  	[tilespmem:s13+$0xFC90] =	vst.add.f32.msk $0xffff, v12  }
0x2a6: {  	[tilespmem:s13+$0xFCA0] =	vst.add.f32.msk $0xffff, v13  }
0x2a7: {  	[tilespmem:s13+$0xFCB0] =	vst.add.f32.msk $0xffff, v15  }
0x2a8: {  	s15 =	sadd.s32 $0x100, s15;
	s16 =	sadd.s32 $0x200, s16;
	[tilespmem:s13+$0xFCC0] =	vst.add.f32.msk $0xffff, v17  }
0x2a9: {  	[tilespmem:s13+$0xFCD0] =	vst.add.f32.msk $0xffff, v16  }
0x2aa: {  	[tilespmem:s13+$0xFCE0] =	vst.add.f32.msk $0xffff, v18  }
0x2ab: {  	s29 =	simm.s32 $0x0;
	s9 =	rddreg [dreg:$0x9]  }
0x2ac: {  	[hbm4b:s9+s29] =	stream.linear.scatter [tilespmem:s18], [sflag:$0x5], $0x4000, $0x38;
	[tilespmem:$0x1F800] =	vst v63  }
0x2ad: {  	_ =	swait.ge [sflag:s8], $0x8000  }
0x2ae: {  	[sflag:s8] =	ssyncset.done $0x0  }
0x2af: {  	[sflag:s8] =	ssyncadd.s32 $0xFFFF8000  }
0x2b0: {  	v3 =	vld [tilespmem:$0x200];
	_ =	sdelay $0x4  }
0x2b1: {  	v4 =	vshll.u32 v3, $0x1  }
0x2b2: {  	v3 =	vand.u32 $0x7, v3;
	v4 =	vand.u32 $0xFFFFFFF0, v4  }
0x2b3: {  	v3 =	vor.u32 v3, v4  }
0x2b4: {  	v4 =	vperm.xlane v3, v0;
	_ =	sdelay $0x1  }
0x2b5: {  	v3 =	vperm.xlane v3, v2;
	v4 =	vadd.s32 v1, v4;
	_ =	sdelay $0x1  }
0x2b6: {  	v3 =	vadd.s32 v1, v3;
	_ =	sdelay $0x2  }
0x2b7: {  	[tilespmem:s17], [sflag:$0x2] =	stream.indirect_vreg.gather [hbm4b:s1+s29], $0x80, v4, vm0, $0xb8;
	[tilespmem:$0x1F800] =	vst v63  }
0x2b8: {  	s2 =	simm.s32 $0x10000  }
0x2b9: {  	[tilespmem:s2], [sflag:$0x2] =	stream.indirect_vreg.gather [hbm4b:s1+s29], $0x80, v3, vm0, $0xb8;
	[tilespmem:$0x1F800] =	vst v63  }
0x2ba: {  	v3 =	vld [tilespmem:$0x210];
	_ =	sdelay $0x4  }
0x2bb: {  	v4 =	vshll.u32 v3, $0x1  }
0x2bc: {  	v3 =	vand.u32 $0x7, v3;
	v4 =	vand.u32 $0xFFFFFFF0, v4  }
0x2bd: {  	v3 =	vor.u32 v3, v4  }
0x2be: {  	v4 =	vperm.xlane v3, v0;
	_ =	sdelay $0x1  }
0x2bf: {  	v3 =	vperm.xlane v3, v2;
	v4 =	vadd.s32 v1, v4;
	_ =	sdelay $0x1  }
0x2c0: {  	v3 =	vadd.s32 v1, v3;
	_ =	sdelay $0x1  }
0x2c1: {  	s30 =	simm.s32 $0x10800  }
0x2c2: {  	[tilespmem:s30], [sflag:$0x2] =	stream.indirect_vreg.gather [hbm4b:s1+s29], $0x80, v4, vm0, $0xb8;
	[tilespmem:$0x1F800] =	vst v63  }
0x2c3: {  	s31 =	simm.s32 $0x11000  }
0x2c4: {  	[tilespmem:s31], [sflag:$0x2] =	stream.indirect_vreg.gather [hbm4b:s1+s29], $0x80, v3, vm0, $0xb8;
	[tilespmem:$0x1F800] =	vst v63  }
0x2c5: {  	v3 =	vld [tilespmem:$0x220];
	_ =	sdelay $0x4  }
0x2c6: {  	v4 =	vshll.u32 v3, $0x1  }
0x2c7: {  	v3 =	vand.u32 $0x7, v3;
	v4 =	vand.u32 $0xFFFFFFF0, v4  }
0x2c8: {  	v3 =	vor.u32 v3, v4  }
0x2c9: {  	v4 =	vperm.xlane v3, v0;
	_ =	sdelay $0x1  }
0x2ca: {  	v3 =	vperm.xlane v3, v2;
	v4 =	vadd.s32 v1, v4;
	_ =	sdelay $0x1  }
0x2cb: {  	v3 =	vadd.s32 v1, v3;
	_ =	sdelay $0x1  }
0x2cc: {  	s9 =	simm.s32 $0x11800  }
0x2cd: {  	[tilespmem:s9], [sflag:$0x2] =	stream.indirect_vreg.gather [hbm4b:s1+s29], $0x80, v4, vm0, $0xb8;
	[tilespmem:$0x1F800] =	vst v63  }
0x2ce: {  	s10 =	simm.s32 $0x12000  }
0x2cf: {  	[tilespmem:s10], [sflag:$0x2] =	stream.indirect_vreg.gather [hbm4b:s1+s29], $0x80, v3, vm0, $0xb8;
	[tilespmem:$0x1F800] =	vst v63  }
0x2d0: {  	v3 =	vld [tilespmem:$0x230];
	_ =	sdelay $0x4  }
0x2d1: {  	v4 =	vshll.u32 v3, $0x1  }
0x2d2: {  	v3 =	vand.u32 $0x7, v3;
	v4 =	vand.u32 $0xFFFFFFF0, v4  }
0x2d3: {  	v3 =	vor.u32 v3, v4  }
0x2d4: {  	v4 =	vperm.xlane v3, v0;
	_ =	sdelay $0x1  }
0x2d5: {  	v3 =	vperm.xlane v3, v2;
	v4 =	vadd.s32 v1, v4;
	_ =	sdelay $0x1  }
0x2d6: {  	v3 =	vadd.s32 v1, v3;
	_ =	sdelay $0x1  }
0x2d7: {  	s12 =	simm.s32 $0x12800  }
0x2d8: {  	[tilespmem:s12], [sflag:$0x2] =	stream.indirect_vreg.gather [hbm4b:s1+s29], $0x80, v4, vm0, $0xb8;
	[tilespmem:$0x1F800] =	vst v63  }
0x2d9: {  	s14 =	simm.s32 $0x13000  }
0x2da: {  	[tilespmem:s14], [sflag:$0x2] =	stream.indirect_vreg.gather [hbm4b:s1+s29], $0x80, v3, vm0, $0xb8;
	[tilespmem:$0x1F800] =	vst v63  }
0x2db: {  	v3 =	vld [tilespmem:$0x240];
	_ =	sdelay $0x4  }
0x2dc: {  	v4 =	vshll.u32 v3, $0x1  }
0x2dd: {  	v3 =	vand.u32 $0x7, v3;
	v4 =	vand.u32 $0xFFFFFFF0, v4  }
0x2de: {  	v3 =	vor.u32 v3, v4  }
0x2df: {  	v4 =	vperm.xlane v3, v0;
	_ =	sdelay $0x1  }
0x2e0: {  	v3 =	vperm.xlane v3, v2;
	v4 =	vadd.s32 v1, v4;
	_ =	sdelay $0x1  }
0x2e1: {  	v3 =	vadd.s32 v1, v3;
	_ =	sdelay $0x2  }
0x2e2: {  	[tilespmem:s18], [sflag:$0x2] =	stream.indirect_vreg.gather [hbm4b:s1+s29], $0x80, v4, vm0, $0xb8;
	[tilespmem:$0x1F800] =	vst v63  }
0x2e3: {  	s15 =	simm.s32 $0x14000  }
0x2e4: {  	[tilespmem:s15], [sflag:$0x2] =	stream.indirect_vreg.gather [hbm4b:s1+s29], $0x80, v3, vm0, $0xb8;
	[tilespmem:$0x1F800] =	vst v63  }
0x2e5: {  	v3 =	vld [tilespmem:$0x250];
	_ =	sdelay $0x4  }
0x2e6: {  	v4 =	vshll.u32 v3, $0x1  }
0x2e7: {  	v3 =	vand.u32 $0x7, v3;
	v4 =	vand.u32 $0xFFFFFFF0, v4  }
0x2e8: {  	v3 =	vor.u32 v3, v4  }
0x2e9: {  	v4 =	vperm.xlane v3, v0;
	_ =	sdelay $0x1  }
0x2ea: {  	v3 =	vperm.xlane v3, v2;
	v4 =	vadd.s32 v1, v4;
	_ =	sdelay $0x1  }
0x2eb: {  	v3 =	vadd.s32 v1, v3;
	_ =	sdelay $0x1  }
0x2ec: {  	s16 =	simm.s32 $0x14800  }
0x2ed: {  	[tilespmem:s16], [sflag:$0x2] =	stream.indirect_vreg.gather [hbm4b:s1+s29], $0x80, v4, vm0, $0xb8;
	[tilespmem:$0x1F800] =	vst v63  }
0x2ee: {  	s17 =	simm.s32 $0x15000  }
0x2ef: {  	[tilespmem:s17], [sflag:$0x2] =	stream.indirect_vreg.gather [hbm4b:s1+s29], $0x80, v3, vm0, $0xb8;
	[tilespmem:$0x1F800] =	vst v63  }
0x2f0: {  	v3 =	vld [tilespmem:$0x260];
	_ =	sdelay $0x4  }
0x2f1: {  	v4 =	vshll.u32 v3, $0x1  }
0x2f2: {  	v3 =	vand.u32 $0x7, v3;
	v4 =	vand.u32 $0xFFFFFFF0, v4  }
0x2f3: {  	v3 =	vor.u32 v3, v4  }
0x2f4: {  	v4 =	vperm.xlane v3, v0;
	_ =	sdelay $0x1  }
0x2f5: {  	v3 =	vperm.xlane v3, v2;
	v4 =	vadd.s32 v1, v4;
	_ =	sdelay $0x1  }
0x2f6: {  	v3 =	vadd.s32 v1, v3;
	_ =	sdelay $0x1  }
0x2f7: {  	s18 =	simm.s32 $0x15800  }
0x2f8: {  	[tilespmem:s18], [sflag:$0x2] =	stream.indirect_vreg.gather [hbm4b:s1+s29], $0x80, v4, vm0, $0xb8;
	[tilespmem:$0x1F800] =	vst v63  }
0x2f9: {  	s19 =	simm.s32 $0x16000  }
0x2fa: {  	[tilespmem:s19], [sflag:$0x2] =	stream.indirect_vreg.gather [hbm4b:s1+s29], $0x80, v3, vm0, $0xb8;
	[tilespmem:$0x1F800] =	vst v63  }
0x2fb: {  	v3 =	vld [tilespmem:$0x270];
	_ =	sdelay $0x4  }
0x2fc: {  	v4 =	vshll.u32 v3, $0x1  }
0x2fd: {  	v3 =	vand.u32 $0x7, v3;
	v4 =	vand.u32 $0xFFFFFFF0, v4  }
0x2fe: {  	v3 =	vor.u32 v3, v4  }
0x2ff: {  	v4 =	vperm.xlane v3, v0;
	_ =	sdelay $0x1  }
0x300: {  	v3 =	vperm.xlane v3, v2;
	v4 =	vadd.s32 v1, v4;
	_ =	sdelay $0x1  }
0x301: {  	v3 =	vadd.s32 v1, v3;
	_ =	sdelay $0x1  }
0x302: {  	s20 =	simm.s32 $0x16800  }
0x303: {  	[tilespmem:s20], [sflag:$0x2] =	stream.indirect_vreg.gather [hbm4b:s1+s29], $0x80, v4, vm0, $0xb8;
	[tilespmem:$0x1F800] =	vst v63  }
0x304: {  	s21 =	simm.s32 $0x17000;
	s22 =	simm.s32 $0x3  }
0x305: {  	[tilespmem:s21], [sflag:$0x2] =	stream.indirect_vreg.gather [hbm4b:s1+s29], $0x80, v3, vm0, $0xb8;
	[tilespmem:$0x1F800] =	vst v63  }
0x306: {  	_ =	swait.ge [sflag:s22], $0x8000  }
0x307: {  	[sflag:s22] =	ssyncset.done $0x0  }
0x308: {  	[sflag:s22] =	ssyncadd.s32 $0xFFFF8000  }
0x309: {  	v3 =	vld [tilespmem:$0x2900]  }
0x30a: {  	v4 =	vld [tilespmem:$0x2910]  }
0x30b: {  	v5 =	vld [tilespmem:$0x2920]  }
0x30c: {  	v6 =	vld [tilespmem:$0x2930]  }
0x30d: {  	v7 =	vld [tilespmem:$0x2940]  }
0x30e: {  	v8 =	vld [tilespmem:$0x2950]  }
0x30f: {  	v9 =	vld [tilespmem:$0x2960]  }
0x310: {  	v10 =	vld [tilespmem:$0x2970]  }
0x311: {  	v11 =	vld [tilespmem:$0x2D00]  }
0x312: {  	v12 =	vld [tilespmem:$0x2D10]  }
0x313: {  	v13 =	vld [tilespmem:$0x2D20]  }
0x314: {  	v14 =	vld [tilespmem:$0x2D30]  }
0x315: {  	v16 =	vld [tilespmem:$0x2D40]  }
0x316: {  	s23 =	sand.u32 $0x3800, s29;
	s12 =	sand.u32 $0x300, s29;
	v15 =	vld [tilespmem:$0x2D50]  }
0x317: {  	s9 =	sor.u32 s12, s23;
	v17 =	vld [tilespmem:$0x2D60]  }
0x318: {  	s12 =	sadd.s32 $0x17800, s9;
	v18 =	vld [tilespmem:$0x2D70]  }
0x319: {  	s24 =	sor.u32 $0x80, s12;
	[tilespmem:s9+$0x17800] =	vst.add.f32.msk $0xffff, v3  }
0x31a: {  	s25 =	sor.u32 $0x90, s12;
	[tilespmem:s24+$0x0] =	vst.add.f32.msk $0xffff, v3  }
0x31b: {  	s20 =	sor.u32 $0x10, s12;
	[tilespmem:s25+$0x0] =	vst.add.f32.msk $0xffff, v4  }
0x31c: {  	s26 =	sor.u32 $0xA0, s12;
	[tilespmem:s20+$0x0] =	vst.add.f32.msk $0xffff, v4  }
0x31d: {  	s21 =	sor.u32 $0x20, s12;
	[tilespmem:s26+$0x0] =	vst.add.f32.msk $0xffff, v5  }
0x31e: {  	s28 =	sor.u32 $0xB0, s12;
	[tilespmem:s21+$0x0] =	vst.add.f32.msk $0xffff, v5  }
0x31f: {  	s22 =	sor.u32 $0x30, s12;
	[tilespmem:s28+$0x0] =	vst.add.f32.msk $0xffff, v6  }
0x320: {  	s29 =	sor.u32 $0xC0, s12;
	[tilespmem:s22+$0x0] =	vst.add.f32.msk $0xffff, v6  }
0x321: {  	s23 =	sor.u32 $0x40, s12;
	[tilespmem:s29+$0x0] =	vst.add.f32.msk $0xffff, v7  }
0x322: {  	s30 =	sor.u32 $0xD0, s12;
	[tilespmem:s23+$0x0] =	vst.add.f32.msk $0xffff, v7  }
0x323: {  	s24 =	sor.u32 $0x50, s12;
	[tilespmem:s30+$0x0] =	vst.add.f32.msk $0xffff, v8  }
0x324: {  	s31 =	sor.u32 $0xE0, s12;
	[tilespmem:s24+$0x0] =	vst.add.f32.msk $0xffff, v8  }
0x325: {  	s25 =	sor.u32 $0x60, s12;
	[tilespmem:s31+$0x0] =	vst.add.f32.msk $0xffff, v9  }
0x326: {  	s2 =	sor.u32 $0xF0, s12;
	[tilespmem:s25+$0x0] =	vst.add.f32.msk $0xffff, v9  }
0x327: {  	s26 =	sor.u32 $0x70, s12;
	[tilespmem:s2+$0x0] =	vst.add.f32.msk $0xffff, v10  }
0x328: {  	s10 =	sor.u32 $0x480, s12;
	[tilespmem:s26+$0x0] =	vst.add.f32.msk $0xffff, v10  }
0x329: {  	s28 =	sor.u32 $0x400, s12;
	[tilespmem:s10+$0x0] =	vst.add.f32.msk $0xffff, v11  }
0x32a: {  	s13 =	sor.u32 $0x490, s12;
	[tilespmem:s28+$0x0] =	vst.add.f32.msk $0xffff, v11  }
0x32b: {  	s29 =	sor.u32 $0x410, s12;
	[tilespmem:s13+$0x0] =	vst.add.f32.msk $0xffff, v12  }
0x32c: {  	s14 =	sor.u32 $0x4A0, s12;
	[tilespmem:s29+$0x0] =	vst.add.f32.msk $0xffff, v12  }
0x32d: {  	s30 =	sor.u32 $0x420, s12;
	[tilespmem:s14+$0x0] =	vst.add.f32.msk $0xffff, v13  }
0x32e: {  	s15 =	sor.u32 $0x4B0, s12;
	[tilespmem:s30+$0x0] =	vst.add.f32.msk $0xffff, v13  }
0x32f: {  	s31 =	sor.u32 $0x430, s12;
	[tilespmem:s15+$0x0] =	vst.add.f32.msk $0xffff, v14  }
0x330: {  	s16 =	sor.u32 $0x4C0, s12;
	[tilespmem:s31+$0x0] =	vst.add.f32.msk $0xffff, v14  }
0x331: {  	s14 =	sor.u32 $0x440, s12;
	[tilespmem:s16+$0x0] =	vst.add.f32.msk $0xffff, v16  }
0x332: {  	s17 =	sor.u32 $0x4D0, s12;
	[tilespmem:s14+$0x0] =	vst.add.f32.msk $0xffff, v16  }
0x333: {  	s18 =	sor.u32 $0x4E0, s12;
	s19 =	sor.u32 $0x4F0, s12;
	[tilespmem:s17+$0x0] =	vst.add.f32.msk $0xffff, v15  }
0x334: {  	s13 =	simm.s32 $0x0;
	s15 =	simm.s32 $0x200;
	s16 =	sor.u32 $0x470, s12;
	[tilespmem:s18+$0x0] =	vst.add.f32.msk $0xffff, v17  }
0x335: {  	s14 =	simm.s32 $0x100;
	s17 =	sor.u32 $0x460, s12;
	s18 =	sor.u32 $0x450, s12;
	[tilespmem:s19+$0x0] =	vst.add.f32.msk $0xffff, v18  }
.LBB2_10:
0x336: {  	s9 =	sand.u32 $0x3800, s15;
	s12 =	sand.u32 $0x300, s14;
	[tilespmem:s18+$0x0] =	vst.add.f32.msk $0xffff, v15  }
0x337: {  	s9 =	sor.u32 s12, s9;
	[tilespmem:s17+$0x0] =	vst.add.f32.msk $0xffff, v17  }
0x338: {  	s23 =	sadd.s32 $0x17800, s9;
	[tilespmem:s9+$0x17800] =	vst.add.f32.msk $0xffff, v3  }
0x339: {  	s20 =	sor.u32 $0x10, s23;
	s19 =	sor.u32 $0x20, s23;
	s9 =	sor.u32 $0x80, s23;
	[tilespmem:s16+$0x0] =	vst.add.f32.msk $0xffff, v18  }
0x33a: {  	s24 =	sor.u32 $0x30, s23;
	s22 =	sor.u32 $0x40, s23;
	[tilespmem:s9+$0x0] =	vst.add.f32.msk $0xffff, v3;
	s9 =	sor.u32 $0x90, s23  }
0x33b: {  	s26 =	sor.u32 $0x50, s23;
	s25 =	sor.u32 $0x60, s23;
	[tilespmem:s9+$0x0] =	vst.add.f32.msk $0xffff, v4;
	s9 =	sor.u32 $0xA0, s23  }
0x33c: {  	s29 =	sor.u32 $0x70, s23;
	s28 =	sor.u32 $0x400, s23;
	[tilespmem:s9+$0x0] =	vst.add.f32.msk $0xffff, v5;
	s9 =	sor.u32 $0xB0, s23  }
0x33d: {  	s21 =	sor.u32 $0x410, s23;
	s31 =	sor.u32 $0x420, s23;
	[tilespmem:s9+$0x0] =	vst.add.f32.msk $0xffff, v6;
	s9 =	sor.u32 $0xC0, s23  }
0x33e: {  	s12 =	sor.u32 $0x430, s23;
	s30 =	sor.u32 $0x440, s23;
	[tilespmem:s9+$0x0] =	vst.add.f32.msk $0xffff, v7;
	s9 =	sor.u32 $0xD0, s23  }
0x33f: {  	s18 =	sor.u32 $0x450, s23;
	s17 =	sor.u32 $0x460, s23;
	[tilespmem:s9+$0x0] =	vst.add.f32.msk $0xffff, v8;
	s9 =	sor.u32 $0xE0, s23  }
0x340: {  	s16 =	sor.u32 $0x470, s23;
	[tilespmem:s9+$0x0] =	vst.add.f32.msk $0xffff, v9;
	s9 =	sor.u32 $0xF0, s23  }
0x341: {  	[tilespmem:s9+$0x0] =	vst.add.f32.msk $0xffff, v10;
	s9 =	sor.u32 $0x480, s23  }
0x342: {  	[tilespmem:s9+$0x0] =	vst.add.f32.msk $0xffff, v11;
	s9 =	sor.u32 $0x490, s23  }
0x343: {  	[tilespmem:s9+$0x0] =	vst.add.f32.msk $0xffff, v12;
	s9 =	sor.u32 $0x4A0, s23  }
0x344: {  	[tilespmem:s9+$0x0] =	vst.add.f32.msk $0xffff, v13;
	s9 =	sor.u32 $0x4B0, s23  }
0x345: {  	s13 =	sadd.s32 $0x2, s13;
	[tilespmem:s9+$0x0] =	vst.add.f32.msk $0xffff, v14;
	s9 =	sor.u32 $0x4C0, s23  }
0x346: {  	p0 =	slt.u32 s13, $0x3E;
	[tilespmem:s9+$0x0] =	vst.add.f32.msk $0xffff, v16;
	s9 =	sor.u32 $0x4D0, s23  }
0x347: {  	[tilespmem:s9+$0x0] =	vst.add.f32.msk $0xffff, v15;
	s9 =	sor.u32 $0x4E0, s23  }
0x348: {  	[tilespmem:s9+$0x0] =	vst.add.f32.msk $0xffff, v17;
	s9 =	sor.u32 $0x4F0, s23  }
0x349: {  	[tilespmem:s9+$0x0] =	vst.add.f32.msk $0xffff, v18  }
0x34a: {  	[tilespmem:s20+$0x0] =	vst.add.f32.msk $0xffff, v4  }
0x34b: {  	[tilespmem:s19+$0x0] =	vst.add.f32.msk $0xffff, v5  }
0x34c: {  	[tilespmem:s24+$0x0] =	vst.add.f32.msk $0xffff, v6  }
0x34d: {  	[tilespmem:s22+$0x0] =	vst.add.f32.msk $0xffff, v7  }
0x34e: {  	[tilespmem:s26+$0x0] =	vst.add.f32.msk $0xffff, v8  }
0x34f: {  	[tilespmem:s25+$0x0] =	vst.add.f32.msk $0xffff, v9  }
0x350: {  	[tilespmem:s29+$0x0] =	vst.add.f32.msk $0xffff, v10  }
.Ltmp4:
0x351: {  	[tilespmem:s28+$0x0] =	vst.add.f32.msk $0xffff, v11;
	(pc) =	sbr.rel @p0 .LBB2_10-.Ltmp4, $4  }
0x352: {  	[tilespmem:s21+$0x0] =	vst.add.f32.msk $0xffff, v12  }
0x353: {  	[tilespmem:s31+$0x0] =	vst.add.f32.msk $0xffff, v13  }
0x354: {  	[tilespmem:s12+$0x0] =	vst.add.f32.msk $0xffff, v14  }
0x355: {  	s14 =	sadd.s32 $0x100, s14;
	s15 =	sadd.s32 $0x200, s15;
	[tilespmem:s30+$0x0] =	vst.add.f32.msk $0xffff, v16  }
0x356: {  	[tilespmem:s18+$0x0] =	vst.add.f32.msk $0xffff, v15  }
0x357: {  	[tilespmem:s17+$0x0] =	vst.add.f32.msk $0xffff, v17  }
0x358: {  	s2 =	simm.s32 $0x17800;
	[tilespmem:s16+$0x0] =	vst.add.f32.msk $0xffff, v18  }
0x359: {  	s24 =	simm.s32 $0x2000;
	s12 =	simm.s32 $0x4000;
	s9 =	rddreg [dreg:$0xa]  }
0x35a: {  	[hbm4b:s9+s5] =	stream.linear.scatter [tilespmem:s2], [sflag:$0x6], $0x4000, $0x38;
	[tilespmem:$0x1F800] =	vst v63  }
0x35b: {  	s12 =	sand.u32 $0x7800, s12;
	s9 =	sand.u32 $0x300, s24  }
0x35c: {  	s9 =	sor.u32 s9, s12  }
0x35d: {  	s12 =	sadd.s32 $0x17800, s9  }
0x35e: {  	[tilespmem:s9+$0x17800] =	vst.add.f32.msk $0xffff, v3;
	s25 =	sor.u32 $0x80, s12  }
0x35f: {  	s26 =	sor.u32 $0x90, s12;
	[tilespmem:s25+$0x0] =	vst.add.f32.msk $0xffff, v3  }
0x360: {  	s28 =	sor.u32 $0xA0, s12;
	[tilespmem:s26+$0x0] =	vst.add.f32.msk $0xffff, v4  }
0x361: {  	s29 =	sor.u32 $0xB0, s12;
	[tilespmem:s28+$0x0] =	vst.add.f32.msk $0xffff, v5  }
0x362: {  	s30 =	sor.u32 $0xC0, s12;
	[tilespmem:s29+$0x0] =	vst.add.f32.msk $0xffff, v6  }
0x363: {  	s31 =	sor.u32 $0xD0, s12;
	[tilespmem:s30+$0x0] =	vst.add.f32.msk $0xffff, v7  }
0x364: {  	s2 =	sor.u32 $0xE0, s12;
	[tilespmem:s31+$0x0] =	vst.add.f32.msk $0xffff, v8  }
0x365: {  	s10 =	sor.u32 $0xF0, s12;
	[tilespmem:s2+$0x0] =	vst.add.f32.msk $0xffff, v9  }
0x366: {  	s13 =	sor.u32 $0x480, s12;
	[tilespmem:s10+$0x0] =	vst.add.f32.msk $0xffff, v10  }
0x367: {  	s14 =	sor.u32 $0x490, s12;
	[tilespmem:s13+$0x0] =	vst.add.f32.msk $0xffff, v11  }
0x368: {  	s13 =	sor.u32 $0x10, s12;
	[tilespmem:s14+$0x0] =	vst.add.f32.msk $0xffff, v12  }
0x369: {  	s15 =	sor.u32 $0x4A0, s12;
	[tilespmem:s13+$0x0] =	vst.add.f32.msk $0xffff, v4  }
0x36a: {  	s21 =	sor.u32 $0x20, s12;
	[tilespmem:s15+$0x0] =	vst.add.f32.msk $0xffff, v13  }
0x36b: {  	s16 =	sor.u32 $0x4B0, s12;
	[tilespmem:s21+$0x0] =	vst.add.f32.msk $0xffff, v5  }
0x36c: {  	s22 =	sor.u32 $0x30, s12;
	[tilespmem:s16+$0x0] =	vst.add.f32.msk $0xffff, v14  }
0x36d: {  	s17 =	sor.u32 $0x4C0, s12;
	[tilespmem:s22+$0x0] =	vst.add.f32.msk $0xffff, v6  }
0x36e: {  	s23 =	sor.u32 $0x40, s12;
	[tilespmem:s17+$0x0] =	vst.add.f32.msk $0xffff, v16  }
0x36f: {  	s18 =	sor.u32 $0x4D0, s12;
	[tilespmem:s23+$0x0] =	vst.add.f32.msk $0xffff, v7  }
0x370: {  	s24 =	sor.u32 $0x50, s12;
	[tilespmem:s18+$0x0] =	vst.add.f32.msk $0xffff, v15  }
0x371: {  	s19 =	sor.u32 $0x4E0, s12;
	[tilespmem:s24+$0x0] =	vst.add.f32.msk $0xffff, v8  }
0x372: {  	s25 =	sor.u32 $0x60, s12;
	[tilespmem:s19+$0x0] =	vst.add.f32.msk $0xffff, v17  }
0x373: {  	s20 =	sor.u32 $0x4F0, s12;
	[tilespmem:s25+$0x0] =	vst.add.f32.msk $0xffff, v9  }
0x374: {  	s26 =	sor.u32 $0x70, s12;
	[tilespmem:s20+$0x0] =	vst.add.f32.msk $0xffff, v18  }
0x375: {  	s28 =	sor.u32 $0x400, s12;
	[tilespmem:s26+$0x0] =	vst.add.f32.msk $0xffff, v10  }
0x376: {  	s29 =	sor.u32 $0x410, s12;
	[tilespmem:s28+$0x0] =	vst.add.f32.msk $0xffff, v11  }
0x377: {  	s30 =	sor.u32 $0x420, s12;
	[tilespmem:s29+$0x0] =	vst.add.f32.msk $0xffff, v12  }
0x378: {  	s31 =	sor.u32 $0x430, s12;
	s14 =	sor.u32 $0x440, s12;
	[tilespmem:s30+$0x0] =	vst.add.f32.msk $0xffff, v13  }
0x379: {  	s13 =	simm.s32 $0x40;
	s15 =	simm.s32 $0x4200;
	s16 =	sor.u32 $0x470, s12;
	[tilespmem:s31+$0x0] =	vst.add.f32.msk $0xffff, v14  }
0x37a: {  	s17 =	sor.u32 $0x460, s12;
	s18 =	sor.u32 $0x450, s12;
	[tilespmem:s14+$0x0] =	vst.add.f32.msk $0xffff, v16;
	s14 =	simm.s32 $0x2100  }
.LBB2_12:
0x37b: {  	s9 =	sand.u32 $0x7800, s15;
	s12 =	sand.u32 $0x300, s14;
	[tilespmem:s18+$0x0] =	vst.add.f32.msk $0xffff, v15  }
0x37c: {  	s9 =	sor.u32 s12, s9;
	[tilespmem:s17+$0x0] =	vst.add.f32.msk $0xffff, v17  }
0x37d: {  	s23 =	sadd.s32 $0x17800, s9;
	[tilespmem:s9+$0x17800] =	vst.add.f32.msk $0xffff, v3  }
0x37e: {  	s20 =	sor.u32 $0x10, s23;
	s19 =	sor.u32 $0x20, s23;
	s9 =	sor.u32 $0x80, s23;
	[tilespmem:s16+$0x0] =	vst.add.f32.msk $0xffff, v18  }
0x37f: {  	s24 =	sor.u32 $0x30, s23;
	s22 =	sor.u32 $0x40, s23;
	[tilespmem:s9+$0x0] =	vst.add.f32.msk $0xffff, v3;
	s9 =	sor.u32 $0x90, s23  }
0x380: {  	s26 =	sor.u32 $0x50, s23;
	s25 =	sor.u32 $0x60, s23;
	[tilespmem:s9+$0x0] =	vst.add.f32.msk $0xffff, v4;
	s9 =	sor.u32 $0xA0, s23  }
0x381: {  	s29 =	sor.u32 $0x70, s23;
	s28 =	sor.u32 $0x400, s23;
	[tilespmem:s9+$0x0] =	vst.add.f32.msk $0xffff, v5;
	s9 =	sor.u32 $0xB0, s23  }
0x382: {  	s21 =	sor.u32 $0x410, s23;
	s31 =	sor.u32 $0x420, s23;
	[tilespmem:s9+$0x0] =	vst.add.f32.msk $0xffff, v6;
	s9 =	sor.u32 $0xC0, s23  }
0x383: {  	s12 =	sor.u32 $0x430, s23;
	s30 =	sor.u32 $0x440, s23;
	[tilespmem:s9+$0x0] =	vst.add.f32.msk $0xffff, v7;
	s9 =	sor.u32 $0xD0, s23  }
0x384: {  	s18 =	sor.u32 $0x450, s23;
	s17 =	sor.u32 $0x460, s23;
	[tilespmem:s9+$0x0] =	vst.add.f32.msk $0xffff, v8;
	s9 =	sor.u32 $0xE0, s23  }
0x385: {  	s16 =	sor.u32 $0x470, s23;
	[tilespmem:s9+$0x0] =	vst.add.f32.msk $0xffff, v9;
	s9 =	sor.u32 $0xF0, s23  }
0x386: {  	[tilespmem:s9+$0x0] =	vst.add.f32.msk $0xffff, v10;
	s9 =	sor.u32 $0x480, s23  }
0x387: {  	[tilespmem:s9+$0x0] =	vst.add.f32.msk $0xffff, v11;
	s9 =	sor.u32 $0x490, s23  }
0x388: {  	[tilespmem:s9+$0x0] =	vst.add.f32.msk $0xffff, v12;
	s9 =	sor.u32 $0x4A0, s23  }
0x389: {  	[tilespmem:s9+$0x0] =	vst.add.f32.msk $0xffff, v13;
	s9 =	sor.u32 $0x4B0, s23  }
0x38a: {  	s13 =	sadd.s32 $0x2, s13;
	[tilespmem:s9+$0x0] =	vst.add.f32.msk $0xffff, v14;
	s9 =	sor.u32 $0x4C0, s23  }
0x38b: {  	p0 =	slt.u32 s13, $0x7E;
	[tilespmem:s9+$0x0] =	vst.add.f32.msk $0xffff, v16;
	s9 =	sor.u32 $0x4D0, s23  }
0x38c: {  	[tilespmem:s9+$0x0] =	vst.add.f32.msk $0xffff, v15;
	s9 =	sor.u32 $0x4E0, s23  }
0x38d: {  	[tilespmem:s9+$0x0] =	vst.add.f32.msk $0xffff, v17;
	s9 =	sor.u32 $0x4F0, s23  }
0x38e: {  	[tilespmem:s9+$0x0] =	vst.add.f32.msk $0xffff, v18  }
0x38f: {  	[tilespmem:s20+$0x0] =	vst.add.f32.msk $0xffff, v4  }
0x390: {  	[tilespmem:s19+$0x0] =	vst.add.f32.msk $0xffff, v5  }
0x391: {  	[tilespmem:s24+$0x0] =	vst.add.f32.msk $0xffff, v6  }
0x392: {  	[tilespmem:s22+$0x0] =	vst.add.f32.msk $0xffff, v7  }
0x393: {  	[tilespmem:s26+$0x0] =	vst.add.f32.msk $0xffff, v8  }
0x394: {  	[tilespmem:s25+$0x0] =	vst.add.f32.msk $0xffff, v9  }
0x395: {  	[tilespmem:s29+$0x0] =	vst.add.f32.msk $0xffff, v10  }
.Ltmp5:
0x396: {  	[tilespmem:s28+$0x0] =	vst.add.f32.msk $0xffff, v11;
	(pc) =	sbr.rel @p0 .LBB2_12-.Ltmp5, $4  }
0x397: {  	[tilespmem:s21+$0x0] =	vst.add.f32.msk $0xffff, v12  }
0x398: {  	[tilespmem:s31+$0x0] =	vst.add.f32.msk $0xffff, v13  }
0x399: {  	[tilespmem:s12+$0x0] =	vst.add.f32.msk $0xffff, v14  }
0x39a: {  	s14 =	sadd.s32 $0x100, s14;
	s15 =	sadd.s32 $0x200, s15;
	[tilespmem:s30+$0x0] =	vst.add.f32.msk $0xffff, v16  }
0x39b: {  	[tilespmem:s18+$0x0] =	vst.add.f32.msk $0xffff, v15  }
0x39c: {  	[tilespmem:s17+$0x0] =	vst.add.f32.msk $0xffff, v17  }
0x39d: {  	[tilespmem:s16+$0x0] =	vst.add.f32.msk $0xffff, v18  }
0x39e: {  	s12 =	simm.s32 $0x1B800;
	s13 =	simm.s32 $0x1;
	s9 =	rddreg [dreg:$0xb]  }
0x39f: {  	[hbm4b:s9+s5] =	stream.linear.scatter [tilespmem:s12], [sflag:$0x6], $0x4000, $0x38;
	[tilespmem:$0x1F800] =	vst v63  }
.LBB2_14:
0x3a0: {  	s16 =	smul.u32 $0x3, s13  }
0x3a1: {  	s2 =	simm.s32 $0x6  }
0x3a2: {  	_ =	swait.ge [sflag:s2], $0x8000;
	s14 =	sadd.s32 $0x2, s16  }
0x3a3: {  	[sflag:s2] =	ssyncset.done $0x0;
	s15 =	sshll.u32 s14, $0x7  }
0x3a4: {  	[sflag:s2] =	ssyncadd.s32 $0xFFFF8000;
	s18 =	sand.u32 $0x3FFFFF80, s15  }
0x3a5: {  	v3 =	vld [tilespmem:s18+$0x0];
	_ =	sdelay $0x4  }
0x3a6: {  	v4 =	vshll.u32 v3, $0x1  }
0x3a7: {  	v3 =	vand.u32 $0x7, v3;
	v4 =	vand.u32 $0xFFFFFFF0, v4  }
0x3a8: {  	v3 =	vor.u32 v3, v4  }
0x3a9: {  	v4 =	vperm.xlane v3, v0;
	_ =	sdelay $0x1  }
0x3aa: {  	v3 =	vperm.xlane v3, v2;
	v4 =	vadd.s32 v1, v4;
	_ =	sdelay $0x1  }
0x3ab: {  	v3 =	vadd.s32 v1, v3;
	_ =	sdelay $0x1  }
0x3ac: {  	s17 =	simm.s32 $0x0;
	s28 =	simm.s32 $0x17800  }
0x3ad: {  	[tilespmem:s28], [sflag:$0x3] =	stream.indirect_vreg.gather [hbm4b:s1+s17], $0x80, v4, vm0, $0xb8;
	[tilespmem:$0x1F800] =	vst v63  }
0x3ae: {  	s29 =	simm.s32 $0x18000  }
0x3af: {  	[tilespmem:s29], [sflag:$0x3] =	stream.indirect_vreg.gather [hbm4b:s1+s17], $0x80, v3, vm0, $0xb8;
	[tilespmem:$0x1F800] =	vst v63  }
0x3b0: {  	v3 =	vld [tilespmem:s18+$0x10];
	_ =	sdelay $0x4  }
0x3b1: {  	v4 =	vshll.u32 v3, $0x1  }
0x3b2: {  	v3 =	vand.u32 $0x7, v3;
	v4 =	vand.u32 $0xFFFFFFF0, v4  }
0x3b3: {  	v3 =	vor.u32 v3, v4  }
0x3b4: {  	v4 =	vperm.xlane v3, v0;
	_ =	sdelay $0x1  }
0x3b5: {  	v3 =	vperm.xlane v3, v2;
	v4 =	vadd.s32 v1, v4;
	_ =	sdelay $0x1  }
0x3b6: {  	v3 =	vadd.s32 v1, v3;
	_ =	sdelay $0x1  }
0x3b7: {  	s30 =	simm.s32 $0x18800  }
0x3b8: {  	[tilespmem:s30], [sflag:$0x3] =	stream.indirect_vreg.gather [hbm4b:s1+s17], $0x80, v4, vm0, $0xb8;
	[tilespmem:$0x1F800] =	vst v63  }
0x3b9: {  	s31 =	simm.s32 $0x19000  }
0x3ba: {  	[tilespmem:s31], [sflag:$0x3] =	stream.indirect_vreg.gather [hbm4b:s1+s17], $0x80, v3, vm0, $0xb8;
	[tilespmem:$0x1F800] =	vst v63  }
0x3bb: {  	v3 =	vld [tilespmem:s18+$0x20];
	_ =	sdelay $0x4  }
0x3bc: {  	v4 =	vshll.u32 v3, $0x1  }
0x3bd: {  	v3 =	vand.u32 $0x7, v3;
	v4 =	vand.u32 $0xFFFFFFF0, v4  }
0x3be: {  	v3 =	vor.u32 v3, v4  }
0x3bf: {  	v4 =	vperm.xlane v3, v0;
	_ =	sdelay $0x1  }
0x3c0: {  	v3 =	vperm.xlane v3, v2;
	v4 =	vadd.s32 v1, v4;
	_ =	sdelay $0x1  }
0x3c1: {  	v3 =	vadd.s32 v1, v3;
	_ =	sdelay $0x1  }
0x3c2: {  	s9 =	simm.s32 $0x19800  }
0x3c3: {  	[tilespmem:s9], [sflag:$0x3] =	stream.indirect_vreg.gather [hbm4b:s1+s17], $0x80, v4, vm0, $0xb8;
	[tilespmem:$0x1F800] =	vst v63  }
0x3c4: {  	s10 =	simm.s32 $0x1A000  }
0x3c5: {  	[tilespmem:s10], [sflag:$0x3] =	stream.indirect_vreg.gather [hbm4b:s1+s17], $0x80, v3, vm0, $0xb8;
	[tilespmem:$0x1F800] =	vst v63  }
0x3c6: {  	v3 =	vld [tilespmem:s18+$0x30];
	_ =	sdelay $0x4  }
0x3c7: {  	v4 =	vshll.u32 v3, $0x1  }
0x3c8: {  	v3 =	vand.u32 $0x7, v3;
	v4 =	vand.u32 $0xFFFFFFF0, v4  }
0x3c9: {  	v3 =	vor.u32 v3, v4  }
0x3ca: {  	v4 =	vperm.xlane v3, v0;
	_ =	sdelay $0x1  }
0x3cb: {  	v3 =	vperm.xlane v3, v2;
	v4 =	vadd.s32 v1, v4;
	_ =	sdelay $0x1  }
0x3cc: {  	v3 =	vadd.s32 v1, v3;
	_ =	sdelay $0x1  }
0x3cd: {  	s19 =	simm.s32 $0x1A800  }
0x3ce: {  	[tilespmem:s19], [sflag:$0x3] =	stream.indirect_vreg.gather [hbm4b:s1+s17], $0x80, v4, vm0, $0xb8;
	[tilespmem:$0x1F800] =	vst v63  }
0x3cf: {  	s20 =	simm.s32 $0x1B000  }
0x3d0: {  	[tilespmem:s20], [sflag:$0x3] =	stream.indirect_vreg.gather [hbm4b:s1+s17], $0x80, v3, vm0, $0xb8;
	[tilespmem:$0x1F800] =	vst v63  }
0x3d1: {  	v3 =	vld [tilespmem:s18+$0x40];
	_ =	sdelay $0x4  }
0x3d2: {  	v4 =	vshll.u32 v3, $0x1  }
0x3d3: {  	v3 =	vand.u32 $0x7, v3;
	v4 =	vand.u32 $0xFFFFFFF0, v4  }
0x3d4: {  	v3 =	vor.u32 v3, v4  }
0x3d5: {  	v4 =	vperm.xlane v3, v0;
	_ =	sdelay $0x1  }
0x3d6: {  	v3 =	vperm.xlane v3, v2;
	v4 =	vadd.s32 v1, v4;
	_ =	sdelay $0x1  }
0x3d7: {  	v3 =	vadd.s32 v1, v3;
	_ =	sdelay $0x2  }
0x3d8: {  	[tilespmem:s12], [sflag:$0x3] =	stream.indirect_vreg.gather [hbm4b:s1+s17], $0x80, v4, vm0, $0xb8;
	[tilespmem:$0x1F800] =	vst v63  }
0x3d9: {  	s21 =	simm.s32 $0x1C000  }
0x3da: {  	[tilespmem:s21], [sflag:$0x3] =	stream.indirect_vreg.gather [hbm4b:s1+s17], $0x80, v3, vm0, $0xb8;
	[tilespmem:$0x1F800] =	vst v63  }
0x3db: {  	v3 =	vld [tilespmem:s18+$0x50];
	_ =	sdelay $0x4  }
0x3dc: {  	v4 =	vshll.u32 v3, $0x1  }
0x3dd: {  	v3 =	vand.u32 $0x7, v3;
	v4 =	vand.u32 $0xFFFFFFF0, v4  }
0x3de: {  	v3 =	vor.u32 v3, v4  }
0x3df: {  	v4 =	vperm.xlane v3, v0;
	_ =	sdelay $0x1  }
0x3e0: {  	v3 =	vperm.xlane v3, v2;
	v4 =	vadd.s32 v1, v4;
	_ =	sdelay $0x1  }
0x3e1: {  	v3 =	vadd.s32 v1, v3;
	_ =	sdelay $0x1  }
0x3e2: {  	s22 =	simm.s32 $0x1C800  }
0x3e3: {  	[tilespmem:s22], [sflag:$0x3] =	stream.indirect_vreg.gather [hbm4b:s1+s17], $0x80, v4, vm0, $0xb8;
	[tilespmem:$0x1F800] =	vst v63  }
0x3e4: {  	s23 =	simm.s32 $0x1D000  }
0x3e5: {  	[tilespmem:s23], [sflag:$0x3] =	stream.indirect_vreg.gather [hbm4b:s1+s17], $0x80, v3, vm0, $0xb8;
	[tilespmem:$0x1F800] =	vst v63  }
0x3e6: {  	v3 =	vld [tilespmem:s18+$0x60];
	_ =	sdelay $0x4  }
0x3e7: {  	v4 =	vshll.u32 v3, $0x1  }
0x3e8: {  	v3 =	vand.u32 $0x7, v3;
	v4 =	vand.u32 $0xFFFFFFF0, v4  }
0x3e9: {  	v3 =	vor.u32 v3, v4  }
0x3ea: {  	v4 =	vperm.xlane v3, v0;
	_ =	sdelay $0x1  }
0x3eb: {  	v3 =	vperm.xlane v3, v2;
	v4 =	vadd.s32 v1, v4;
	_ =	sdelay $0x1  }
0x3ec: {  	v3 =	vadd.s32 v1, v3;
	_ =	sdelay $0x1  }
0x3ed: {  	s24 =	simm.s32 $0x1D800  }
0x3ee: {  	[tilespmem:s24], [sflag:$0x3] =	stream.indirect_vreg.gather [hbm4b:s1+s17], $0x80, v4, vm0, $0xb8;
	[tilespmem:$0x1F800] =	vst v63  }
0x3ef: {  	s25 =	simm.s32 $0x1E000  }
0x3f0: {  	[tilespmem:s25], [sflag:$0x3] =	stream.indirect_vreg.gather [hbm4b:s1+s17], $0x80, v3, vm0, $0xb8;
	[tilespmem:$0x1F800] =	vst v63  }
0x3f1: {  	v3 =	vld [tilespmem:s18+$0x70];
	_ =	sdelay $0x4  }
0x3f2: {  	v4 =	vshll.u32 v3, $0x1  }
0x3f3: {  	v3 =	vand.u32 $0x7, v3;
	v4 =	vand.u32 $0xFFFFFFF0, v4  }
0x3f4: {  	v3 =	vor.u32 v3, v4  }
0x3f5: {  	v4 =	vperm.xlane v3, v0;
	_ =	sdelay $0x1  }
0x3f6: {  	v3 =	vperm.xlane v3, v2;
	v4 =	vadd.s32 v1, v4;
	_ =	sdelay $0x1  }
0x3f7: {  	v3 =	vadd.s32 v1, v3;
	_ =	sdelay $0x1  }
0x3f8: {  	s26 =	simm.s32 $0x1E800;
	s29 =	smul.u32 $0x180, s13  }
0x3f9: {  	[tilespmem:s26], [sflag:$0x3] =	stream.indirect_vreg.gather [hbm4b:s1+s17], $0x80, v4, vm0, $0xb8;
	[tilespmem:$0x1F800] =	vst v63  }
0x3fa: {  	s28 =	simm.s32 $0x1F000;
	s30 =	simm.s32 $0x1;
	s9 =	smul.u32 $0x300, s13  }
0x3fb: {  	[tilespmem:s28], [sflag:$0x3] =	stream.indirect_vreg.gather [hbm4b:s1+s17], $0x80, v3, vm0, $0xb8;
	[tilespmem:$0x1F800] =	vst v63  }
0x3fc: {  	_ =	swait.ge [sflag:s30], $0x8000  }
0x3fd: {  	s9 =	sand.u32 $0x7800, s9;
	s12 =	sand.u32 $0x380, s29;
	[sflag:s30] =	ssyncset.done $0x0  }
0x3fe: {  	s9 =	sor.u32 s12, s9;
	[sflag:s30] =	ssyncadd.s32 $0xFFFF8000  }
0x3ff: {  	v3 =	vld [tilespmem:s9+$0x2800]  }
0x400: {  	v4 =	vld [tilespmem:s9+$0x2810]  }
0x401: {  	v5 =	vld [tilespmem:s9+$0x2820]  }
0x402: {  	v6 =	vld [tilespmem:s9+$0x2830]  }
0x403: {  	v7 =	vld [tilespmem:s9+$0x2840]  }
0x404: {  	v8 =	vld [tilespmem:s9+$0x2850]  }
0x405: {  	v9 =	vld [tilespmem:s9+$0x2860]  }
0x406: {  	v10 =	vld [tilespmem:s9+$0x2870]  }
0x407: {  	v11 =	vld [tilespmem:s9+$0x2C00]  }
0x408: {  	v12 =	vld [tilespmem:s9+$0x2C10]  }
0x409: {  	v13 =	vld [tilespmem:s9+$0x2C20]  }
0x40a: {  	v14 =	vld [tilespmem:s9+$0x2C70]  }
0x40b: {  	v16 =	vld [tilespmem:s9+$0x2C30]  }
0x40c: {  	v18 =	vld [tilespmem:s9+$0x2C40]  }
0x40d: {  	s31 =	sand.u32 $0x3800, s17;
	s17 =	sand.u32 $0x300, s17;
	v15 =	vld [tilespmem:s9+$0x2C50]  }
0x40e: {  	s18 =	sor.u32 s17, s31;
	v17 =	vld [tilespmem:s9+$0x2C60]  }
0x40f: {  	[tilespmem:s18+$0x7CF0] =	vst.add.f32.msk $0xffff, v14  }
0x410: {  	[tilespmem:s18+$0x7800] =	vst.add.f32.msk $0xffff, v3  }
0x411: {  	[tilespmem:s18+$0x7810] =	vst.add.f32.msk $0xffff, v4  }
0x412: {  	[tilespmem:s18+$0x7820] =	vst.add.f32.msk $0xffff, v5  }
0x413: {  	[tilespmem:s18+$0x7830] =	vst.add.f32.msk $0xffff, v6  }
0x414: {  	[tilespmem:s18+$0x7840] =	vst.add.f32.msk $0xffff, v7  }
0x415: {  	[tilespmem:s18+$0x7850] =	vst.add.f32.msk $0xffff, v8  }
0x416: {  	[tilespmem:s18+$0x7860] =	vst.add.f32.msk $0xffff, v9  }
0x417: {  	[tilespmem:s18+$0x7870] =	vst.add.f32.msk $0xffff, v10  }
0x418: {  	[tilespmem:s18+$0x7C00] =	vst.add.f32.msk $0xffff, v11  }
0x419: {  	[tilespmem:s18+$0x7C10] =	vst.add.f32.msk $0xffff, v12  }
0x41a: {  	[tilespmem:s18+$0x7C20] =	vst.add.f32.msk $0xffff, v13  }
0x41b: {  	[tilespmem:s18+$0x7C30] =	vst.add.f32.msk $0xffff, v16  }
0x41c: {  	[tilespmem:s18+$0x7C40] =	vst.add.f32.msk $0xffff, v18  }
0x41d: {  	[tilespmem:s18+$0x7C50] =	vst.add.f32.msk $0xffff, v15  }
0x41e: {  	[tilespmem:s18+$0x7C60] =	vst.add.f32.msk $0xffff, v17  }
0x41f: {  	[tilespmem:s18+$0x7C70] =	vst.add.f32.msk $0xffff, v14  }
0x420: {  	[tilespmem:s18+$0x7880] =	vst.add.f32.msk $0xffff, v3  }
0x421: {  	[tilespmem:s18+$0x7890] =	vst.add.f32.msk $0xffff, v4  }
0x422: {  	[tilespmem:s18+$0x78A0] =	vst.add.f32.msk $0xffff, v5  }
0x423: {  	[tilespmem:s18+$0x78B0] =	vst.add.f32.msk $0xffff, v6  }
0x424: {  	[tilespmem:s18+$0x78C0] =	vst.add.f32.msk $0xffff, v7  }
0x425: {  	[tilespmem:s18+$0x78D0] =	vst.add.f32.msk $0xffff, v8  }
0x426: {  	[tilespmem:s18+$0x78E0] =	vst.add.f32.msk $0xffff, v9  }
0x427: {  	[tilespmem:s18+$0x78F0] =	vst.add.f32.msk $0xffff, v10  }
0x428: {  	[tilespmem:s18+$0x7C80] =	vst.add.f32.msk $0xffff, v11  }
0x429: {  	[tilespmem:s18+$0x7C90] =	vst.add.f32.msk $0xffff, v12  }
0x42a: {  	[tilespmem:s18+$0x7CA0] =	vst.add.f32.msk $0xffff, v13  }
0x42b: {  	[tilespmem:s18+$0x7CB0] =	vst.add.f32.msk $0xffff, v16  }
0x42c: {  	s19 =	simm.s32 $0x100;
	s20 =	simm.s32 $0x200;
	s17 =	simm.s32 $0x0;
	[tilespmem:s18+$0x7CC0] =	vst.add.f32.msk $0xffff, v18  }
.LBB2_15:
0x42d: {  	s9 =	sand.u32 $0x3800, s20;
	s12 =	sand.u32 $0x300, s19;
	s17 =	sadd.s32 $0x2, s17;
	[tilespmem:s18+$0x7CD0] =	vst.add.f32.msk $0xffff, v15  }
0x42e: {  	p0 =	slt.u32 s17, $0x3E;
	[tilespmem:s18+$0x7CE0] =	vst.add.f32.msk $0xffff, v17;
	s18 =	sor.u32 s12, s9  }
0x42f: {  	[tilespmem:s18+$0x7CF0] =	vst.add.f32.msk $0xffff, v14  }
0x430: {  	[tilespmem:s18+$0x7800] =	vst.add.f32.msk $0xffff, v3  }
0x431: {  	[tilespmem:s18+$0x7810] =	vst.add.f32.msk $0xffff, v4  }
0x432: {  	[tilespmem:s18+$0x7820] =	vst.add.f32.msk $0xffff, v5  }
0x433: {  	[tilespmem:s18+$0x7830] =	vst.add.f32.msk $0xffff, v6  }
0x434: {  	[tilespmem:s18+$0x7840] =	vst.add.f32.msk $0xffff, v7  }
0x435: {  	[tilespmem:s18+$0x7850] =	vst.add.f32.msk $0xffff, v8  }
0x436: {  	[tilespmem:s18+$0x7860] =	vst.add.f32.msk $0xffff, v9  }
0x437: {  	[tilespmem:s18+$0x7870] =	vst.add.f32.msk $0xffff, v10  }
0x438: {  	[tilespmem:s18+$0x7C00] =	vst.add.f32.msk $0xffff, v11  }
0x439: {  	[tilespmem:s18+$0x7C10] =	vst.add.f32.msk $0xffff, v12  }
0x43a: {  	[tilespmem:s18+$0x7C20] =	vst.add.f32.msk $0xffff, v13  }
0x43b: {  	[tilespmem:s18+$0x7C30] =	vst.add.f32.msk $0xffff, v16  }
0x43c: {  	[tilespmem:s18+$0x7C40] =	vst.add.f32.msk $0xffff, v18  }
0x43d: {  	[tilespmem:s18+$0x7C50] =	vst.add.f32.msk $0xffff, v15  }
0x43e: {  	[tilespmem:s18+$0x7C60] =	vst.add.f32.msk $0xffff, v17  }
0x43f: {  	[tilespmem:s18+$0x7C70] =	vst.add.f32.msk $0xffff, v14  }
0x440: {  	[tilespmem:s18+$0x7880] =	vst.add.f32.msk $0xffff, v3  }
0x441: {  	[tilespmem:s18+$0x7890] =	vst.add.f32.msk $0xffff, v4  }
0x442: {  	[tilespmem:s18+$0x78A0] =	vst.add.f32.msk $0xffff, v5  }
0x443: {  	[tilespmem:s18+$0x78B0] =	vst.add.f32.msk $0xffff, v6  }
0x444: {  	[tilespmem:s18+$0x78C0] =	vst.add.f32.msk $0xffff, v7  }
0x445: {  	[tilespmem:s18+$0x78D0] =	vst.add.f32.msk $0xffff, v8  }
0x446: {  	[tilespmem:s18+$0x78E0] =	vst.add.f32.msk $0xffff, v9  }
0x447: {  	[tilespmem:s18+$0x78F0] =	vst.add.f32.msk $0xffff, v10  }
.Ltmp6:
0x448: {  	[tilespmem:s18+$0x7C80] =	vst.add.f32.msk $0xffff, v11;
	(pc) =	sbr.rel @p0 .LBB2_15-.Ltmp6, $4  }
0x449: {  	[tilespmem:s18+$0x7C90] =	vst.add.f32.msk $0xffff, v12  }
0x44a: {  	[tilespmem:s18+$0x7CA0] =	vst.add.f32.msk $0xffff, v13  }
0x44b: {  	[tilespmem:s18+$0x7CB0] =	vst.add.f32.msk $0xffff, v16  }
0x44c: {  	s19 =	sadd.s32 $0x100, s19;
	s20 =	sadd.s32 $0x200, s20;
	[tilespmem:s18+$0x7CC0] =	vst.add.f32.msk $0xffff, v18  }
0x44d: {  	s17 =	smul.u32 $0x300000, s13;
	_ =	sdelay $0x1  }
0x44e: {  	s9 =	sor.u32 s6, s17  }
0x44f: {  	[tilespmem:s18+$0x7CD0] =	vst.add.f32.msk $0xffff, v15;
	s9 =	sshrl.u32 s9, $0x3  }
0x450: {  	[tilespmem:s18+$0x7CE0] =	vst.add.f32.msk $0xffff, v17;
	s31 =	simm.s32 $0x2000;
	s12 =	simm.s32 $0x4000;
	s9 =	sadd.s32 s4, s9  }
0x451: {  	[hbm4b:s9+s5] =	stream.linear.scatter [tilespmem:s11], [sflag:$0x4], $0x4000, $0x38;
	[tilespmem:$0x1F800] =	vst v63  }
0x452: {  	s12 =	sand.u32 $0x7800, s12;
	s9 =	sand.u32 $0x300, s31  }
0x453: {  	s18 =	sor.u32 s9, s12  }
0x454: {  	[tilespmem:s18+$0x7CF0] =	vst.add.f32.msk $0xffff, v14  }
0x455: {  	[tilespmem:s18+$0x7800] =	vst.add.f32.msk $0xffff, v3  }
0x456: {  	[tilespmem:s18+$0x7810] =	vst.add.f32.msk $0xffff, v4  }
0x457: {  	[tilespmem:s18+$0x7820] =	vst.add.f32.msk $0xffff, v5  }
0x458: {  	[tilespmem:s18+$0x7830] =	vst.add.f32.msk $0xffff, v6  }
0x459: {  	[tilespmem:s18+$0x7840] =	vst.add.f32.msk $0xffff, v7  }
0x45a: {  	[tilespmem:s18+$0x7850] =	vst.add.f32.msk $0xffff, v8  }
0x45b: {  	[tilespmem:s18+$0x7860] =	vst.add.f32.msk $0xffff, v9  }
0x45c: {  	[tilespmem:s18+$0x7870] =	vst.add.f32.msk $0xffff, v10  }
0x45d: {  	[tilespmem:s18+$0x7C00] =	vst.add.f32.msk $0xffff, v11  }
0x45e: {  	[tilespmem:s18+$0x7C10] =	vst.add.f32.msk $0xffff, v12  }
0x45f: {  	[tilespmem:s18+$0x7C20] =	vst.add.f32.msk $0xffff, v13  }
0x460: {  	[tilespmem:s18+$0x7C30] =	vst.add.f32.msk $0xffff, v16  }
0x461: {  	[tilespmem:s18+$0x7C40] =	vst.add.f32.msk $0xffff, v18  }
0x462: {  	[tilespmem:s18+$0x7C50] =	vst.add.f32.msk $0xffff, v15  }
0x463: {  	[tilespmem:s18+$0x7C60] =	vst.add.f32.msk $0xffff, v17  }
0x464: {  	[tilespmem:s18+$0x7C70] =	vst.add.f32.msk $0xffff, v14  }
0x465: {  	[tilespmem:s18+$0x7880] =	vst.add.f32.msk $0xffff, v3  }
0x466: {  	[tilespmem:s18+$0x7890] =	vst.add.f32.msk $0xffff, v4  }
0x467: {  	[tilespmem:s18+$0x78A0] =	vst.add.f32.msk $0xffff, v5  }
0x468: {  	[tilespmem:s18+$0x78B0] =	vst.add.f32.msk $0xffff, v6  }
0x469: {  	[tilespmem:s18+$0x78C0] =	vst.add.f32.msk $0xffff, v7  }
0x46a: {  	[tilespmem:s18+$0x78D0] =	vst.add.f32.msk $0xffff, v8  }
0x46b: {  	[tilespmem:s18+$0x78E0] =	vst.add.f32.msk $0xffff, v9  }
0x46c: {  	[tilespmem:s18+$0x78F0] =	vst.add.f32.msk $0xffff, v10  }
0x46d: {  	[tilespmem:s18+$0x7C80] =	vst.add.f32.msk $0xffff, v11  }
0x46e: {  	[tilespmem:s18+$0x7C90] =	vst.add.f32.msk $0xffff, v12  }
0x46f: {  	[tilespmem:s18+$0x7CA0] =	vst.add.f32.msk $0xffff, v13  }
0x470: {  	s19 =	simm.s32 $0x40;
	[tilespmem:s18+$0x7CB0] =	vst.add.f32.msk $0xffff, v16  }
0x471: {  	s20 =	simm.s32 $0x2100;
	s22 =	simm.s32 $0x4200;
	s21 =	simm.s32 $0xF800;
	[tilespmem:s18+$0x7CC0] =	vst.add.f32.msk $0xffff, v18  }
.LBB2_17:
0x472: {  	s9 =	sand.u32 $0x7800, s22;
	s12 =	sand.u32 $0x300, s20;
	s19 =	sadd.s32 $0x2, s19;
	[tilespmem:s18+$0x7CD0] =	vst.add.f32.msk $0xffff, v15  }
0x473: {  	p0 =	slt.u32 s19, $0x7E;
	[tilespmem:s18+$0x7CE0] =	vst.add.f32.msk $0xffff, v17;
	s18 =	sor.u32 s12, s9  }
0x474: {  	[tilespmem:s18+$0x7CF0] =	vst.add.f32.msk $0xffff, v14  }
0x475: {  	[tilespmem:s18+$0x7800] =	vst.add.f32.msk $0xffff, v3  }
0x476: {  	[tilespmem:s18+$0x7810] =	vst.add.f32.msk $0xffff, v4  }
0x477: {  	[tilespmem:s18+$0x7820] =	vst.add.f32.msk $0xffff, v5  }
0x478: {  	[tilespmem:s18+$0x7830] =	vst.add.f32.msk $0xffff, v6  }
0x479: {  	[tilespmem:s18+$0x7840] =	vst.add.f32.msk $0xffff, v7  }
0x47a: {  	[tilespmem:s18+$0x7850] =	vst.add.f32.msk $0xffff, v8  }
0x47b: {  	[tilespmem:s18+$0x7860] =	vst.add.f32.msk $0xffff, v9  }
0x47c: {  	[tilespmem:s18+$0x7870] =	vst.add.f32.msk $0xffff, v10  }
0x47d: {  	[tilespmem:s18+$0x7C00] =	vst.add.f32.msk $0xffff, v11  }
0x47e: {  	[tilespmem:s18+$0x7C10] =	vst.add.f32.msk $0xffff, v12  }
0x47f: {  	[tilespmem:s18+$0x7C20] =	vst.add.f32.msk $0xffff, v13  }
0x480: {  	[tilespmem:s18+$0x7C30] =	vst.add.f32.msk $0xffff, v16  }
0x481: {  	[tilespmem:s18+$0x7C40] =	vst.add.f32.msk $0xffff, v18  }
0x482: {  	[tilespmem:s18+$0x7C50] =	vst.add.f32.msk $0xffff, v15  }
0x483: {  	[tilespmem:s18+$0x7C60] =	vst.add.f32.msk $0xffff, v17  }
0x484: {  	[tilespmem:s18+$0x7C70] =	vst.add.f32.msk $0xffff, v14  }
0x485: {  	[tilespmem:s18+$0x7880] =	vst.add.f32.msk $0xffff, v3  }
0x486: {  	[tilespmem:s18+$0x7890] =	vst.add.f32.msk $0xffff, v4  }
0x487: {  	[tilespmem:s18+$0x78A0] =	vst.add.f32.msk $0xffff, v5  }
0x488: {  	[tilespmem:s18+$0x78B0] =	vst.add.f32.msk $0xffff, v6  }
0x489: {  	[tilespmem:s18+$0x78C0] =	vst.add.f32.msk $0xffff, v7  }
0x48a: {  	[tilespmem:s18+$0x78D0] =	vst.add.f32.msk $0xffff, v8  }
0x48b: {  	[tilespmem:s18+$0x78E0] =	vst.add.f32.msk $0xffff, v9  }
0x48c: {  	[tilespmem:s18+$0x78F0] =	vst.add.f32.msk $0xffff, v10  }
.Ltmp7:
0x48d: {  	[tilespmem:s18+$0x7C80] =	vst.add.f32.msk $0xffff, v11;
	(pc) =	sbr.rel @p0 .LBB2_17-.Ltmp7, $4  }
0x48e: {  	[tilespmem:s18+$0x7C90] =	vst.add.f32.msk $0xffff, v12  }
0x48f: {  	[tilespmem:s18+$0x7CA0] =	vst.add.f32.msk $0xffff, v13  }
0x490: {  	[tilespmem:s18+$0x7CB0] =	vst.add.f32.msk $0xffff, v16  }
0x491: {  	s20 =	sadd.s32 $0x100, s20;
	s22 =	sadd.s32 $0x200, s22;
	[tilespmem:s18+$0x7CC0] =	vst.add.f32.msk $0xffff, v18  }
0x492: {  	s9 =	sor.u32 s7, s17  }
0x493: {  	[tilespmem:s18+$0x7CD0] =	vst.add.f32.msk $0xffff, v15;
	s9 =	sshrl.u32 s9, $0x3  }
0x494: {  	[tilespmem:s18+$0x7CE0] =	vst.add.f32.msk $0xffff, v17;
	s18 =	simm.s32 $0x0;
	s10 =	simm.s32 $0xB800;
	s9 =	sadd.s32 s4, s9  }
0x495: {  	[hbm4b:s9+s18] =	stream.linear.scatter [tilespmem:s10], [sflag:$0x4], $0x4000, $0x38;
	[tilespmem:$0x1F800] =	vst v63  }
0x496: {  	s29 =	smul.u32 $0x600, s13;
	_ =	swait.ge [sflag:s0], $0x8000  }
0x497: {  	[sflag:s0] =	ssyncset.done $0x0  }
0x498: {  	s17 =	sshra.s32 s29, $0x2;
	[sflag:s0] =	ssyncadd.s32 $0xFFFF8000  }
0x499: {  	v3 =	vld [tilespmem:s17+$0x180];
	_ =	sdelay $0x4  }
0x49a: {  	v4 =	vshll.u32 v3, $0x1  }
0x49b: {  	v3 =	vand.u32 $0x7, v3;
	v4 =	vand.u32 $0xFFFFFFF0, v4  }
0x49c: {  	v3 =	vor.u32 v3, v4  }
0x49d: {  	v4 =	vperm.xlane v3, v0;
	_ =	sdelay $0x1  }
0x49e: {  	v3 =	vperm.xlane v3, v2;
	v4 =	vadd.s32 v1, v4;
	_ =	sdelay $0x1  }
0x49f: {  	v3 =	vadd.s32 v1, v3;
	_ =	sdelay $0x2  }
0x4a0: {  	[tilespmem:s11], [sflag:$0x1] =	stream.indirect_vreg.gather [hbm4b:s1+s18], $0x80, v4, vm0, $0xb8;
	[tilespmem:$0x1F800] =	vst v63  }
0x4a1: {  	s30 =	simm.s32 $0x8000  }
0x4a2: {  	[tilespmem:s30], [sflag:$0x1] =	stream.indirect_vreg.gather [hbm4b:s1+s18], $0x80, v3, vm0, $0xb8;
	[tilespmem:$0x1F800] =	vst v63  }
0x4a3: {  	v3 =	vld [tilespmem:s17+$0x190];
	_ =	sdelay $0x4  }
0x4a4: {  	v4 =	vshll.u32 v3, $0x1  }
0x4a5: {  	v3 =	vand.u32 $0x7, v3;
	v4 =	vand.u32 $0xFFFFFFF0, v4  }
0x4a6: {  	v3 =	vor.u32 v3, v4  }
0x4a7: {  	v4 =	vperm.xlane v3, v0;
	_ =	sdelay $0x1  }
0x4a8: {  	v3 =	vperm.xlane v3, v2;
	v4 =	vadd.s32 v1, v4;
	_ =	sdelay $0x1  }
0x4a9: {  	v3 =	vadd.s32 v1, v3;
	_ =	sdelay $0x1  }
0x4aa: {  	s31 =	simm.s32 $0x8800  }
0x4ab: {  	[tilespmem:s31], [sflag:$0x1] =	stream.indirect_vreg.gather [hbm4b:s1+s18], $0x80, v4, vm0, $0xb8;
	[tilespmem:$0x1F800] =	vst v63  }
0x4ac: {  	s2 =	simm.s32 $0x9000  }
0x4ad: {  	[tilespmem:s2], [sflag:$0x1] =	stream.indirect_vreg.gather [hbm4b:s1+s18], $0x80, v3, vm0, $0xb8;
	[tilespmem:$0x1F800] =	vst v63  }
0x4ae: {  	v3 =	vld [tilespmem:s17+$0x1A0];
	_ =	sdelay $0x4  }
0x4af: {  	v4 =	vshll.u32 v3, $0x1  }
0x4b0: {  	v3 =	vand.u32 $0x7, v3;
	v4 =	vand.u32 $0xFFFFFFF0, v4  }
0x4b1: {  	v3 =	vor.u32 v3, v4  }
0x4b2: {  	v4 =	vperm.xlane v3, v0;
	_ =	sdelay $0x1  }
0x4b3: {  	v3 =	vperm.xlane v3, v2;
	v4 =	vadd.s32 v1, v4;
	_ =	sdelay $0x1  }
0x4b4: {  	v3 =	vadd.s32 v1, v3;
	_ =	sdelay $0x1  }
0x4b5: {  	s11 =	simm.s32 $0x9800  }
0x4b6: {  	[tilespmem:s11], [sflag:$0x1] =	stream.indirect_vreg.gather [hbm4b:s1+s18], $0x80, v4, vm0, $0xb8;
	[tilespmem:$0x1F800] =	vst v63  }
0x4b7: {  	s12 =	simm.s32 $0xA000  }
0x4b8: {  	[tilespmem:s12], [sflag:$0x1] =	stream.indirect_vreg.gather [hbm4b:s1+s18], $0x80, v3, vm0, $0xb8;
	[tilespmem:$0x1F800] =	vst v63  }
0x4b9: {  	v3 =	vld [tilespmem:s17+$0x1B0];
	_ =	sdelay $0x4  }
0x4ba: {  	v4 =	vshll.u32 v3, $0x1  }
0x4bb: {  	v3 =	vand.u32 $0x7, v3;
	v4 =	vand.u32 $0xFFFFFFF0, v4  }
0x4bc: {  	v3 =	vor.u32 v3, v4  }
0x4bd: {  	v4 =	vperm.xlane v3, v0;
	_ =	sdelay $0x1  }
0x4be: {  	v3 =	vperm.xlane v3, v2;
	v4 =	vadd.s32 v1, v4;
	_ =	sdelay $0x1  }
0x4bf: {  	v3 =	vadd.s32 v1, v3;
	_ =	sdelay $0x1  }
0x4c0: {  	s19 =	simm.s32 $0xA800  }
0x4c1: {  	[tilespmem:s19], [sflag:$0x1] =	stream.indirect_vreg.gather [hbm4b:s1+s18], $0x80, v4, vm0, $0xb8;
	[tilespmem:$0x1F800] =	vst v63  }
0x4c2: {  	s20 =	simm.s32 $0xB000  }
0x4c3: {  	[tilespmem:s20], [sflag:$0x1] =	stream.indirect_vreg.gather [hbm4b:s1+s18], $0x80, v3, vm0, $0xb8;
	[tilespmem:$0x1F800] =	vst v63  }
0x4c4: {  	v3 =	vld [tilespmem:s17+$0x1C0];
	_ =	sdelay $0x4  }
0x4c5: {  	v4 =	vshll.u32 v3, $0x1  }
0x4c6: {  	v3 =	vand.u32 $0x7, v3;
	v4 =	vand.u32 $0xFFFFFFF0, v4  }
0x4c7: {  	v3 =	vor.u32 v3, v4  }
0x4c8: {  	v4 =	vperm.xlane v3, v0;
	_ =	sdelay $0x1  }
0x4c9: {  	v3 =	vperm.xlane v3, v2;
	v4 =	vadd.s32 v1, v4;
	_ =	sdelay $0x1  }
0x4ca: {  	v3 =	vadd.s32 v1, v3;
	_ =	sdelay $0x2  }
0x4cb: {  	[tilespmem:s10], [sflag:$0x1] =	stream.indirect_vreg.gather [hbm4b:s1+s18], $0x80, v4, vm0, $0xb8;
	[tilespmem:$0x1F800] =	vst v63  }
0x4cc: {  	s22 =	simm.s32 $0xC000  }
0x4cd: {  	[tilespmem:s22], [sflag:$0x1] =	stream.indirect_vreg.gather [hbm4b:s1+s18], $0x80, v3, vm0, $0xb8;
	[tilespmem:$0x1F800] =	vst v63  }
0x4ce: {  	v3 =	vld [tilespmem:s17+$0x1D0];
	_ =	sdelay $0x4  }
0x4cf: {  	v4 =	vshll.u32 v3, $0x1  }
0x4d0: {  	v3 =	vand.u32 $0x7, v3;
	v4 =	vand.u32 $0xFFFFFFF0, v4  }
0x4d1: {  	v3 =	vor.u32 v3, v4  }
0x4d2: {  	v4 =	vperm.xlane v3, v0;
	_ =	sdelay $0x1  }
0x4d3: {  	v3 =	vperm.xlane v3, v2;
	v4 =	vadd.s32 v1, v4;
	_ =	sdelay $0x1  }
0x4d4: {  	v3 =	vadd.s32 v1, v3;
	_ =	sdelay $0x1  }
0x4d5: {  	s23 =	simm.s32 $0xC800  }
0x4d6: {  	[tilespmem:s23], [sflag:$0x1] =	stream.indirect_vreg.gather [hbm4b:s1+s18], $0x80, v4, vm0, $0xb8;
	[tilespmem:$0x1F800] =	vst v63  }
0x4d7: {  	s24 =	simm.s32 $0xD000  }
0x4d8: {  	[tilespmem:s24], [sflag:$0x1] =	stream.indirect_vreg.gather [hbm4b:s1+s18], $0x80, v3, vm0, $0xb8;
	[tilespmem:$0x1F800] =	vst v63  }
0x4d9: {  	v3 =	vld [tilespmem:s17+$0x1E0];
	_ =	sdelay $0x4  }
0x4da: {  	v4 =	vshll.u32 v3, $0x1  }
0x4db: {  	v3 =	vand.u32 $0x7, v3;
	v4 =	vand.u32 $0xFFFFFFF0, v4  }
0x4dc: {  	v3 =	vor.u32 v3, v4  }
0x4dd: {  	v4 =	vperm.xlane v3, v0;
	_ =	sdelay $0x1  }
0x4de: {  	v3 =	vperm.xlane v3, v2;
	v4 =	vadd.s32 v1, v4;
	_ =	sdelay $0x1  }
0x4df: {  	v3 =	vadd.s32 v1, v3;
	_ =	sdelay $0x1  }
0x4e0: {  	s25 =	simm.s32 $0xD800  }
0x4e1: {  	[tilespmem:s25], [sflag:$0x1] =	stream.indirect_vreg.gather [hbm4b:s1+s18], $0x80, v4, vm0, $0xb8;
	[tilespmem:$0x1F800] =	vst v63  }
0x4e2: {  	s26 =	simm.s32 $0xE000  }
0x4e3: {  	[tilespmem:s26], [sflag:$0x1] =	stream.indirect_vreg.gather [hbm4b:s1+s18], $0x80, v3, vm0, $0xb8;
	[tilespmem:$0x1F800] =	vst v63  }
0x4e4: {  	v3 =	vld [tilespmem:s17+$0x1F0];
	_ =	sdelay $0x4  }
0x4e5: {  	v4 =	vshll.u32 v3, $0x1  }
0x4e6: {  	v3 =	vand.u32 $0x7, v3;
	v4 =	vand.u32 $0xFFFFFFF0, v4  }
0x4e7: {  	v3 =	vor.u32 v3, v4  }
0x4e8: {  	v4 =	vperm.xlane v3, v0;
	_ =	sdelay $0x1  }
0x4e9: {  	v3 =	vperm.xlane v3, v2;
	v4 =	vadd.s32 v1, v4;
	_ =	sdelay $0x1  }
0x4ea: {  	v3 =	vadd.s32 v1, v3;
	_ =	sdelay $0x1  }
0x4eb: {  	s28 =	simm.s32 $0xE800  }
0x4ec: {  	[tilespmem:s28], [sflag:$0x1] =	stream.indirect_vreg.gather [hbm4b:s1+s18], $0x80, v4, vm0, $0xb8;
	[tilespmem:$0x1F800] =	vst v63  }
0x4ed: {  	s16 =	sadd.s32 $0x1, s16;
	s29 =	simm.s32 $0xF000  }
0x4ee: {  	[tilespmem:s29], [sflag:$0x1] =	stream.indirect_vreg.gather [hbm4b:s1+s18], $0x80, v3, vm0, $0xb8;
	[tilespmem:$0x1F800] =	vst v63  }
0x4ef: {  	s30 =	sshll.u32 s16, $0x8;
	s12 =	sshll.u32 s16, $0x7;
	_ =	swait.ge [sflag:s3], $0x8000  }
0x4f0: {  	s9 =	sand.u32 $0xF800, s30;
	s12 =	sand.u32 $0x380, s12;
	[sflag:s3] =	ssyncset.done $0x0  }
0x4f1: {  	s9 =	sor.u32 s12, s9;
	[sflag:s3] =	ssyncadd.s32 $0xFFFF8000  }
0x4f2: {  	v3 =	vld [tilespmem:s9+$0x2800]  }
0x4f3: {  	v4 =	vld [tilespmem:s9+$0x2810]  }
0x4f4: {  	v5 =	vld [tilespmem:s9+$0x2820]  }
0x4f5: {  	v6 =	vld [tilespmem:s9+$0x2830]  }
0x4f6: {  	v7 =	vld [tilespmem:s9+$0x2840]  }
0x4f7: {  	v8 =	vld [tilespmem:s9+$0x2850]  }
0x4f8: {  	v9 =	vld [tilespmem:s9+$0x2860]  }
0x4f9: {  	v10 =	vld [tilespmem:s9+$0x2870]  }
0x4fa: {  	v11 =	vld [tilespmem:s9+$0x2C00]  }
0x4fb: {  	v12 =	vld [tilespmem:s9+$0x2C10]  }
0x4fc: {  	v13 =	vld [tilespmem:s9+$0x2C20]  }
0x4fd: {  	v14 =	vld [tilespmem:s9+$0x2C70]  }
0x4fe: {  	v16 =	vld [tilespmem:s9+$0x2C30]  }
0x4ff: {  	v18 =	vld [tilespmem:s9+$0x2C40]  }
0x500: {  	s31 =	sand.u32 $0x3800, s18;
	s18 =	sand.u32 $0x300, s18;
	v15 =	vld [tilespmem:s9+$0x2C50]  }
0x501: {  	s18 =	sor.u32 s18, s31;
	v17 =	vld [tilespmem:s9+$0x2C60]  }
0x502: {  	[tilespmem:s18+$0xFCF0] =	vst.add.f32.msk $0xffff, v14  }
0x503: {  	[tilespmem:s18+$0xF800] =	vst.add.f32.msk $0xffff, v3  }
0x504: {  	[tilespmem:s18+$0xF810] =	vst.add.f32.msk $0xffff, v4  }
0x505: {  	[tilespmem:s18+$0xF820] =	vst.add.f32.msk $0xffff, v5  }
0x506: {  	[tilespmem:s18+$0xF830] =	vst.add.f32.msk $0xffff, v6  }
0x507: {  	[tilespmem:s18+$0xF840] =	vst.add.f32.msk $0xffff, v7  }
0x508: {  	[tilespmem:s18+$0xF850] =	vst.add.f32.msk $0xffff, v8  }
0x509: {  	[tilespmem:s18+$0xF860] =	vst.add.f32.msk $0xffff, v9  }
0x50a: {  	[tilespmem:s18+$0xF870] =	vst.add.f32.msk $0xffff, v10  }
0x50b: {  	[tilespmem:s18+$0xFC00] =	vst.add.f32.msk $0xffff, v11  }
0x50c: {  	[tilespmem:s18+$0xFC10] =	vst.add.f32.msk $0xffff, v12  }
0x50d: {  	[tilespmem:s18+$0xFC20] =	vst.add.f32.msk $0xffff, v13  }
0x50e: {  	[tilespmem:s18+$0xFC30] =	vst.add.f32.msk $0xffff, v16  }
0x50f: {  	[tilespmem:s18+$0xFC40] =	vst.add.f32.msk $0xffff, v18  }
0x510: {  	[tilespmem:s18+$0xFC50] =	vst.add.f32.msk $0xffff, v15  }
0x511: {  	[tilespmem:s18+$0xFC60] =	vst.add.f32.msk $0xffff, v17  }
0x512: {  	[tilespmem:s18+$0xFC70] =	vst.add.f32.msk $0xffff, v14  }
0x513: {  	[tilespmem:s18+$0xF880] =	vst.add.f32.msk $0xffff, v3  }
0x514: {  	[tilespmem:s18+$0xF890] =	vst.add.f32.msk $0xffff, v4  }
0x515: {  	[tilespmem:s18+$0xF8A0] =	vst.add.f32.msk $0xffff, v5  }
0x516: {  	[tilespmem:s18+$0xF8B0] =	vst.add.f32.msk $0xffff, v6  }
0x517: {  	[tilespmem:s18+$0xF8C0] =	vst.add.f32.msk $0xffff, v7  }
0x518: {  	[tilespmem:s18+$0xF8D0] =	vst.add.f32.msk $0xffff, v8  }
0x519: {  	[tilespmem:s18+$0xF8E0] =	vst.add.f32.msk $0xffff, v9  }
0x51a: {  	[tilespmem:s18+$0xF8F0] =	vst.add.f32.msk $0xffff, v10  }
0x51b: {  	[tilespmem:s18+$0xFC80] =	vst.add.f32.msk $0xffff, v11  }
0x51c: {  	[tilespmem:s18+$0xFC90] =	vst.add.f32.msk $0xffff, v12  }
0x51d: {  	[tilespmem:s18+$0xFCA0] =	vst.add.f32.msk $0xffff, v13  }
0x51e: {  	s2 =	simm.s32 $0xB800;
	[tilespmem:s18+$0xFCB0] =	vst.add.f32.msk $0xffff, v16  }
0x51f: {  	s19 =	simm.s32 $0x0;
	s20 =	simm.s32 $0x100;
	s22 =	simm.s32 $0x200;
	[tilespmem:s18+$0xFCC0] =	vst.add.f32.msk $0xffff, v18  }
.LBB2_19:
0x520: {  	s9 =	sand.u32 $0x3800, s22;
	s12 =	sand.u32 $0x300, s20;
	s19 =	sadd.s32 $0x2, s19;
	[tilespmem:s18+$0xFCD0] =	vst.add.f32.msk $0xffff, v15  }
0x521: {  	p0 =	slt.u32 s19, $0x3E;
	[tilespmem:s18+$0xFCE0] =	vst.add.f32.msk $0xffff, v17;
	s18 =	sor.u32 s12, s9  }
0x522: {  	[tilespmem:s18+$0xFCF0] =	vst.add.f32.msk $0xffff, v14  }
0x523: {  	[tilespmem:s18+$0xF800] =	vst.add.f32.msk $0xffff, v3  }
0x524: {  	[tilespmem:s18+$0xF810] =	vst.add.f32.msk $0xffff, v4  }
0x525: {  	[tilespmem:s18+$0xF820] =	vst.add.f32.msk $0xffff, v5  }
0x526: {  	[tilespmem:s18+$0xF830] =	vst.add.f32.msk $0xffff, v6  }
0x527: {  	[tilespmem:s18+$0xF840] =	vst.add.f32.msk $0xffff, v7  }
0x528: {  	[tilespmem:s18+$0xF850] =	vst.add.f32.msk $0xffff, v8  }
0x529: {  	[tilespmem:s18+$0xF860] =	vst.add.f32.msk $0xffff, v9  }
0x52a: {  	[tilespmem:s18+$0xF870] =	vst.add.f32.msk $0xffff, v10  }
0x52b: {  	[tilespmem:s18+$0xFC00] =	vst.add.f32.msk $0xffff, v11  }
0x52c: {  	[tilespmem:s18+$0xFC10] =	vst.add.f32.msk $0xffff, v12  }
0x52d: {  	[tilespmem:s18+$0xFC20] =	vst.add.f32.msk $0xffff, v13  }
0x52e: {  	[tilespmem:s18+$0xFC30] =	vst.add.f32.msk $0xffff, v16  }
0x52f: {  	[tilespmem:s18+$0xFC40] =	vst.add.f32.msk $0xffff, v18  }
0x530: {  	[tilespmem:s18+$0xFC50] =	vst.add.f32.msk $0xffff, v15  }
0x531: {  	[tilespmem:s18+$0xFC60] =	vst.add.f32.msk $0xffff, v17  }
0x532: {  	[tilespmem:s18+$0xFC70] =	vst.add.f32.msk $0xffff, v14  }
0x533: {  	[tilespmem:s18+$0xF880] =	vst.add.f32.msk $0xffff, v3  }
0x534: {  	[tilespmem:s18+$0xF890] =	vst.add.f32.msk $0xffff, v4  }
0x535: {  	[tilespmem:s18+$0xF8A0] =	vst.add.f32.msk $0xffff, v5  }
0x536: {  	[tilespmem:s18+$0xF8B0] =	vst.add.f32.msk $0xffff, v6  }
0x537: {  	[tilespmem:s18+$0xF8C0] =	vst.add.f32.msk $0xffff, v7  }
0x538: {  	[tilespmem:s18+$0xF8D0] =	vst.add.f32.msk $0xffff, v8  }
0x539: {  	[tilespmem:s18+$0xF8E0] =	vst.add.f32.msk $0xffff, v9  }
0x53a: {  	[tilespmem:s18+$0xF8F0] =	vst.add.f32.msk $0xffff, v10  }
.Ltmp8:
0x53b: {  	[tilespmem:s18+$0xFC80] =	vst.add.f32.msk $0xffff, v11;
	(pc) =	sbr.rel @p0 .LBB2_19-.Ltmp8, $4  }
0x53c: {  	[tilespmem:s18+$0xFC90] =	vst.add.f32.msk $0xffff, v12  }
0x53d: {  	[tilespmem:s18+$0xFCA0] =	vst.add.f32.msk $0xffff, v13  }
0x53e: {  	[tilespmem:s18+$0xFCB0] =	vst.add.f32.msk $0xffff, v16  }
0x53f: {  	s20 =	sadd.s32 $0x100, s20;
	s22 =	sadd.s32 $0x200, s22;
	[tilespmem:s18+$0xFCC0] =	vst.add.f32.msk $0xffff, v18  }
0x540: {  	s16 =	sshll.u32 s16, $0x14  }
0x541: {  	s9 =	sor.u32 s6, s16  }
0x542: {  	[tilespmem:s18+$0xFCD0] =	vst.add.f32.msk $0xffff, v15;
	s9 =	sshrl.u32 s9, $0x3  }
0x543: {  	[tilespmem:s18+$0xFCE0] =	vst.add.f32.msk $0xffff, v17;
	s31 =	simm.s32 $0x2000;
	s12 =	simm.s32 $0x4000;
	s9 =	sadd.s32 s4, s9  }
0x544: {  	[hbm4b:s9+s5] =	stream.linear.scatter [tilespmem:s21], [sflag:$0x5], $0x4000, $0x38;
	[tilespmem:$0x1F800] =	vst v63  }
0x545: {  	s12 =	sand.u32 $0x7800, s12;
	s9 =	sand.u32 $0x300, s31  }
0x546: {  	s18 =	sor.u32 s9, s12  }
0x547: {  	[tilespmem:s18+$0xFCF0] =	vst.add.f32.msk $0xffff, v14  }
0x548: {  	[tilespmem:s18+$0xF800] =	vst.add.f32.msk $0xffff, v3  }
0x549: {  	[tilespmem:s18+$0xF810] =	vst.add.f32.msk $0xffff, v4  }
0x54a: {  	[tilespmem:s18+$0xF820] =	vst.add.f32.msk $0xffff, v5  }
0x54b: {  	[tilespmem:s18+$0xF830] =	vst.add.f32.msk $0xffff, v6  }
0x54c: {  	[tilespmem:s18+$0xF840] =	vst.add.f32.msk $0xffff, v7  }
0x54d: {  	[tilespmem:s18+$0xF850] =	vst.add.f32.msk $0xffff, v8  }
0x54e: {  	[tilespmem:s18+$0xF860] =	vst.add.f32.msk $0xffff, v9  }
0x54f: {  	[tilespmem:s18+$0xF870] =	vst.add.f32.msk $0xffff, v10  }
0x550: {  	[tilespmem:s18+$0xFC00] =	vst.add.f32.msk $0xffff, v11  }
0x551: {  	[tilespmem:s18+$0xFC10] =	vst.add.f32.msk $0xffff, v12  }
0x552: {  	[tilespmem:s18+$0xFC20] =	vst.add.f32.msk $0xffff, v13  }
0x553: {  	[tilespmem:s18+$0xFC30] =	vst.add.f32.msk $0xffff, v16  }
0x554: {  	[tilespmem:s18+$0xFC40] =	vst.add.f32.msk $0xffff, v18  }
0x555: {  	[tilespmem:s18+$0xFC50] =	vst.add.f32.msk $0xffff, v15  }
0x556: {  	[tilespmem:s18+$0xFC60] =	vst.add.f32.msk $0xffff, v17  }
0x557: {  	[tilespmem:s18+$0xFC70] =	vst.add.f32.msk $0xffff, v14  }
0x558: {  	[tilespmem:s18+$0xF880] =	vst.add.f32.msk $0xffff, v3  }
0x559: {  	[tilespmem:s18+$0xF890] =	vst.add.f32.msk $0xffff, v4  }
0x55a: {  	[tilespmem:s18+$0xF8A0] =	vst.add.f32.msk $0xffff, v5  }
0x55b: {  	[tilespmem:s18+$0xF8B0] =	vst.add.f32.msk $0xffff, v6  }
0x55c: {  	[tilespmem:s18+$0xF8C0] =	vst.add.f32.msk $0xffff, v7  }
0x55d: {  	[tilespmem:s18+$0xF8D0] =	vst.add.f32.msk $0xffff, v8  }
0x55e: {  	[tilespmem:s18+$0xF8E0] =	vst.add.f32.msk $0xffff, v9  }
0x55f: {  	[tilespmem:s18+$0xF8F0] =	vst.add.f32.msk $0xffff, v10  }
0x560: {  	[tilespmem:s18+$0xFC80] =	vst.add.f32.msk $0xffff, v11  }
0x561: {  	[tilespmem:s18+$0xFC90] =	vst.add.f32.msk $0xffff, v12  }
0x562: {  	[tilespmem:s18+$0xFCA0] =	vst.add.f32.msk $0xffff, v13  }
0x563: {  	[tilespmem:s18+$0xFCB0] =	vst.add.f32.msk $0xffff, v16  }
0x564: {  	s19 =	simm.s32 $0x40;
	s20 =	simm.s32 $0x2100;
	s22 =	simm.s32 $0x4200;
	[tilespmem:s18+$0xFCC0] =	vst.add.f32.msk $0xffff, v18  }
.LBB2_21:
0x565: {  	s9 =	sand.u32 $0x7800, s22;
	s12 =	sand.u32 $0x300, s20;
	s19 =	sadd.s32 $0x2, s19;
	[tilespmem:s18+$0xFCD0] =	vst.add.f32.msk $0xffff, v15  }
0x566: {  	p0 =	slt.u32 s19, $0x7E;
	[tilespmem:s18+$0xFCE0] =	vst.add.f32.msk $0xffff, v17;
	s18 =	sor.u32 s12, s9  }
0x567: {  	[tilespmem:s18+$0xFCF0] =	vst.add.f32.msk $0xffff, v14  }
0x568: {  	[tilespmem:s18+$0xF800] =	vst.add.f32.msk $0xffff, v3  }
0x569: {  	[tilespmem:s18+$0xF810] =	vst.add.f32.msk $0xffff, v4  }
0x56a: {  	[tilespmem:s18+$0xF820] =	vst.add.f32.msk $0xffff, v5  }
0x56b: {  	[tilespmem:s18+$0xF830] =	vst.add.f32.msk $0xffff, v6  }
0x56c: {  	[tilespmem:s18+$0xF840] =	vst.add.f32.msk $0xffff, v7  }
0x56d: {  	[tilespmem:s18+$0xF850] =	vst.add.f32.msk $0xffff, v8  }
0x56e: {  	[tilespmem:s18+$0xF860] =	vst.add.f32.msk $0xffff, v9  }
0x56f: {  	[tilespmem:s18+$0xF870] =	vst.add.f32.msk $0xffff, v10  }
0x570: {  	[tilespmem:s18+$0xFC00] =	vst.add.f32.msk $0xffff, v11  }
0x571: {  	[tilespmem:s18+$0xFC10] =	vst.add.f32.msk $0xffff, v12  }
0x572: {  	[tilespmem:s18+$0xFC20] =	vst.add.f32.msk $0xffff, v13  }
0x573: {  	[tilespmem:s18+$0xFC30] =	vst.add.f32.msk $0xffff, v16  }
0x574: {  	[tilespmem:s18+$0xFC40] =	vst.add.f32.msk $0xffff, v18  }
0x575: {  	[tilespmem:s18+$0xFC50] =	vst.add.f32.msk $0xffff, v15  }
0x576: {  	[tilespmem:s18+$0xFC60] =	vst.add.f32.msk $0xffff, v17  }
0x577: {  	[tilespmem:s18+$0xFC70] =	vst.add.f32.msk $0xffff, v14  }
0x578: {  	[tilespmem:s18+$0xF880] =	vst.add.f32.msk $0xffff, v3  }
0x579: {  	[tilespmem:s18+$0xF890] =	vst.add.f32.msk $0xffff, v4  }
0x57a: {  	[tilespmem:s18+$0xF8A0] =	vst.add.f32.msk $0xffff, v5  }
0x57b: {  	[tilespmem:s18+$0xF8B0] =	vst.add.f32.msk $0xffff, v6  }
0x57c: {  	[tilespmem:s18+$0xF8C0] =	vst.add.f32.msk $0xffff, v7  }
0x57d: {  	[tilespmem:s18+$0xF8D0] =	vst.add.f32.msk $0xffff, v8  }
0x57e: {  	[tilespmem:s18+$0xF8E0] =	vst.add.f32.msk $0xffff, v9  }
0x57f: {  	[tilespmem:s18+$0xF8F0] =	vst.add.f32.msk $0xffff, v10  }
.Ltmp9:
0x580: {  	[tilespmem:s18+$0xFC80] =	vst.add.f32.msk $0xffff, v11;
	(pc) =	sbr.rel @p0 .LBB2_21-.Ltmp9, $4  }
0x581: {  	[tilespmem:s18+$0xFC90] =	vst.add.f32.msk $0xffff, v12  }
0x582: {  	[tilespmem:s18+$0xFCA0] =	vst.add.f32.msk $0xffff, v13  }
0x583: {  	[tilespmem:s18+$0xFCB0] =	vst.add.f32.msk $0xffff, v16  }
0x584: {  	s20 =	sadd.s32 $0x100, s20;
	s22 =	sadd.s32 $0x200, s22;
	[tilespmem:s18+$0xFCC0] =	vst.add.f32.msk $0xffff, v18  }
0x585: {  	s9 =	sor.u32 s7, s16  }
0x586: {  	[tilespmem:s18+$0xFCD0] =	vst.add.f32.msk $0xffff, v15;
	s9 =	sshrl.u32 s9, $0x3  }
0x587: {  	[tilespmem:s18+$0xFCE0] =	vst.add.f32.msk $0xffff, v17;
	s16 =	simm.s32 $0x0;
	s10 =	simm.s32 $0x13800;
	s9 =	sadd.s32 s4, s9  }
0x588: {  	[hbm4b:s9+s16] =	stream.linear.scatter [tilespmem:s10], [sflag:$0x5], $0x4000, $0x38;
	[tilespmem:$0x1F800] =	vst v63  }
0x589: {  	_ =	swait.ge [sflag:s8], $0x8000  }
0x58a: {  	[sflag:s8] =	ssyncset.done $0x0  }
0x58b: {  	[sflag:s8] =	ssyncadd.s32 $0xFFFF8000  }
0x58c: {  	v3 =	vld [tilespmem:s17+$0x200];
	_ =	sdelay $0x4  }
0x58d: {  	v4 =	vshll.u32 v3, $0x1  }
0x58e: {  	v3 =	vand.u32 $0x7, v3;
	v4 =	vand.u32 $0xFFFFFFF0, v4  }
0x58f: {  	v3 =	vor.u32 v3, v4  }
0x590: {  	v4 =	vperm.xlane v3, v0;
	_ =	sdelay $0x1  }
0x591: {  	v3 =	vperm.xlane v3, v2;
	v4 =	vadd.s32 v1, v4;
	_ =	sdelay $0x1  }
0x592: {  	v3 =	vadd.s32 v1, v3;
	_ =	sdelay $0x2  }
0x593: {  	[tilespmem:s21], [sflag:$0x2] =	stream.indirect_vreg.gather [hbm4b:s1+s16], $0x80, v4, vm0, $0xb8;
	[tilespmem:$0x1F800] =	vst v63  }
0x594: {  	s20 =	simm.s32 $0x10000  }
0x595: {  	[tilespmem:s20], [sflag:$0x2] =	stream.indirect_vreg.gather [hbm4b:s1+s16], $0x80, v3, vm0, $0xb8;
	[tilespmem:$0x1F800] =	vst v63  }
0x596: {  	v3 =	vld [tilespmem:s17+$0x210];
	_ =	sdelay $0x4  }
0x597: {  	v4 =	vshll.u32 v3, $0x1  }
0x598: {  	v3 =	vand.u32 $0x7, v3;
	v4 =	vand.u32 $0xFFFFFFF0, v4  }
0x599: {  	v3 =	vor.u32 v3, v4  }
0x59a: {  	v4 =	vperm.xlane v3, v0;
	_ =	sdelay $0x1  }
0x59b: {  	v3 =	vperm.xlane v3, v2;
	v4 =	vadd.s32 v1, v4;
	_ =	sdelay $0x1  }
0x59c: {  	v3 =	vadd.s32 v1, v3;
	_ =	sdelay $0x1  }
0x59d: {  	s21 =	simm.s32 $0x10800  }
0x59e: {  	[tilespmem:s21], [sflag:$0x2] =	stream.indirect_vreg.gather [hbm4b:s1+s16], $0x80, v4, vm0, $0xb8;
	[tilespmem:$0x1F800] =	vst v63  }
0x59f: {  	s22 =	simm.s32 $0x11000  }
0x5a0: {  	[tilespmem:s22], [sflag:$0x2] =	stream.indirect_vreg.gather [hbm4b:s1+s16], $0x80, v3, vm0, $0xb8;
	[tilespmem:$0x1F800] =	vst v63  }
0x5a1: {  	v3 =	vld [tilespmem:s17+$0x220];
	_ =	sdelay $0x4  }
0x5a2: {  	v4 =	vshll.u32 v3, $0x1  }
0x5a3: {  	v3 =	vand.u32 $0x7, v3;
	v4 =	vand.u32 $0xFFFFFFF0, v4  }
0x5a4: {  	v3 =	vor.u32 v3, v4  }
0x5a5: {  	v4 =	vperm.xlane v3, v0;
	_ =	sdelay $0x1  }
0x5a6: {  	v3 =	vperm.xlane v3, v2;
	v4 =	vadd.s32 v1, v4;
	_ =	sdelay $0x1  }
0x5a7: {  	v3 =	vadd.s32 v1, v3;
	_ =	sdelay $0x1  }
0x5a8: {  	s23 =	simm.s32 $0x11800  }
0x5a9: {  	[tilespmem:s23], [sflag:$0x2] =	stream.indirect_vreg.gather [hbm4b:s1+s16], $0x80, v4, vm0, $0xb8;
	[tilespmem:$0x1F800] =	vst v63  }
0x5aa: {  	s24 =	simm.s32 $0x12000  }
0x5ab: {  	[tilespmem:s24], [sflag:$0x2] =	stream.indirect_vreg.gather [hbm4b:s1+s16], $0x80, v3, vm0, $0xb8;
	[tilespmem:$0x1F800] =	vst v63  }
0x5ac: {  	v3 =	vld [tilespmem:s17+$0x230];
	_ =	sdelay $0x4  }
0x5ad: {  	v4 =	vshll.u32 v3, $0x1  }
0x5ae: {  	v3 =	vand.u32 $0x7, v3;
	v4 =	vand.u32 $0xFFFFFFF0, v4  }
0x5af: {  	v3 =	vor.u32 v3, v4  }
0x5b0: {  	v4 =	vperm.xlane v3, v0;
	_ =	sdelay $0x1  }
0x5b1: {  	v3 =	vperm.xlane v3, v2;
	v4 =	vadd.s32 v1, v4;
	_ =	sdelay $0x1  }
0x5b2: {  	v3 =	vadd.s32 v1, v3;
	_ =	sdelay $0x1  }
0x5b3: {  	s25 =	simm.s32 $0x12800  }
0x5b4: {  	[tilespmem:s25], [sflag:$0x2] =	stream.indirect_vreg.gather [hbm4b:s1+s16], $0x80, v4, vm0, $0xb8;
	[tilespmem:$0x1F800] =	vst v63  }
0x5b5: {  	s26 =	simm.s32 $0x13000  }
0x5b6: {  	[tilespmem:s26], [sflag:$0x2] =	stream.indirect_vreg.gather [hbm4b:s1+s16], $0x80, v3, vm0, $0xb8;
	[tilespmem:$0x1F800] =	vst v63  }
0x5b7: {  	v3 =	vld [tilespmem:s17+$0x240];
	_ =	sdelay $0x4  }
0x5b8: {  	v4 =	vshll.u32 v3, $0x1  }
0x5b9: {  	v3 =	vand.u32 $0x7, v3;
	v4 =	vand.u32 $0xFFFFFFF0, v4  }
0x5ba: {  	v3 =	vor.u32 v3, v4  }
0x5bb: {  	v4 =	vperm.xlane v3, v0;
	_ =	sdelay $0x1  }
0x5bc: {  	v3 =	vperm.xlane v3, v2;
	v4 =	vadd.s32 v1, v4;
	_ =	sdelay $0x1  }
0x5bd: {  	v3 =	vadd.s32 v1, v3;
	_ =	sdelay $0x2  }
0x5be: {  	[tilespmem:s10], [sflag:$0x2] =	stream.indirect_vreg.gather [hbm4b:s1+s16], $0x80, v4, vm0, $0xb8;
	[tilespmem:$0x1F800] =	vst v63  }
0x5bf: {  	s28 =	simm.s32 $0x14000  }
0x5c0: {  	[tilespmem:s28], [sflag:$0x2] =	stream.indirect_vreg.gather [hbm4b:s1+s16], $0x80, v3, vm0, $0xb8;
	[tilespmem:$0x1F800] =	vst v63  }
0x5c1: {  	v3 =	vld [tilespmem:s17+$0x250];
	_ =	sdelay $0x4  }
0x5c2: {  	v4 =	vshll.u32 v3, $0x1  }
0x5c3: {  	v3 =	vand.u32 $0x7, v3;
	v4 =	vand.u32 $0xFFFFFFF0, v4  }
0x5c4: {  	v3 =	vor.u32 v3, v4  }
0x5c5: {  	v4 =	vperm.xlane v3, v0;
	_ =	sdelay $0x1  }
0x5c6: {  	v3 =	vperm.xlane v3, v2;
	v4 =	vadd.s32 v1, v4;
	_ =	sdelay $0x1  }
0x5c7: {  	v3 =	vadd.s32 v1, v3;
	_ =	sdelay $0x1  }
0x5c8: {  	s29 =	simm.s32 $0x14800  }
0x5c9: {  	[tilespmem:s29], [sflag:$0x2] =	stream.indirect_vreg.gather [hbm4b:s1+s16], $0x80, v4, vm0, $0xb8;
	[tilespmem:$0x1F800] =	vst v63  }
0x5ca: {  	s30 =	simm.s32 $0x15000  }
0x5cb: {  	[tilespmem:s30], [sflag:$0x2] =	stream.indirect_vreg.gather [hbm4b:s1+s16], $0x80, v3, vm0, $0xb8;
	[tilespmem:$0x1F800] =	vst v63  }
0x5cc: {  	v3 =	vld [tilespmem:s17+$0x260];
	_ =	sdelay $0x4  }
0x5cd: {  	v4 =	vshll.u32 v3, $0x1  }
0x5ce: {  	v3 =	vand.u32 $0x7, v3;
	v4 =	vand.u32 $0xFFFFFFF0, v4  }
0x5cf: {  	v3 =	vor.u32 v3, v4  }
0x5d0: {  	v4 =	vperm.xlane v3, v0;
	_ =	sdelay $0x1  }
0x5d1: {  	v3 =	vperm.xlane v3, v2;
	v4 =	vadd.s32 v1, v4;
	_ =	sdelay $0x1  }
0x5d2: {  	v3 =	vadd.s32 v1, v3;
	_ =	sdelay $0x1  }
0x5d3: {  	s31 =	simm.s32 $0x15800  }
0x5d4: {  	[tilespmem:s31], [sflag:$0x2] =	stream.indirect_vreg.gather [hbm4b:s1+s16], $0x80, v4, vm0, $0xb8;
	[tilespmem:$0x1F800] =	vst v63  }
0x5d5: {  	s10 =	simm.s32 $0x16000  }
0x5d6: {  	[tilespmem:s10], [sflag:$0x2] =	stream.indirect_vreg.gather [hbm4b:s1+s16], $0x80, v3, vm0, $0xb8;
	[tilespmem:$0x1F800] =	vst v63  }
0x5d7: {  	v3 =	vld [tilespmem:s17+$0x270];
	_ =	sdelay $0x4  }
0x5d8: {  	v4 =	vshll.u32 v3, $0x1  }
0x5d9: {  	v3 =	vand.u32 $0x7, v3;
	v4 =	vand.u32 $0xFFFFFFF0, v4  }
0x5da: {  	v3 =	vor.u32 v3, v4  }
0x5db: {  	v4 =	vperm.xlane v3, v0;
	_ =	sdelay $0x1  }
0x5dc: {  	v3 =	vperm.xlane v3, v2;
	v4 =	vadd.s32 v1, v4;
	_ =	sdelay $0x1  }
0x5dd: {  	v3 =	vadd.s32 v1, v3;
	_ =	sdelay $0x1  }
0x5de: {  	s11 =	simm.s32 $0x16800  }
0x5df: {  	[tilespmem:s11], [sflag:$0x2] =	stream.indirect_vreg.gather [hbm4b:s1+s16], $0x80, v4, vm0, $0xb8;
	[tilespmem:$0x1F800] =	vst v63  }
0x5e0: {  	s12 =	simm.s32 $0x17000;
	s17 =	simm.s32 $0x3  }
0x5e1: {  	[tilespmem:s12], [sflag:$0x2] =	stream.indirect_vreg.gather [hbm4b:s1+s16], $0x80, v3, vm0, $0xb8;
	[tilespmem:$0x1F800] =	vst v63  }
0x5e2: {  	s18 =	sshll.u32 s14, $0x8;
	_ =	swait.ge [sflag:s17], $0x8000  }
0x5e3: {  	s9 =	sand.u32 $0xF800, s18;
	s12 =	sand.u32 $0x380, s15;
	[sflag:s17] =	ssyncset.done $0x0  }
0x5e4: {  	s9 =	sor.u32 s12, s9;
	[sflag:s17] =	ssyncadd.s32 $0xFFFF8000  }
0x5e5: {  	v3 =	vld [tilespmem:s9+$0x2800]  }
0x5e6: {  	v4 =	vld [tilespmem:s9+$0x2810]  }
0x5e7: {  	v5 =	vld [tilespmem:s9+$0x2820]  }
0x5e8: {  	v6 =	vld [tilespmem:s9+$0x2830]  }
0x5e9: {  	v7 =	vld [tilespmem:s9+$0x2840]  }
0x5ea: {  	v8 =	vld [tilespmem:s9+$0x2850]  }
0x5eb: {  	v9 =	vld [tilespmem:s9+$0x2860]  }
0x5ec: {  	v10 =	vld [tilespmem:s9+$0x2870]  }
0x5ed: {  	v11 =	vld [tilespmem:s9+$0x2C00]  }
0x5ee: {  	v12 =	vld [tilespmem:s9+$0x2C10]  }
0x5ef: {  	v13 =	vld [tilespmem:s9+$0x2C20]  }
0x5f0: {  	v14 =	vld [tilespmem:s9+$0x2C30]  }
0x5f1: {  	v16 =	vld [tilespmem:s9+$0x2C40]  }
0x5f2: {  	s19 =	sand.u32 $0x3800, s16;
	s20 =	sand.u32 $0x300, s16;
	v15 =	vld [tilespmem:s9+$0x2C50]  }
0x5f3: {  	s12 =	sor.u32 s20, s19;
	v17 =	vld [tilespmem:s9+$0x2C60]  }
0x5f4: {  	v18 =	vld [tilespmem:s9+$0x2C70];
	s9 =	sadd.s32 $0x17800, s12  }
0x5f5: {  	s21 =	sor.u32 $0x80, s9;
	[tilespmem:s12+$0x17800] =	vst.add.f32.msk $0xffff, v3  }
0x5f6: {  	s22 =	sor.u32 $0x90, s9;
	[tilespmem:s21+$0x0] =	vst.add.f32.msk $0xffff, v3  }
0x5f7: {  	s19 =	sor.u32 $0x10, s9;
	[tilespmem:s22+$0x0] =	vst.add.f32.msk $0xffff, v4  }
0x5f8: {  	s23 =	sor.u32 $0xA0, s9;
	[tilespmem:s19+$0x0] =	vst.add.f32.msk $0xffff, v4  }
0x5f9: {  	s20 =	sor.u32 $0x20, s9;
	[tilespmem:s23+$0x0] =	vst.add.f32.msk $0xffff, v5  }
0x5fa: {  	s24 =	sor.u32 $0xB0, s9;
	[tilespmem:s20+$0x0] =	vst.add.f32.msk $0xffff, v5  }
0x5fb: {  	s21 =	sor.u32 $0x30, s9;
	[tilespmem:s24+$0x0] =	vst.add.f32.msk $0xffff, v6  }
0x5fc: {  	s25 =	sor.u32 $0xC0, s9;
	[tilespmem:s21+$0x0] =	vst.add.f32.msk $0xffff, v6  }
0x5fd: {  	s22 =	sor.u32 $0x40, s9;
	[tilespmem:s25+$0x0] =	vst.add.f32.msk $0xffff, v7  }
0x5fe: {  	s26 =	sor.u32 $0xD0, s9;
	[tilespmem:s22+$0x0] =	vst.add.f32.msk $0xffff, v7  }
0x5ff: {  	s23 =	sor.u32 $0x50, s9;
	[tilespmem:s26+$0x0] =	vst.add.f32.msk $0xffff, v8  }
0x600: {  	s28 =	sor.u32 $0xE0, s9;
	[tilespmem:s23+$0x0] =	vst.add.f32.msk $0xffff, v8  }
0x601: {  	s24 =	sor.u32 $0x60, s9;
	[tilespmem:s28+$0x0] =	vst.add.f32.msk $0xffff, v9  }
0x602: {  	s29 =	sor.u32 $0xF0, s9;
	[tilespmem:s24+$0x0] =	vst.add.f32.msk $0xffff, v9  }
0x603: {  	s25 =	sor.u32 $0x70, s9;
	[tilespmem:s29+$0x0] =	vst.add.f32.msk $0xffff, v10  }
0x604: {  	s30 =	sor.u32 $0x480, s9;
	[tilespmem:s25+$0x0] =	vst.add.f32.msk $0xffff, v10  }
0x605: {  	s26 =	sor.u32 $0x400, s9;
	[tilespmem:s30+$0x0] =	vst.add.f32.msk $0xffff, v11  }
0x606: {  	s31 =	sor.u32 $0x490, s9;
	[tilespmem:s26+$0x0] =	vst.add.f32.msk $0xffff, v11  }
0x607: {  	s28 =	sor.u32 $0x410, s9;
	[tilespmem:s31+$0x0] =	vst.add.f32.msk $0xffff, v12  }
0x608: {  	s10 =	sor.u32 $0x4A0, s9;
	[tilespmem:s28+$0x0] =	vst.add.f32.msk $0xffff, v12  }
0x609: {  	s29 =	sor.u32 $0x420, s9;
	[tilespmem:s10+$0x0] =	vst.add.f32.msk $0xffff, v13  }
0x60a: {  	s11 =	sor.u32 $0x4B0, s9;
	[tilespmem:s29+$0x0] =	vst.add.f32.msk $0xffff, v13  }
0x60b: {  	s30 =	sor.u32 $0x430, s9;
	[tilespmem:s11+$0x0] =	vst.add.f32.msk $0xffff, v14  }
0x60c: {  	s15 =	sor.u32 $0x4C0, s9;
	[tilespmem:s30+$0x0] =	vst.add.f32.msk $0xffff, v14  }
0x60d: {  	s31 =	sor.u32 $0x440, s9;
	[tilespmem:s15+$0x0] =	vst.add.f32.msk $0xffff, v16  }
0x60e: {  	s16 =	sor.u32 $0x4D0, s9;
	[tilespmem:s31+$0x0] =	vst.add.f32.msk $0xffff, v16  }
0x60f: {  	s17 =	sor.u32 $0x4E0, s9;
	s18 =	sor.u32 $0x4F0, s9;
	[tilespmem:s16+$0x0] =	vst.add.f32.msk $0xffff, v15  }
0x610: {  	s19 =	sor.u32 $0x460, s9;
	s20 =	sor.u32 $0x450, s9;
	s15 =	simm.s32 $0x0;
	[tilespmem:s17+$0x0] =	vst.add.f32.msk $0xffff, v17  }
0x611: {  	s16 =	simm.s32 $0x100;
	s17 =	simm.s32 $0x200;
	[tilespmem:s18+$0x0] =	vst.add.f32.msk $0xffff, v18;
	s18 =	sor.u32 $0x470, s9  }
.LBB2_23:
0x612: {  	s9 =	sand.u32 $0x3800, s17;
	s12 =	sand.u32 $0x300, s16;
	[tilespmem:s20+$0x0] =	vst.add.f32.msk $0xffff, v15  }
0x613: {  	s9 =	sor.u32 s12, s9;
	[tilespmem:s19+$0x0] =	vst.add.f32.msk $0xffff, v17  }
0x614: {  	s25 =	sadd.s32 $0x17800, s9;
	[tilespmem:s9+$0x17800] =	vst.add.f32.msk $0xffff, v3  }
0x615: {  	s23 =	sor.u32 $0x10, s25;
	s22 =	sor.u32 $0x20, s25;
	s9 =	sor.u32 $0x80, s25;
	[tilespmem:s18+$0x0] =	vst.add.f32.msk $0xffff, v18  }
0x616: {  	s26 =	sor.u32 $0x30, s25;
	s24 =	sor.u32 $0x40, s25;
	[tilespmem:s9+$0x0] =	vst.add.f32.msk $0xffff, v3;
	s9 =	sor.u32 $0x90, s25  }
0x617: {  	s29 =	sor.u32 $0x50, s25;
	s28 =	sor.u32 $0x60, s25;
	[tilespmem:s9+$0x0] =	vst.add.f32.msk $0xffff, v4;
	s9 =	sor.u32 $0xA0, s25  }
0x618: {  	s21 =	sor.u32 $0x70, s25;
	s31 =	sor.u32 $0x400, s25;
	[tilespmem:s9+$0x0] =	vst.add.f32.msk $0xffff, v5;
	s9 =	sor.u32 $0xB0, s25  }
0x619: {  	s12 =	sor.u32 $0x410, s25;
	s30 =	sor.u32 $0x420, s25;
	s18 =	sor.u32 $0xC0, s25;
	[tilespmem:s9+$0x0] =	vst.add.f32.msk $0xffff, v6  }
0x61a: {  	s10 =	sor.u32 $0x430, s25;
	s9 =	sor.u32 $0x440, s25;
	[tilespmem:s18+$0x0] =	vst.add.f32.msk $0xffff, v7;
	s18 =	sor.u32 $0xD0, s25  }
0x61b: {  	s20 =	sor.u32 $0x450, s25;
	s19 =	sor.u32 $0x460, s25;
	s11 =	sor.u32 $0xE0, s25;
	[tilespmem:s18+$0x0] =	vst.add.f32.msk $0xffff, v8  }
0x61c: {  	s18 =	sor.u32 $0x470, s25;
	[tilespmem:s11+$0x0] =	vst.add.f32.msk $0xffff, v9;
	s11 =	sor.u32 $0xF0, s25  }
0x61d: {  	[tilespmem:s11+$0x0] =	vst.add.f32.msk $0xffff, v10;
	s11 =	sor.u32 $0x480, s25  }
0x61e: {  	[tilespmem:s11+$0x0] =	vst.add.f32.msk $0xffff, v11;
	s11 =	sor.u32 $0x490, s25  }
0x61f: {  	[tilespmem:s11+$0x0] =	vst.add.f32.msk $0xffff, v12;
	s11 =	sor.u32 $0x4A0, s25  }
0x620: {  	[tilespmem:s11+$0x0] =	vst.add.f32.msk $0xffff, v13;
	s11 =	sor.u32 $0x4B0, s25  }
0x621: {  	s15 =	sadd.s32 $0x2, s15;
	[tilespmem:s11+$0x0] =	vst.add.f32.msk $0xffff, v14;
	s11 =	sor.u32 $0x4C0, s25  }
0x622: {  	p0 =	slt.u32 s15, $0x3E;
	[tilespmem:s11+$0x0] =	vst.add.f32.msk $0xffff, v16;
	s11 =	sor.u32 $0x4D0, s25  }
0x623: {  	[tilespmem:s11+$0x0] =	vst.add.f32.msk $0xffff, v15;
	s11 =	sor.u32 $0x4E0, s25  }
0x624: {  	[tilespmem:s11+$0x0] =	vst.add.f32.msk $0xffff, v17;
	s11 =	sor.u32 $0x4F0, s25  }
0x625: {  	[tilespmem:s11+$0x0] =	vst.add.f32.msk $0xffff, v18  }
0x626: {  	[tilespmem:s23+$0x0] =	vst.add.f32.msk $0xffff, v4  }
0x627: {  	[tilespmem:s22+$0x0] =	vst.add.f32.msk $0xffff, v5  }
0x628: {  	[tilespmem:s26+$0x0] =	vst.add.f32.msk $0xffff, v6  }
0x629: {  	[tilespmem:s24+$0x0] =	vst.add.f32.msk $0xffff, v7  }
0x62a: {  	[tilespmem:s29+$0x0] =	vst.add.f32.msk $0xffff, v8  }
0x62b: {  	[tilespmem:s28+$0x0] =	vst.add.f32.msk $0xffff, v9  }
0x62c: {  	[tilespmem:s21+$0x0] =	vst.add.f32.msk $0xffff, v10  }
.Ltmp10:
0x62d: {  	[tilespmem:s31+$0x0] =	vst.add.f32.msk $0xffff, v11;
	(pc) =	sbr.rel @p0 .LBB2_23-.Ltmp10, $4  }
0x62e: {  	[tilespmem:s12+$0x0] =	vst.add.f32.msk $0xffff, v12  }
0x62f: {  	[tilespmem:s30+$0x0] =	vst.add.f32.msk $0xffff, v13  }
0x630: {  	[tilespmem:s10+$0x0] =	vst.add.f32.msk $0xffff, v14  }
0x631: {  	s16 =	sadd.s32 $0x100, s16;
	s17 =	sadd.s32 $0x200, s17;
	[tilespmem:s9+$0x0] =	vst.add.f32.msk $0xffff, v16  }
0x632: {  	s14 =	sshll.u32 s14, $0x14  }
0x633: {  	[tilespmem:s20+$0x0] =	vst.add.f32.msk $0xffff, v15;
	s9 =	sor.u32 s6, s14  }
0x634: {  	s10 =	simm.s32 $0x17800;
	[tilespmem:s19+$0x0] =	vst.add.f32.msk $0xffff, v17;
	s9 =	sshrl.u32 s9, $0x3  }
0x635: {  	s21 =	simm.s32 $0x2000;
	s22 =	simm.s32 $0x4000;
	[tilespmem:s18+$0x0] =	vst.add.f32.msk $0xffff, v18;
	s9 =	sadd.s32 s4, s9  }
0x636: {  	[hbm4b:s9+s5] =	stream.linear.scatter [tilespmem:s10], [sflag:$0x6], $0x4000, $0x38;
	[tilespmem:$0x1F800] =	vst v63  }
0x637: {  	s10 =	sand.u32 $0x7800, s22;
	s9 =	sand.u32 $0x300, s21  }
0x638: {  	s9 =	sor.u32 s9, s10  }
0x639: {  	s10 =	sadd.s32 $0x17800, s9  }
0x63a: {  	[tilespmem:s9+$0x17800] =	vst.add.f32.msk $0xffff, v3;
	s23 =	sor.u32 $0x80, s10  }
0x63b: {  	s24 =	sor.u32 $0x90, s10;
	[tilespmem:s23+$0x0] =	vst.add.f32.msk $0xffff, v3  }
0x63c: {  	s25 =	sor.u32 $0xA0, s10;
	[tilespmem:s24+$0x0] =	vst.add.f32.msk $0xffff, v4  }
0x63d: {  	s26 =	sor.u32 $0xB0, s10;
	[tilespmem:s25+$0x0] =	vst.add.f32.msk $0xffff, v5  }
0x63e: {  	s28 =	sor.u32 $0xC0, s10;
	[tilespmem:s26+$0x0] =	vst.add.f32.msk $0xffff, v6  }
0x63f: {  	s29 =	sor.u32 $0xD0, s10;
	[tilespmem:s28+$0x0] =	vst.add.f32.msk $0xffff, v7  }
0x640: {  	s30 =	sor.u32 $0xE0, s10;
	[tilespmem:s29+$0x0] =	vst.add.f32.msk $0xffff, v8  }
0x641: {  	s31 =	sor.u32 $0xF0, s10;
	[tilespmem:s30+$0x0] =	vst.add.f32.msk $0xffff, v9  }
0x642: {  	s11 =	sor.u32 $0x480, s10;
	[tilespmem:s31+$0x0] =	vst.add.f32.msk $0xffff, v10  }
0x643: {  	s12 =	sor.u32 $0x490, s10;
	[tilespmem:s11+$0x0] =	vst.add.f32.msk $0xffff, v11  }
0x644: {  	s11 =	sor.u32 $0x10, s10;
	[tilespmem:s12+$0x0] =	vst.add.f32.msk $0xffff, v12  }
0x645: {  	s15 =	sor.u32 $0x4A0, s10;
	[tilespmem:s11+$0x0] =	vst.add.f32.msk $0xffff, v4  }
0x646: {  	s21 =	sor.u32 $0x20, s10;
	[tilespmem:s15+$0x0] =	vst.add.f32.msk $0xffff, v13  }
0x647: {  	s16 =	sor.u32 $0x4B0, s10;
	[tilespmem:s21+$0x0] =	vst.add.f32.msk $0xffff, v5  }
0x648: {  	s22 =	sor.u32 $0x30, s10;
	[tilespmem:s16+$0x0] =	vst.add.f32.msk $0xffff, v14  }
0x649: {  	s17 =	sor.u32 $0x4C0, s10;
	[tilespmem:s22+$0x0] =	vst.add.f32.msk $0xffff, v6  }
0x64a: {  	s23 =	sor.u32 $0x40, s10;
	[tilespmem:s17+$0x0] =	vst.add.f32.msk $0xffff, v16  }
0x64b: {  	s18 =	sor.u32 $0x4D0, s10;
	[tilespmem:s23+$0x0] =	vst.add.f32.msk $0xffff, v7  }
0x64c: {  	s24 =	sor.u32 $0x50, s10;
	[tilespmem:s18+$0x0] =	vst.add.f32.msk $0xffff, v15  }
0x64d: {  	s19 =	sor.u32 $0x4E0, s10;
	[tilespmem:s24+$0x0] =	vst.add.f32.msk $0xffff, v8  }
0x64e: {  	s25 =	sor.u32 $0x60, s10;
	[tilespmem:s19+$0x0] =	vst.add.f32.msk $0xffff, v17  }
0x64f: {  	s20 =	sor.u32 $0x4F0, s10;
	[tilespmem:s25+$0x0] =	vst.add.f32.msk $0xffff, v9  }
0x650: {  	s26 =	sor.u32 $0x70, s10;
	[tilespmem:s20+$0x0] =	vst.add.f32.msk $0xffff, v18  }
0x651: {  	s28 =	sor.u32 $0x400, s10;
	[tilespmem:s26+$0x0] =	vst.add.f32.msk $0xffff, v10  }
0x652: {  	s29 =	sor.u32 $0x410, s10;
	[tilespmem:s28+$0x0] =	vst.add.f32.msk $0xffff, v11  }
0x653: {  	s30 =	sor.u32 $0x420, s10;
	[tilespmem:s29+$0x0] =	vst.add.f32.msk $0xffff, v12  }
0x654: {  	s31 =	sor.u32 $0x430, s10;
	s12 =	sor.u32 $0x440, s10;
	[tilespmem:s30+$0x0] =	vst.add.f32.msk $0xffff, v13  }
0x655: {  	s15 =	simm.s32 $0x40;
	s16 =	simm.s32 $0x2100;
	s17 =	simm.s32 $0x4200;
	[tilespmem:s31+$0x0] =	vst.add.f32.msk $0xffff, v14  }
0x656: {  	s18 =	sor.u32 $0x470, s10;
	s19 =	sor.u32 $0x460, s10;
	s20 =	sor.u32 $0x450, s10;
	[tilespmem:s12+$0x0] =	vst.add.f32.msk $0xffff, v16  }
.LBB2_25:
0x657: {  	s9 =	sand.u32 $0x7800, s17;
	s10 =	sand.u32 $0x300, s16;
	[tilespmem:s20+$0x0] =	vst.add.f32.msk $0xffff, v15  }
0x658: {  	s9 =	sor.u32 s10, s9;
	[tilespmem:s19+$0x0] =	vst.add.f32.msk $0xffff, v17  }
0x659: {  	s25 =	sadd.s32 $0x17800, s9;
	[tilespmem:s9+$0x17800] =	vst.add.f32.msk $0xffff, v3  }
0x65a: {  	s23 =	sor.u32 $0x10, s25;
	s22 =	sor.u32 $0x20, s25;
	s9 =	sor.u32 $0x80, s25;
	[tilespmem:s18+$0x0] =	vst.add.f32.msk $0xffff, v18  }
0x65b: {  	s26 =	sor.u32 $0x30, s25;
	s24 =	sor.u32 $0x40, s25;
	[tilespmem:s9+$0x0] =	vst.add.f32.msk $0xffff, v3;
	s9 =	sor.u32 $0x90, s25  }
0x65c: {  	s29 =	sor.u32 $0x50, s25;
	s28 =	sor.u32 $0x60, s25;
	[tilespmem:s9+$0x0] =	vst.add.f32.msk $0xffff, v4;
	s9 =	sor.u32 $0xA0, s25  }
0x65d: {  	s21 =	sor.u32 $0x70, s25;
	s31 =	sor.u32 $0x400, s25;
	s10 =	sor.u32 $0xB0, s25;
	[tilespmem:s9+$0x0] =	vst.add.f32.msk $0xffff, v5  }
0x65e: {  	s30 =	sor.u32 $0x420, s25;
	s9 =	sor.u32 $0x410, s25;
	[tilespmem:s10+$0x0] =	vst.add.f32.msk $0xffff, v6;
	s10 =	sor.u32 $0xC0, s25  }
0x65f: {  	s11 =	sor.u32 $0x430, s25;
	s12 =	sor.u32 $0x440, s25;
	[tilespmem:s10+$0x0] =	vst.add.f32.msk $0xffff, v7;
	s10 =	sor.u32 $0xD0, s25  }
0x660: {  	s20 =	sor.u32 $0x450, s25;
	s19 =	sor.u32 $0x460, s25;
	[tilespmem:s10+$0x0] =	vst.add.f32.msk $0xffff, v8;
	s10 =	sor.u32 $0xE0, s25  }
0x661: {  	s18 =	sor.u32 $0x470, s25;
	[tilespmem:s10+$0x0] =	vst.add.f32.msk $0xffff, v9;
	s10 =	sor.u32 $0xF0, s25  }
0x662: {  	[tilespmem:s10+$0x0] =	vst.add.f32.msk $0xffff, v10;
	s10 =	sor.u32 $0x480, s25  }
0x663: {  	[tilespmem:s10+$0x0] =	vst.add.f32.msk $0xffff, v11;
	s10 =	sor.u32 $0x490, s25  }
0x664: {  	[tilespmem:s10+$0x0] =	vst.add.f32.msk $0xffff, v12;
	s10 =	sor.u32 $0x4A0, s25  }
0x665: {  	[tilespmem:s10+$0x0] =	vst.add.f32.msk $0xffff, v13;
	s10 =	sor.u32 $0x4B0, s25  }
0x666: {  	s15 =	sadd.s32 $0x2, s15;
	[tilespmem:s10+$0x0] =	vst.add.f32.msk $0xffff, v14;
	s10 =	sor.u32 $0x4C0, s25  }
0x667: {  	p0 =	slt.u32 s15, $0x7E;
	[tilespmem:s10+$0x0] =	vst.add.f32.msk $0xffff, v16;
	s10 =	sor.u32 $0x4D0, s25  }
0x668: {  	[tilespmem:s10+$0x0] =	vst.add.f32.msk $0xffff, v15;
	s10 =	sor.u32 $0x4E0, s25  }
0x669: {  	[tilespmem:s10+$0x0] =	vst.add.f32.msk $0xffff, v17;
	s10 =	sor.u32 $0x4F0, s25  }
0x66a: {  	[tilespmem:s10+$0x0] =	vst.add.f32.msk $0xffff, v18  }
0x66b: {  	[tilespmem:s23+$0x0] =	vst.add.f32.msk $0xffff, v4  }
0x66c: {  	[tilespmem:s22+$0x0] =	vst.add.f32.msk $0xffff, v5  }
0x66d: {  	[tilespmem:s26+$0x0] =	vst.add.f32.msk $0xffff, v6  }
0x66e: {  	[tilespmem:s24+$0x0] =	vst.add.f32.msk $0xffff, v7  }
0x66f: {  	[tilespmem:s29+$0x0] =	vst.add.f32.msk $0xffff, v8  }
0x670: {  	[tilespmem:s28+$0x0] =	vst.add.f32.msk $0xffff, v9  }
0x671: {  	[tilespmem:s21+$0x0] =	vst.add.f32.msk $0xffff, v10  }
.Ltmp11:
0x672: {  	[tilespmem:s31+$0x0] =	vst.add.f32.msk $0xffff, v11;
	(pc) =	sbr.rel @p0 .LBB2_25-.Ltmp11, $4  }
0x673: {  	[tilespmem:s9+$0x0] =	vst.add.f32.msk $0xffff, v12  }
0x674: {  	[tilespmem:s30+$0x0] =	vst.add.f32.msk $0xffff, v13  }
0x675: {  	[tilespmem:s11+$0x0] =	vst.add.f32.msk $0xffff, v14  }
0x676: {  	s16 =	sadd.s32 $0x100, s16;
	s17 =	sadd.s32 $0x200, s17;
	[tilespmem:s12+$0x0] =	vst.add.f32.msk $0xffff, v16  }
0x677: {  	s13 =	sadd.s32 $0x1, s13  }
0x678: {  	p0 =	sne.s32 s13, $0x19  }
.Ltmp12:
0x679: {  	_ = 	snop;
	(pc) =	sbr.rel @p0 .LBB2_14-.Ltmp12, $4  }
0x67a: {  	[tilespmem:s20+$0x0] =	vst.add.f32.msk $0xffff, v15;
	s9 =	sor.u32 s7, s14  }
0x67b: {  	[tilespmem:s19+$0x0] =	vst.add.f32.msk $0xffff, v17;
	s9 =	sshrl.u32 s9, $0x3  }
0x67c: {  	s12 =	simm.s32 $0x1B800;
	s11 =	simm.s32 $0x7800;
	[tilespmem:s18+$0x0] =	vst.add.f32.msk $0xffff, v18;
	s9 =	sadd.s32 s4, s9  }
0x67d: {  	[hbm4b:s9+s5] =	stream.linear.scatter [tilespmem:s12], [sflag:$0x6], $0x4000, $0x38;
	[tilespmem:$0x1F800] =	vst v63  }
0x67e: {  	s9 =	simm.s32 $0x6  }
0x67f: {  	_ =	swait.ge [sflag:s9], $0x8000  }
0x680: {  	[sflag:s9] =	ssyncset.done $0x0  }
0x681: {  	s30 =	simm.s32 $0x1;
	[sflag:s9] =	ssyncadd.s32 $0xFFFF8000  }
0x682: {  	_ =	swait.ge [sflag:s30], $0x8000  }
0x683: {  	[sflag:s30] =	ssyncset.done $0x0  }
0x684: {  	[sflag:s30] =	ssyncadd.s32 $0xFFFF8000  }
0x685: {  	v3 =	vld [tilespmem:$0x7180]  }
0x686: {  	v4 =	vld [tilespmem:$0x7190]  }
0x687: {  	v5 =	vld [tilespmem:$0x71A0]  }
0x688: {  	v6 =	vld [tilespmem:$0x71B0]  }
0x689: {  	v7 =	vld [tilespmem:$0x71C0]  }
0x68a: {  	v8 =	vld [tilespmem:$0x71D0]  }
0x68b: {  	v9 =	vld [tilespmem:$0x71E0]  }
0x68c: {  	v10 =	vld [tilespmem:$0x71F0]  }
0x68d: {  	v11 =	vld [tilespmem:$0x7580]  }
0x68e: {  	v12 =	vld [tilespmem:$0x7590]  }
0x68f: {  	v13 =	vld [tilespmem:$0x75A0]  }
0x690: {  	v14 =	vld [tilespmem:$0x75F0]  }
0x691: {  	v15 =	vld [tilespmem:$0x75B0]  }
0x692: {  	s31 =	simm.s32 $0x0;
	v16 =	vld [tilespmem:$0x75C0]  }
0x693: {  	s10 =	sand.u32 $0x3800, s31;
	s9 =	sand.u32 $0x300, s31;
	v17 =	vld [tilespmem:$0x75D0]  }
0x694: {  	s13 =	sor.u32 s9, s10;
	v18 =	vld [tilespmem:$0x75E0]  }
0x695: {  	[tilespmem:s13+$0x7CF0] =	vst.add.f32.msk $0xffff, v14  }
0x696: {  	[tilespmem:s13+$0x7800] =	vst.add.f32.msk $0xffff, v3  }
0x697: {  	[tilespmem:s13+$0x7810] =	vst.add.f32.msk $0xffff, v4  }
0x698: {  	[tilespmem:s13+$0x7820] =	vst.add.f32.msk $0xffff, v5  }
0x699: {  	[tilespmem:s13+$0x7830] =	vst.add.f32.msk $0xffff, v6  }
0x69a: {  	[tilespmem:s13+$0x7840] =	vst.add.f32.msk $0xffff, v7  }
0x69b: {  	[tilespmem:s13+$0x7850] =	vst.add.f32.msk $0xffff, v8  }
0x69c: {  	[tilespmem:s13+$0x7860] =	vst.add.f32.msk $0xffff, v9  }
0x69d: {  	[tilespmem:s13+$0x7870] =	vst.add.f32.msk $0xffff, v10  }
0x69e: {  	[tilespmem:s13+$0x7C00] =	vst.add.f32.msk $0xffff, v11  }
0x69f: {  	[tilespmem:s13+$0x7C10] =	vst.add.f32.msk $0xffff, v12  }
0x6a0: {  	[tilespmem:s13+$0x7C20] =	vst.add.f32.msk $0xffff, v13  }
0x6a1: {  	[tilespmem:s13+$0x7C30] =	vst.add.f32.msk $0xffff, v15  }
0x6a2: {  	[tilespmem:s13+$0x7C40] =	vst.add.f32.msk $0xffff, v16  }
0x6a3: {  	[tilespmem:s13+$0x7C50] =	vst.add.f32.msk $0xffff, v17  }
0x6a4: {  	[tilespmem:s13+$0x7C60] =	vst.add.f32.msk $0xffff, v18  }
0x6a5: {  	[tilespmem:s13+$0x7C70] =	vst.add.f32.msk $0xffff, v14  }
0x6a6: {  	[tilespmem:s13+$0x7880] =	vst.add.f32.msk $0xffff, v3  }
0x6a7: {  	[tilespmem:s13+$0x7890] =	vst.add.f32.msk $0xffff, v4  }
0x6a8: {  	[tilespmem:s13+$0x78A0] =	vst.add.f32.msk $0xffff, v5  }
0x6a9: {  	[tilespmem:s13+$0x78B0] =	vst.add.f32.msk $0xffff, v6  }
0x6aa: {  	[tilespmem:s13+$0x78C0] =	vst.add.f32.msk $0xffff, v7  }
0x6ab: {  	[tilespmem:s13+$0x78D0] =	vst.add.f32.msk $0xffff, v8  }
0x6ac: {  	[tilespmem:s13+$0x78E0] =	vst.add.f32.msk $0xffff, v9  }
0x6ad: {  	[tilespmem:s13+$0x78F0] =	vst.add.f32.msk $0xffff, v10  }
0x6ae: {  	[tilespmem:s13+$0x7C80] =	vst.add.f32.msk $0xffff, v11  }
0x6af: {  	[tilespmem:s13+$0x7C90] =	vst.add.f32.msk $0xffff, v12  }
0x6b0: {  	[tilespmem:s13+$0x7CA0] =	vst.add.f32.msk $0xffff, v13  }
0x6b1: {  	[tilespmem:s13+$0x7CB0] =	vst.add.f32.msk $0xffff, v15  }
0x6b2: {  	s14 =	simm.s32 $0x0;
	s15 =	simm.s32 $0x100;
	s16 =	simm.s32 $0x200;
	[tilespmem:s13+$0x7CC0] =	vst.add.f32.msk $0xffff, v16  }
.LBB2_28:
0x6b3: {  	s9 =	sand.u32 $0x3800, s16;
	s10 =	sand.u32 $0x300, s15;
	s14 =	sadd.s32 $0x2, s14;
	[tilespmem:s13+$0x7CD0] =	vst.add.f32.msk $0xffff, v17  }
0x6b4: {  	p0 =	slt.u32 s14, $0x3E;
	[tilespmem:s13+$0x7CE0] =	vst.add.f32.msk $0xffff, v18;
	s13 =	sor.u32 s10, s9  }
0x6b5: {  	[tilespmem:s13+$0x7CF0] =	vst.add.f32.msk $0xffff, v14  }
0x6b6: {  	[tilespmem:s13+$0x7800] =	vst.add.f32.msk $0xffff, v3  }
0x6b7: {  	[tilespmem:s13+$0x7810] =	vst.add.f32.msk $0xffff, v4  }
0x6b8: {  	[tilespmem:s13+$0x7820] =	vst.add.f32.msk $0xffff, v5  }
0x6b9: {  	[tilespmem:s13+$0x7830] =	vst.add.f32.msk $0xffff, v6  }
0x6ba: {  	[tilespmem:s13+$0x7840] =	vst.add.f32.msk $0xffff, v7  }
0x6bb: {  	[tilespmem:s13+$0x7850] =	vst.add.f32.msk $0xffff, v8  }
0x6bc: {  	[tilespmem:s13+$0x7860] =	vst.add.f32.msk $0xffff, v9  }
0x6bd: {  	[tilespmem:s13+$0x7870] =	vst.add.f32.msk $0xffff, v10  }
0x6be: {  	[tilespmem:s13+$0x7C00] =	vst.add.f32.msk $0xffff, v11  }
0x6bf: {  	[tilespmem:s13+$0x7C10] =	vst.add.f32.msk $0xffff, v12  }
0x6c0: {  	[tilespmem:s13+$0x7C20] =	vst.add.f32.msk $0xffff, v13  }
0x6c1: {  	[tilespmem:s13+$0x7C30] =	vst.add.f32.msk $0xffff, v15  }
0x6c2: {  	[tilespmem:s13+$0x7C40] =	vst.add.f32.msk $0xffff, v16  }
0x6c3: {  	[tilespmem:s13+$0x7C50] =	vst.add.f32.msk $0xffff, v17  }
0x6c4: {  	[tilespmem:s13+$0x7C60] =	vst.add.f32.msk $0xffff, v18  }
0x6c5: {  	[tilespmem:s13+$0x7C70] =	vst.add.f32.msk $0xffff, v14  }
0x6c6: {  	[tilespmem:s13+$0x7880] =	vst.add.f32.msk $0xffff, v3  }
0x6c7: {  	[tilespmem:s13+$0x7890] =	vst.add.f32.msk $0xffff, v4  }
0x6c8: {  	[tilespmem:s13+$0x78A0] =	vst.add.f32.msk $0xffff, v5  }
0x6c9: {  	[tilespmem:s13+$0x78B0] =	vst.add.f32.msk $0xffff, v6  }
0x6ca: {  	[tilespmem:s13+$0x78C0] =	vst.add.f32.msk $0xffff, v7  }
0x6cb: {  	[tilespmem:s13+$0x78D0] =	vst.add.f32.msk $0xffff, v8  }
0x6cc: {  	[tilespmem:s13+$0x78E0] =	vst.add.f32.msk $0xffff, v9  }
0x6cd: {  	[tilespmem:s13+$0x78F0] =	vst.add.f32.msk $0xffff, v10  }
.Ltmp13:
0x6ce: {  	[tilespmem:s13+$0x7C80] =	vst.add.f32.msk $0xffff, v11;
	(pc) =	sbr.rel @p0 .LBB2_28-.Ltmp13, $4  }
0x6cf: {  	[tilespmem:s13+$0x7C90] =	vst.add.f32.msk $0xffff, v12  }
0x6d0: {  	[tilespmem:s13+$0x7CA0] =	vst.add.f32.msk $0xffff, v13  }
0x6d1: {  	[tilespmem:s13+$0x7CB0] =	vst.add.f32.msk $0xffff, v15  }
0x6d2: {  	s15 =	sadd.s32 $0x100, s15;
	s16 =	sadd.s32 $0x200, s16;
	[tilespmem:s13+$0x7CC0] =	vst.add.f32.msk $0xffff, v16  }
0x6d3: {  	[tilespmem:s13+$0x7CD0] =	vst.add.f32.msk $0xffff, v17  }
0x6d4: {  	[tilespmem:s13+$0x7CE0] =	vst.add.f32.msk $0xffff, v18  }
0x6d5: {  	s31 =	simm.s32 $0x2000;
	s10 =	simm.s32 $0x4000;
	s9 =	rddreg [dreg:$0xc]  }
0x6d6: {  	[hbm4b:s9+s5] =	stream.linear.scatter [tilespmem:s11], [sflag:$0x4], $0x4000, $0x38;
	[tilespmem:$0x1F800] =	vst v63  }
0x6d7: {  	s10 =	sand.u32 $0x7800, s10;
	s9 =	sand.u32 $0x300, s31  }
0x6d8: {  	s13 =	sor.u32 s9, s10  }
0x6d9: {  	[tilespmem:s13+$0x7CF0] =	vst.add.f32.msk $0xffff, v14  }
0x6da: {  	[tilespmem:s13+$0x7800] =	vst.add.f32.msk $0xffff, v3  }
0x6db: {  	[tilespmem:s13+$0x7810] =	vst.add.f32.msk $0xffff, v4  }
0x6dc: {  	[tilespmem:s13+$0x7820] =	vst.add.f32.msk $0xffff, v5  }
0x6dd: {  	[tilespmem:s13+$0x7830] =	vst.add.f32.msk $0xffff, v6  }
0x6de: {  	[tilespmem:s13+$0x7840] =	vst.add.f32.msk $0xffff, v7  }
0x6df: {  	[tilespmem:s13+$0x7850] =	vst.add.f32.msk $0xffff, v8  }
0x6e0: {  	[tilespmem:s13+$0x7860] =	vst.add.f32.msk $0xffff, v9  }
0x6e1: {  	[tilespmem:s13+$0x7870] =	vst.add.f32.msk $0xffff, v10  }
0x6e2: {  	[tilespmem:s13+$0x7C00] =	vst.add.f32.msk $0xffff, v11  }
0x6e3: {  	[tilespmem:s13+$0x7C10] =	vst.add.f32.msk $0xffff, v12  }
0x6e4: {  	[tilespmem:s13+$0x7C20] =	vst.add.f32.msk $0xffff, v13  }
0x6e5: {  	[tilespmem:s13+$0x7C30] =	vst.add.f32.msk $0xffff, v15  }
0x6e6: {  	[tilespmem:s13+$0x7C40] =	vst.add.f32.msk $0xffff, v16  }
0x6e7: {  	[tilespmem:s13+$0x7C50] =	vst.add.f32.msk $0xffff, v17  }
0x6e8: {  	[tilespmem:s13+$0x7C60] =	vst.add.f32.msk $0xffff, v18  }
0x6e9: {  	[tilespmem:s13+$0x7C70] =	vst.add.f32.msk $0xffff, v14  }
0x6ea: {  	[tilespmem:s13+$0x7880] =	vst.add.f32.msk $0xffff, v3  }
0x6eb: {  	[tilespmem:s13+$0x7890] =	vst.add.f32.msk $0xffff, v4  }
0x6ec: {  	[tilespmem:s13+$0x78A0] =	vst.add.f32.msk $0xffff, v5  }
0x6ed: {  	[tilespmem:s13+$0x78B0] =	vst.add.f32.msk $0xffff, v6  }
0x6ee: {  	[tilespmem:s13+$0x78C0] =	vst.add.f32.msk $0xffff, v7  }
0x6ef: {  	[tilespmem:s13+$0x78D0] =	vst.add.f32.msk $0xffff, v8  }
0x6f0: {  	[tilespmem:s13+$0x78E0] =	vst.add.f32.msk $0xffff, v9  }
0x6f1: {  	[tilespmem:s13+$0x78F0] =	vst.add.f32.msk $0xffff, v10  }
0x6f2: {  	[tilespmem:s13+$0x7C80] =	vst.add.f32.msk $0xffff, v11  }
0x6f3: {  	[tilespmem:s13+$0x7C90] =	vst.add.f32.msk $0xffff, v12  }
0x6f4: {  	[tilespmem:s13+$0x7CA0] =	vst.add.f32.msk $0xffff, v13  }
0x6f5: {  	s14 =	simm.s32 $0x40;
	s15 =	simm.s32 $0x2100;
	[tilespmem:s13+$0x7CB0] =	vst.add.f32.msk $0xffff, v15  }
0x6f6: {  	s16 =	simm.s32 $0x4200;
	s17 =	simm.s32 $0xF800;
	s18 =	simm.s32 $0x13800;
	[tilespmem:s13+$0x7CC0] =	vst.add.f32.msk $0xffff, v16  }
.LBB2_30:
0x6f7: {  	s9 =	sand.u32 $0x7800, s16;
	s10 =	sand.u32 $0x300, s15;
	s14 =	sadd.s32 $0x2, s14;
	[tilespmem:s13+$0x7CD0] =	vst.add.f32.msk $0xffff, v17  }
0x6f8: {  	p0 =	slt.u32 s14, $0x7E;
	[tilespmem:s13+$0x7CE0] =	vst.add.f32.msk $0xffff, v18;
	s13 =	sor.u32 s10, s9  }
0x6f9: {  	[tilespmem:s13+$0x7CF0] =	vst.add.f32.msk $0xffff, v14  }
0x6fa: {  	[tilespmem:s13+$0x7800] =	vst.add.f32.msk $0xffff, v3  }
0x6fb: {  	[tilespmem:s13+$0x7810] =	vst.add.f32.msk $0xffff, v4  }
0x6fc: {  	[tilespmem:s13+$0x7820] =	vst.add.f32.msk $0xffff, v5  }
0x6fd: {  	[tilespmem:s13+$0x7830] =	vst.add.f32.msk $0xffff, v6  }
0x6fe: {  	[tilespmem:s13+$0x7840] =	vst.add.f32.msk $0xffff, v7  }
0x6ff: {  	[tilespmem:s13+$0x7850] =	vst.add.f32.msk $0xffff, v8  }
0x700: {  	[tilespmem:s13+$0x7860] =	vst.add.f32.msk $0xffff, v9  }
0x701: {  	[tilespmem:s13+$0x7870] =	vst.add.f32.msk $0xffff, v10  }
0x702: {  	[tilespmem:s13+$0x7C00] =	vst.add.f32.msk $0xffff, v11  }
0x703: {  	[tilespmem:s13+$0x7C10] =	vst.add.f32.msk $0xffff, v12  }
0x704: {  	[tilespmem:s13+$0x7C20] =	vst.add.f32.msk $0xffff, v13  }
0x705: {  	[tilespmem:s13+$0x7C30] =	vst.add.f32.msk $0xffff, v15  }
0x706: {  	[tilespmem:s13+$0x7C40] =	vst.add.f32.msk $0xffff, v16  }
0x707: {  	[tilespmem:s13+$0x7C50] =	vst.add.f32.msk $0xffff, v17  }
0x708: {  	[tilespmem:s13+$0x7C60] =	vst.add.f32.msk $0xffff, v18  }
0x709: {  	[tilespmem:s13+$0x7C70] =	vst.add.f32.msk $0xffff, v14  }
0x70a: {  	[tilespmem:s13+$0x7880] =	vst.add.f32.msk $0xffff, v3  }
0x70b: {  	[tilespmem:s13+$0x7890] =	vst.add.f32.msk $0xffff, v4  }
0x70c: {  	[tilespmem:s13+$0x78A0] =	vst.add.f32.msk $0xffff, v5  }
0x70d: {  	[tilespmem:s13+$0x78B0] =	vst.add.f32.msk $0xffff, v6  }
0x70e: {  	[tilespmem:s13+$0x78C0] =	vst.add.f32.msk $0xffff, v7  }
0x70f: {  	[tilespmem:s13+$0x78D0] =	vst.add.f32.msk $0xffff, v8  }
0x710: {  	[tilespmem:s13+$0x78E0] =	vst.add.f32.msk $0xffff, v9  }
0x711: {  	[tilespmem:s13+$0x78F0] =	vst.add.f32.msk $0xffff, v10  }
.Ltmp14:
0x712: {  	[tilespmem:s13+$0x7C80] =	vst.add.f32.msk $0xffff, v11;
	(pc) =	sbr.rel @p0 .LBB2_30-.Ltmp14, $4  }
0x713: {  	[tilespmem:s13+$0x7C90] =	vst.add.f32.msk $0xffff, v12  }
0x714: {  	[tilespmem:s13+$0x7CA0] =	vst.add.f32.msk $0xffff, v13  }
0x715: {  	[tilespmem:s13+$0x7CB0] =	vst.add.f32.msk $0xffff, v15  }
0x716: {  	s15 =	sadd.s32 $0x100, s15;
	s16 =	sadd.s32 $0x200, s16;
	[tilespmem:s13+$0x7CC0] =	vst.add.f32.msk $0xffff, v16  }
0x717: {  	[tilespmem:s13+$0x7CD0] =	vst.add.f32.msk $0xffff, v17  }
0x718: {  	[tilespmem:s13+$0x7CE0] =	vst.add.f32.msk $0xffff, v18  }
0x719: {  	s9 =	simm.s32 $0x0;
	s10 =	rddreg [dreg:$0xd]  }
0x71a: {  	[hbm4b:s10+s9] =	stream.linear.scatter [tilespmem:s2], [sflag:$0x4], $0x4000, $0x38;
	[tilespmem:$0x1F800] =	vst v63  }
0x71b: {  	_ =	swait.ge [sflag:s0], $0x8000  }
0x71c: {  	[sflag:s0] =	ssyncset.done $0x0  }
0x71d: {  	[sflag:s0] =	ssyncadd.s32 $0xFFFF8000  }
0x71e: {  	_ =	swait.ge [sflag:s3], $0x8000  }
0x71f: {  	[sflag:s3] =	ssyncset.done $0x0  }
0x720: {  	[sflag:s3] =	ssyncadd.s32 $0xFFFF8000  }
0x721: {  	v3 =	vld [tilespmem:$0x7200]  }
0x722: {  	v4 =	vld [tilespmem:$0x7210]  }
0x723: {  	v5 =	vld [tilespmem:$0x7220]  }
0x724: {  	v6 =	vld [tilespmem:$0x7230]  }
0x725: {  	v7 =	vld [tilespmem:$0x7240]  }
0x726: {  	v8 =	vld [tilespmem:$0x7250]  }
0x727: {  	v9 =	vld [tilespmem:$0x7260]  }
0x728: {  	v10 =	vld [tilespmem:$0x7270]  }
0x729: {  	v11 =	vld [tilespmem:$0x7600]  }
0x72a: {  	v12 =	vld [tilespmem:$0x7610]  }
0x72b: {  	v13 =	vld [tilespmem:$0x7620]  }
0x72c: {  	v14 =	vld [tilespmem:$0x7670]  }
0x72d: {  	v15 =	vld [tilespmem:$0x7630]  }
0x72e: {  	v17 =	vld [tilespmem:$0x7640]  }
0x72f: {  	s31 =	sand.u32 $0x3800, s9;
	s9 =	sand.u32 $0x300, s9;
	v16 =	vld [tilespmem:$0x7650]  }
0x730: {  	s13 =	sor.u32 s9, s31;
	v18 =	vld [tilespmem:$0x7660]  }
0x731: {  	[tilespmem:s13+$0xFCF0] =	vst.add.f32.msk $0xffff, v14  }
0x732: {  	[tilespmem:s13+$0xF800] =	vst.add.f32.msk $0xffff, v3  }
0x733: {  	[tilespmem:s13+$0xF810] =	vst.add.f32.msk $0xffff, v4  }
0x734: {  	[tilespmem:s13+$0xF820] =	vst.add.f32.msk $0xffff, v5  }
0x735: {  	[tilespmem:s13+$0xF830] =	vst.add.f32.msk $0xffff, v6  }
0x736: {  	[tilespmem:s13+$0xF840] =	vst.add.f32.msk $0xffff, v7  }
0x737: {  	[tilespmem:s13+$0xF850] =	vst.add.f32.msk $0xffff, v8  }
0x738: {  	[tilespmem:s13+$0xF860] =	vst.add.f32.msk $0xffff, v9  }
0x739: {  	[tilespmem:s13+$0xF870] =	vst.add.f32.msk $0xffff, v10  }
0x73a: {  	[tilespmem:s13+$0xFC00] =	vst.add.f32.msk $0xffff, v11  }
0x73b: {  	[tilespmem:s13+$0xFC10] =	vst.add.f32.msk $0xffff, v12  }
0x73c: {  	[tilespmem:s13+$0xFC20] =	vst.add.f32.msk $0xffff, v13  }
0x73d: {  	[tilespmem:s13+$0xFC30] =	vst.add.f32.msk $0xffff, v15  }
0x73e: {  	[tilespmem:s13+$0xFC40] =	vst.add.f32.msk $0xffff, v17  }
0x73f: {  	[tilespmem:s13+$0xFC50] =	vst.add.f32.msk $0xffff, v16  }
0x740: {  	[tilespmem:s13+$0xFC60] =	vst.add.f32.msk $0xffff, v18  }
0x741: {  	[tilespmem:s13+$0xFC70] =	vst.add.f32.msk $0xffff, v14  }
0x742: {  	[tilespmem:s13+$0xF880] =	vst.add.f32.msk $0xffff, v3  }
0x743: {  	[tilespmem:s13+$0xF890] =	vst.add.f32.msk $0xffff, v4  }
0x744: {  	[tilespmem:s13+$0xF8A0] =	vst.add.f32.msk $0xffff, v5  }
0x745: {  	[tilespmem:s13+$0xF8B0] =	vst.add.f32.msk $0xffff, v6  }
0x746: {  	[tilespmem:s13+$0xF8C0] =	vst.add.f32.msk $0xffff, v7  }
0x747: {  	[tilespmem:s13+$0xF8D0] =	vst.add.f32.msk $0xffff, v8  }
0x748: {  	[tilespmem:s13+$0xF8E0] =	vst.add.f32.msk $0xffff, v9  }
0x749: {  	[tilespmem:s13+$0xF8F0] =	vst.add.f32.msk $0xffff, v10  }
0x74a: {  	[tilespmem:s13+$0xFC80] =	vst.add.f32.msk $0xffff, v11  }
0x74b: {  	[tilespmem:s13+$0xFC90] =	vst.add.f32.msk $0xffff, v12  }
0x74c: {  	[tilespmem:s13+$0xFCA0] =	vst.add.f32.msk $0xffff, v13  }
0x74d: {  	[tilespmem:s13+$0xFCB0] =	vst.add.f32.msk $0xffff, v15  }
0x74e: {  	s14 =	simm.s32 $0x0;
	s15 =	simm.s32 $0x100;
	s16 =	simm.s32 $0x200;
	[tilespmem:s13+$0xFCC0] =	vst.add.f32.msk $0xffff, v17  }
.LBB2_32:
0x74f: {  	s9 =	sand.u32 $0x3800, s16;
	s10 =	sand.u32 $0x300, s15;
	s14 =	sadd.s32 $0x2, s14;
	[tilespmem:s13+$0xFCD0] =	vst.add.f32.msk $0xffff, v16  }
0x750: {  	p0 =	slt.u32 s14, $0x3E;
	[tilespmem:s13+$0xFCE0] =	vst.add.f32.msk $0xffff, v18;
	s13 =	sor.u32 s10, s9  }
0x751: {  	[tilespmem:s13+$0xFCF0] =	vst.add.f32.msk $0xffff, v14  }
0x752: {  	[tilespmem:s13+$0xF800] =	vst.add.f32.msk $0xffff, v3  }
0x753: {  	[tilespmem:s13+$0xF810] =	vst.add.f32.msk $0xffff, v4  }
0x754: {  	[tilespmem:s13+$0xF820] =	vst.add.f32.msk $0xffff, v5  }
0x755: {  	[tilespmem:s13+$0xF830] =	vst.add.f32.msk $0xffff, v6  }
0x756: {  	[tilespmem:s13+$0xF840] =	vst.add.f32.msk $0xffff, v7  }
0x757: {  	[tilespmem:s13+$0xF850] =	vst.add.f32.msk $0xffff, v8  }
0x758: {  	[tilespmem:s13+$0xF860] =	vst.add.f32.msk $0xffff, v9  }
0x759: {  	[tilespmem:s13+$0xF870] =	vst.add.f32.msk $0xffff, v10  }
0x75a: {  	[tilespmem:s13+$0xFC00] =	vst.add.f32.msk $0xffff, v11  }
0x75b: {  	[tilespmem:s13+$0xFC10] =	vst.add.f32.msk $0xffff, v12  }
0x75c: {  	[tilespmem:s13+$0xFC20] =	vst.add.f32.msk $0xffff, v13  }
0x75d: {  	[tilespmem:s13+$0xFC30] =	vst.add.f32.msk $0xffff, v15  }
0x75e: {  	[tilespmem:s13+$0xFC40] =	vst.add.f32.msk $0xffff, v17  }
0x75f: {  	[tilespmem:s13+$0xFC50] =	vst.add.f32.msk $0xffff, v16  }
0x760: {  	[tilespmem:s13+$0xFC60] =	vst.add.f32.msk $0xffff, v18  }
0x761: {  	[tilespmem:s13+$0xFC70] =	vst.add.f32.msk $0xffff, v14  }
0x762: {  	[tilespmem:s13+$0xF880] =	vst.add.f32.msk $0xffff, v3  }
0x763: {  	[tilespmem:s13+$0xF890] =	vst.add.f32.msk $0xffff, v4  }
0x764: {  	[tilespmem:s13+$0xF8A0] =	vst.add.f32.msk $0xffff, v5  }
0x765: {  	[tilespmem:s13+$0xF8B0] =	vst.add.f32.msk $0xffff, v6  }
0x766: {  	[tilespmem:s13+$0xF8C0] =	vst.add.f32.msk $0xffff, v7  }
0x767: {  	[tilespmem:s13+$0xF8D0] =	vst.add.f32.msk $0xffff, v8  }
0x768: {  	[tilespmem:s13+$0xF8E0] =	vst.add.f32.msk $0xffff, v9  }
0x769: {  	[tilespmem:s13+$0xF8F0] =	vst.add.f32.msk $0xffff, v10  }
.Ltmp15:
0x76a: {  	[tilespmem:s13+$0xFC80] =	vst.add.f32.msk $0xffff, v11;
	(pc) =	sbr.rel @p0 .LBB2_32-.Ltmp15, $4  }
0x76b: {  	[tilespmem:s13+$0xFC90] =	vst.add.f32.msk $0xffff, v12  }
0x76c: {  	[tilespmem:s13+$0xFCA0] =	vst.add.f32.msk $0xffff, v13  }
0x76d: {  	[tilespmem:s13+$0xFCB0] =	vst.add.f32.msk $0xffff, v15  }
0x76e: {  	s15 =	sadd.s32 $0x100, s15;
	s16 =	sadd.s32 $0x200, s16;
	[tilespmem:s13+$0xFCC0] =	vst.add.f32.msk $0xffff, v17  }
0x76f: {  	[tilespmem:s13+$0xFCD0] =	vst.add.f32.msk $0xffff, v16  }
0x770: {  	[tilespmem:s13+$0xFCE0] =	vst.add.f32.msk $0xffff, v18  }
0x771: {  	s31 =	simm.s32 $0x2000;
	s10 =	simm.s32 $0x4000;
	s9 =	rddreg [dreg:$0xe]  }
0x772: {  	[hbm4b:s9+s5] =	stream.linear.scatter [tilespmem:s17], [sflag:$0x5], $0x4000, $0x38;
	[tilespmem:$0x1F800] =	vst v63  }
0x773: {  	s10 =	sand.u32 $0x7800, s10;
	s9 =	sand.u32 $0x300, s31  }
0x774: {  	s13 =	sor.u32 s9, s10  }
0x775: {  	[tilespmem:s13+$0xFCF0] =	vst.add.f32.msk $0xffff, v14  }
0x776: {  	[tilespmem:s13+$0xF800] =	vst.add.f32.msk $0xffff, v3  }
0x777: {  	[tilespmem:s13+$0xF810] =	vst.add.f32.msk $0xffff, v4  }
0x778: {  	[tilespmem:s13+$0xF820] =	vst.add.f32.msk $0xffff, v5  }
0x779: {  	[tilespmem:s13+$0xF830] =	vst.add.f32.msk $0xffff, v6  }
0x77a: {  	[tilespmem:s13+$0xF840] =	vst.add.f32.msk $0xffff, v7  }
0x77b: {  	[tilespmem:s13+$0xF850] =	vst.add.f32.msk $0xffff, v8  }
0x77c: {  	[tilespmem:s13+$0xF860] =	vst.add.f32.msk $0xffff, v9  }
0x77d: {  	[tilespmem:s13+$0xF870] =	vst.add.f32.msk $0xffff, v10  }
0x77e: {  	[tilespmem:s13+$0xFC00] =	vst.add.f32.msk $0xffff, v11  }
0x77f: {  	[tilespmem:s13+$0xFC10] =	vst.add.f32.msk $0xffff, v12  }
0x780: {  	[tilespmem:s13+$0xFC20] =	vst.add.f32.msk $0xffff, v13  }
0x781: {  	[tilespmem:s13+$0xFC30] =	vst.add.f32.msk $0xffff, v15  }
0x782: {  	[tilespmem:s13+$0xFC40] =	vst.add.f32.msk $0xffff, v17  }
0x783: {  	[tilespmem:s13+$0xFC50] =	vst.add.f32.msk $0xffff, v16  }
0x784: {  	[tilespmem:s13+$0xFC60] =	vst.add.f32.msk $0xffff, v18  }
0x785: {  	[tilespmem:s13+$0xFC70] =	vst.add.f32.msk $0xffff, v14  }
0x786: {  	[tilespmem:s13+$0xF880] =	vst.add.f32.msk $0xffff, v3  }
0x787: {  	[tilespmem:s13+$0xF890] =	vst.add.f32.msk $0xffff, v4  }
0x788: {  	[tilespmem:s13+$0xF8A0] =	vst.add.f32.msk $0xffff, v5  }
0x789: {  	[tilespmem:s13+$0xF8B0] =	vst.add.f32.msk $0xffff, v6  }
0x78a: {  	[tilespmem:s13+$0xF8C0] =	vst.add.f32.msk $0xffff, v7  }
0x78b: {  	[tilespmem:s13+$0xF8D0] =	vst.add.f32.msk $0xffff, v8  }
0x78c: {  	[tilespmem:s13+$0xF8E0] =	vst.add.f32.msk $0xffff, v9  }
0x78d: {  	[tilespmem:s13+$0xF8F0] =	vst.add.f32.msk $0xffff, v10  }
0x78e: {  	[tilespmem:s13+$0xFC80] =	vst.add.f32.msk $0xffff, v11  }
0x78f: {  	[tilespmem:s13+$0xFC90] =	vst.add.f32.msk $0xffff, v12  }
0x790: {  	[tilespmem:s13+$0xFCA0] =	vst.add.f32.msk $0xffff, v13  }
0x791: {  	[tilespmem:s13+$0xFCB0] =	vst.add.f32.msk $0xffff, v15  }
0x792: {  	s14 =	simm.s32 $0x40;
	s15 =	simm.s32 $0x2100;
	s16 =	simm.s32 $0x4200;
	[tilespmem:s13+$0xFCC0] =	vst.add.f32.msk $0xffff, v17  }
.LBB2_34:
0x793: {  	s9 =	sand.u32 $0x7800, s16;
	s10 =	sand.u32 $0x300, s15;
	s14 =	sadd.s32 $0x2, s14;
	[tilespmem:s13+$0xFCD0] =	vst.add.f32.msk $0xffff, v16  }
0x794: {  	p0 =	slt.u32 s14, $0x7E;
	[tilespmem:s13+$0xFCE0] =	vst.add.f32.msk $0xffff, v18;
	s13 =	sor.u32 s10, s9  }
0x795: {  	[tilespmem:s13+$0xFCF0] =	vst.add.f32.msk $0xffff, v14  }
0x796: {  	[tilespmem:s13+$0xF800] =	vst.add.f32.msk $0xffff, v3  }
0x797: {  	[tilespmem:s13+$0xF810] =	vst.add.f32.msk $0xffff, v4  }
0x798: {  	[tilespmem:s13+$0xF820] =	vst.add.f32.msk $0xffff, v5  }
0x799: {  	[tilespmem:s13+$0xF830] =	vst.add.f32.msk $0xffff, v6  }
0x79a: {  	[tilespmem:s13+$0xF840] =	vst.add.f32.msk $0xffff, v7  }
0x79b: {  	[tilespmem:s13+$0xF850] =	vst.add.f32.msk $0xffff, v8  }
0x79c: {  	[tilespmem:s13+$0xF860] =	vst.add.f32.msk $0xffff, v9  }
0x79d: {  	[tilespmem:s13+$0xF870] =	vst.add.f32.msk $0xffff, v10  }
0x79e: {  	[tilespmem:s13+$0xFC00] =	vst.add.f32.msk $0xffff, v11  }
0x79f: {  	[tilespmem:s13+$0xFC10] =	vst.add.f32.msk $0xffff, v12  }
0x7a0: {  	[tilespmem:s13+$0xFC20] =	vst.add.f32.msk $0xffff, v13  }
0x7a1: {  	[tilespmem:s13+$0xFC30] =	vst.add.f32.msk $0xffff, v15  }
0x7a2: {  	[tilespmem:s13+$0xFC40] =	vst.add.f32.msk $0xffff, v17  }
0x7a3: {  	[tilespmem:s13+$0xFC50] =	vst.add.f32.msk $0xffff, v16  }
0x7a4: {  	[tilespmem:s13+$0xFC60] =	vst.add.f32.msk $0xffff, v18  }
0x7a5: {  	[tilespmem:s13+$0xFC70] =	vst.add.f32.msk $0xffff, v14  }
0x7a6: {  	[tilespmem:s13+$0xF880] =	vst.add.f32.msk $0xffff, v3  }
0x7a7: {  	[tilespmem:s13+$0xF890] =	vst.add.f32.msk $0xffff, v4  }
0x7a8: {  	[tilespmem:s13+$0xF8A0] =	vst.add.f32.msk $0xffff, v5  }
0x7a9: {  	[tilespmem:s13+$0xF8B0] =	vst.add.f32.msk $0xffff, v6  }
0x7aa: {  	[tilespmem:s13+$0xF8C0] =	vst.add.f32.msk $0xffff, v7  }
0x7ab: {  	[tilespmem:s13+$0xF8D0] =	vst.add.f32.msk $0xffff, v8  }
0x7ac: {  	[tilespmem:s13+$0xF8E0] =	vst.add.f32.msk $0xffff, v9  }
0x7ad: {  	[tilespmem:s13+$0xF8F0] =	vst.add.f32.msk $0xffff, v10  }
.Ltmp16:
0x7ae: {  	[tilespmem:s13+$0xFC80] =	vst.add.f32.msk $0xffff, v11;
	(pc) =	sbr.rel @p0 .LBB2_34-.Ltmp16, $4  }
0x7af: {  	[tilespmem:s13+$0xFC90] =	vst.add.f32.msk $0xffff, v12  }
0x7b0: {  	[tilespmem:s13+$0xFCA0] =	vst.add.f32.msk $0xffff, v13  }
0x7b1: {  	[tilespmem:s13+$0xFCB0] =	vst.add.f32.msk $0xffff, v15  }
0x7b2: {  	s15 =	sadd.s32 $0x100, s15;
	s16 =	sadd.s32 $0x200, s16;
	[tilespmem:s13+$0xFCC0] =	vst.add.f32.msk $0xffff, v17  }
0x7b3: {  	[tilespmem:s13+$0xFCD0] =	vst.add.f32.msk $0xffff, v16  }
0x7b4: {  	[tilespmem:s13+$0xFCE0] =	vst.add.f32.msk $0xffff, v18  }
0x7b5: {  	s9 =	rddreg [dreg:$0xf]  }
0x7b6: {  	[hbm4b:s9+s5] =	stream.linear.scatter [tilespmem:s18], [sflag:$0x5], $0x4000, $0x38;
	[tilespmem:$0x1F800] =	vst v63  }
0x7b7: {  	_ =	swait.ge [sflag:s8], $0x8000  }
0x7b8: {  	s10 =	rddreg [dreg:$0x11]  }
0x7b9: {  	s31 =	rddreg [dreg:$0x10];
	s10 =	sadd.s32 $0x1, s10  }
0x7ba: {  	p0 =	sne.s32 s10, s31  }
.Ltmp17:
0x7bb: {  	_ = 	snop;
	(pc) =	sbr.rel @p0 .LBB2_1-.Ltmp17, $3  }
0x7bc: {  	_ =	sdelay $0x1  }
0x7bd: {  	[sflag:s8] =	ssyncset.done $0x0  }
0x7be: {  	[sflag:s8] =	ssyncadd.s32 $0xFFFF8000  }
0x7bf: {  	_ =	sfence.sel $0x180000  }
0x7c0: {  	[bflag:$0x0] =	sbarrier.arrive $0xFFFF  }
0x7c1: {  	_ =	strace $0x90000047  }
0x7c2: {  	s0 =	stileid.u32;
	[bflag:$0x2] =	sbarrier.arrive $0xFFFF  }
0x7c3: {  	p0 =	sne.s32 s0, $0x0;
	s0 =	rddreg [dreg:$0x4]  }
0x7c4: {  	s0 =	sadd.s32 @!p0 $0x100000, s0  }
0x7c5: {  	[sflag:s0] =	ssyncadd.tile.s32 @!p0 $0x1;
	_ =	shalt  }
.Lfunc_end2:
_tile_overlayer_lowered:
.L_overlay_start_2:
0x7c6: {  	(tag) =	ssettag $0x2  }
0x7c7: {  	s0 =	rddreg [dreg:$0x0];
	s2 =	stileid.u32  }
0x7c8: {  	s1 =	rddreg [dreg:$0x1];
	p0 =	sne.s32 s2, $0x0  }
0x7c9: {  	s3 =	rddreg [dreg:$0x2];
	[bflag:$0x3] =	sbarrier.arrive $0xFFFF;
	s2 =	simm.s32 @!p0 $0x1C07  }
0x7ca: {  	[timem:s3], [sflag:s2] =	dma.local @!p0 [hbm:s0], s1  }
0x7cb: {  	s0 =	simm.s32 @!p0 $0x7  }
0x7cc: {  	_ =	swait.ge @!p0 [sflag:s0], s1  }
0x7cd: {  	s1 =	ssub.s32 @!p0 $0x0, s1;
	[sflag:s0] =	ssyncset.done @!p0 $0x0  }
0x7ce: {  	[sflag:s0] =	ssyncadd.s32 @!p0 s1  }
0x7cf: {  	[bflag:$0x3] =	sbarrier.arrive $0xFFFF  }
0x7d0: {  	_ =	shalt  }

</sc_bundles>
